<compile_context>
chip_gen: v7x
topology: tpu7x:2x2x1
jax: 0.10.2.dev20260603
libtpu: 0.0.44.dev20260713+nightly
codegen_flags: <defaults>
</compile_context>

<pallas_src>
import jax
import jax.numpy as jnp
from jax import lax
from jax.experimental import pallas as pl
from jax.experimental.pallas import tpu as pltpu

_PRE = 2048
_POST = 500
_THRESH = 0.7
_SUB = 8
_LANE = _PRE // _SUB
_NCOL = 24
_OUTS = 512


def _pair_sup(cx1, cx2, cy1, cy2, ca, rx1, rx2, ry1, ry2, ra):
    ix = jnp.maximum(jnp.minimum(cx2, rx2) - jnp.maximum(cx1, rx1), 0.0)
    iy = jnp.maximum(jnp.minimum(cy2, ry2) - jnp.maximum(cy1, ry1), 0.0)
    inter = ix * iy
    iou = inter / jnp.maximum(ca + ra - inter, 1e-6)
    return (iou > _THRESH).astype(jnp.float32)


def _nms_body(rows_ref, feats_ref, out_ref, keep_ref):
    x1v = feats_ref[0, 0]
    x2v = feats_ref[0, 1]
    y1v = feats_ref[0, 2]
    y2v = feats_ref[0, 3]
    av = feats_ref[0, 4]
    keep_ref[...] = jnp.ones((_SUB, _LANE), jnp.float32)

    for c in range(_SUB):
        base = c * _LANE
        fc = rows_ref[0, base:base + _LANE, :]
        cx1, cx2 = fc[:, 8:9], fc[:, 9:10]
        cy1, cy2 = fc[:, 10:11], fc[:, 11:12]
        ca = fc[:, 12:13]

        d = _pair_sup(cx1, cx2, cy1, cy2, ca,
                      x1v[c:c + 1, :], x2v[c:c + 1, :],
                      y1v[c:c + 1, :], y2v[c:c + 1, :], av[c:c + 1, :])
        tri = (lax.broadcasted_iota(jnp.int32, (_LANE, _LANE), 0)
               < lax.broadcasted_iota(jnp.int32, (_LANE, _LANE), 1))
        d = d * tri.astype(jnp.float32)

        keep0 = keep_ref[c:c + 1, :]

        def fix_cond(state):
            return state[1]

        def fix_body(state):
            k, _ = state
            a = lax.dot(k, d)
            k_new = keep0 * (a < 0.5).astype(jnp.float32)
            return k_new, jnp.any(k_new != k)

        k, _ = lax.while_loop(fix_cond, fix_body,
                              (keep0, jnp.bool_(True)))
        keep_ref[c:c + 1, :] = k

        for r in range(c, _SUB):
            for h in range(2):
                l0 = h * 128
                db = _pair_sup(cx1, cx2, cy1, cy2, ca,
                               x1v[r:r + 1, l0:l0 + 128],
                               x2v[r:r + 1, l0:l0 + 128],
                               y1v[r:r + 1, l0:l0 + 128],
                               y2v[r:r + 1, l0:l0 + 128],
                               av[r:r + 1, l0:l0 + 128])
                if r == c:
                    m = (lax.broadcasted_iota(jnp.int32, (_LANE, 128), 0)
                         < lax.broadcasted_iota(jnp.int32, (_LANE, 128), 1)
                         + l0)
                    db = db * m.astype(jnp.float32)
                sup = lax.dot(k, db)
                keep_ref[r:r + 1, l0:l0 + 128] = (
                    keep_ref[r:r + 1, l0:l0 + 128]
                    * (sup < 0.5).astype(jnp.float32))

    keep = keep_ref[...]
    iu = (lax.broadcasted_iota(jnp.int32, (_LANE, _LANE), 0)
          <= lax.broadcasted_iota(jnp.int32, (_LANE, _LANE), 1))
    cs = lax.dot(keep, iu.astype(jnp.float32))
    tot = cs[:, _LANE - 1:_LANE]
    lo = (lax.broadcasted_iota(jnp.int32, (_SUB, _SUB), 0)
          > lax.broadcasted_iota(jnp.int32, (_SUB, _SUB), 1))
    off = lax.dot(lo.astype(jnp.float32), tot)
    sel = cs + off - 1.0

    i512 = lax.broadcasted_iota(jnp.int32, (_OUTS, 128), 0)
    sel_i = sel.astype(jnp.int32)
    acc = jnp.zeros((_OUTS, _NCOL), jnp.float32)
    for c in range(_PRE // 128):
        r_, l0 = c // 2, (c % 2) * 128
        sel_s = sel_i[r_:r_ + 1, l0:l0 + 128]
        keep_s = keep[r_:r_ + 1, l0:l0 + 128]
        pt = (i512 == sel_s).astype(jnp.float32) * keep_s
        acc = acc + lax.dot(pt, rows_ref[0, c * 128:(c + 1) * 128, :],
                            precision=lax.Precision.HIGHEST)
    out_ref[0] = acc


def kernel(rpn_box_preds, rpn_cls_preds):
    B = rpn_box_preds.shape[0]
    scores_all = jnp.max(rpn_cls_preds, axis=-1)
    labels_all = jnp.argmax(rpn_cls_preds, axis=-1)
    top_scores, top_idx = lax.top_k(scores_all, _PRE)
    tb = jnp.take_along_axis(rpn_box_preds, top_idx[..., None], axis=1)
    tl = jnp.take_along_axis(labels_all, top_idx, axis=1)

    x, y = tb[..., 0], tb[..., 1]
    dx, dy = tb[..., 3], tb[..., 4]
    x1 = x - dx * 0.5
    x2 = x + dx * 0.5
    y1 = y - dy * 0.5
    y2 = y + dy * 0.5
    area = dx * dy
    zc = jnp.zeros_like(x)
    rows = jnp.stack(
        [tb[..., 0], tb[..., 1], tb[..., 2], tb[..., 3], tb[..., 4],
         tb[..., 5], tb[..., 6], zc,
         x1, x2, y1, y2, area, top_scores,
         (tl + 1).astype(jnp.float32), zc,
         zc, zc, zc, zc, zc, zc, zc, zc], axis=-1)
    feats = jnp.stack(
        [x1.reshape(B, _SUB, _LANE), x2.reshape(B, _SUB, _LANE),
         y1.reshape(B, _SUB, _LANE), y2.reshape(B, _SUB, _LANE),
         area.reshape(B, _SUB, _LANE)], axis=1)

    out = pl.pallas_call(
        _nms_body,
        grid=(B,),
        in_specs=[
            pl.BlockSpec((1, _PRE, _NCOL), lambda b: (b, 0, 0)),
            pl.BlockSpec((1, 5, _SUB, _LANE), lambda b: (b, 0, 0, 0)),
        ],
        out_specs=pl.BlockSpec((1, _OUTS, _NCOL), lambda b: (b, 0, 0)),
        out_shape=jax.ShapeDtypeStruct((B, _OUTS, _NCOL), jnp.float32),
        scratch_shapes=[pltpu.VMEM((_SUB, _LANE), jnp.float32)],
        compiler_params=pltpu.CompilerParams(
            dimension_semantics=("parallel",)),
    )(rows, feats)

    rois = out[:, :_POST, 0:7]
    roi_scores = out[:, :_POST, 13]
    roi_labels = out[:, :_POST, 14].astype(jnp.int32)
    return rois, roi_scores, roi_labels

# --- scband reference (transcript-rebuilt; emitter-appended) ---
"""Pipeline reference for scband-rcnnbase-4681514353323 (READ-ONLY COPY).

The authoritative reference and input builder live on the scoring server;
editing this copy changes nothing except your own understanding.
"""

import jax, jax.numpy as jnp
import numpy as np

B, N, C = 4, 20000, 3
PRE, POST, THRESH = 2048, 500, 0.7


def setup_inputs(seed: int = 0) -> dict:
    key = jax.random.key(seed)
    k1, k2, k3, k4, k5 = jax.random.split(key, 5)
    xy = jax.random.uniform(k1, (B, N, 2), minval=-50.0, maxval=50.0)
    z = jax.random.uniform(k2, (B, N, 1), minval=-3.0, maxval=1.0)
    dims = jax.random.uniform(k3, (B, N, 3), minval=1.0, maxval=5.0)
    ry = jax.random.uniform(k4, (B, N, 1), minval=-np.pi, maxval=np.pi)
    rpn_box_preds = jnp.concatenate([xy, z, dims, ry], axis=-1).astype(jnp.float32)
    rpn_cls_preds = jax.random.normal(k5, (B, N, C), dtype=jnp.float32)
    return {"rpn_box_preds": rpn_box_preds, "rpn_cls_preds": rpn_cls_preds}


def _bev_iou(boxes):
    # axis-aligned BEV IoU (rotation-agnostic approximation of iou3d_nms_utils.nms_gpu)
    x, y, dx, dy = boxes[:, 0], boxes[:, 1], boxes[:, 3], boxes[:, 4]
    x1, x2 = x - dx * 0.5, x + dx * 0.5
    y1, y2 = y - dy * 0.5, y + dy * 0.5
    ix = jnp.maximum(jnp.minimum(x2[:, None], x2[None, :]) - jnp.maximum(x1[:, None], x1[None, :]), 0.0)
    iy = jnp.maximum(jnp.minimum(y2[:, None], y2[None, :]) - jnp.maximum(y1[:, None], y1[None, :]), 0.0)
    inter = ix * iy
    area = dx * dy
    union = area[:, None] + area[None, :] - inter
    return inter / jnp.maximum(union, 1e-6)


def _nms_single(scores, boxes):
    # topk pre-NMS (get_roi_from_rpn)
    top_scores, top_idx = jax.lax.top_k(scores, PRE)
    top_boxes = boxes[top_idx]
    iou = jax.lax.stop_gradient(_bev_iou(top_boxes))
    ar = jnp.arange(PRE)

    def body(keep, i):
        sup = (iou[i] > THRESH) & (ar > i) & keep[i]
        return keep & (~sup), None

    keep, _ = jax.lax.scan(body, jnp.ones((PRE,), dtype=bool), ar)
    # kept boxes first, score-order preserved (argsort is stable)
    order = jnp.argsort(~keep)
    sel_local = order[:POST]
    valid = keep[sel_local]
    sel = top_idx[sel_local]
    vf = valid.astype(boxes.dtype)
    roi = boxes[sel] * vf[:, None]
    roi_score = scores[sel] * vf
    return roi, roi_score, sel, valid


def reference(rpn_box_preds, rpn_cls_preds):
    # proposal_layer: per-batch max over classes -> topk -> NMS -> padded roi tensors
    roi_score_all = jnp.max(rpn_cls_preds, axis=-1)
    roi_label_all = jnp.argmax(rpn_cls_preds, axis=-1)

    def per_batch(boxes, scores, labels):
        roi, rs, sel, valid = _nms_single(scores, boxes)
        rl = (labels[sel] + 1) * valid.astype(labels.dtype)
        return roi, rs, rl

    rois, roi_scores, roi_labels = jax.vmap(per_batch)(rpn_box_preds, roi_score_all, roi_label_all)
    return rois, roi_scores, roi_labels

if __name__ == "__main__":
    import jax
    _d = setup_inputs()
    print(jax.jit(kernel)(*tuple(_d.values())))

</pallas_src>

<mosaic_0001>
module attributes {stable_mosaic.version = 14 : i64} {
  func.func @_nms_body(%arg0: i32, %arg1: memref<1x2048x24xf32, #tpu.memory_space<vmem>>, %arg2: memref<1x5x8x256xf32, #tpu.memory_space<vmem>>, %arg3: memref<1x512x24xf32, #tpu.memory_space<vmem>>, %arg4: memref<8x256xf32, #tpu.memory_space<vmem>>) attributes {dimension_semantics = [#tpu.dimension_semantics<parallel>], iteration_bounds = array<i64: 4>, scalar_prefetch = 0 : i64, scratch_operands = 1 : i64, tpu.core_type = #tpu.core_type<tc>, window_params = [{transform_indices = @transform_0, window_bounds = array<i64: 1, 2048, 24>}, {transform_indices = @transform_1, window_bounds = array<i64: 1, 5, 8, 256>}, {transform_indices = @transform_2, window_bounds = array<i64: 1, 512, 24>}]} {
    %get3A = arith.constant 0 : index
    %get3A_0 = arith.constant 0 : index
    %get3A_1 = arith.constant 0 : index
    %get3A_2 = arith.constant 0 : index
    %get3A_3 = vector.load %arg2[%get3A, %get3A_0, %get3A_1, %get3A_2] : memref<1x5x8x256xf32, #tpu.memory_space<vmem>>, vector<1x1x8x256xf32>
    %get3A_4 = vector.shape_cast %get3A_3 : vector<1x1x8x256xf32> to vector<8x256xf32>
    %get3A_5 = arith.constant 0 : index
    %get3A_6 = arith.constant 1 : index
    %get3A_7 = arith.constant 0 : index
    %get3A_8 = arith.constant 0 : index
    %get3A_9 = vector.load %arg2[%get3A_5, %get3A_6, %get3A_7, %get3A_8] : memref<1x5x8x256xf32, #tpu.memory_space<vmem>>, vector<1x1x8x256xf32>
    %get3A_10 = vector.shape_cast %get3A_9 : vector<1x1x8x256xf32> to vector<8x256xf32>
    %get3A_11 = arith.constant 0 : index
    %get3A_12 = arith.constant 2 : index
    %get3A_13 = arith.constant 0 : index
    %get3A_14 = arith.constant 0 : index
    %get3A_15 = vector.load %arg2[%get3A_11, %get3A_12, %get3A_13, %get3A_14] : memref<1x5x8x256xf32, #tpu.memory_space<vmem>>, vector<1x1x8x256xf32>
    %get3A_16 = vector.shape_cast %get3A_15 : vector<1x1x8x256xf32> to vector<8x256xf32>
    %get3A_17 = arith.constant 0 : index
    %get3A_18 = arith.constant 3 : index
    %get3A_19 = arith.constant 0 : index
    %get3A_20 = arith.constant 0 : index
    %get3A_21 = vector.load %arg2[%get3A_17, %get3A_18, %get3A_19, %get3A_20] : memref<1x5x8x256xf32, #tpu.memory_space<vmem>>, vector<1x1x8x256xf32>
    %get3A_22 = vector.shape_cast %get3A_21 : vector<1x1x8x256xf32> to vector<8x256xf32>
    %get3A_23 = arith.constant 0 : index
    %get3A_24 = arith.constant 4 : index
    %get3A_25 = arith.constant 0 : index
    %get3A_26 = arith.constant 0 : index
    %get3A_27 = vector.load %arg2[%get3A_23, %get3A_24, %get3A_25, %get3A_26] : memref<1x5x8x256xf32, #tpu.memory_space<vmem>>, vector<1x1x8x256xf32>
    %get3A_28 = vector.shape_cast %get3A_27 : vector<1x1x8x256xf32> to vector<8x256xf32>
    %broadcast_in_dim3A = arith.constant 1.000000e+00 : f32
    %broadcast_in_dim3A_29 = vector.broadcast %broadcast_in_dim3A : f32 to vector<8x256xf32>
    %swap3A = arith.constant 0 : index
    %swap3A_30 = arith.constant 0 : index
    %swap3A_31 = vector.load %arg4[%swap3A, %swap3A_30] : memref<8x256xf32, #tpu.memory_space<vmem>>, vector<8x256xf32>
    tpu.vector_store %arg4[%swap3A, %swap3A_30], %broadcast_in_dim3A_29 {strides = array<i32>} : memref<8x256xf32, #tpu.memory_space<vmem>>, vector<8x256xf32>,
    %get3A_32 = arith.constant 0 : index
    %get3A_33 = arith.constant 0 : index
    %get3A_34 = arith.constant 0 : index
    %get3A_35 = vector.load %arg1[%get3A_32, %get3A_33, %get3A_34] : memref<1x2048x24xf32, #tpu.memory_space<vmem>>, vector<1x256x24xf32>
    %get3A_36 = vector.shape_cast %get3A_35 : vector<1x256x24xf32> to vector<256x24xf32>
    %slice3A = vector.extract_strided_slice %get3A_36 {offsets = [0, 8], sizes = [256, 1], strides = [1, 1]} : vector<256x24xf32> to vector<256x1xf32>
    %slice3A_37 = vector.extract_strided_slice %get3A_36 {offsets = [0, 9], sizes = [256, 1], strides = [1, 1]} : vector<256x24xf32> to vector<256x1xf32>
    %slice3A_38 = vector.extract_strided_slice %get3A_36 {offsets = [0, 10], sizes = [256, 1], strides = [1, 1]} : vector<256x24xf32> to vector<256x1xf32>
    %slice3A_39 = vector.extract_strided_slice %get3A_36 {offsets = [0, 11], sizes = [256, 1], strides = [1, 1]} : vector<256x24xf32> to vector<256x1xf32>
    %slice3A_40 = vector.extract_strided_slice %get3A_36 {offsets = [0, 12], sizes = [256, 1], strides = [1, 1]} : vector<256x24xf32> to vector<256x1xf32>
    %slice3A_41 = vector.extract_strided_slice %get3A_4 {offsets = [0, 0], sizes = [1, 256], strides = [1, 1]} : vector<8x256xf32> to vector<1x256xf32>
    %slice3A_42 = vector.extract_strided_slice %get3A_10 {offsets = [0, 0], sizes = [1, 256], strides = [1, 1]} : vector<8x256xf32> to vector<1x256xf32>
    %slice3A_43 = vector.extract_strided_slice %get3A_16 {offsets = [0, 0], sizes = [1, 256], strides = [1, 1]} : vector<8x256xf32> to vector<1x256xf32>
    %slice3A_44 = vector.extract_strided_slice %get3A_22 {offsets = [0, 0], sizes = [1, 256], strides = [1, 1]} : vector<8x256xf32> to vector<1x256xf32>
    %slice3A_45 = vector.extract_strided_slice %get3A_28 {offsets = [0, 0], sizes = [1, 256], strides = [1, 1]} : vector<8x256xf32> to vector<1x256xf32>
    %min3A = vector.broadcast %slice3A_37 : vector<256x1xf32> to vector<256x256xf32>
    %min3A_46 = vector.broadcast %slice3A_42 : vector<1x256xf32> to vector<256x256xf32>
    %min3A_47 = arith.minimumf %min3A, %min3A_46 : vector<256x256xf32>
    %max3A = vector.broadcast %slice3A : vector<256x1xf32> to vector<256x256xf32>
    %max3A_48 = vector.broadcast %slice3A_41 : vector<1x256xf32> to vector<256x256xf32>
    %max3A_49 = arith.maximumf %max3A, %max3A_48 : vector<256x256xf32>
    %sub3A = arith.subf %min3A_47, %max3A_49 : vector<256x256xf32>
    %max3A_50 = arith.constant 0.000000e+00 : f32
    %max3A_51 = vector.broadcast %max3A_50 : f32 to vector<256x256xf32>
    %max3A_52 = arith.maximumf %sub3A, %max3A_51 : vector<256x256xf32>
    %min3A_53 = vector.broadcast %slice3A_39 : vector<256x1xf32> to vector<256x256xf32>
    %min3A_54 = vector.broadcast %slice3A_44 : vector<1x256xf32> to vector<256x256xf32>
    %min3A_55 = arith.minimumf %min3A_53, %min3A_54 : vector<256x256xf32>
    %max3A_56 = vector.broadcast %slice3A_38 : vector<256x1xf32> to vector<256x256xf32>
    %max3A_57 = vector.broadcast %slice3A_43 : vector<1x256xf32> to vector<256x256xf32>
    %max3A_58 = arith.maximumf %max3A_56, %max3A_57 : vector<256x256xf32>
    %sub3A_59 = arith.subf %min3A_55, %max3A_58 : vector<256x256xf32>
    %max3A_60 = arith.constant 0.000000e+00 : f32
    %max3A_61 = vector.broadcast %max3A_60 : f32 to vector<256x256xf32>
    %max3A_62 = arith.maximumf %sub3A_59, %max3A_61 : vector<256x256xf32>
    %mul3A = arith.mulf %max3A_52, %max3A_62 : vector<256x256xf32>
    %add3A = vector.broadcast %slice3A_40 : vector<256x1xf32> to vector<256x256xf32>
    %add3A_63 = vector.broadcast %slice3A_45 : vector<1x256xf32> to vector<256x256xf32>
    %add3A_64 = arith.addf %add3A, %add3A_63 : vector<256x256xf32>
    %sub3A_65 = arith.subf %add3A_64, %mul3A : vector<256x256xf32>
    %max3A_66 = arith.constant 9.99999997E-7 : f32
    %max3A_67 = vector.broadcast %max3A_66 : f32 to vector<256x256xf32>
    %max3A_68 = arith.maximumf %sub3A_65, %max3A_67 : vector<256x256xf32>
    %div3A = arith.divf %mul3A, %max3A_68 : vector<256x256xf32>
    %gt3A = arith.constant 0.699999988 : f32
    %gt3A_69 = vector.broadcast %gt3A : f32 to vector<256x256xf32>
    %gt3A_70 = arith.cmpf ogt, %div3A, %gt3A_69 : vector<256x256xf32>
    %convert_element_type3A = arith.extui %gt3A_70 : vector<256x256xi1> to vector<256x256xi32>
    %convert_element_type3A_71 = arith.sitofp %convert_element_type3A : vector<256x256xi32> to vector<256x256xf32>
    %iota3A = tpu.iota {dimensions = array<i32: 0>} : vector<256x256xi32>
    %iota3A_72 = tpu.iota {dimensions = array<i32: 1>} : vector<256x256xi32>
    %lt3A = arith.cmpi slt, %iota3A, %iota3A_72 : vector<256x256xi32>
    %convert_element_type3A_73 = arith.extui %lt3A : vector<256x256xi1> to vector<256x256xi32>
    %convert_element_type3A_74 = arith.sitofp %convert_element_type3A_73 : vector<256x256xi32> to vector<256x256xf32>
    %mul3A_75 = arith.mulf %convert_element_type3A_71, %convert_element_type3A_74 : vector<256x256xf32>
    %get3A_76 = arith.constant 0 : index
    %get3A_77 = arith.constant 0 : index
    %get3A_78 = vector.load %arg4[%get3A_76, %get3A_77] : memref<8x256xf32, #tpu.memory_space<vmem>>, vector<1x256xf32>
    %while3A = arith.constant true
    %while3A_79:2 = scf.while (%while3A_4770 = %get3A_78, %while3A_4771 = %while3A) : (vector<1x256xf32>, i1) -> (vector<1x256xf32>, i1) {
      scf.condition(%while3A_4771) %while3A_4770, %while3A_4771 : vector<1x256xf32>, i1
    } do {
    ^bb0(%while3A_4770: vector<1x256xf32>, %while3A_4771: i1):
      %dot_general3A_4772 = arith.constant dense<0.000000e+00> : vector<1x256xf32>
      %dot_general3A_4773 = tpu.matmul %while3A_4770, %mul3A_75, %dot_general3A_4772 {dimension_numbers = #tpu.dot_dimension_numbers<[1], [0], [0], [1], [0, 0, 1, 1], [], []>, transpose_lhs_hint = false} : vector<1x256xf32>, vector<256x256xf32>, vector<1x256xf32> -> vector<1x256xf32>
      %lt3A_4774 = arith.constant 5.000000e-01 : f32
      %lt3A_4775 = vector.broadcast %lt3A_4774 : f32 to vector<1x256xf32>
      %lt3A_4776 = arith.cmpf olt, %dot_general3A_4773, %lt3A_4775 : vector<1x256xf32>
      %convert_element_type3A_4777 = arith.extui %lt3A_4776 : vector<1x256xi1> to vector<1x256xi32>
      %convert_element_type3A_4778 = arith.sitofp %convert_element_type3A_4777 : vector<1x256xi32> to vector<1x256xf32>
      %mul3A_4779 = arith.mulf %get3A_78, %convert_element_type3A_4778 : vector<1x256xf32>
      %ne3A = arith.cmpf one, %mul3A_4779, %while3A_4770 : vector<1x256xf32>
      %reduce_or3A = arith.constant 1.000000e+00 : f32
      %reduce_or3A_4780 = arith.constant 0.000000e+00 : f32
      %reduce_or3A_4781 = vector.broadcast %reduce_or3A : f32 to vector<1x256xf32>
      %reduce_or3A_4782 = vector.broadcast %reduce_or3A_4780 : f32 to vector<1x256xf32>
      %reduce_or3A_4783 = arith.select %ne3A, %reduce_or3A_4781, %reduce_or3A_4782 : vector<1x256xi1>, vector<1x256xf32>
      %reduce_or3A_4784 = vector.shape_cast %reduce_or3A_4783 : vector<1x256xf32> to vector<1x1x256xf32>
      %reduce_or3A_4785 = arith.constant dense<0xFF800000> : vector<1xf32>
      %reduce_or3A_4786 = vector.multi_reduction <maximumf>, %reduce_or3A_4784, %reduce_or3A_4785 [1, 2] : vector<1x1x256xf32> to vector<1xf32>
      %reduce_or3A_4787 = vector.shape_cast %reduce_or3A_4786 : vector<1xf32> to vector<1x1x1xf32>
      %reduce_or3A_4788 = vector.extract %reduce_or3A_4787[0, 0, 0] : f32 from vector<1x1x1xf32>
      %reduce_or3A_4789 = arith.constant 0.000000e+00 : f32
      %reduce_or3A_4790 = arith.cmpf ogt, %reduce_or3A_4788, %reduce_or3A_4789 : f32
      scf.yield %mul3A_4779, %reduce_or3A_4790 : vector<1x256xf32>, i1
    }
    %swap3A_80 = arith.constant 0 : index
    %swap3A_81 = arith.constant 0 : index
    %swap3A_82 = vector.load %arg4[%swap3A_80, %swap3A_81] : memref<8x256xf32, #tpu.memory_space<vmem>>, vector<1x256xf32>
    tpu.vector_store %arg4[%swap3A_80, %swap3A_81], %while3A_79#0 {strides = array<i32>} : memref<8x256xf32, #tpu.memory_space<vmem>>, vector<1x256xf32>,
    %slice3A_83 = vector.extract_strided_slice %get3A_4 {offsets = [0, 0], sizes = [1, 128], strides = [1, 1]} : vector<8x256xf32> to vector<1x128xf32>
    %slice3A_84 = vector.extract_strided_slice %get3A_10 {offsets = [0, 0], sizes = [1, 128], strides = [1, 1]} : vector<8x256xf32> to vector<1x128xf32>
    %slice3A_85 = vector.extract_strided_slice %get3A_16 {offsets = [0, 0], sizes = [1, 128], strides = [1, 1]} : vector<8x256xf32> to vector<1x128xf32>
    %slice3A_86 = vector.extract_strided_slice %get3A_22 {offsets = [0, 0], sizes = [1, 128], strides = [1, 1]} : vector<8x256xf32> to vector<1x128xf32>
    %slice3A_87 = vector.extract_strided_slice %get3A_28 {offsets = [0, 0], sizes = [1, 128], strides = [1, 1]} : vector<8x256xf32> to vector<1x128xf32>
    %min3A_88 = vector.broadcast %slice3A_37 : vector<256x1xf32> to vector<256x128xf32>
    %min3A_89 = vector.broadcast %slice3A_84 : vector<1x128xf32> to vector<256x128xf32>
    %min3A_90 = arith.minimumf %min3A_88, %min3A_89 : vector<256x128xf32>
    %max3A_91 = vector.broadcast %slice3A : vector<256x1xf32> to vector<256x128xf32>
    %max3A_92 = vector.broadcast %slice3A_83 : vector<1x128xf32> to vector<256x128xf32>
    %max3A_93 = arith.maximumf %max3A_91, %max3A_92 : vector<256x128xf32>
    %sub3A_94 = arith.subf %min3A_90, %max3A_93 : vector<256x128xf32>
    %max3A_95 = arith.constant 0.000000e+00 : f32
    %max3A_96 = vector.broadcast %max3A_95 : f32 to vector<256x128xf32>
    %max3A_97 = arith.maximumf %sub3A_94, %max3A_96 : vector<256x128xf32>
    %min3A_98 = vector.broadcast %slice3A_39 : vector<256x1xf32> to vector<256x128xf32>
    %min3A_99 = vector.broadcast %slice3A_86 : vector<1x128xf32> to vector<256x128xf32>
    %min3A_100 = arith.minimumf %min3A_98, %min3A_99 : vector<256x128xf32>
    %max3A_101 = vector.broadcast %slice3A_38 : vector<256x1xf32> to vector<256x128xf32>
    %max3A_102 = vector.broadcast %slice3A_85 : vector<1x128xf32> to vector<256x128xf32>
    %max3A_103 = arith.maximumf %max3A_101, %max3A_102 : vector<256x128xf32>
    %sub3A_104 = arith.subf %min3A_100, %max3A_103 : vector<256x128xf32>
    %max3A_105 = arith.constant 0.000000e+00 : f32
    %max3A_106 = vector.broadcast %max3A_105 : f32 to vector<256x128xf32>
    %max3A_107 = arith.maximumf %sub3A_104, %max3A_106 : vector<256x128xf32>
    %mul3A_108 = arith.mulf %max3A_97, %max3A_107 : vector<256x128xf32>
    %add3A_109 = vector.broadcast %slice3A_40 : vector<256x1xf32> to vector<256x128xf32>
    %add3A_110 = vector.broadcast %slice3A_87 : vector<1x128xf32> to vector<256x128xf32>
    %add3A_111 = arith.addf %add3A_109, %add3A_110 : vector<256x128xf32>
    %sub3A_112 = arith.subf %add3A_111, %mul3A_108 : vector<256x128xf32>
    %max3A_113 = arith.constant 9.99999997E-7 : f32
    %max3A_114 = vector.broadcast %max3A_113 : f32 to vector<256x128xf32>
    %max3A_115 = arith.maximumf %sub3A_112, %max3A_114 : vector<256x128xf32>
    %div3A_116 = arith.divf %mul3A_108, %max3A_115 : vector<256x128xf32>
    %gt3A_117 = arith.constant 0.699999988 : f32
    %gt3A_118 = vector.broadcast %gt3A_117 : f32 to vector<256x128xf32>
    %gt3A_119 = arith.cmpf ogt, %div3A_116, %gt3A_118 : vector<256x128xf32>
    %convert_element_type3A_120 = arith.extui %gt3A_119 : vector<256x128xi1> to vector<256x128xi32>
    %convert_element_type3A_121 = arith.sitofp %convert_element_type3A_120 : vector<256x128xi32> to vector<256x128xf32>
    %iota3A_122 = tpu.iota {dimensions = array<i32: 0>} : vector<256x128xi32>
    %iota3A_123 = tpu.iota {dimensions = array<i32: 1>} : vector<256x128xi32>
    %add3A_124 = arith.constant 0 : i32
    %add3A_125 = vector.broadcast %add3A_124 : i32 to vector<256x128xi32>
    %add3A_126 = arith.addi %iota3A_123, %add3A_125 : vector<256x128xi32>
    %lt3A_127 = arith.cmpi slt, %iota3A_122, %add3A_126 : vector<256x128xi32>
    %convert_element_type3A_128 = arith.extui %lt3A_127 : vector<256x128xi1> to vector<256x128xi32>
    %convert_element_type3A_129 = arith.sitofp %convert_element_type3A_128 : vector<256x128xi32> to vector<256x128xf32>
    %mul3A_130 = arith.mulf %convert_element_type3A_121, %convert_element_type3A_129 : vector<256x128xf32>
    %dot_general3A = arith.constant dense<0.000000e+00> : vector<1x128xf32>
    %dot_general3A_131 = tpu.matmul %while3A_79#0, %mul3A_130, %dot_general3A {dimension_numbers = #tpu.dot_dimension_numbers<[1], [0], [0], [1], [0, 0, 1, 1], [], []>, transpose_lhs_hint = false} : vector<1x256xf32>, vector<256x128xf32>, vector<1x128xf32> -> vector<1x128xf32>
    %get3A_132 = arith.constant 0 : index
    %get3A_133 = arith.constant 0 : index
    %get3A_134 = vector.load %arg4[%get3A_132, %get3A_133] : memref<8x256xf32, #tpu.memory_space<vmem>>, vector<1x128xf32>
    %lt3A_135 = arith.constant 5.000000e-01 : f32
    %lt3A_136 = vector.broadcast %lt3A_135 : f32 to vector<1x128xf32>
    %lt3A_137 = arith.cmpf olt, %dot_general3A_131, %lt3A_136 : vector<1x128xf32>
    %convert_element_type3A_138 = arith.extui %lt3A_137 : vector<1x128xi1> to vector<1x128xi32>
    %convert_element_type3A_139 = arith.sitofp %convert_element_type3A_138 : vector<1x128xi32> to vector<1x128xf32>
    %mul3A_140 = arith.mulf %get3A_134, %convert_element_type3A_139 : vector<1x128xf32>
    %swap3A_141 = arith.constant 0 : index
    %swap3A_142 = arith.constant 0 : index
    %swap3A_143 = vector.load %arg4[%swap3A_141, %swap3A_142] : memref<8x256xf32, #tpu.memory_space<vmem>>, vector<1x128xf32>
    tpu.vector_store %arg4[%swap3A_141, %swap3A_142], %mul3A_140 {strides = array<i32>} : memref<8x256xf32, #tpu.memory_space<vmem>>, vector<1x128xf32>,
    %slice3A_144 = vector.extract_strided_slice %get3A_4 {offsets = [0, 128], sizes = [1, 128], strides = [1, 1]} : vector<8x256xf32> to vector<1x128xf32>
    %slice3A_145 = vector.extract_strided_slice %get3A_10 {offsets = [0, 128], sizes = [1, 128], strides = [1, 1]} : vector<8x256xf32> to vector<1x128xf32>
    %slice3A_146 = vector.extract_strided_slice %get3A_16 {offsets = [0, 128], sizes = [1, 128], strides = [1, 1]} : vector<8x256xf32> to vector<1x128xf32>
    %slice3A_147 = vector.extract_strided_slice %get3A_22 {offsets = [0, 128], sizes = [1, 128], strides = [1, 1]} : vector<8x256xf32> to vector<1x128xf32>
    %slice3A_148 = vector.extract_strided_slice %get3A_28 {offsets = [0, 128], sizes = [1, 128], strides = [1, 1]} : vector<8x256xf32> to vector<1x128xf32>
    %min3A_149 = vector.broadcast %slice3A_37 : vector<256x1xf32> to vector<256x128xf32>
    %min3A_150 = vector.broadcast %slice3A_145 : vector<1x128xf32> to vector<256x128xf32>
    %min3A_151 = arith.minimumf %min3A_149, %min3A_150 : vector<256x128xf32>
    %max3A_152 = vector.broadcast %slice3A : vector<256x1xf32> to vector<256x128xf32>
    %max3A_153 = vector.broadcast %slice3A_144 : vector<1x128xf32> to vector<256x128xf32>
    %max3A_154 = arith.maximumf %max3A_152, %max3A_153 : vector<256x128xf32>
    %sub3A_155 = arith.subf %min3A_151, %max3A_154 : vector<256x128xf32>
    %max3A_156 = arith.constant 0.000000e+00 : f32
    %max3A_157 = vector.broadcast %max3A_156 : f32 to vector<256x128xf32>
    %max3A_158 = arith.maximumf %sub3A_155, %max3A_157 : vector<256x128xf32>
    %min3A_159 = vector.broadcast %slice3A_39 : vector<256x1xf32> to vector<256x128xf32>
    %min3A_160 = vector.broadcast %slice3A_147 : vector<1x128xf32> to vector<256x128xf32>
    %min3A_161 = arith.minimumf %min3A_159, %min3A_160 : vector<256x128xf32>
    %max3A_162 = vector.broadcast %slice3A_38 : vector<256x1xf32> to vector<256x128xf32>
    %max3A_163 = vector.broadcast %slice3A_146 : vector<1x128xf32> to vector<256x128xf32>
    %max3A_164 = arith.maximumf %max3A_162, %max3A_163 : vector<256x128xf32>
    %sub3A_165 = arith.subf %min3A_161, %max3A_164 : vector<256x128xf32>
    %max3A_166 = arith.constant 0.000000e+00 : f32
    %max3A_167 = vector.broadcast %max3A_166 : f32 to vector<256x128xf32>
    %max3A_168 = arith.maximumf %sub3A_165, %max3A_167 : vector<256x128xf32>
    %mul3A_169 = arith.mulf %max3A_158, %max3A_168 : vector<256x128xf32>
    %add3A_170 = vector.broadcast %slice3A_40 : vector<256x1xf32> to vector<256x128xf32>
    %add3A_171 = vector.broadcast %slice3A_148 : vector<1x128xf32> to vector<256x128xf32>
    %add3A_172 = arith.addf %add3A_170, %add3A_171 : vector<256x128xf32>
    %sub3A_173 = arith.subf %add3A_172, %mul3A_169 : vector<256x128xf32>
    %max3A_174 = arith.constant 9.99999997E-7 : f32
    %max3A_175 = vector.broadcast %max3A_174 : f32 to vector<256x128xf32>
    %max3A_176 = arith.maximumf %sub3A_173, %max3A_175 : vector<256x128xf32>
    %div3A_177 = arith.divf %mul3A_169, %max3A_176 : vector<256x128xf32>
    %gt3A_178 = arith.constant 0.699999988 : f32
    %gt3A_179 = vector.broadcast %gt3A_178 : f32 to vector<256x128xf32>
    %gt3A_180 = arith.cmpf ogt, %div3A_177, %gt3A_179 : vector<256x128xf32>
    %convert_element_type3A_181 = arith.extui %gt3A_180 : vector<256x128xi1> to vector<256x128xi32>
    %convert_element_type3A_182 = arith.sitofp %convert_element_type3A_181 : vector<256x128xi32> to vector<256x128xf32>
    %iota3A_183 = tpu.iota {dimensions = array<i32: 0>} : vector<256x128xi32>
    %iota3A_184 = tpu.iota {dimensions = array<i32: 1>} : vector<256x128xi32>
    %add3A_185 = arith.constant 128 : i32
    %add3A_186 = vector.broadcast %add3A_185 : i32 to vector<256x128xi32>
    %add3A_187 = arith.addi %iota3A_184, %add3A_186 : vector<256x128xi32>
    %lt3A_188 = arith.cmpi slt, %iota3A_183, %add3A_187 : vector<256x128xi32>
    %convert_element_type3A_189 = arith.extui %lt3A_188 : vector<256x128xi1> to vector<256x128xi32>
    %convert_element_type3A_190 = arith.sitofp %convert_element_type3A_189 : vector<256x128xi32> to vector<256x128xf32>
    %mul3A_191 = arith.mulf %convert_element_type3A_182, %convert_element_type3A_190 : vector<256x128xf32>
    %dot_general3A_192 = arith.constant dense<0.000000e+00> : vector<1x128xf32>
    %dot_general3A_193 = tpu.matmul %while3A_79#0, %mul3A_191, %dot_general3A_192 {dimension_numbers = #tpu.dot_dimension_numbers<[1], [0], [0], [1], [0, 0, 1, 1], [], []>, transpose_lhs_hint = false} : vector<1x256xf32>, vector<256x128xf32>, vector<1x128xf32> -> vector<1x128xf32>
    %get3A_194 = arith.constant 0 : index
    %get3A_195 = arith.constant 128 : index
    %get3A_196 = vector.load %arg4[%get3A_194, %get3A_195] : memref<8x256xf32, #tpu.memory_space<vmem>>, vector<1x128xf32>
    %lt3A_197 = arith.constant 5.000000e-01 : f32
    %lt3A_198 = vector.broadcast %lt3A_197 : f32 to vector<1x128xf32>
    %lt3A_199 = arith.cmpf olt, %dot_general3A_193, %lt3A_198 : vector<1x128xf32>
    %convert_element_type3A_200 = arith.extui %lt3A_199 : vector<1x128xi1> to vector<1x128xi32>
    %convert_element_type3A_201 = arith.sitofp %convert_element_type3A_200 : vector<1x128xi32> to vector<1x128xf32>
    %mul3A_202 = arith.mulf %get3A_196, %convert_element_type3A_201 : vector<1x128xf32>
    %swap3A_203 = arith.constant 0 : index
    %swap3A_204 = arith.constant 128 : index
    %swap3A_205 = vector.load %arg4[%swap3A_203, %swap3A_204] : memref<8x256xf32, #tpu.memory_space<vmem>>, vector<1x128xf32>
    tpu.vector_store %arg4[%swap3A_203, %swap3A_204], %mul3A_202 {strides = array<i32>} : memref<8x256xf32, #tpu.memory_space<vmem>>, vector<1x128xf32>,
    %slice3A_206 = vector.extract_strided_slice %get3A_4 {offsets = [1, 0], sizes = [1, 128], strides = [1, 1]} : vector<8x256xf32> to vector<1x128xf32>
    %slice3A_207 = vector.extract_strided_slice %get3A_10 {offsets = [1, 0], sizes = [1, 128], strides = [1, 1]} : vector<8x256xf32> to vector<1x128xf32>
    %slice3A_208 = vector.extract_strided_slice %get3A_16 {offsets = [1, 0], sizes = [1, 128], strides = [1, 1]} : vector<8x256xf32> to vector<1x128xf32>
    %slice3A_209 = vector.extract_strided_slice %get3A_22 {offsets = [1, 0], sizes = [1, 128], strides = [1, 1]} : vector<8x256xf32> to vector<1x128xf32>
    %slice3A_210 = vector.extract_strided_slice %get3A_28 {offsets = [1, 0], sizes = [1, 128], strides = [1, 1]} : vector<8x256xf32> to vector<1x128xf32>
    %min3A_211 = vector.broadcast %slice3A_37 : vector<256x1xf32> to vector<256x128xf32>
    %min3A_212 = vector.broadcast %slice3A_207 : vector<1x128xf32> to vector<256x128xf32>
    %min3A_213 = arith.minimumf %min3A_211, %min3A_212 : vector<256x128xf32>
    %max3A_214 = vector.broadcast %slice3A : vector<256x1xf32> to vector<256x128xf32>
    %max3A_215 = vector.broadcast %slice3A_206 : vector<1x128xf32> to vector<256x128xf32>
    %max3A_216 = arith.maximumf %max3A_214, %max3A_215 : vector<256x128xf32>
    %sub3A_217 = arith.subf %min3A_213, %max3A_216 : vector<256x128xf32>
    %max3A_218 = arith.constant 0.000000e+00 : f32
    %max3A_219 = vector.broadcast %max3A_218 : f32 to vector<256x128xf32>
    %max3A_220 = arith.maximumf %sub3A_217, %max3A_219 : vector<256x128xf32>
    %min3A_221 = vector.broadcast %slice3A_39 : vector<256x1xf32> to vector<256x128xf32>
    %min3A_222 = vector.broadcast %slice3A_209 : vector<1x128xf32> to vector<256x128xf32>
    %min3A_223 = arith.minimumf %min3A_221, %min3A_222 : vector<256x128xf32>
    %max3A_224 = vector.broadcast %slice3A_38 : vector<256x1xf32> to vector<256x128xf32>
    %max3A_225 = vector.broadcast %slice3A_208 : vector<1x128xf32> to vector<256x128xf32>
    %max3A_226 = arith.maximumf %max3A_224, %max3A_225 : vector<256x128xf32>
    %sub3A_227 = arith.subf %min3A_223, %max3A_226 : vector<256x128xf32>
    %max3A_228 = arith.constant 0.000000e+00 : f32
    %max3A_229 = vector.broadcast %max3A_228 : f32 to vector<256x128xf32>
    %max3A_230 = arith.maximumf %sub3A_227, %max3A_229 : vector<256x128xf32>
    %mul3A_231 = arith.mulf %max3A_220, %max3A_230 : vector<256x128xf32>
    %add3A_232 = vector.broadcast %slice3A_40 : vector<256x1xf32> to vector<256x128xf32>
    %add3A_233 = vector.broadcast %slice3A_210 : vector<1x128xf32> to vector<256x128xf32>
    %add3A_234 = arith.addf %add3A_232, %add3A_233 : vector<256x128xf32>
    %sub3A_235 = arith.subf %add3A_234, %mul3A_231 : vector<256x128xf32>
    %max3A_236 = arith.constant 9.99999997E-7 : f32
    %max3A_237 = vector.broadcast %max3A_236 : f32 to vector<256x128xf32>
    %max3A_238 = arith.maximumf %sub3A_235, %max3A_237 : vector<256x128xf32>
    %div3A_239 = arith.divf %mul3A_231, %max3A_238 : vector<256x128xf32>
    %gt3A_240 = arith.constant 0.699999988 : f32
    %gt3A_241 = vector.broadcast %gt3A_240 : f32 to vector<256x128xf32>
    %gt3A_242 = arith.cmpf ogt, %div3A_239, %gt3A_241 : vector<256x128xf32>
    %convert_element_type3A_243 = arith.extui %gt3A_242 : vector<256x128xi1> to vector<256x128xi32>
    %convert_element_type3A_244 = arith.sitofp %convert_element_type3A_243 : vector<256x128xi32> to vector<256x128xf32>
    %dot_general3A_245 = arith.constant dense<0.000000e+00> : vector<1x128xf32>
    %dot_general3A_246 = tpu.matmul %while3A_79#0, %convert_element_type3A_244, %dot_general3A_245 {dimension_numbers = #tpu.dot_dimension_numbers<[1], [0], [0], [1], [0, 0, 1, 1], [], []>, transpose_lhs_hint = false} : vector<1x256xf32>, vector<256x128xf32>, vector<1x128xf32> -> vector<1x128xf32>
    %get3A_247 = arith.constant 1 : index
    %get3A_248 = arith.constant 0 : index
    %get3A_249 = vector.load %arg4[%get3A_247, %get3A_248] : memref<8x256xf32, #tpu.memory_space<vmem>>, vector<1x128xf32>
    %lt3A_250 = arith.constant 5.000000e-01 : f32
    %lt3A_251 = vector.broadcast %lt3A_250 : f32 to vector<1x128xf32>
    %lt3A_252 = arith.cmpf olt, %dot_general3A_246, %lt3A_251 : vector<1x128xf32>
    %convert_element_type3A_253 = arith.extui %lt3A_252 : vector<1x128xi1> to vector<1x128xi32>
    %convert_element_type3A_254 = arith.sitofp %convert_element_type3A_253 : vector<1x128xi32> to vector<1x128xf32>
    %mul3A_255 = arith.mulf %get3A_249, %convert_element_type3A_254 : vector<1x128xf32>
    %swap3A_256 = arith.constant 1 : index
    %swap3A_257 = arith.constant 0 : index
    %swap3A_258 = vector.load %arg4[%swap3A_256, %swap3A_257] : memref<8x256xf32, #tpu.memory_space<vmem>>, vector<1x128xf32>
    tpu.vector_store %arg4[%swap3A_256, %swap3A_257], %mul3A_255 {strides = array<i32>} : memref<8x256xf32, #tpu.memory_space<vmem>>, vector<1x128xf32>,
    %slice3A_259 = vector.extract_strided_slice %get3A_4 {offsets = [1, 128], sizes = [1, 128], strides = [1, 1]} : vector<8x256xf32> to vector<1x128xf32>
    %slice3A_260 = vector.extract_strided_slice %get3A_10 {offsets = [1, 128], sizes = [1, 128], strides = [1, 1]} : vector<8x256xf32> to vector<1x128xf32>
    %slice3A_261 = vector.extract_strided_slice %get3A_16 {offsets = [1, 128], sizes = [1, 128], strides = [1, 1]} : vector<8x256xf32> to vector<1x128xf32>
    %slice3A_262 = vector.extract_strided_slice %get3A_22 {offsets = [1, 128], sizes = [1, 128], strides = [1, 1]} : vector<8x256xf32> to vector<1x128xf32>
    %slice3A_263 = vector.extract_strided_slice %get3A_28 {offsets = [1, 128], sizes = [1, 128], strides = [1, 1]} : vector<8x256xf32> to vector<1x128xf32>
    %min3A_264 = vector.broadcast %slice3A_37 : vector<256x1xf32> to vector<256x128xf32>
    %min3A_265 = vector.broadcast %slice3A_260 : vector<1x128xf32> to vector<256x128xf32>
    %min3A_266 = arith.minimumf %min3A_264, %min3A_265 : vector<256x128xf32>
    %max3A_267 = vector.broadcast %slice3A : vector<256x1xf32> to vector<256x128xf32>
    %max3A_268 = vector.broadcast %slice3A_259 : vector<1x128xf32> to vector<256x128xf32>
    %max3A_269 = arith.maximumf %max3A_267, %max3A_268 : vector<256x128xf32>
    %sub3A_270 = arith.subf %min3A_266, %max3A_269 : vector<256x128xf32>
    %max3A_271 = arith.constant 0.000000e+00 : f32
    %max3A_272 = vector.broadcast %max3A_271 : f32 to vector<256x128xf32>
    %max3A_273 = arith.maximumf %sub3A_270, %max3A_272 : vector<256x128xf32>
    %min3A_274 = vector.broadcast %slice3A_39 : vector<256x1xf32> to vector<256x128xf32>
    %min3A_275 = vector.broadcast %slice3A_262 : vector<1x128xf32> to vector<256x128xf32>
    %min3A_276 = arith.minimumf %min3A_274, %min3A_275 : vector<256x128xf32>
    %max3A_277 = vector.broadcast %slice3A_38 : vector<256x1xf32> to vector<256x128xf32>
    %max3A_278 = vector.broadcast %slice3A_261 : vector<1x128xf32> to vector<256x128xf32>
    %max3A_279 = arith.maximumf %max3A_277, %max3A_278 : vector<256x128xf32>
    %sub3A_280 = arith.subf %min3A_276, %max3A_279 : vector<256x128xf32>
    %max3A_281 = arith.constant 0.000000e+00 : f32
    %max3A_282 = vector.broadcast %max3A_281 : f32 to vector<256x128xf32>
    %max3A_283 = arith.maximumf %sub3A_280, %max3A_282 : vector<256x128xf32>
    %mul3A_284 = arith.mulf %max3A_273, %max3A_283 : vector<256x128xf32>
    %add3A_285 = vector.broadcast %slice3A_40 : vector<256x1xf32> to vector<256x128xf32>
    %add3A_286 = vector.broadcast %slice3A_263 : vector<1x128xf32> to vector<256x128xf32>
    %add3A_287 = arith.addf %add3A_285, %add3A_286 : vector<256x128xf32>
    %sub3A_288 = arith.subf %add3A_287, %mul3A_284 : vector<256x128xf32>
    %max3A_289 = arith.constant 9.99999997E-7 : f32
    %max3A_290 = vector.broadcast %max3A_289 : f32 to vector<256x128xf32>
    %max3A_291 = arith.maximumf %sub3A_288, %max3A_290 : vector<256x128xf32>
    %div3A_292 = arith.divf %mul3A_284, %max3A_291 : vector<256x128xf32>
    %gt3A_293 = arith.constant 0.699999988 : f32
    %gt3A_294 = vector.broadcast %gt3A_293 : f32 to vector<256x128xf32>
    %gt3A_295 = arith.cmpf ogt, %div3A_292, %gt3A_294 : vector<256x128xf32>
    %convert_element_type3A_296 = arith.extui %gt3A_295 : vector<256x128xi1> to vector<256x128xi32>
    %convert_element_type3A_297 = arith.sitofp %convert_element_type3A_296 : vector<256x128xi32> to vector<256x128xf32>
    %dot_general3A_298 = arith.constant dense<0.000000e+00> : vector<1x128xf32>
    %dot_general3A_299 = tpu.matmul %while3A_79#0, %convert_element_type3A_297, %dot_general3A_298 {dimension_numbers = #tpu.dot_dimension_numbers<[1], [0], [0], [1], [0, 0, 1, 1], [], []>, transpose_lhs_hint = false} : vector<1x256xf32>, vector<256x128xf32>, vector<1x128xf32> -> vector<1x128xf32>
    %get3A_300 = arith.constant 1 : index
    %get3A_301 = arith.constant 128 : index
    %get3A_302 = vector.load %arg4[%get3A_300, %get3A_301] : memref<8x256xf32, #tpu.memory_space<vmem>>, vector<1x128xf32>
    %lt3A_303 = arith.constant 5.000000e-01 : f32
    %lt3A_304 = vector.broadcast %lt3A_303 : f32 to vector<1x128xf32>
    %lt3A_305 = arith.cmpf olt, %dot_general3A_299, %lt3A_304 : vector<1x128xf32>
    %convert_element_type3A_306 = arith.extui %lt3A_305 : vector<1x128xi1> to vector<1x128xi32>
    %convert_element_type3A_307 = arith.sitofp %convert_element_type3A_306 : vector<1x128xi32> to vector<1x128xf32>
    %mul3A_308 = arith.mulf %get3A_302, %convert_element_type3A_307 : vector<1x128xf32>
    %swap3A_309 = arith.constant 1 : index
    %swap3A_310 = arith.constant 128 : index
    %swap3A_311 = vector.load %arg4[%swap3A_309, %swap3A_310] : memref<8x256xf32, #tpu.memory_space<vmem>>, vector<1x128xf32>
    tpu.vector_store %arg4[%swap3A_309, %swap3A_310], %mul3A_308 {strides = array<i32>} : memref<8x256xf32, #tpu.memory_space<vmem>>, vector<1x128xf32>,
    %slice3A_312 = vector.extract_strided_slice %get3A_4 {offsets = [2, 0], sizes = [1, 128], strides = [1, 1]} : vector<8x256xf32> to vector<1x128xf32>
    %slice3A_313 = vector.extract_strided_slice %get3A_10 {offsets = [2, 0], sizes = [1, 128], strides = [1, 1]} : vector<8x256xf32> to vector<1x128xf32>
    %slice3A_314 = vector.extract_strided_slice %get3A_16 {offsets = [2, 0], sizes = [1, 128], strides = [1, 1]} : vector<8x256xf32> to vector<1x128xf32>
    %slice3A_315 = vector.extract_strided_slice %get3A_22 {offsets = [2, 0], sizes = [1, 128], strides = [1, 1]} : vector<8x256xf32> to vector<1x128xf32>
    %slice3A_316 = vector.extract_strided_slice %get3A_28 {offsets = [2, 0], sizes = [1, 128], strides = [1, 1]} : vector<8x256xf32> to vector<1x128xf32>
    %min3A_317 = vector.broadcast %slice3A_37 : vector<256x1xf32> to vector<256x128xf32>
    %min3A_318 = vector.broadcast %slice3A_313 : vector<1x128xf32> to vector<256x128xf32>
    %min3A_319 = arith.minimumf %min3A_317, %min3A_318 : vector<256x128xf32>
    %max3A_320 = vector.broadcast %slice3A : vector<256x1xf32> to vector<256x128xf32>
    %max3A_321 = vector.broadcast %slice3A_312 : vector<1x128xf32> to vector<256x128xf32>
    %max3A_322 = arith.maximumf %max3A_320, %max3A_321 : vector<256x128xf32>
    %sub3A_323 = arith.subf %min3A_319, %max3A_322 : vector<256x128xf32>
    %max3A_324 = arith.constant 0.000000e+00 : f32
    %max3A_325 = vector.broadcast %max3A_324 : f32 to vector<256x128xf32>
    %max3A_326 = arith.maximumf %sub3A_323, %max3A_325 : vector<256x128xf32>
    %min3A_327 = vector.broadcast %slice3A_39 : vector<256x1xf32> to vector<256x128xf32>
    %min3A_328 = vector.broadcast %slice3A_315 : vector<1x128xf32> to vector<256x128xf32>
    %min3A_329 = arith.minimumf %min3A_327, %min3A_328 : vector<256x128xf32>
    %max3A_330 = vector.broadcast %slice3A_38 : vector<256x1xf32> to vector<256x128xf32>
    %max3A_331 = vector.broadcast %slice3A_314 : vector<1x128xf32> to vector<256x128xf32>
    %max3A_332 = arith.maximumf %max3A_330, %max3A_331 : vector<256x128xf32>
    %sub3A_333 = arith.subf %min3A_329, %max3A_332 : vector<256x128xf32>
    %max3A_334 = arith.constant 0.000000e+00 : f32
    %max3A_335 = vector.broadcast %max3A_334 : f32 to vector<256x128xf32>
    %max3A_336 = arith.maximumf %sub3A_333, %max3A_335 : vector<256x128xf32>
    %mul3A_337 = arith.mulf %max3A_326, %max3A_336 : vector<256x128xf32>
    %add3A_338 = vector.broadcast %slice3A_40 : vector<256x1xf32> to vector<256x128xf32>
    %add3A_339 = vector.broadcast %slice3A_316 : vector<1x128xf32> to vector<256x128xf32>
    %add3A_340 = arith.addf %add3A_338, %add3A_339 : vector<256x128xf32>
    %sub3A_341 = arith.subf %add3A_340, %mul3A_337 : vector<256x128xf32>
    %max3A_342 = arith.constant 9.99999997E-7 : f32
    %max3A_343 = vector.broadcast %max3A_342 : f32 to vector<256x128xf32>
    %max3A_344 = arith.maximumf %sub3A_341, %max3A_343 : vector<256x128xf32>
    %div3A_345 = arith.divf %mul3A_337, %max3A_344 : vector<256x128xf32>
    %gt3A_346 = arith.constant 0.699999988 : f32
    %gt3A_347 = vector.broadcast %gt3A_346 : f32 to vector<256x128xf32>
    %gt3A_348 = arith.cmpf ogt, %div3A_345, %gt3A_347 : vector<256x128xf32>
    %convert_element_type3A_349 = arith.extui %gt3A_348 : vector<256x128xi1> to vector<256x128xi32>
    %convert_element_type3A_350 = arith.sitofp %convert_element_type3A_349 : vector<256x128xi32> to vector<256x128xf32>
    %dot_general3A_351 = arith.constant dense<0.000000e+00> : vector<1x128xf32>
    %dot_general3A_352 = tpu.matmul %while3A_79#0, %convert_element_type3A_350, %dot_general3A_351 {dimension_numbers = #tpu.dot_dimension_numbers<[1], [0], [0], [1], [0, 0, 1, 1], [], []>, transpose_lhs_hint = false} : vector<1x256xf32>, vector<256x128xf32>, vector<1x128xf32> -> vector<1x128xf32>
    %get3A_353 = arith.constant 2 : index
    %get3A_354 = arith.constant 0 : index
    %get3A_355 = vector.load %arg4[%get3A_353, %get3A_354] : memref<8x256xf32, #tpu.memory_space<vmem>>, vector<1x128xf32>
    %lt3A_356 = arith.constant 5.000000e-01 : f32
    %lt3A_357 = vector.broadcast %lt3A_356 : f32 to vector<1x128xf32>
    %lt3A_358 = arith.cmpf olt, %dot_general3A_352, %lt3A_357 : vector<1x128xf32>
    %convert_element_type3A_359 = arith.extui %lt3A_358 : vector<1x128xi1> to vector<1x128xi32>
    %convert_element_type3A_360 = arith.sitofp %convert_element_type3A_359 : vector<1x128xi32> to vector<1x128xf32>
    %mul3A_361 = arith.mulf %get3A_355, %convert_element_type3A_360 : vector<1x128xf32>
    %swap3A_362 = arith.constant 2 : index
    %swap3A_363 = arith.constant 0 : index
    %swap3A_364 = vector.load %arg4[%swap3A_362, %swap3A_363] : memref<8x256xf32, #tpu.memory_space<vmem>>, vector<1x128xf32>
    tpu.vector_store %arg4[%swap3A_362, %swap3A_363], %mul3A_361 {strides = array<i32>} : memref<8x256xf32, #tpu.memory_space<vmem>>, vector<1x128xf32>,
    %slice3A_365 = vector.extract_strided_slice %get3A_4 {offsets = [2, 128], sizes = [1, 128], strides = [1, 1]} : vector<8x256xf32> to vector<1x128xf32>
    %slice3A_366 = vector.extract_strided_slice %get3A_10 {offsets = [2, 128], sizes = [1, 128], strides = [1, 1]} : vector<8x256xf32> to vector<1x128xf32>
    %slice3A_367 = vector.extract_strided_slice %get3A_16 {offsets = [2, 128], sizes = [1, 128], strides = [1, 1]} : vector<8x256xf32> to vector<1x128xf32>
    %slice3A_368 = vector.extract_strided_slice %get3A_22 {offsets = [2, 128], sizes = [1, 128], strides = [1, 1]} : vector<8x256xf32> to vector<1x128xf32>
    %slice3A_369 = vector.extract_strided_slice %get3A_28 {offsets = [2, 128], sizes = [1, 128], strides = [1, 1]} : vector<8x256xf32> to vector<1x128xf32>
    %min3A_370 = vector.broadcast %slice3A_37 : vector<256x1xf32> to vector<256x128xf32>
    %min3A_371 = vector.broadcast %slice3A_366 : vector<1x128xf32> to vector<256x128xf32>
    %min3A_372 = arith.minimumf %min3A_370, %min3A_371 : vector<256x128xf32>
    %max3A_373 = vector.broadcast %slice3A : vector<256x1xf32> to vector<256x128xf32>
    %max3A_374 = vector.broadcast %slice3A_365 : vector<1x128xf32> to vector<256x128xf32>
    %max3A_375 = arith.maximumf %max3A_373, %max3A_374 : vector<256x128xf32>
    %sub3A_376 = arith.subf %min3A_372, %max3A_375 : vector<256x128xf32>
    %max3A_377 = arith.constant 0.000000e+00 : f32
    %max3A_378 = vector.broadcast %max3A_377 : f32 to vector<256x128xf32>
    %max3A_379 = arith.maximumf %sub3A_376, %max3A_378 : vector<256x128xf32>
    %min3A_380 = vector.broadcast %slice3A_39 : vector<256x1xf32> to vector<256x128xf32>
    %min3A_381 = vector.broadcast %slice3A_368 : vector<1x128xf32> to vector<256x128xf32>
    %min3A_382 = arith.minimumf %min3A_380, %min3A_381 : vector<256x128xf32>
    %max3A_383 = vector.broadcast %slice3A_38 : vector<256x1xf32> to vector<256x128xf32>
    %max3A_384 = vector.broadcast %slice3A_367 : vector<1x128xf32> to vector<256x128xf32>
    %max3A_385 = arith.maximumf %max3A_383, %max3A_384 : vector<256x128xf32>
    %sub3A_386 = arith.subf %min3A_382, %max3A_385 : vector<256x128xf32>
    %max3A_387 = arith.constant 0.000000e+00 : f32
    %max3A_388 = vector.broadcast %max3A_387 : f32 to vector<256x128xf32>
    %max3A_389 = arith.maximumf %sub3A_386, %max3A_388 : vector<256x128xf32>
    %mul3A_390 = arith.mulf %max3A_379, %max3A_389 : vector<256x128xf32>
    %add3A_391 = vector.broadcast %slice3A_40 : vector<256x1xf32> to vector<256x128xf32>
    %add3A_392 = vector.broadcast %slice3A_369 : vector<1x128xf32> to vector<256x128xf32>
    %add3A_393 = arith.addf %add3A_391, %add3A_392 : vector<256x128xf32>
    %sub3A_394 = arith.subf %add3A_393, %mul3A_390 : vector<256x128xf32>
    %max3A_395 = arith.constant 9.99999997E-7 : f32
    %max3A_396 = vector.broadcast %max3A_395 : f32 to vector<256x128xf32>
    %max3A_397 = arith.maximumf %sub3A_394, %max3A_396 : vector<256x128xf32>
    %div3A_398 = arith.divf %mul3A_390, %max3A_397 : vector<256x128xf32>
    %gt3A_399 = arith.constant 0.699999988 : f32
    %gt3A_400 = vector.broadcast %gt3A_399 : f32 to vector<256x128xf32>
    %gt3A_401 = arith.cmpf ogt, %div3A_398, %gt3A_400 : vector<256x128xf32>
    %convert_element_type3A_402 = arith.extui %gt3A_401 : vector<256x128xi1> to vector<256x128xi32>
    %convert_element_type3A_403 = arith.sitofp %convert_element_type3A_402 : vector<256x128xi32> to vector<256x128xf32>
    %dot_general3A_404 = arith.constant dense<0.000000e+00> : vector<1x128xf32>
    %dot_general3A_405 = tpu.matmul %while3A_79#0, %convert_element_type3A_403, %dot_general3A_404 {dimension_numbers = #tpu.dot_dimension_numbers<[1], [0], [0], [1], [0, 0, 1, 1], [], []>, transpose_lhs_hint = false} : vector<1x256xf32>, vector<256x128xf32>, vector<1x128xf32> -> vector<1x128xf32>
    %get3A_406 = arith.constant 2 : index
    %get3A_407 = arith.constant 128 : index
    %get3A_408 = vector.load %arg4[%get3A_406, %get3A_407] : memref<8x256xf32, #tpu.memory_space<vmem>>, vector<1x128xf32>
    %lt3A_409 = arith.constant 5.000000e-01 : f32
    %lt3A_410 = vector.broadcast %lt3A_409 : f32 to vector<1x128xf32>
    %lt3A_411 = arith.cmpf olt, %dot_general3A_405, %lt3A_410 : vector<1x128xf32>
    %convert_element_type3A_412 = arith.extui %lt3A_411 : vector<1x128xi1> to vector<1x128xi32>
    %convert_element_type3A_413 = arith.sitofp %convert_element_type3A_412 : vector<1x128xi32> to vector<1x128xf32>
    %mul3A_414 = arith.mulf %get3A_408, %convert_element_type3A_413 : vector<1x128xf32>
    %swap3A_415 = arith.constant 2 : index
    %swap3A_416 = arith.constant 128 : index
    %swap3A_417 = vector.load %arg4[%swap3A_415, %swap3A_416] : memref<8x256xf32, #tpu.memory_space<vmem>>, vector<1x128xf32>
    tpu.vector_store %arg4[%swap3A_415, %swap3A_416], %mul3A_414 {strides = array<i32>} : memref<8x256xf32, #tpu.memory_space<vmem>>, vector<1x128xf32>,
    %slice3A_418 = vector.extract_strided_slice %get3A_4 {offsets = [3, 0], sizes = [1, 128], strides = [1, 1]} : vector<8x256xf32> to vector<1x128xf32>
    %slice3A_419 = vector.extract_strided_slice %get3A_10 {offsets = [3, 0], sizes = [1, 128], strides = [1, 1]} : vector<8x256xf32> to vector<1x128xf32>
    %slice3A_420 = vector.extract_strided_slice %get3A_16 {offsets = [3, 0], sizes = [1, 128], strides = [1, 1]} : vector<8x256xf32> to vector<1x128xf32>
    %slice3A_421 = vector.extract_strided_slice %get3A_22 {offsets = [3, 0], sizes = [1, 128], strides = [1, 1]} : vector<8x256xf32> to vector<1x128xf32>
    %slice3A_422 = vector.extract_strided_slice %get3A_28 {offsets = [3, 0], sizes = [1, 128], strides = [1, 1]} : vector<8x256xf32> to vector<1x128xf32>
    %min3A_423 = vector.broadcast %slice3A_37 : vector<256x1xf32> to vector<256x128xf32>
    %min3A_424 = vector.broadcast %slice3A_419 : vector<1x128xf32> to vector<256x128xf32>
    %min3A_425 = arith.minimumf %min3A_423, %min3A_424 : vector<256x128xf32>
    %max3A_426 = vector.broadcast %slice3A : vector<256x1xf32> to vector<256x128xf32>
    %max3A_427 = vector.broadcast %slice3A_418 : vector<1x128xf32> to vector<256x128xf32>
    %max3A_428 = arith.maximumf %max3A_426, %max3A_427 : vector<256x128xf32>
    %sub3A_429 = arith.subf %min3A_425, %max3A_428 : vector<256x128xf32>
    %max3A_430 = arith.constant 0.000000e+00 : f32
    %max3A_431 = vector.broadcast %max3A_430 : f32 to vector<256x128xf32>
    %max3A_432 = arith.maximumf %sub3A_429, %max3A_431 : vector<256x128xf32>
    %min3A_433 = vector.broadcast %slice3A_39 : vector<256x1xf32> to vector<256x128xf32>
    %min3A_434 = vector.broadcast %slice3A_421 : vector<1x128xf32> to vector<256x128xf32>
    %min3A_435 = arith.minimumf %min3A_433, %min3A_434 : vector<256x128xf32>
    %max3A_436 = vector.broadcast %slice3A_38 : vector<256x1xf32> to vector<256x128xf32>
    %max3A_437 = vector.broadcast %slice3A_420 : vector<1x128xf32> to vector<256x128xf32>
    %max3A_438 = arith.maximumf %max3A_436, %max3A_437 : vector<256x128xf32>
    %sub3A_439 = arith.subf %min3A_435, %max3A_438 : vector<256x128xf32>
    %max3A_440 = arith.constant 0.000000e+00 : f32
    %max3A_441 = vector.broadcast %max3A_440 : f32 to vector<256x128xf32>
    %max3A_442 = arith.maximumf %sub3A_439, %max3A_441 : vector<256x128xf32>
    %mul3A_443 = arith.mulf %max3A_432, %max3A_442 : vector<256x128xf32>
    %add3A_444 = vector.broadcast %slice3A_40 : vector<256x1xf32> to vector<256x128xf32>
    %add3A_445 = vector.broadcast %slice3A_422 : vector<1x128xf32> to vector<256x128xf32>
    %add3A_446 = arith.addf %add3A_444, %add3A_445 : vector<256x128xf32>
    %sub3A_447 = arith.subf %add3A_446, %mul3A_443 : vector<256x128xf32>
    %max3A_448 = arith.constant 9.99999997E-7 : f32
    %max3A_449 = vector.broadcast %max3A_448 : f32 to vector<256x128xf32>
    %max3A_450 = arith.maximumf %sub3A_447, %max3A_449 : vector<256x128xf32>
    %div3A_451 = arith.divf %mul3A_443, %max3A_450 : vector<256x128xf32>
    %gt3A_452 = arith.constant 0.699999988 : f32
    %gt3A_453 = vector.broadcast %gt3A_452 : f32 to vector<256x128xf32>
    %gt3A_454 = arith.cmpf ogt, %div3A_451, %gt3A_453 : vector<256x128xf32>
    %convert_element_type3A_455 = arith.extui %gt3A_454 : vector<256x128xi1> to vector<256x128xi32>
    %convert_element_type3A_456 = arith.sitofp %convert_element_type3A_455 : vector<256x128xi32> to vector<256x128xf32>
    %dot_general3A_457 = arith.constant dense<0.000000e+00> : vector<1x128xf32>
    %dot_general3A_458 = tpu.matmul %while3A_79#0, %convert_element_type3A_456, %dot_general3A_457 {dimension_numbers = #tpu.dot_dimension_numbers<[1], [0], [0], [1], [0, 0, 1, 1], [], []>, transpose_lhs_hint = false} : vector<1x256xf32>, vector<256x128xf32>, vector<1x128xf32> -> vector<1x128xf32>
    %get3A_459 = arith.constant 3 : index
    %get3A_460 = arith.constant 0 : index
    %get3A_461 = vector.load %arg4[%get3A_459, %get3A_460] : memref<8x256xf32, #tpu.memory_space<vmem>>, vector<1x128xf32>
    %lt3A_462 = arith.constant 5.000000e-01 : f32
    %lt3A_463 = vector.broadcast %lt3A_462 : f32 to vector<1x128xf32>
    %lt3A_464 = arith.cmpf olt, %dot_general3A_458, %lt3A_463 : vector<1x128xf32>
    %convert_element_type3A_465 = arith.extui %lt3A_464 : vector<1x128xi1> to vector<1x128xi32>
    %convert_element_type3A_466 = arith.sitofp %convert_element_type3A_465 : vector<1x128xi32> to vector<1x128xf32>
    %mul3A_467 = arith.mulf %get3A_461, %convert_element_type3A_466 : vector<1x128xf32>
    %swap3A_468 = arith.constant 3 : index
    %swap3A_469 = arith.constant 0 : index
    %swap3A_470 = vector.load %arg4[%swap3A_468, %swap3A_469] : memref<8x256xf32, #tpu.memory_space<vmem>>, vector<1x128xf32>
    tpu.vector_store %arg4[%swap3A_468, %swap3A_469], %mul3A_467 {strides = array<i32>} : memref<8x256xf32, #tpu.memory_space<vmem>>, vector<1x128xf32>,
    %slice3A_471 = vector.extract_strided_slice %get3A_4 {offsets = [3, 128], sizes = [1, 128], strides = [1, 1]} : vector<8x256xf32> to vector<1x128xf32>
    %slice3A_472 = vector.extract_strided_slice %get3A_10 {offsets = [3, 128], sizes = [1, 128], strides = [1, 1]} : vector<8x256xf32> to vector<1x128xf32>
    %slice3A_473 = vector.extract_strided_slice %get3A_16 {offsets = [3, 128], sizes = [1, 128], strides = [1, 1]} : vector<8x256xf32> to vector<1x128xf32>
    %slice3A_474 = vector.extract_strided_slice %get3A_22 {offsets = [3, 128], sizes = [1, 128], strides = [1, 1]} : vector<8x256xf32> to vector<1x128xf32>
    %slice3A_475 = vector.extract_strided_slice %get3A_28 {offsets = [3, 128], sizes = [1, 128], strides = [1, 1]} : vector<8x256xf32> to vector<1x128xf32>
    %min3A_476 = vector.broadcast %slice3A_37 : vector<256x1xf32> to vector<256x128xf32>
    %min3A_477 = vector.broadcast %slice3A_472 : vector<1x128xf32> to vector<256x128xf32>
    %min3A_478 = arith.minimumf %min3A_476, %min3A_477 : vector<256x128xf32>
    %max3A_479 = vector.broadcast %slice3A : vector<256x1xf32> to vector<256x128xf32>
    %max3A_480 = vector.broadcast %slice3A_471 : vector<1x128xf32> to vector<256x128xf32>
    %max3A_481 = arith.maximumf %max3A_479, %max3A_480 : vector<256x128xf32>
    %sub3A_482 = arith.subf %min3A_478, %max3A_481 : vector<256x128xf32>
    %max3A_483 = arith.constant 0.000000e+00 : f32
    %max3A_484 = vector.broadcast %max3A_483 : f32 to vector<256x128xf32>
    %max3A_485 = arith.maximumf %sub3A_482, %max3A_484 : vector<256x128xf32>
    %min3A_486 = vector.broadcast %slice3A_39 : vector<256x1xf32> to vector<256x128xf32>
    %min3A_487 = vector.broadcast %slice3A_474 : vector<1x128xf32> to vector<256x128xf32>
    %min3A_488 = arith.minimumf %min3A_486, %min3A_487 : vector<256x128xf32>
    %max3A_489 = vector.broadcast %slice3A_38 : vector<256x1xf32> to vector<256x128xf32>
    %max3A_490 = vector.broadcast %slice3A_473 : vector<1x128xf32> to vector<256x128xf32>
    %max3A_491 = arith.maximumf %max3A_489, %max3A_490 : vector<256x128xf32>
    %sub3A_492 = arith.subf %min3A_488, %max3A_491 : vector<256x128xf32>
    %max3A_493 = arith.constant 0.000000e+00 : f32
    %max3A_494 = vector.broadcast %max3A_493 : f32 to vector<256x128xf32>
    %max3A_495 = arith.maximumf %sub3A_492, %max3A_494 : vector<256x128xf32>
    %mul3A_496 = arith.mulf %max3A_485, %max3A_495 : vector<256x128xf32>
    %add3A_497 = vector.broadcast %slice3A_40 : vector<256x1xf32> to vector<256x128xf32>
    %add3A_498 = vector.broadcast %slice3A_475 : vector<1x128xf32> to vector<256x128xf32>
    %add3A_499 = arith.addf %add3A_497, %add3A_498 : vector<256x128xf32>
    %sub3A_500 = arith.subf %add3A_499, %mul3A_496 : vector<256x128xf32>
    %max3A_501 = arith.constant 9.99999997E-7 : f32
    %max3A_502 = vector.broadcast %max3A_501 : f32 to vector<256x128xf32>
    %max3A_503 = arith.maximumf %sub3A_500, %max3A_502 : vector<256x128xf32>
    %div3A_504 = arith.divf %mul3A_496, %max3A_503 : vector<256x128xf32>
    %gt3A_505 = arith.constant 0.699999988 : f32
    %gt3A_506 = vector.broadcast %gt3A_505 : f32 to vector<256x128xf32>
    %gt3A_507 = arith.cmpf ogt, %div3A_504, %gt3A_506 : vector<256x128xf32>
    %convert_element_type3A_508 = arith.extui %gt3A_507 : vector<256x128xi1> to vector<256x128xi32>
    %convert_element_type3A_509 = arith.sitofp %convert_element_type3A_508 : vector<256x128xi32> to vector<256x128xf32>
    %dot_general3A_510 = arith.constant dense<0.000000e+00> : vector<1x128xf32>
    %dot_general3A_511 = tpu.matmul %while3A_79#0, %convert_element_type3A_509, %dot_general3A_510 {dimension_numbers = #tpu.dot_dimension_numbers<[1], [0], [0], [1], [0, 0, 1, 1], [], []>, transpose_lhs_hint = false} : vector<1x256xf32>, vector<256x128xf32>, vector<1x128xf32> -> vector<1x128xf32>
    %get3A_512 = arith.constant 3 : index
    %get3A_513 = arith.constant 128 : index
    %get3A_514 = vector.load %arg4[%get3A_512, %get3A_513] : memref<8x256xf32, #tpu.memory_space<vmem>>, vector<1x128xf32>
    %lt3A_515 = arith.constant 5.000000e-01 : f32
    %lt3A_516 = vector.broadcast %lt3A_515 : f32 to vector<1x128xf32>
    %lt3A_517 = arith.cmpf olt, %dot_general3A_511, %lt3A_516 : vector<1x128xf32>
    %convert_element_type3A_518 = arith.extui %lt3A_517 : vector<1x128xi1> to vector<1x128xi32>
    %convert_element_type3A_519 = arith.sitofp %convert_element_type3A_518 : vector<1x128xi32> to vector<1x128xf32>
    %mul3A_520 = arith.mulf %get3A_514, %convert_element_type3A_519 : vector<1x128xf32>
    %swap3A_521 = arith.constant 3 : index
    %swap3A_522 = arith.constant 128 : index
    %swap3A_523 = vector.load %arg4[%swap3A_521, %swap3A_522] : memref<8x256xf32, #tpu.memory_space<vmem>>, vector<1x128xf32>
    tpu.vector_store %arg4[%swap3A_521, %swap3A_522], %mul3A_520 {strides = array<i32>} : memref<8x256xf32, #tpu.memory_space<vmem>>, vector<1x128xf32>,
    %slice3A_524 = vector.extract_strided_slice %get3A_4 {offsets = [4, 0], sizes = [1, 128], strides = [1, 1]} : vector<8x256xf32> to vector<1x128xf32>
    %slice3A_525 = vector.extract_strided_slice %get3A_10 {offsets = [4, 0], sizes = [1, 128], strides = [1, 1]} : vector<8x256xf32> to vector<1x128xf32>
    %slice3A_526 = vector.extract_strided_slice %get3A_16 {offsets = [4, 0], sizes = [1, 128], strides = [1, 1]} : vector<8x256xf32> to vector<1x128xf32>
    %slice3A_527 = vector.extract_strided_slice %get3A_22 {offsets = [4, 0], sizes = [1, 128], strides = [1, 1]} : vector<8x256xf32> to vector<1x128xf32>
    %slice3A_528 = vector.extract_strided_slice %get3A_28 {offsets = [4, 0], sizes = [1, 128], strides = [1, 1]} : vector<8x256xf32> to vector<1x128xf32>
    %min3A_529 = vector.broadcast %slice3A_37 : vector<256x1xf32> to vector<256x128xf32>
    %min3A_530 = vector.broadcast %slice3A_525 : vector<1x128xf32> to vector<256x128xf32>
    %min3A_531 = arith.minimumf %min3A_529, %min3A_530 : vector<256x128xf32>
    %max3A_532 = vector.broadcast %slice3A : vector<256x1xf32> to vector<256x128xf32>
    %max3A_533 = vector.broadcast %slice3A_524 : vector<1x128xf32> to vector<256x128xf32>
    %max3A_534 = arith.maximumf %max3A_532, %max3A_533 : vector<256x128xf32>
    %sub3A_535 = arith.subf %min3A_531, %max3A_534 : vector<256x128xf32>
    %max3A_536 = arith.constant 0.000000e+00 : f32
    %max3A_537 = vector.broadcast %max3A_536 : f32 to vector<256x128xf32>
    %max3A_538 = arith.maximumf %sub3A_535, %max3A_537 : vector<256x128xf32>
    %min3A_539 = vector.broadcast %slice3A_39 : vector<256x1xf32> to vector<256x128xf32>
    %min3A_540 = vector.broadcast %slice3A_527 : vector<1x128xf32> to vector<256x128xf32>
    %min3A_541 = arith.minimumf %min3A_539, %min3A_540 : vector<256x128xf32>
    %max3A_542 = vector.broadcast %slice3A_38 : vector<256x1xf32> to vector<256x128xf32>
    %max3A_543 = vector.broadcast %slice3A_526 : vector<1x128xf32> to vector<256x128xf32>
    %max3A_544 = arith.maximumf %max3A_542, %max3A_543 : vector<256x128xf32>
    %sub3A_545 = arith.subf %min3A_541, %max3A_544 : vector<256x128xf32>
    %max3A_546 = arith.constant 0.000000e+00 : f32
    %max3A_547 = vector.broadcast %max3A_546 : f32 to vector<256x128xf32>
    %max3A_548 = arith.maximumf %sub3A_545, %max3A_547 : vector<256x128xf32>
    %mul3A_549 = arith.mulf %max3A_538, %max3A_548 : vector<256x128xf32>
    %add3A_550 = vector.broadcast %slice3A_40 : vector<256x1xf32> to vector<256x128xf32>
    %add3A_551 = vector.broadcast %slice3A_528 : vector<1x128xf32> to vector<256x128xf32>
    %add3A_552 = arith.addf %add3A_550, %add3A_551 : vector<256x128xf32>
    %sub3A_553 = arith.subf %add3A_552, %mul3A_549 : vector<256x128xf32>
    %max3A_554 = arith.constant 9.99999997E-7 : f32
    %max3A_555 = vector.broadcast %max3A_554 : f32 to vector<256x128xf32>
    %max3A_556 = arith.maximumf %sub3A_553, %max3A_555 : vector<256x128xf32>
    %div3A_557 = arith.divf %mul3A_549, %max3A_556 : vector<256x128xf32>
    %gt3A_558 = arith.constant 0.699999988 : f32
    %gt3A_559 = vector.broadcast %gt3A_558 : f32 to vector<256x128xf32>
    %gt3A_560 = arith.cmpf ogt, %div3A_557, %gt3A_559 : vector<256x128xf32>
    %convert_element_type3A_561 = arith.extui %gt3A_560 : vector<256x128xi1> to vector<256x128xi32>
    %convert_element_type3A_562 = arith.sitofp %convert_element_type3A_561 : vector<256x128xi32> to vector<256x128xf32>
    %dot_general3A_563 = arith.constant dense<0.000000e+00> : vector<1x128xf32>
    %dot_general3A_564 = tpu.matmul %while3A_79#0, %convert_element_type3A_562, %dot_general3A_563 {dimension_numbers = #tpu.dot_dimension_numbers<[1], [0], [0], [1], [0, 0, 1, 1], [], []>, transpose_lhs_hint = false} : vector<1x256xf32>, vector<256x128xf32>, vector<1x128xf32> -> vector<1x128xf32>
    %get3A_565 = arith.constant 4 : index
    %get3A_566 = arith.constant 0 : index
    %get3A_567 = vector.load %arg4[%get3A_565, %get3A_566] : memref<8x256xf32, #tpu.memory_space<vmem>>, vector<1x128xf32>
    %lt3A_568 = arith.constant 5.000000e-01 : f32
    %lt3A_569 = vector.broadcast %lt3A_568 : f32 to vector<1x128xf32>
    %lt3A_570 = arith.cmpf olt, %dot_general3A_564, %lt3A_569 : vector<1x128xf32>
    %convert_element_type3A_571 = arith.extui %lt3A_570 : vector<1x128xi1> to vector<1x128xi32>
    %convert_element_type3A_572 = arith.sitofp %convert_element_type3A_571 : vector<1x128xi32> to vector<1x128xf32>
    %mul3A_573 = arith.mulf %get3A_567, %convert_element_type3A_572 : vector<1x128xf32>
    %swap3A_574 = arith.constant 4 : index
    %swap3A_575 = arith.constant 0 : index
    %swap3A_576 = vector.load %arg4[%swap3A_574, %swap3A_575] : memref<8x256xf32, #tpu.memory_space<vmem>>, vector<1x128xf32>
    tpu.vector_store %arg4[%swap3A_574, %swap3A_575], %mul3A_573 {strides = array<i32>} : memref<8x256xf32, #tpu.memory_space<vmem>>, vector<1x128xf32>,
    %slice3A_577 = vector.extract_strided_slice %get3A_4 {offsets = [4, 128], sizes = [1, 128], strides = [1, 1]} : vector<8x256xf32> to vector<1x128xf32>
    %slice3A_578 = vector.extract_strided_slice %get3A_10 {offsets = [4, 128], sizes = [1, 128], strides = [1, 1]} : vector<8x256xf32> to vector<1x128xf32>
    %slice3A_579 = vector.extract_strided_slice %get3A_16 {offsets = [4, 128], sizes = [1, 128], strides = [1, 1]} : vector<8x256xf32> to vector<1x128xf32>
    %slice3A_580 = vector.extract_strided_slice %get3A_22 {offsets = [4, 128], sizes = [1, 128], strides = [1, 1]} : vector<8x256xf32> to vector<1x128xf32>
    %slice3A_581 = vector.extract_strided_slice %get3A_28 {offsets = [4, 128], sizes = [1, 128], strides = [1, 1]} : vector<8x256xf32> to vector<1x128xf32>
    %min3A_582 = vector.broadcast %slice3A_37 : vector<256x1xf32> to vector<256x128xf32>
    %min3A_583 = vector.broadcast %slice3A_578 : vector<1x128xf32> to vector<256x128xf32>
    %min3A_584 = arith.minimumf %min3A_582, %min3A_583 : vector<256x128xf32>
    %max3A_585 = vector.broadcast %slice3A : vector<256x1xf32> to vector<256x128xf32>
    %max3A_586 = vector.broadcast %slice3A_577 : vector<1x128xf32> to vector<256x128xf32>
    %max3A_587 = arith.maximumf %max3A_585, %max3A_586 : vector<256x128xf32>
    %sub3A_588 = arith.subf %min3A_584, %max3A_587 : vector<256x128xf32>
    %max3A_589 = arith.constant 0.000000e+00 : f32
    %max3A_590 = vector.broadcast %max3A_589 : f32 to vector<256x128xf32>
    %max3A_591 = arith.maximumf %sub3A_588, %max3A_590 : vector<256x128xf32>
    %min3A_592 = vector.broadcast %slice3A_39 : vector<256x1xf32> to vector<256x128xf32>
    %min3A_593 = vector.broadcast %slice3A_580 : vector<1x128xf32> to vector<256x128xf32>
    %min3A_594 = arith.minimumf %min3A_592, %min3A_593 : vector<256x128xf32>
    %max3A_595 = vector.broadcast %slice3A_38 : vector<256x1xf32> to vector<256x128xf32>
    %max3A_596 = vector.broadcast %slice3A_579 : vector<1x128xf32> to vector<256x128xf32>
    %max3A_597 = arith.maximumf %max3A_595, %max3A_596 : vector<256x128xf32>
    %sub3A_598 = arith.subf %min3A_594, %max3A_597 : vector<256x128xf32>
    %max3A_599 = arith.constant 0.000000e+00 : f32
    %max3A_600 = vector.broadcast %max3A_599 : f32 to vector<256x128xf32>
    %max3A_601 = arith.maximumf %sub3A_598, %max3A_600 : vector<256x128xf32>
    %mul3A_602 = arith.mulf %max3A_591, %max3A_601 : vector<256x128xf32>
    %add3A_603 = vector.broadcast %slice3A_40 : vector<256x1xf32> to vector<256x128xf32>
    %add3A_604 = vector.broadcast %slice3A_581 : vector<1x128xf32> to vector<256x128xf32>
    %add3A_605 = arith.addf %add3A_603, %add3A_604 : vector<256x128xf32>
    %sub3A_606 = arith.subf %add3A_605, %mul3A_602 : vector<256x128xf32>
    %max3A_607 = arith.constant 9.99999997E-7 : f32
    %max3A_608 = vector.broadcast %max3A_607 : f32 to vector<256x128xf32>
    %max3A_609 = arith.maximumf %sub3A_606, %max3A_608 : vector<256x128xf32>
    %div3A_610 = arith.divf %mul3A_602, %max3A_609 : vector<256x128xf32>
    %gt3A_611 = arith.constant 0.699999988 : f32
    %gt3A_612 = vector.broadcast %gt3A_611 : f32 to vector<256x128xf32>
    %gt3A_613 = arith.cmpf ogt, %div3A_610, %gt3A_612 : vector<256x128xf32>
    %convert_element_type3A_614 = arith.extui %gt3A_613 : vector<256x128xi1> to vector<256x128xi32>
    %convert_element_type3A_615 = arith.sitofp %convert_element_type3A_614 : vector<256x128xi32> to vector<256x128xf32>
    %dot_general3A_616 = arith.constant dense<0.000000e+00> : vector<1x128xf32>
    %dot_general3A_617 = tpu.matmul %while3A_79#0, %convert_element_type3A_615, %dot_general3A_616 {dimension_numbers = #tpu.dot_dimension_numbers<[1], [0], [0], [1], [0, 0, 1, 1], [], []>, transpose_lhs_hint = false} : vector<1x256xf32>, vector<256x128xf32>, vector<1x128xf32> -> vector<1x128xf32>
    %get3A_618 = arith.constant 4 : index
    %get3A_619 = arith.constant 128 : index
    %get3A_620 = vector.load %arg4[%get3A_618, %get3A_619] : memref<8x256xf32, #tpu.memory_space<vmem>>, vector<1x128xf32>
    %lt3A_621 = arith.constant 5.000000e-01 : f32
    %lt3A_622 = vector.broadcast %lt3A_621 : f32 to vector<1x128xf32>
    %lt3A_623 = arith.cmpf olt, %dot_general3A_617, %lt3A_622 : vector<1x128xf32>
    %convert_element_type3A_624 = arith.extui %lt3A_623 : vector<1x128xi1> to vector<1x128xi32>
    %convert_element_type3A_625 = arith.sitofp %convert_element_type3A_624 : vector<1x128xi32> to vector<1x128xf32>
    %mul3A_626 = arith.mulf %get3A_620, %convert_element_type3A_625 : vector<1x128xf32>
    %swap3A_627 = arith.constant 4 : index
    %swap3A_628 = arith.constant 128 : index
    %swap3A_629 = vector.load %arg4[%swap3A_627, %swap3A_628] : memref<8x256xf32, #tpu.memory_space<vmem>>, vector<1x128xf32>
    tpu.vector_store %arg4[%swap3A_627, %swap3A_628], %mul3A_626 {strides = array<i32>} : memref<8x256xf32, #tpu.memory_space<vmem>>, vector<1x128xf32>,
    %slice3A_630 = vector.extract_strided_slice %get3A_4 {offsets = [5, 0], sizes = [1, 128], strides = [1, 1]} : vector<8x256xf32> to vector<1x128xf32>
    %slice3A_631 = vector.extract_strided_slice %get3A_10 {offsets = [5, 0], sizes = [1, 128], strides = [1, 1]} : vector<8x256xf32> to vector<1x128xf32>
    %slice3A_632 = vector.extract_strided_slice %get3A_16 {offsets = [5, 0], sizes = [1, 128], strides = [1, 1]} : vector<8x256xf32> to vector<1x128xf32>
    %slice3A_633 = vector.extract_strided_slice %get3A_22 {offsets = [5, 0], sizes = [1, 128], strides = [1, 1]} : vector<8x256xf32> to vector<1x128xf32>
    %slice3A_634 = vector.extract_strided_slice %get3A_28 {offsets = [5, 0], sizes = [1, 128], strides = [1, 1]} : vector<8x256xf32> to vector<1x128xf32>
    %min3A_635 = vector.broadcast %slice3A_37 : vector<256x1xf32> to vector<256x128xf32>
    %min3A_636 = vector.broadcast %slice3A_631 : vector<1x128xf32> to vector<256x128xf32>
    %min3A_637 = arith.minimumf %min3A_635, %min3A_636 : vector<256x128xf32>
    %max3A_638 = vector.broadcast %slice3A : vector<256x1xf32> to vector<256x128xf32>
    %max3A_639 = vector.broadcast %slice3A_630 : vector<1x128xf32> to vector<256x128xf32>
    %max3A_640 = arith.maximumf %max3A_638, %max3A_639 : vector<256x128xf32>
    %sub3A_641 = arith.subf %min3A_637, %max3A_640 : vector<256x128xf32>
    %max3A_642 = arith.constant 0.000000e+00 : f32
    %max3A_643 = vector.broadcast %max3A_642 : f32 to vector<256x128xf32>
    %max3A_644 = arith.maximumf %sub3A_641, %max3A_643 : vector<256x128xf32>
    %min3A_645 = vector.broadcast %slice3A_39 : vector<256x1xf32> to vector<256x128xf32>
    %min3A_646 = vector.broadcast %slice3A_633 : vector<1x128xf32> to vector<256x128xf32>
    %min3A_647 = arith.minimumf %min3A_645, %min3A_646 : vector<256x128xf32>
    %max3A_648 = vector.broadcast %slice3A_38 : vector<256x1xf32> to vector<256x128xf32>
    %max3A_649 = vector.broadcast %slice3A_632 : vector<1x128xf32> to vector<256x128xf32>
    %max3A_650 = arith.maximumf %max3A_648, %max3A_649 : vector<256x128xf32>
    %sub3A_651 = arith.subf %min3A_647, %max3A_650 : vector<256x128xf32>
    %max3A_652 = arith.constant 0.000000e+00 : f32
    %max3A_653 = vector.broadcast %max3A_652 : f32 to vector<256x128xf32>
    %max3A_654 = arith.maximumf %sub3A_651, %max3A_653 : vector<256x128xf32>
    %mul3A_655 = arith.mulf %max3A_644, %max3A_654 : vector<256x128xf32>
    %add3A_656 = vector.broadcast %slice3A_40 : vector<256x1xf32> to vector<256x128xf32>
    %add3A_657 = vector.broadcast %slice3A_634 : vector<1x128xf32> to vector<256x128xf32>
    %add3A_658 = arith.addf %add3A_656, %add3A_657 : vector<256x128xf32>
    %sub3A_659 = arith.subf %add3A_658, %mul3A_655 : vector<256x128xf32>
    %max3A_660 = arith.constant 9.99999997E-7 : f32
    %max3A_661 = vector.broadcast %max3A_660 : f32 to vector<256x128xf32>
    %max3A_662 = arith.maximumf %sub3A_659, %max3A_661 : vector<256x128xf32>
    %div3A_663 = arith.divf %mul3A_655, %max3A_662 : vector<256x128xf32>
    %gt3A_664 = arith.constant 0.699999988 : f32
    %gt3A_665 = vector.broadcast %gt3A_664 : f32 to vector<256x128xf32>
    %gt3A_666 = arith.cmpf ogt, %div3A_663, %gt3A_665 : vector<256x128xf32>
    %convert_element_type3A_667 = arith.extui %gt3A_666 : vector<256x128xi1> to vector<256x128xi32>
    %convert_element_type3A_668 = arith.sitofp %convert_element_type3A_667 : vector<256x128xi32> to vector<256x128xf32>
    %dot_general3A_669 = arith.constant dense<0.000000e+00> : vector<1x128xf32>
    %dot_general3A_670 = tpu.matmul %while3A_79#0, %convert_element_type3A_668, %dot_general3A_669 {dimension_numbers = #tpu.dot_dimension_numbers<[1], [0], [0], [1], [0, 0, 1, 1], [], []>, transpose_lhs_hint = false} : vector<1x256xf32>, vector<256x128xf32>, vector<1x128xf32> -> vector<1x128xf32>
    %get3A_671 = arith.constant 5 : index
    %get3A_672 = arith.constant 0 : index
    %get3A_673 = vector.load %arg4[%get3A_671, %get3A_672] : memref<8x256xf32, #tpu.memory_space<vmem>>, vector<1x128xf32>
    %lt3A_674 = arith.constant 5.000000e-01 : f32
    %lt3A_675 = vector.broadcast %lt3A_674 : f32 to vector<1x128xf32>
    %lt3A_676 = arith.cmpf olt, %dot_general3A_670, %lt3A_675 : vector<1x128xf32>
    %convert_element_type3A_677 = arith.extui %lt3A_676 : vector<1x128xi1> to vector<1x128xi32>
    %convert_element_type3A_678 = arith.sitofp %convert_element_type3A_677 : vector<1x128xi32> to vector<1x128xf32>
    %mul3A_679 = arith.mulf %get3A_673, %convert_element_type3A_678 : vector<1x128xf32>
    %swap3A_680 = arith.constant 5 : index
    %swap3A_681 = arith.constant 0 : index
    %swap3A_682 = vector.load %arg4[%swap3A_680, %swap3A_681] : memref<8x256xf32, #tpu.memory_space<vmem>>, vector<1x128xf32>
    tpu.vector_store %arg4[%swap3A_680, %swap3A_681], %mul3A_679 {strides = array<i32>} : memref<8x256xf32, #tpu.memory_space<vmem>>, vector<1x128xf32>,
    %slice3A_683 = vector.extract_strided_slice %get3A_4 {offsets = [5, 128], sizes = [1, 128], strides = [1, 1]} : vector<8x256xf32> to vector<1x128xf32>
    %slice3A_684 = vector.extract_strided_slice %get3A_10 {offsets = [5, 128], sizes = [1, 128], strides = [1, 1]} : vector<8x256xf32> to vector<1x128xf32>
    %slice3A_685 = vector.extract_strided_slice %get3A_16 {offsets = [5, 128], sizes = [1, 128], strides = [1, 1]} : vector<8x256xf32> to vector<1x128xf32>
    %slice3A_686 = vector.extract_strided_slice %get3A_22 {offsets = [5, 128], sizes = [1, 128], strides = [1, 1]} : vector<8x256xf32> to vector<1x128xf32>
    %slice3A_687 = vector.extract_strided_slice %get3A_28 {offsets = [5, 128], sizes = [1, 128], strides = [1, 1]} : vector<8x256xf32> to vector<1x128xf32>
    %min3A_688 = vector.broadcast %slice3A_37 : vector<256x1xf32> to vector<256x128xf32>
    %min3A_689 = vector.broadcast %slice3A_684 : vector<1x128xf32> to vector<256x128xf32>
    %min3A_690 = arith.minimumf %min3A_688, %min3A_689 : vector<256x128xf32>
    %max3A_691 = vector.broadcast %slice3A : vector<256x1xf32> to vector<256x128xf32>
    %max3A_692 = vector.broadcast %slice3A_683 : vector<1x128xf32> to vector<256x128xf32>
    %max3A_693 = arith.maximumf %max3A_691, %max3A_692 : vector<256x128xf32>
    %sub3A_694 = arith.subf %min3A_690, %max3A_693 : vector<256x128xf32>
    %max3A_695 = arith.constant 0.000000e+00 : f32
    %max3A_696 = vector.broadcast %max3A_695 : f32 to vector<256x128xf32>
    %max3A_697 = arith.maximumf %sub3A_694, %max3A_696 : vector<256x128xf32>
    %min3A_698 = vector.broadcast %slice3A_39 : vector<256x1xf32> to vector<256x128xf32>
    %min3A_699 = vector.broadcast %slice3A_686 : vector<1x128xf32> to vector<256x128xf32>
    %min3A_700 = arith.minimumf %min3A_698, %min3A_699 : vector<256x128xf32>
    %max3A_701 = vector.broadcast %slice3A_38 : vector<256x1xf32> to vector<256x128xf32>
    %max3A_702 = vector.broadcast %slice3A_685 : vector<1x128xf32> to vector<256x128xf32>
    %max3A_703 = arith.maximumf %max3A_701, %max3A_702 : vector<256x128xf32>
    %sub3A_704 = arith.subf %min3A_700, %max3A_703 : vector<256x128xf32>
    %max3A_705 = arith.constant 0.000000e+00 : f32
    %max3A_706 = vector.broadcast %max3A_705 : f32 to vector<256x128xf32>
    %max3A_707 = arith.maximumf %sub3A_704, %max3A_706 : vector<256x128xf32>
    %mul3A_708 = arith.mulf %max3A_697, %max3A_707 : vector<256x128xf32>
    %add3A_709 = vector.broadcast %slice3A_40 : vector<256x1xf32> to vector<256x128xf32>
    %add3A_710 = vector.broadcast %slice3A_687 : vector<1x128xf32> to vector<256x128xf32>
    %add3A_711 = arith.addf %add3A_709, %add3A_710 : vector<256x128xf32>
    %sub3A_712 = arith.subf %add3A_711, %mul3A_708 : vector<256x128xf32>
    %max3A_713 = arith.constant 9.99999997E-7 : f32
    %max3A_714 = vector.broadcast %max3A_713 : f32 to vector<256x128xf32>
    %max3A_715 = arith.maximumf %sub3A_712, %max3A_714 : vector<256x128xf32>
    %div3A_716 = arith.divf %mul3A_708, %max3A_715 : vector<256x128xf32>
    %gt3A_717 = arith.constant 0.699999988 : f32
    %gt3A_718 = vector.broadcast %gt3A_717 : f32 to vector<256x128xf32>
    %gt3A_719 = arith.cmpf ogt, %div3A_716, %gt3A_718 : vector<256x128xf32>
    %convert_element_type3A_720 = arith.extui %gt3A_719 : vector<256x128xi1> to vector<256x128xi32>
    %convert_element_type3A_721 = arith.sitofp %convert_element_type3A_720 : vector<256x128xi32> to vector<256x128xf32>
    %dot_general3A_722 = arith.constant dense<0.000000e+00> : vector<1x128xf32>
    %dot_general3A_723 = tpu.matmul %while3A_79#0, %convert_element_type3A_721, %dot_general3A_722 {dimension_numbers = #tpu.dot_dimension_numbers<[1], [0], [0], [1], [0, 0, 1, 1], [], []>, transpose_lhs_hint = false} : vector<1x256xf32>, vector<256x128xf32>, vector<1x128xf32> -> vector<1x128xf32>
    %get3A_724 = arith.constant 5 : index
    %get3A_725 = arith.constant 128 : index
    %get3A_726 = vector.load %arg4[%get3A_724, %get3A_725] : memref<8x256xf32, #tpu.memory_space<vmem>>, vector<1x128xf32>
    %lt3A_727 = arith.constant 5.000000e-01 : f32
    %lt3A_728 = vector.broadcast %lt3A_727 : f32 to vector<1x128xf32>
    %lt3A_729 = arith.cmpf olt, %dot_general3A_723, %lt3A_728 : vector<1x128xf32>
    %convert_element_type3A_730 = arith.extui %lt3A_729 : vector<1x128xi1> to vector<1x128xi32>
    %convert_element_type3A_731 = arith.sitofp %convert_element_type3A_730 : vector<1x128xi32> to vector<1x128xf32>
    %mul3A_732 = arith.mulf %get3A_726, %convert_element_type3A_731 : vector<1x128xf32>
    %swap3A_733 = arith.constant 5 : index
    %swap3A_734 = arith.constant 128 : index
    %swap3A_735 = vector.load %arg4[%swap3A_733, %swap3A_734] : memref<8x256xf32, #tpu.memory_space<vmem>>, vector<1x128xf32>
    tpu.vector_store %arg4[%swap3A_733, %swap3A_734], %mul3A_732 {strides = array<i32>} : memref<8x256xf32, #tpu.memory_space<vmem>>, vector<1x128xf32>,
    %slice3A_736 = vector.extract_strided_slice %get3A_4 {offsets = [6, 0], sizes = [1, 128], strides = [1, 1]} : vector<8x256xf32> to vector<1x128xf32>
    %slice3A_737 = vector.extract_strided_slice %get3A_10 {offsets = [6, 0], sizes = [1, 128], strides = [1, 1]} : vector<8x256xf32> to vector<1x128xf32>
    %slice3A_738 = vector.extract_strided_slice %get3A_16 {offsets = [6, 0], sizes = [1, 128], strides = [1, 1]} : vector<8x256xf32> to vector<1x128xf32>
    %slice3A_739 = vector.extract_strided_slice %get3A_22 {offsets = [6, 0], sizes = [1, 128], strides = [1, 1]} : vector<8x256xf32> to vector<1x128xf32>
    %slice3A_740 = vector.extract_strided_slice %get3A_28 {offsets = [6, 0], sizes = [1, 128], strides = [1, 1]} : vector<8x256xf32> to vector<1x128xf32>
    %min3A_741 = vector.broadcast %slice3A_37 : vector<256x1xf32> to vector<256x128xf32>
    %min3A_742 = vector.broadcast %slice3A_737 : vector<1x128xf32> to vector<256x128xf32>
    %min3A_743 = arith.minimumf %min3A_741, %min3A_742 : vector<256x128xf32>
    %max3A_744 = vector.broadcast %slice3A : vector<256x1xf32> to vector<256x128xf32>
    %max3A_745 = vector.broadcast %slice3A_736 : vector<1x128xf32> to vector<256x128xf32>
    %max3A_746 = arith.maximumf %max3A_744, %max3A_745 : vector<256x128xf32>
    %sub3A_747 = arith.subf %min3A_743, %max3A_746 : vector<256x128xf32>
    %max3A_748 = arith.constant 0.000000e+00 : f32
    %max3A_749 = vector.broadcast %max3A_748 : f32 to vector<256x128xf32>
    %max3A_750 = arith.maximumf %sub3A_747, %max3A_749 : vector<256x128xf32>
    %min3A_751 = vector.broadcast %slice3A_39 : vector<256x1xf32> to vector<256x128xf32>
    %min3A_752 = vector.broadcast %slice3A_739 : vector<1x128xf32> to vector<256x128xf32>
    %min3A_753 = arith.minimumf %min3A_751, %min3A_752 : vector<256x128xf32>
    %max3A_754 = vector.broadcast %slice3A_38 : vector<256x1xf32> to vector<256x128xf32>
    %max3A_755 = vector.broadcast %slice3A_738 : vector<1x128xf32> to vector<256x128xf32>
    %max3A_756 = arith.maximumf %max3A_754, %max3A_755 : vector<256x128xf32>
    %sub3A_757 = arith.subf %min3A_753, %max3A_756 : vector<256x128xf32>
    %max3A_758 = arith.constant 0.000000e+00 : f32
    %max3A_759 = vector.broadcast %max3A_758 : f32 to vector<256x128xf32>
    %max3A_760 = arith.maximumf %sub3A_757, %max3A_759 : vector<256x128xf32>
    %mul3A_761 = arith.mulf %max3A_750, %max3A_760 : vector<256x128xf32>
    %add3A_762 = vector.broadcast %slice3A_40 : vector<256x1xf32> to vector<256x128xf32>
    %add3A_763 = vector.broadcast %slice3A_740 : vector<1x128xf32> to vector<256x128xf32>
    %add3A_764 = arith.addf %add3A_762, %add3A_763 : vector<256x128xf32>
    %sub3A_765 = arith.subf %add3A_764, %mul3A_761 : vector<256x128xf32>
    %max3A_766 = arith.constant 9.99999997E-7 : f32
    %max3A_767 = vector.broadcast %max3A_766 : f32 to vector<256x128xf32>
    %max3A_768 = arith.maximumf %sub3A_765, %max3A_767 : vector<256x128xf32>
    %div3A_769 = arith.divf %mul3A_761, %max3A_768 : vector<256x128xf32>
    %gt3A_770 = arith.constant 0.699999988 : f32
    %gt3A_771 = vector.broadcast %gt3A_770 : f32 to vector<256x128xf32>
    %gt3A_772 = arith.cmpf ogt, %div3A_769, %gt3A_771 : vector<256x128xf32>
    %convert_element_type3A_773 = arith.extui %gt3A_772 : vector<256x128xi1> to vector<256x128xi32>
    %convert_element_type3A_774 = arith.sitofp %convert_element_type3A_773 : vector<256x128xi32> to vector<256x128xf32>
    %dot_general3A_775 = arith.constant dense<0.000000e+00> : vector<1x128xf32>
    %dot_general3A_776 = tpu.matmul %while3A_79#0, %convert_element_type3A_774, %dot_general3A_775 {dimension_numbers = #tpu.dot_dimension_numbers<[1], [0], [0], [1], [0, 0, 1, 1], [], []>, transpose_lhs_hint = false} : vector<1x256xf32>, vector<256x128xf32>, vector<1x128xf32> -> vector<1x128xf32>
    %get3A_777 = arith.constant 6 : index
    %get3A_778 = arith.constant 0 : index
    %get3A_779 = vector.load %arg4[%get3A_777, %get3A_778] : memref<8x256xf32, #tpu.memory_space<vmem>>, vector<1x128xf32>
    %lt3A_780 = arith.constant 5.000000e-01 : f32
    %lt3A_781 = vector.broadcast %lt3A_780 : f32 to vector<1x128xf32>
    %lt3A_782 = arith.cmpf olt, %dot_general3A_776, %lt3A_781 : vector<1x128xf32>
    %convert_element_type3A_783 = arith.extui %lt3A_782 : vector<1x128xi1> to vector<1x128xi32>
    %convert_element_type3A_784 = arith.sitofp %convert_element_type3A_783 : vector<1x128xi32> to vector<1x128xf32>
    %mul3A_785 = arith.mulf %get3A_779, %convert_element_type3A_784 : vector<1x128xf32>
    %swap3A_786 = arith.constant 6 : index
    %swap3A_787 = arith.constant 0 : index
    %swap3A_788 = vector.load %arg4[%swap3A_786, %swap3A_787] : memref<8x256xf32, #tpu.memory_space<vmem>>, vector<1x128xf32>
    tpu.vector_store %arg4[%swap3A_786, %swap3A_787], %mul3A_785 {strides = array<i32>} : memref<8x256xf32, #tpu.memory_space<vmem>>, vector<1x128xf32>,
    %slice3A_789 = vector.extract_strided_slice %get3A_4 {offsets = [6, 128], sizes = [1, 128], strides = [1, 1]} : vector<8x256xf32> to vector<1x128xf32>
    %slice3A_790 = vector.extract_strided_slice %get3A_10 {offsets = [6, 128], sizes = [1, 128], strides = [1, 1]} : vector<8x256xf32> to vector<1x128xf32>
    %slice3A_791 = vector.extract_strided_slice %get3A_16 {offsets = [6, 128], sizes = [1, 128], strides = [1, 1]} : vector<8x256xf32> to vector<1x128xf32>
    %slice3A_792 = vector.extract_strided_slice %get3A_22 {offsets = [6, 128], sizes = [1, 128], strides = [1, 1]} : vector<8x256xf32> to vector<1x128xf32>
    %slice3A_793 = vector.extract_strided_slice %get3A_28 {offsets = [6, 128], sizes = [1, 128], strides = [1, 1]} : vector<8x256xf32> to vector<1x128xf32>
    %min3A_794 = vector.broadcast %slice3A_37 : vector<256x1xf32> to vector<256x128xf32>
    %min3A_795 = vector.broadcast %slice3A_790 : vector<1x128xf32> to vector<256x128xf32>
    %min3A_796 = arith.minimumf %min3A_794, %min3A_795 : vector<256x128xf32>
    %max3A_797 = vector.broadcast %slice3A : vector<256x1xf32> to vector<256x128xf32>
    %max3A_798 = vector.broadcast %slice3A_789 : vector<1x128xf32> to vector<256x128xf32>
    %max3A_799 = arith.maximumf %max3A_797, %max3A_798 : vector<256x128xf32>
    %sub3A_800 = arith.subf %min3A_796, %max3A_799 : vector<256x128xf32>
    %max3A_801 = arith.constant 0.000000e+00 : f32
    %max3A_802 = vector.broadcast %max3A_801 : f32 to vector<256x128xf32>
    %max3A_803 = arith.maximumf %sub3A_800, %max3A_802 : vector<256x128xf32>
    %min3A_804 = vector.broadcast %slice3A_39 : vector<256x1xf32> to vector<256x128xf32>
    %min3A_805 = vector.broadcast %slice3A_792 : vector<1x128xf32> to vector<256x128xf32>
    %min3A_806 = arith.minimumf %min3A_804, %min3A_805 : vector<256x128xf32>
    %max3A_807 = vector.broadcast %slice3A_38 : vector<256x1xf32> to vector<256x128xf32>
    %max3A_808 = vector.broadcast %slice3A_791 : vector<1x128xf32> to vector<256x128xf32>
    %max3A_809 = arith.maximumf %max3A_807, %max3A_808 : vector<256x128xf32>
    %sub3A_810 = arith.subf %min3A_806, %max3A_809 : vector<256x128xf32>
    %max3A_811 = arith.constant 0.000000e+00 : f32
    %max3A_812 = vector.broadcast %max3A_811 : f32 to vector<256x128xf32>
    %max3A_813 = arith.maximumf %sub3A_810, %max3A_812 : vector<256x128xf32>
    %mul3A_814 = arith.mulf %max3A_803, %max3A_813 : vector<256x128xf32>
    %add3A_815 = vector.broadcast %slice3A_40 : vector<256x1xf32> to vector<256x128xf32>
    %add3A_816 = vector.broadcast %slice3A_793 : vector<1x128xf32> to vector<256x128xf32>
    %add3A_817 = arith.addf %add3A_815, %add3A_816 : vector<256x128xf32>
    %sub3A_818 = arith.subf %add3A_817, %mul3A_814 : vector<256x128xf32>
    %max3A_819 = arith.constant 9.99999997E-7 : f32
    %max3A_820 = vector.broadcast %max3A_819 : f32 to vector<256x128xf32>
    %max3A_821 = arith.maximumf %sub3A_818, %max3A_820 : vector<256x128xf32>
    %div3A_822 = arith.divf %mul3A_814, %max3A_821 : vector<256x128xf32>
    %gt3A_823 = arith.constant 0.699999988 : f32
    %gt3A_824 = vector.broadcast %gt3A_823 : f32 to vector<256x128xf32>
    %gt3A_825 = arith.cmpf ogt, %div3A_822, %gt3A_824 : vector<256x128xf32>
    %convert_element_type3A_826 = arith.extui %gt3A_825 : vector<256x128xi1> to vector<256x128xi32>
    %convert_element_type3A_827 = arith.sitofp %convert_element_type3A_826 : vector<256x128xi32> to vector<256x128xf32>
    %dot_general3A_828 = arith.constant dense<0.000000e+00> : vector<1x128xf32>
    %dot_general3A_829 = tpu.matmul %while3A_79#0, %convert_element_type3A_827, %dot_general3A_828 {dimension_numbers = #tpu.dot_dimension_numbers<[1], [0], [0], [1], [0, 0, 1, 1], [], []>, transpose_lhs_hint = false} : vector<1x256xf32>, vector<256x128xf32>, vector<1x128xf32> -> vector<1x128xf32>
    %get3A_830 = arith.constant 6 : index
    %get3A_831 = arith.constant 128 : index
    %get3A_832 = vector.load %arg4[%get3A_830, %get3A_831] : memref<8x256xf32, #tpu.memory_space<vmem>>, vector<1x128xf32>
    %lt3A_833 = arith.constant 5.000000e-01 : f32
    %lt3A_834 = vector.broadcast %lt3A_833 : f32 to vector<1x128xf32>
    %lt3A_835 = arith.cmpf olt, %dot_general3A_829, %lt3A_834 : vector<1x128xf32>
    %convert_element_type3A_836 = arith.extui %lt3A_835 : vector<1x128xi1> to vector<1x128xi32>
    %convert_element_type3A_837 = arith.sitofp %convert_element_type3A_836 : vector<1x128xi32> to vector<1x128xf32>
    %mul3A_838 = arith.mulf %get3A_832, %convert_element_type3A_837 : vector<1x128xf32>
    %swap3A_839 = arith.constant 6 : index
    %swap3A_840 = arith.constant 128 : index
    %swap3A_841 = vector.load %arg4[%swap3A_839, %swap3A_840] : memref<8x256xf32, #tpu.memory_space<vmem>>, vector<1x128xf32>
    tpu.vector_store %arg4[%swap3A_839, %swap3A_840], %mul3A_838 {strides = array<i32>} : memref<8x256xf32, #tpu.memory_space<vmem>>, vector<1x128xf32>,
    %slice3A_842 = vector.extract_strided_slice %get3A_4 {offsets = [7, 0], sizes = [1, 128], strides = [1, 1]} : vector<8x256xf32> to vector<1x128xf32>
    %slice3A_843 = vector.extract_strided_slice %get3A_10 {offsets = [7, 0], sizes = [1, 128], strides = [1, 1]} : vector<8x256xf32> to vector<1x128xf32>
    %slice3A_844 = vector.extract_strided_slice %get3A_16 {offsets = [7, 0], sizes = [1, 128], strides = [1, 1]} : vector<8x256xf32> to vector<1x128xf32>
    %slice3A_845 = vector.extract_strided_slice %get3A_22 {offsets = [7, 0], sizes = [1, 128], strides = [1, 1]} : vector<8x256xf32> to vector<1x128xf32>
    %slice3A_846 = vector.extract_strided_slice %get3A_28 {offsets = [7, 0], sizes = [1, 128], strides = [1, 1]} : vector<8x256xf32> to vector<1x128xf32>
    %min3A_847 = vector.broadcast %slice3A_37 : vector<256x1xf32> to vector<256x128xf32>
    %min3A_848 = vector.broadcast %slice3A_843 : vector<1x128xf32> to vector<256x128xf32>
    %min3A_849 = arith.minimumf %min3A_847, %min3A_848 : vector<256x128xf32>
    %max3A_850 = vector.broadcast %slice3A : vector<256x1xf32> to vector<256x128xf32>
    %max3A_851 = vector.broadcast %slice3A_842 : vector<1x128xf32> to vector<256x128xf32>
    %max3A_852 = arith.maximumf %max3A_850, %max3A_851 : vector<256x128xf32>
    %sub3A_853 = arith.subf %min3A_849, %max3A_852 : vector<256x128xf32>
    %max3A_854 = arith.constant 0.000000e+00 : f32
    %max3A_855 = vector.broadcast %max3A_854 : f32 to vector<256x128xf32>
    %max3A_856 = arith.maximumf %sub3A_853, %max3A_855 : vector<256x128xf32>
    %min3A_857 = vector.broadcast %slice3A_39 : vector<256x1xf32> to vector<256x128xf32>
    %min3A_858 = vector.broadcast %slice3A_845 : vector<1x128xf32> to vector<256x128xf32>
    %min3A_859 = arith.minimumf %min3A_857, %min3A_858 : vector<256x128xf32>
    %max3A_860 = vector.broadcast %slice3A_38 : vector<256x1xf32> to vector<256x128xf32>
    %max3A_861 = vector.broadcast %slice3A_844 : vector<1x128xf32> to vector<256x128xf32>
    %max3A_862 = arith.maximumf %max3A_860, %max3A_861 : vector<256x128xf32>
    %sub3A_863 = arith.subf %min3A_859, %max3A_862 : vector<256x128xf32>
    %max3A_864 = arith.constant 0.000000e+00 : f32
    %max3A_865 = vector.broadcast %max3A_864 : f32 to vector<256x128xf32>
    %max3A_866 = arith.maximumf %sub3A_863, %max3A_865 : vector<256x128xf32>
    %mul3A_867 = arith.mulf %max3A_856, %max3A_866 : vector<256x128xf32>
    %add3A_868 = vector.broadcast %slice3A_40 : vector<256x1xf32> to vector<256x128xf32>
    %add3A_869 = vector.broadcast %slice3A_846 : vector<1x128xf32> to vector<256x128xf32>
    %add3A_870 = arith.addf %add3A_868, %add3A_869 : vector<256x128xf32>
    %sub3A_871 = arith.subf %add3A_870, %mul3A_867 : vector<256x128xf32>
    %max3A_872 = arith.constant 9.99999997E-7 : f32
    %max3A_873 = vector.broadcast %max3A_872 : f32 to vector<256x128xf32>
    %max3A_874 = arith.maximumf %sub3A_871, %max3A_873 : vector<256x128xf32>
    %div3A_875 = arith.divf %mul3A_867, %max3A_874 : vector<256x128xf32>
    %gt3A_876 = arith.constant 0.699999988 : f32
    %gt3A_877 = vector.broadcast %gt3A_876 : f32 to vector<256x128xf32>
    %gt3A_878 = arith.cmpf ogt, %div3A_875, %gt3A_877 : vector<256x128xf32>
    %convert_element_type3A_879 = arith.extui %gt3A_878 : vector<256x128xi1> to vector<256x128xi32>
    %convert_element_type3A_880 = arith.sitofp %convert_element_type3A_879 : vector<256x128xi32> to vector<256x128xf32>
    %dot_general3A_881 = arith.constant dense<0.000000e+00> : vector<1x128xf32>
    %dot_general3A_882 = tpu.matmul %while3A_79#0, %convert_element_type3A_880, %dot_general3A_881 {dimension_numbers = #tpu.dot_dimension_numbers<[1], [0], [0], [1], [0, 0, 1, 1], [], []>, transpose_lhs_hint = false} : vector<1x256xf32>, vector<256x128xf32>, vector<1x128xf32> -> vector<1x128xf32>
    %get3A_883 = arith.constant 7 : index
    %get3A_884 = arith.constant 0 : index
    %get3A_885 = vector.load %arg4[%get3A_883, %get3A_884] : memref<8x256xf32, #tpu.memory_space<vmem>>, vector<1x128xf32>
    %lt3A_886 = arith.constant 5.000000e-01 : f32
    %lt3A_887 = vector.broadcast %lt3A_886 : f32 to vector<1x128xf32>
    %lt3A_888 = arith.cmpf olt, %dot_general3A_882, %lt3A_887 : vector<1x128xf32>
    %convert_element_type3A_889 = arith.extui %lt3A_888 : vector<1x128xi1> to vector<1x128xi32>
    %convert_element_type3A_890 = arith.sitofp %convert_element_type3A_889 : vector<1x128xi32> to vector<1x128xf32>
    %mul3A_891 = arith.mulf %get3A_885, %convert_element_type3A_890 : vector<1x128xf32>
    %swap3A_892 = arith.constant 7 : index
    %swap3A_893 = arith.constant 0 : index
    %swap3A_894 = vector.load %arg4[%swap3A_892, %swap3A_893] : memref<8x256xf32, #tpu.memory_space<vmem>>, vector<1x128xf32>
    tpu.vector_store %arg4[%swap3A_892, %swap3A_893], %mul3A_891 {strides = array<i32>} : memref<8x256xf32, #tpu.memory_space<vmem>>, vector<1x128xf32>,
    %slice3A_895 = vector.extract_strided_slice %get3A_4 {offsets = [7, 128], sizes = [1, 128], strides = [1, 1]} : vector<8x256xf32> to vector<1x128xf32>
    %slice3A_896 = vector.extract_strided_slice %get3A_10 {offsets = [7, 128], sizes = [1, 128], strides = [1, 1]} : vector<8x256xf32> to vector<1x128xf32>
    %slice3A_897 = vector.extract_strided_slice %get3A_16 {offsets = [7, 128], sizes = [1, 128], strides = [1, 1]} : vector<8x256xf32> to vector<1x128xf32>
    %slice3A_898 = vector.extract_strided_slice %get3A_22 {offsets = [7, 128], sizes = [1, 128], strides = [1, 1]} : vector<8x256xf32> to vector<1x128xf32>
    %slice3A_899 = vector.extract_strided_slice %get3A_28 {offsets = [7, 128], sizes = [1, 128], strides = [1, 1]} : vector<8x256xf32> to vector<1x128xf32>
    %min3A_900 = vector.broadcast %slice3A_37 : vector<256x1xf32> to vector<256x128xf32>
    %min3A_901 = vector.broadcast %slice3A_896 : vector<1x128xf32> to vector<256x128xf32>
    %min3A_902 = arith.minimumf %min3A_900, %min3A_901 : vector<256x128xf32>
    %max3A_903 = vector.broadcast %slice3A : vector<256x1xf32> to vector<256x128xf32>
    %max3A_904 = vector.broadcast %slice3A_895 : vector<1x128xf32> to vector<256x128xf32>
    %max3A_905 = arith.maximumf %max3A_903, %max3A_904 : vector<256x128xf32>
    %sub3A_906 = arith.subf %min3A_902, %max3A_905 : vector<256x128xf32>
    %max3A_907 = arith.constant 0.000000e+00 : f32
    %max3A_908 = vector.broadcast %max3A_907 : f32 to vector<256x128xf32>
    %max3A_909 = arith.maximumf %sub3A_906, %max3A_908 : vector<256x128xf32>
    %min3A_910 = vector.broadcast %slice3A_39 : vector<256x1xf32> to vector<256x128xf32>
    %min3A_911 = vector.broadcast %slice3A_898 : vector<1x128xf32> to vector<256x128xf32>
    %min3A_912 = arith.minimumf %min3A_910, %min3A_911 : vector<256x128xf32>
    %max3A_913 = vector.broadcast %slice3A_38 : vector<256x1xf32> to vector<256x128xf32>
    %max3A_914 = vector.broadcast %slice3A_897 : vector<1x128xf32> to vector<256x128xf32>
    %max3A_915 = arith.maximumf %max3A_913, %max3A_914 : vector<256x128xf32>
    %sub3A_916 = arith.subf %min3A_912, %max3A_915 : vector<256x128xf32>
    %max3A_917 = arith.constant 0.000000e+00 : f32
    %max3A_918 = vector.broadcast %max3A_917 : f32 to vector<256x128xf32>
    %max3A_919 = arith.maximumf %sub3A_916, %max3A_918 : vector<256x128xf32>
    %mul3A_920 = arith.mulf %max3A_909, %max3A_919 : vector<256x128xf32>
    %add3A_921 = vector.broadcast %slice3A_40 : vector<256x1xf32> to vector<256x128xf32>
    %add3A_922 = vector.broadcast %slice3A_899 : vector<1x128xf32> to vector<256x128xf32>
    %add3A_923 = arith.addf %add3A_921, %add3A_922 : vector<256x128xf32>
    %sub3A_924 = arith.subf %add3A_923, %mul3A_920 : vector<256x128xf32>
    %max3A_925 = arith.constant 9.99999997E-7 : f32
    %max3A_926 = vector.broadcast %max3A_925 : f32 to vector<256x128xf32>
    %max3A_927 = arith.maximumf %sub3A_924, %max3A_926 : vector<256x128xf32>
    %div3A_928 = arith.divf %mul3A_920, %max3A_927 : vector<256x128xf32>
    %gt3A_929 = arith.constant 0.699999988 : f32
    %gt3A_930 = vector.broadcast %gt3A_929 : f32 to vector<256x128xf32>
    %gt3A_931 = arith.cmpf ogt, %div3A_928, %gt3A_930 : vector<256x128xf32>
    %convert_element_type3A_932 = arith.extui %gt3A_931 : vector<256x128xi1> to vector<256x128xi32>
    %convert_element_type3A_933 = arith.sitofp %convert_element_type3A_932 : vector<256x128xi32> to vector<256x128xf32>
    %dot_general3A_934 = arith.constant dense<0.000000e+00> : vector<1x128xf32>
    %dot_general3A_935 = tpu.matmul %while3A_79#0, %convert_element_type3A_933, %dot_general3A_934 {dimension_numbers = #tpu.dot_dimension_numbers<[1], [0], [0], [1], [0, 0, 1, 1], [], []>, transpose_lhs_hint = false} : vector<1x256xf32>, vector<256x128xf32>, vector<1x128xf32> -> vector<1x128xf32>
    %get3A_936 = arith.constant 7 : index
    %get3A_937 = arith.constant 128 : index
    %get3A_938 = vector.load %arg4[%get3A_936, %get3A_937] : memref<8x256xf32, #tpu.memory_space<vmem>>, vector<1x128xf32>
    %lt3A_939 = arith.constant 5.000000e-01 : f32
    %lt3A_940 = vector.broadcast %lt3A_939 : f32 to vector<1x128xf32>
    %lt3A_941 = arith.cmpf olt, %dot_general3A_935, %lt3A_940 : vector<1x128xf32>
    %convert_element_type3A_942 = arith.extui %lt3A_941 : vector<1x128xi1> to vector<1x128xi32>
    %convert_element_type3A_943 = arith.sitofp %convert_element_type3A_942 : vector<1x128xi32> to vector<1x128xf32>
    %mul3A_944 = arith.mulf %get3A_938, %convert_element_type3A_943 : vector<1x128xf32>
    %swap3A_945 = arith.constant 7 : index
    %swap3A_946 = arith.constant 128 : index
    %swap3A_947 = vector.load %arg4[%swap3A_945, %swap3A_946] : memref<8x256xf32, #tpu.memory_space<vmem>>, vector<1x128xf32>
    tpu.vector_store %arg4[%swap3A_945, %swap3A_946], %mul3A_944 {strides = array<i32>} : memref<8x256xf32, #tpu.memory_space<vmem>>, vector<1x128xf32>,
    %get3A_948 = arith.constant 0 : index
    %get3A_949 = arith.constant 256 : index
    %get3A_950 = arith.constant 0 : index
    %get3A_951 = vector.load %arg1[%get3A_948, %get3A_949, %get3A_950] : memref<1x2048x24xf32, #tpu.memory_space<vmem>>, vector<1x256x24xf32>
    %get3A_952 = vector.shape_cast %get3A_951 : vector<1x256x24xf32> to vector<256x24xf32>
    %slice3A_953 = vector.extract_strided_slice %get3A_952 {offsets = [0, 8], sizes = [256, 1], strides = [1, 1]} : vector<256x24xf32> to vector<256x1xf32>
    %slice3A_954 = vector.extract_strided_slice %get3A_952 {offsets = [0, 9], sizes = [256, 1], strides = [1, 1]} : vector<256x24xf32> to vector<256x1xf32>
    %slice3A_955 = vector.extract_strided_slice %get3A_952 {offsets = [0, 10], sizes = [256, 1], strides = [1, 1]} : vector<256x24xf32> to vector<256x1xf32>
    %slice3A_956 = vector.extract_strided_slice %get3A_952 {offsets = [0, 11], sizes = [256, 1], strides = [1, 1]} : vector<256x24xf32> to vector<256x1xf32>
    %slice3A_957 = vector.extract_strided_slice %get3A_952 {offsets = [0, 12], sizes = [256, 1], strides = [1, 1]} : vector<256x24xf32> to vector<256x1xf32>
    %slice3A_958 = vector.extract_strided_slice %get3A_4 {offsets = [1, 0], sizes = [1, 256], strides = [1, 1]} : vector<8x256xf32> to vector<1x256xf32>
    %slice3A_959 = vector.extract_strided_slice %get3A_10 {offsets = [1, 0], sizes = [1, 256], strides = [1, 1]} : vector<8x256xf32> to vector<1x256xf32>
    %slice3A_960 = vector.extract_strided_slice %get3A_16 {offsets = [1, 0], sizes = [1, 256], strides = [1, 1]} : vector<8x256xf32> to vector<1x256xf32>
    %slice3A_961 = vector.extract_strided_slice %get3A_22 {offsets = [1, 0], sizes = [1, 256], strides = [1, 1]} : vector<8x256xf32> to vector<1x256xf32>
    %slice3A_962 = vector.extract_strided_slice %get3A_28 {offsets = [1, 0], sizes = [1, 256], strides = [1, 1]} : vector<8x256xf32> to vector<1x256xf32>
    %min3A_963 = vector.broadcast %slice3A_954 : vector<256x1xf32> to vector<256x256xf32>
    %min3A_964 = vector.broadcast %slice3A_959 : vector<1x256xf32> to vector<256x256xf32>
    %min3A_965 = arith.minimumf %min3A_963, %min3A_964 : vector<256x256xf32>
    %max3A_966 = vector.broadcast %slice3A_953 : vector<256x1xf32> to vector<256x256xf32>
    %max3A_967 = vector.broadcast %slice3A_958 : vector<1x256xf32> to vector<256x256xf32>
    %max3A_968 = arith.maximumf %max3A_966, %max3A_967 : vector<256x256xf32>
    %sub3A_969 = arith.subf %min3A_965, %max3A_968 : vector<256x256xf32>
    %max3A_970 = arith.constant 0.000000e+00 : f32
    %max3A_971 = vector.broadcast %max3A_970 : f32 to vector<256x256xf32>
    %max3A_972 = arith.maximumf %sub3A_969, %max3A_971 : vector<256x256xf32>
    %min3A_973 = vector.broadcast %slice3A_956 : vector<256x1xf32> to vector<256x256xf32>
    %min3A_974 = vector.broadcast %slice3A_961 : vector<1x256xf32> to vector<256x256xf32>
    %min3A_975 = arith.minimumf %min3A_973, %min3A_974 : vector<256x256xf32>
    %max3A_976 = vector.broadcast %slice3A_955 : vector<256x1xf32> to vector<256x256xf32>
    %max3A_977 = vector.broadcast %slice3A_960 : vector<1x256xf32> to vector<256x256xf32>
    %max3A_978 = arith.maximumf %max3A_976, %max3A_977 : vector<256x256xf32>
    %sub3A_979 = arith.subf %min3A_975, %max3A_978 : vector<256x256xf32>
    %max3A_980 = arith.constant 0.000000e+00 : f32
    %max3A_981 = vector.broadcast %max3A_980 : f32 to vector<256x256xf32>
    %max3A_982 = arith.maximumf %sub3A_979, %max3A_981 : vector<256x256xf32>
    %mul3A_983 = arith.mulf %max3A_972, %max3A_982 : vector<256x256xf32>
    %add3A_984 = vector.broadcast %slice3A_957 : vector<256x1xf32> to vector<256x256xf32>
    %add3A_985 = vector.broadcast %slice3A_962 : vector<1x256xf32> to vector<256x256xf32>
    %add3A_986 = arith.addf %add3A_984, %add3A_985 : vector<256x256xf32>
    %sub3A_987 = arith.subf %add3A_986, %mul3A_983 : vector<256x256xf32>
    %max3A_988 = arith.constant 9.99999997E-7 : f32
    %max3A_989 = vector.broadcast %max3A_988 : f32 to vector<256x256xf32>
    %max3A_990 = arith.maximumf %sub3A_987, %max3A_989 : vector<256x256xf32>
    %div3A_991 = arith.divf %mul3A_983, %max3A_990 : vector<256x256xf32>
    %gt3A_992 = arith.constant 0.699999988 : f32
    %gt3A_993 = vector.broadcast %gt3A_992 : f32 to vector<256x256xf32>
    %gt3A_994 = arith.cmpf ogt, %div3A_991, %gt3A_993 : vector<256x256xf32>
    %convert_element_type3A_995 = arith.extui %gt3A_994 : vector<256x256xi1> to vector<256x256xi32>
    %convert_element_type3A_996 = arith.sitofp %convert_element_type3A_995 : vector<256x256xi32> to vector<256x256xf32>
    %iota3A_997 = tpu.iota {dimensions = array<i32: 0>} : vector<256x256xi32>
    %iota3A_998 = tpu.iota {dimensions = array<i32: 1>} : vector<256x256xi32>
    %lt3A_999 = arith.cmpi slt, %iota3A_997, %iota3A_998 : vector<256x256xi32>
    %convert_element_type3A_1000 = arith.extui %lt3A_999 : vector<256x256xi1> to vector<256x256xi32>
    %convert_element_type3A_1001 = arith.sitofp %convert_element_type3A_1000 : vector<256x256xi32> to vector<256x256xf32>
    %mul3A_1002 = arith.mulf %convert_element_type3A_996, %convert_element_type3A_1001 : vector<256x256xf32>
    %get3A_1003 = arith.constant 1 : index
    %get3A_1004 = arith.constant 0 : index
    %get3A_1005 = vector.load %arg4[%get3A_1003, %get3A_1004] : memref<8x256xf32, #tpu.memory_space<vmem>>, vector<1x256xf32>
    %while3A_1006 = arith.constant true
    %while3A_1007:2 = scf.while (%while3A_4770 = %get3A_1005, %while3A_4771 = %while3A_1006) : (vector<1x256xf32>, i1) -> (vector<1x256xf32>, i1) {
      scf.condition(%while3A_4771) %while3A_4770, %while3A_4771 : vector<1x256xf32>, i1
    } do {
    ^bb0(%while3A_4770: vector<1x256xf32>, %while3A_4771: i1):
      %dot_general3A_4772 = arith.constant dense<0.000000e+00> : vector<1x256xf32>
      %dot_general3A_4773 = tpu.matmul %while3A_4770, %mul3A_1002, %dot_general3A_4772 {dimension_numbers = #tpu.dot_dimension_numbers<[1], [0], [0], [1], [0, 0, 1, 1], [], []>, transpose_lhs_hint = false} : vector<1x256xf32>, vector<256x256xf32>, vector<1x256xf32> -> vector<1x256xf32>
      %lt3A_4774 = arith.constant 5.000000e-01 : f32
      %lt3A_4775 = vector.broadcast %lt3A_4774 : f32 to vector<1x256xf32>
      %lt3A_4776 = arith.cmpf olt, %dot_general3A_4773, %lt3A_4775 : vector<1x256xf32>
      %convert_element_type3A_4777 = arith.extui %lt3A_4776 : vector<1x256xi1> to vector<1x256xi32>
      %convert_element_type3A_4778 = arith.sitofp %convert_element_type3A_4777 : vector<1x256xi32> to vector<1x256xf32>
      %mul3A_4779 = arith.mulf %get3A_1005, %convert_element_type3A_4778 : vector<1x256xf32>
      %ne3A = arith.cmpf one, %mul3A_4779, %while3A_4770 : vector<1x256xf32>
      %reduce_or3A = arith.constant 1.000000e+00 : f32
      %reduce_or3A_4780 = arith.constant 0.000000e+00 : f32
      %reduce_or3A_4781 = vector.broadcast %reduce_or3A : f32 to vector<1x256xf32>
      %reduce_or3A_4782 = vector.broadcast %reduce_or3A_4780 : f32 to vector<1x256xf32>
      %reduce_or3A_4783 = arith.select %ne3A, %reduce_or3A_4781, %reduce_or3A_4782 : vector<1x256xi1>, vector<1x256xf32>
      %reduce_or3A_4784 = vector.shape_cast %reduce_or3A_4783 : vector<1x256xf32> to vector<1x1x256xf32>
      %reduce_or3A_4785 = arith.constant dense<0xFF800000> : vector<1xf32>
      %reduce_or3A_4786 = vector.multi_reduction <maximumf>, %reduce_or3A_4784, %reduce_or3A_4785 [1, 2] : vector<1x1x256xf32> to vector<1xf32>
      %reduce_or3A_4787 = vector.shape_cast %reduce_or3A_4786 : vector<1xf32> to vector<1x1x1xf32>
      %reduce_or3A_4788 = vector.extract %reduce_or3A_4787[0, 0, 0] : f32 from vector<1x1x1xf32>
      %reduce_or3A_4789 = arith.constant 0.000000e+00 : f32
      %reduce_or3A_4790 = arith.cmpf ogt, %reduce_or3A_4788, %reduce_or3A_4789 : f32
      scf.yield %mul3A_4779, %reduce_or3A_4790 : vector<1x256xf32>, i1
    }
    %swap3A_1008 = arith.constant 1 : index
    %swap3A_1009 = arith.constant 0 : index
    %swap3A_1010 = vector.load %arg4[%swap3A_1008, %swap3A_1009] : memref<8x256xf32, #tpu.memory_space<vmem>>, vector<1x256xf32>
    tpu.vector_store %arg4[%swap3A_1008, %swap3A_1009], %while3A_1007#0 {strides = array<i32>} : memref<8x256xf32, #tpu.memory_space<vmem>>, vector<1x256xf32>,
    %slice3A_1011 = vector.extract_strided_slice %get3A_4 {offsets = [1, 0], sizes = [1, 128], strides = [1, 1]} : vector<8x256xf32> to vector<1x128xf32>
    %slice3A_1012 = vector.extract_strided_slice %get3A_10 {offsets = [1, 0], sizes = [1, 128], strides = [1, 1]} : vector<8x256xf32> to vector<1x128xf32>
    %slice3A_1013 = vector.extract_strided_slice %get3A_16 {offsets = [1, 0], sizes = [1, 128], strides = [1, 1]} : vector<8x256xf32> to vector<1x128xf32>
    %slice3A_1014 = vector.extract_strided_slice %get3A_22 {offsets = [1, 0], sizes = [1, 128], strides = [1, 1]} : vector<8x256xf32> to vector<1x128xf32>
    %slice3A_1015 = vector.extract_strided_slice %get3A_28 {offsets = [1, 0], sizes = [1, 128], strides = [1, 1]} : vector<8x256xf32> to vector<1x128xf32>
    %min3A_1016 = vector.broadcast %slice3A_954 : vector<256x1xf32> to vector<256x128xf32>
    %min3A_1017 = vector.broadcast %slice3A_1012 : vector<1x128xf32> to vector<256x128xf32>
    %min3A_1018 = arith.minimumf %min3A_1016, %min3A_1017 : vector<256x128xf32>
    %max3A_1019 = vector.broadcast %slice3A_953 : vector<256x1xf32> to vector<256x128xf32>
    %max3A_1020 = vector.broadcast %slice3A_1011 : vector<1x128xf32> to vector<256x128xf32>
    %max3A_1021 = arith.maximumf %max3A_1019, %max3A_1020 : vector<256x128xf32>
    %sub3A_1022 = arith.subf %min3A_1018, %max3A_1021 : vector<256x128xf32>
    %max3A_1023 = arith.constant 0.000000e+00 : f32
    %max3A_1024 = vector.broadcast %max3A_1023 : f32 to vector<256x128xf32>
    %max3A_1025 = arith.maximumf %sub3A_1022, %max3A_1024 : vector<256x128xf32>
    %min3A_1026 = vector.broadcast %slice3A_956 : vector<256x1xf32> to vector<256x128xf32>
    %min3A_1027 = vector.broadcast %slice3A_1014 : vector<1x128xf32> to vector<256x128xf32>
    %min3A_1028 = arith.minimumf %min3A_1026, %min3A_1027 : vector<256x128xf32>
    %max3A_1029 = vector.broadcast %slice3A_955 : vector<256x1xf32> to vector<256x128xf32>
    %max3A_1030 = vector.broadcast %slice3A_1013 : vector<1x128xf32> to vector<256x128xf32>
    %max3A_1031 = arith.maximumf %max3A_1029, %max3A_1030 : vector<256x128xf32>
    %sub3A_1032 = arith.subf %min3A_1028, %max3A_1031 : vector<256x128xf32>
    %max3A_1033 = arith.constant 0.000000e+00 : f32
    %max3A_1034 = vector.broadcast %max3A_1033 : f32 to vector<256x128xf32>
    %max3A_1035 = arith.maximumf %sub3A_1032, %max3A_1034 : vector<256x128xf32>
    %mul3A_1036 = arith.mulf %max3A_1025, %max3A_1035 : vector<256x128xf32>
    %add3A_1037 = vector.broadcast %slice3A_957 : vector<256x1xf32> to vector<256x128xf32>
    %add3A_1038 = vector.broadcast %slice3A_1015 : vector<1x128xf32> to vector<256x128xf32>
    %add3A_1039 = arith.addf %add3A_1037, %add3A_1038 : vector<256x128xf32>
    %sub3A_1040 = arith.subf %add3A_1039, %mul3A_1036 : vector<256x128xf32>
    %max3A_1041 = arith.constant 9.99999997E-7 : f32
    %max3A_1042 = vector.broadcast %max3A_1041 : f32 to vector<256x128xf32>
    %max3A_1043 = arith.maximumf %sub3A_1040, %max3A_1042 : vector<256x128xf32>
    %div3A_1044 = arith.divf %mul3A_1036, %max3A_1043 : vector<256x128xf32>
    %gt3A_1045 = arith.constant 0.699999988 : f32
    %gt3A_1046 = vector.broadcast %gt3A_1045 : f32 to vector<256x128xf32>
    %gt3A_1047 = arith.cmpf ogt, %div3A_1044, %gt3A_1046 : vector<256x128xf32>
    %convert_element_type3A_1048 = arith.extui %gt3A_1047 : vector<256x128xi1> to vector<256x128xi32>
    %convert_element_type3A_1049 = arith.sitofp %convert_element_type3A_1048 : vector<256x128xi32> to vector<256x128xf32>
    %iota3A_1050 = tpu.iota {dimensions = array<i32: 0>} : vector<256x128xi32>
    %iota3A_1051 = tpu.iota {dimensions = array<i32: 1>} : vector<256x128xi32>
    %add3A_1052 = arith.constant 0 : i32
    %add3A_1053 = vector.broadcast %add3A_1052 : i32 to vector<256x128xi32>
    %add3A_1054 = arith.addi %iota3A_1051, %add3A_1053 : vector<256x128xi32>
    %lt3A_1055 = arith.cmpi slt, %iota3A_1050, %add3A_1054 : vector<256x128xi32>
    %convert_element_type3A_1056 = arith.extui %lt3A_1055 : vector<256x128xi1> to vector<256x128xi32>
    %convert_element_type3A_1057 = arith.sitofp %convert_element_type3A_1056 : vector<256x128xi32> to vector<256x128xf32>
    %mul3A_1058 = arith.mulf %convert_element_type3A_1049, %convert_element_type3A_1057 : vector<256x128xf32>
    %dot_general3A_1059 = arith.constant dense<0.000000e+00> : vector<1x128xf32>
    %dot_general3A_1060 = tpu.matmul %while3A_1007#0, %mul3A_1058, %dot_general3A_1059 {dimension_numbers = #tpu.dot_dimension_numbers<[1], [0], [0], [1], [0, 0, 1, 1], [], []>, transpose_lhs_hint = false} : vector<1x256xf32>, vector<256x128xf32>, vector<1x128xf32> -> vector<1x128xf32>
    %get3A_1061 = arith.constant 1 : index
    %get3A_1062 = arith.constant 0 : index
    %get3A_1063 = vector.load %arg4[%get3A_1061, %get3A_1062] : memref<8x256xf32, #tpu.memory_space<vmem>>, vector<1x128xf32>
    %lt3A_1064 = arith.constant 5.000000e-01 : f32
    %lt3A_1065 = vector.broadcast %lt3A_1064 : f32 to vector<1x128xf32>
    %lt3A_1066 = arith.cmpf olt, %dot_general3A_1060, %lt3A_1065 : vector<1x128xf32>
    %convert_element_type3A_1067 = arith.extui %lt3A_1066 : vector<1x128xi1> to vector<1x128xi32>
    %convert_element_type3A_1068 = arith.sitofp %convert_element_type3A_1067 : vector<1x128xi32> to vector<1x128xf32>
    %mul3A_1069 = arith.mulf %get3A_1063, %convert_element_type3A_1068 : vector<1x128xf32>
    %swap3A_1070 = arith.constant 1 : index
    %swap3A_1071 = arith.constant 0 : index
    %swap3A_1072 = vector.load %arg4[%swap3A_1070, %swap3A_1071] : memref<8x256xf32, #tpu.memory_space<vmem>>, vector<1x128xf32>
    tpu.vector_store %arg4[%swap3A_1070, %swap3A_1071], %mul3A_1069 {strides = array<i32>} : memref<8x256xf32, #tpu.memory_space<vmem>>, vector<1x128xf32>,
    %slice3A_1073 = vector.extract_strided_slice %get3A_4 {offsets = [1, 128], sizes = [1, 128], strides = [1, 1]} : vector<8x256xf32> to vector<1x128xf32>
    %slice3A_1074 = vector.extract_strided_slice %get3A_10 {offsets = [1, 128], sizes = [1, 128], strides = [1, 1]} : vector<8x256xf32> to vector<1x128xf32>
    %slice3A_1075 = vector.extract_strided_slice %get3A_16 {offsets = [1, 128], sizes = [1, 128], strides = [1, 1]} : vector<8x256xf32> to vector<1x128xf32>
    %slice3A_1076 = vector.extract_strided_slice %get3A_22 {offsets = [1, 128], sizes = [1, 128], strides = [1, 1]} : vector<8x256xf32> to vector<1x128xf32>
    %slice3A_1077 = vector.extract_strided_slice %get3A_28 {offsets = [1, 128], sizes = [1, 128], strides = [1, 1]} : vector<8x256xf32> to vector<1x128xf32>
    %min3A_1078 = vector.broadcast %slice3A_954 : vector<256x1xf32> to vector<256x128xf32>
    %min3A_1079 = vector.broadcast %slice3A_1074 : vector<1x128xf32> to vector<256x128xf32>
    %min3A_1080 = arith.minimumf %min3A_1078, %min3A_1079 : vector<256x128xf32>
    %max3A_1081 = vector.broadcast %slice3A_953 : vector<256x1xf32> to vector<256x128xf32>
    %max3A_1082 = vector.broadcast %slice3A_1073 : vector<1x128xf32> to vector<256x128xf32>
    %max3A_1083 = arith.maximumf %max3A_1081, %max3A_1082 : vector<256x128xf32>
    %sub3A_1084 = arith.subf %min3A_1080, %max3A_1083 : vector<256x128xf32>
    %max3A_1085 = arith.constant 0.000000e+00 : f32
    %max3A_1086 = vector.broadcast %max3A_1085 : f32 to vector<256x128xf32>
    %max3A_1087 = arith.maximumf %sub3A_1084, %max3A_1086 : vector<256x128xf32>
    %min3A_1088 = vector.broadcast %slice3A_956 : vector<256x1xf32> to vector<256x128xf32>
    %min3A_1089 = vector.broadcast %slice3A_1076 : vector<1x128xf32> to vector<256x128xf32>
    %min3A_1090 = arith.minimumf %min3A_1088, %min3A_1089 : vector<256x128xf32>
    %max3A_1091 = vector.broadcast %slice3A_955 : vector<256x1xf32> to vector<256x128xf32>
    %max3A_1092 = vector.broadcast %slice3A_1075 : vector<1x128xf32> to vector<256x128xf32>
    %max3A_1093 = arith.maximumf %max3A_1091, %max3A_1092 : vector<256x128xf32>
    %sub3A_1094 = arith.subf %min3A_1090, %max3A_1093 : vector<256x128xf32>
    %max3A_1095 = arith.constant 0.000000e+00 : f32
    %max3A_1096 = vector.broadcast %max3A_1095 : f32 to vector<256x128xf32>
    %max3A_1097 = arith.maximumf %sub3A_1094, %max3A_1096 : vector<256x128xf32>
    %mul3A_1098 = arith.mulf %max3A_1087, %max3A_1097 : vector<256x128xf32>
    %add3A_1099 = vector.broadcast %slice3A_957 : vector<256x1xf32> to vector<256x128xf32>
    %add3A_1100 = vector.broadcast %slice3A_1077 : vector<1x128xf32> to vector<256x128xf32>
    %add3A_1101 = arith.addf %add3A_1099, %add3A_1100 : vector<256x128xf32>
    %sub3A_1102 = arith.subf %add3A_1101, %mul3A_1098 : vector<256x128xf32>
    %max3A_1103 = arith.constant 9.99999997E-7 : f32
    %max3A_1104 = vector.broadcast %max3A_1103 : f32 to vector<256x128xf32>
    %max3A_1105 = arith.maximumf %sub3A_1102, %max3A_1104 : vector<256x128xf32>
    %div3A_1106 = arith.divf %mul3A_1098, %max3A_1105 : vector<256x128xf32>
    %gt3A_1107 = arith.constant 0.699999988 : f32
    %gt3A_1108 = vector.broadcast %gt3A_1107 : f32 to vector<256x128xf32>
    %gt3A_1109 = arith.cmpf ogt, %div3A_1106, %gt3A_1108 : vector<256x128xf32>
    %convert_element_type3A_1110 = arith.extui %gt3A_1109 : vector<256x128xi1> to vector<256x128xi32>
    %convert_element_type3A_1111 = arith.sitofp %convert_element_type3A_1110 : vector<256x128xi32> to vector<256x128xf32>
    %iota3A_1112 = tpu.iota {dimensions = array<i32: 0>} : vector<256x128xi32>
    %iota3A_1113 = tpu.iota {dimensions = array<i32: 1>} : vector<256x128xi32>
    %add3A_1114 = arith.constant 128 : i32
    %add3A_1115 = vector.broadcast %add3A_1114 : i32 to vector<256x128xi32>
    %add3A_1116 = arith.addi %iota3A_1113, %add3A_1115 : vector<256x128xi32>
    %lt3A_1117 = arith.cmpi slt, %iota3A_1112, %add3A_1116 : vector<256x128xi32>
    %convert_element_type3A_1118 = arith.extui %lt3A_1117 : vector<256x128xi1> to vector<256x128xi32>
    %convert_element_type3A_1119 = arith.sitofp %convert_element_type3A_1118 : vector<256x128xi32> to vector<256x128xf32>
    %mul3A_1120 = arith.mulf %convert_element_type3A_1111, %convert_element_type3A_1119 : vector<256x128xf32>
    %dot_general3A_1121 = arith.constant dense<0.000000e+00> : vector<1x128xf32>
    %dot_general3A_1122 = tpu.matmul %while3A_1007#0, %mul3A_1120, %dot_general3A_1121 {dimension_numbers = #tpu.dot_dimension_numbers<[1], [0], [0], [1], [0, 0, 1, 1], [], []>, transpose_lhs_hint = false} : vector<1x256xf32>, vector<256x128xf32>, vector<1x128xf32> -> vector<1x128xf32>
    %get3A_1123 = arith.constant 1 : index
    %get3A_1124 = arith.constant 128 : index
    %get3A_1125 = vector.load %arg4[%get3A_1123, %get3A_1124] : memref<8x256xf32, #tpu.memory_space<vmem>>, vector<1x128xf32>
    %lt3A_1126 = arith.constant 5.000000e-01 : f32
    %lt3A_1127 = vector.broadcast %lt3A_1126 : f32 to vector<1x128xf32>
    %lt3A_1128 = arith.cmpf olt, %dot_general3A_1122, %lt3A_1127 : vector<1x128xf32>
    %convert_element_type3A_1129 = arith.extui %lt3A_1128 : vector<1x128xi1> to vector<1x128xi32>
    %convert_element_type3A_1130 = arith.sitofp %convert_element_type3A_1129 : vector<1x128xi32> to vector<1x128xf32>
    %mul3A_1131 = arith.mulf %get3A_1125, %convert_element_type3A_1130 : vector<1x128xf32>
    %swap3A_1132 = arith.constant 1 : index
    %swap3A_1133 = arith.constant 128 : index
    %swap3A_1134 = vector.load %arg4[%swap3A_1132, %swap3A_1133] : memref<8x256xf32, #tpu.memory_space<vmem>>, vector<1x128xf32>
    tpu.vector_store %arg4[%swap3A_1132, %swap3A_1133], %mul3A_1131 {strides = array<i32>} : memref<8x256xf32, #tpu.memory_space<vmem>>, vector<1x128xf32>,
    %slice3A_1135 = vector.extract_strided_slice %get3A_4 {offsets = [2, 0], sizes = [1, 128], strides = [1, 1]} : vector<8x256xf32> to vector<1x128xf32>
    %slice3A_1136 = vector.extract_strided_slice %get3A_10 {offsets = [2, 0], sizes = [1, 128], strides = [1, 1]} : vector<8x256xf32> to vector<1x128xf32>
    %slice3A_1137 = vector.extract_strided_slice %get3A_16 {offsets = [2, 0], sizes = [1, 128], strides = [1, 1]} : vector<8x256xf32> to vector<1x128xf32>
    %slice3A_1138 = vector.extract_strided_slice %get3A_22 {offsets = [2, 0], sizes = [1, 128], strides = [1, 1]} : vector<8x256xf32> to vector<1x128xf32>
    %slice3A_1139 = vector.extract_strided_slice %get3A_28 {offsets = [2, 0], sizes = [1, 128], strides = [1, 1]} : vector<8x256xf32> to vector<1x128xf32>
    %min3A_1140 = vector.broadcast %slice3A_954 : vector<256x1xf32> to vector<256x128xf32>
    %min3A_1141 = vector.broadcast %slice3A_1136 : vector<1x128xf32> to vector<256x128xf32>
    %min3A_1142 = arith.minimumf %min3A_1140, %min3A_1141 : vector<256x128xf32>
    %max3A_1143 = vector.broadcast %slice3A_953 : vector<256x1xf32> to vector<256x128xf32>
    %max3A_1144 = vector.broadcast %slice3A_1135 : vector<1x128xf32> to vector<256x128xf32>
    %max3A_1145 = arith.maximumf %max3A_1143, %max3A_1144 : vector<256x128xf32>
    %sub3A_1146 = arith.subf %min3A_1142, %max3A_1145 : vector<256x128xf32>
    %max3A_1147 = arith.constant 0.000000e+00 : f32
    %max3A_1148 = vector.broadcast %max3A_1147 : f32 to vector<256x128xf32>
    %max3A_1149 = arith.maximumf %sub3A_1146, %max3A_1148 : vector<256x128xf32>
    %min3A_1150 = vector.broadcast %slice3A_956 : vector<256x1xf32> to vector<256x128xf32>
    %min3A_1151 = vector.broadcast %slice3A_1138 : vector<1x128xf32> to vector<256x128xf32>
    %min3A_1152 = arith.minimumf %min3A_1150, %min3A_1151 : vector<256x128xf32>
    %max3A_1153 = vector.broadcast %slice3A_955 : vector<256x1xf32> to vector<256x128xf32>
    %max3A_1154 = vector.broadcast %slice3A_1137 : vector<1x128xf32> to vector<256x128xf32>
    %max3A_1155 = arith.maximumf %max3A_1153, %max3A_1154 : vector<256x128xf32>
    %sub3A_1156 = arith.subf %min3A_1152, %max3A_1155 : vector<256x128xf32>
    %max3A_1157 = arith.constant 0.000000e+00 : f32
    %max3A_1158 = vector.broadcast %max3A_1157 : f32 to vector<256x128xf32>
    %max3A_1159 = arith.maximumf %sub3A_1156, %max3A_1158 : vector<256x128xf32>
    %mul3A_1160 = arith.mulf %max3A_1149, %max3A_1159 : vector<256x128xf32>
    %add3A_1161 = vector.broadcast %slice3A_957 : vector<256x1xf32> to vector<256x128xf32>
    %add3A_1162 = vector.broadcast %slice3A_1139 : vector<1x128xf32> to vector<256x128xf32>
    %add3A_1163 = arith.addf %add3A_1161, %add3A_1162 : vector<256x128xf32>
    %sub3A_1164 = arith.subf %add3A_1163, %mul3A_1160 : vector<256x128xf32>
    %max3A_1165 = arith.constant 9.99999997E-7 : f32
    %max3A_1166 = vector.broadcast %max3A_1165 : f32 to vector<256x128xf32>
    %max3A_1167 = arith.maximumf %sub3A_1164, %max3A_1166 : vector<256x128xf32>
    %div3A_1168 = arith.divf %mul3A_1160, %max3A_1167 : vector<256x128xf32>
    %gt3A_1169 = arith.constant 0.699999988 : f32
    %gt3A_1170 = vector.broadcast %gt3A_1169 : f32 to vector<256x128xf32>
    %gt3A_1171 = arith.cmpf ogt, %div3A_1168, %gt3A_1170 : vector<256x128xf32>
    %convert_element_type3A_1172 = arith.extui %gt3A_1171 : vector<256x128xi1> to vector<256x128xi32>
    %convert_element_type3A_1173 = arith.sitofp %convert_element_type3A_1172 : vector<256x128xi32> to vector<256x128xf32>
    %dot_general3A_1174 = arith.constant dense<0.000000e+00> : vector<1x128xf32>
    %dot_general3A_1175 = tpu.matmul %while3A_1007#0, %convert_element_type3A_1173, %dot_general3A_1174 {dimension_numbers = #tpu.dot_dimension_numbers<[1], [0], [0], [1], [0, 0, 1, 1], [], []>, transpose_lhs_hint = false} : vector<1x256xf32>, vector<256x128xf32>, vector<1x128xf32> -> vector<1x128xf32>
    %get3A_1176 = arith.constant 2 : index
    %get3A_1177 = arith.constant 0 : index
    %get3A_1178 = vector.load %arg4[%get3A_1176, %get3A_1177] : memref<8x256xf32, #tpu.memory_space<vmem>>, vector<1x128xf32>
    %lt3A_1179 = arith.constant 5.000000e-01 : f32
    %lt3A_1180 = vector.broadcast %lt3A_1179 : f32 to vector<1x128xf32>
    %lt3A_1181 = arith.cmpf olt, %dot_general3A_1175, %lt3A_1180 : vector<1x128xf32>
    %convert_element_type3A_1182 = arith.extui %lt3A_1181 : vector<1x128xi1> to vector<1x128xi32>
    %convert_element_type3A_1183 = arith.sitofp %convert_element_type3A_1182 : vector<1x128xi32> to vector<1x128xf32>
    %mul3A_1184 = arith.mulf %get3A_1178, %convert_element_type3A_1183 : vector<1x128xf32>
    %swap3A_1185 = arith.constant 2 : index
    %swap3A_1186 = arith.constant 0 : index
    %swap3A_1187 = vector.load %arg4[%swap3A_1185, %swap3A_1186] : memref<8x256xf32, #tpu.memory_space<vmem>>, vector<1x128xf32>
    tpu.vector_store %arg4[%swap3A_1185, %swap3A_1186], %mul3A_1184 {strides = array<i32>} : memref<8x256xf32, #tpu.memory_space<vmem>>, vector<1x128xf32>,
    %slice3A_1188 = vector.extract_strided_slice %get3A_4 {offsets = [2, 128], sizes = [1, 128], strides = [1, 1]} : vector<8x256xf32> to vector<1x128xf32>
    %slice3A_1189 = vector.extract_strided_slice %get3A_10 {offsets = [2, 128], sizes = [1, 128], strides = [1, 1]} : vector<8x256xf32> to vector<1x128xf32>
    %slice3A_1190 = vector.extract_strided_slice %get3A_16 {offsets = [2, 128], sizes = [1, 128], strides = [1, 1]} : vector<8x256xf32> to vector<1x128xf32>
    %slice3A_1191 = vector.extract_strided_slice %get3A_22 {offsets = [2, 128], sizes = [1, 128], strides = [1, 1]} : vector<8x256xf32> to vector<1x128xf32>
    %slice3A_1192 = vector.extract_strided_slice %get3A_28 {offsets = [2, 128], sizes = [1, 128], strides = [1, 1]} : vector<8x256xf32> to vector<1x128xf32>
    %min3A_1193 = vector.broadcast %slice3A_954 : vector<256x1xf32> to vector<256x128xf32>
    %min3A_1194 = vector.broadcast %slice3A_1189 : vector<1x128xf32> to vector<256x128xf32>
    %min3A_1195 = arith.minimumf %min3A_1193, %min3A_1194 : vector<256x128xf32>
    %max3A_1196 = vector.broadcast %slice3A_953 : vector<256x1xf32> to vector<256x128xf32>
    %max3A_1197 = vector.broadcast %slice3A_1188 : vector<1x128xf32> to vector<256x128xf32>
    %max3A_1198 = arith.maximumf %max3A_1196, %max3A_1197 : vector<256x128xf32>
    %sub3A_1199 = arith.subf %min3A_1195, %max3A_1198 : vector<256x128xf32>
    %max3A_1200 = arith.constant 0.000000e+00 : f32
    %max3A_1201 = vector.broadcast %max3A_1200 : f32 to vector<256x128xf32>
    %max3A_1202 = arith.maximumf %sub3A_1199, %max3A_1201 : vector<256x128xf32>
    %min3A_1203 = vector.broadcast %slice3A_956 : vector<256x1xf32> to vector<256x128xf32>
    %min3A_1204 = vector.broadcast %slice3A_1191 : vector<1x128xf32> to vector<256x128xf32>
    %min3A_1205 = arith.minimumf %min3A_1203, %min3A_1204 : vector<256x128xf32>
    %max3A_1206 = vector.broadcast %slice3A_955 : vector<256x1xf32> to vector<256x128xf32>
    %max3A_1207 = vector.broadcast %slice3A_1190 : vector<1x128xf32> to vector<256x128xf32>
    %max3A_1208 = arith.maximumf %max3A_1206, %max3A_1207 : vector<256x128xf32>
    %sub3A_1209 = arith.subf %min3A_1205, %max3A_1208 : vector<256x128xf32>
    %max3A_1210 = arith.constant 0.000000e+00 : f32
    %max3A_1211 = vector.broadcast %max3A_1210 : f32 to vector<256x128xf32>
    %max3A_1212 = arith.maximumf %sub3A_1209, %max3A_1211 : vector<256x128xf32>
    %mul3A_1213 = arith.mulf %max3A_1202, %max3A_1212 : vector<256x128xf32>
    %add3A_1214 = vector.broadcast %slice3A_957 : vector<256x1xf32> to vector<256x128xf32>
    %add3A_1215 = vector.broadcast %slice3A_1192 : vector<1x128xf32> to vector<256x128xf32>
    %add3A_1216 = arith.addf %add3A_1214, %add3A_1215 : vector<256x128xf32>
    %sub3A_1217 = arith.subf %add3A_1216, %mul3A_1213 : vector<256x128xf32>
    %max3A_1218 = arith.constant 9.99999997E-7 : f32
    %max3A_1219 = vector.broadcast %max3A_1218 : f32 to vector<256x128xf32>
    %max3A_1220 = arith.maximumf %sub3A_1217, %max3A_1219 : vector<256x128xf32>
    %div3A_1221 = arith.divf %mul3A_1213, %max3A_1220 : vector<256x128xf32>
    %gt3A_1222 = arith.constant 0.699999988 : f32
    %gt3A_1223 = vector.broadcast %gt3A_1222 : f32 to vector<256x128xf32>
    %gt3A_1224 = arith.cmpf ogt, %div3A_1221, %gt3A_1223 : vector<256x128xf32>
    %convert_element_type3A_1225 = arith.extui %gt3A_1224 : vector<256x128xi1> to vector<256x128xi32>
    %convert_element_type3A_1226 = arith.sitofp %convert_element_type3A_1225 : vector<256x128xi32> to vector<256x128xf32>
    %dot_general3A_1227 = arith.constant dense<0.000000e+00> : vector<1x128xf32>
    %dot_general3A_1228 = tpu.matmul %while3A_1007#0, %convert_element_type3A_1226, %dot_general3A_1227 {dimension_numbers = #tpu.dot_dimension_numbers<[1], [0], [0], [1], [0, 0, 1, 1], [], []>, transpose_lhs_hint = false} : vector<1x256xf32>, vector<256x128xf32>, vector<1x128xf32> -> vector<1x128xf32>
    %get3A_1229 = arith.constant 2 : index
    %get3A_1230 = arith.constant 128 : index
    %get3A_1231 = vector.load %arg4[%get3A_1229, %get3A_1230] : memref<8x256xf32, #tpu.memory_space<vmem>>, vector<1x128xf32>
    %lt3A_1232 = arith.constant 5.000000e-01 : f32
    %lt3A_1233 = vector.broadcast %lt3A_1232 : f32 to vector<1x128xf32>
    %lt3A_1234 = arith.cmpf olt, %dot_general3A_1228, %lt3A_1233 : vector<1x128xf32>
    %convert_element_type3A_1235 = arith.extui %lt3A_1234 : vector<1x128xi1> to vector<1x128xi32>
    %convert_element_type3A_1236 = arith.sitofp %convert_element_type3A_1235 : vector<1x128xi32> to vector<1x128xf32>
    %mul3A_1237 = arith.mulf %get3A_1231, %convert_element_type3A_1236 : vector<1x128xf32>
    %swap3A_1238 = arith.constant 2 : index
    %swap3A_1239 = arith.constant 128 : index
    %swap3A_1240 = vector.load %arg4[%swap3A_1238, %swap3A_1239] : memref<8x256xf32, #tpu.memory_space<vmem>>, vector<1x128xf32>
    tpu.vector_store %arg4[%swap3A_1238, %swap3A_1239], %mul3A_1237 {strides = array<i32>} : memref<8x256xf32, #tpu.memory_space<vmem>>, vector<1x128xf32>,
    %slice3A_1241 = vector.extract_strided_slice %get3A_4 {offsets = [3, 0], sizes = [1, 128], strides = [1, 1]} : vector<8x256xf32> to vector<1x128xf32>
    %slice3A_1242 = vector.extract_strided_slice %get3A_10 {offsets = [3, 0], sizes = [1, 128], strides = [1, 1]} : vector<8x256xf32> to vector<1x128xf32>
    %slice3A_1243 = vector.extract_strided_slice %get3A_16 {offsets = [3, 0], sizes = [1, 128], strides = [1, 1]} : vector<8x256xf32> to vector<1x128xf32>
    %slice3A_1244 = vector.extract_strided_slice %get3A_22 {offsets = [3, 0], sizes = [1, 128], strides = [1, 1]} : vector<8x256xf32> to vector<1x128xf32>
    %slice3A_1245 = vector.extract_strided_slice %get3A_28 {offsets = [3, 0], sizes = [1, 128], strides = [1, 1]} : vector<8x256xf32> to vector<1x128xf32>
    %min3A_1246 = vector.broadcast %slice3A_954 : vector<256x1xf32> to vector<256x128xf32>
    %min3A_1247 = vector.broadcast %slice3A_1242 : vector<1x128xf32> to vector<256x128xf32>
    %min3A_1248 = arith.minimumf %min3A_1246, %min3A_1247 : vector<256x128xf32>
    %max3A_1249 = vector.broadcast %slice3A_953 : vector<256x1xf32> to vector<256x128xf32>
    %max3A_1250 = vector.broadcast %slice3A_1241 : vector<1x128xf32> to vector<256x128xf32>
    %max3A_1251 = arith.maximumf %max3A_1249, %max3A_1250 : vector<256x128xf32>
    %sub3A_1252 = arith.subf %min3A_1248, %max3A_1251 : vector<256x128xf32>
    %max3A_1253 = arith.constant 0.000000e+00 : f32
    %max3A_1254 = vector.broadcast %max3A_1253 : f32 to vector<256x128xf32>
    %max3A_1255 = arith.maximumf %sub3A_1252, %max3A_1254 : vector<256x128xf32>
    %min3A_1256 = vector.broadcast %slice3A_956 : vector<256x1xf32> to vector<256x128xf32>
    %min3A_1257 = vector.broadcast %slice3A_1244 : vector<1x128xf32> to vector<256x128xf32>
    %min3A_1258 = arith.minimumf %min3A_1256, %min3A_1257 : vector<256x128xf32>
    %max3A_1259 = vector.broadcast %slice3A_955 : vector<256x1xf32> to vector<256x128xf32>
    %max3A_1260 = vector.broadcast %slice3A_1243 : vector<1x128xf32> to vector<256x128xf32>
    %max3A_1261 = arith.maximumf %max3A_1259, %max3A_1260 : vector<256x128xf32>
    %sub3A_1262 = arith.subf %min3A_1258, %max3A_1261 : vector<256x128xf32>
    %max3A_1263 = arith.constant 0.000000e+00 : f32
    %max3A_1264 = vector.broadcast %max3A_1263 : f32 to vector<256x128xf32>
    %max3A_1265 = arith.maximumf %sub3A_1262, %max3A_1264 : vector<256x128xf32>
    %mul3A_1266 = arith.mulf %max3A_1255, %max3A_1265 : vector<256x128xf32>
    %add3A_1267 = vector.broadcast %slice3A_957 : vector<256x1xf32> to vector<256x128xf32>
    %add3A_1268 = vector.broadcast %slice3A_1245 : vector<1x128xf32> to vector<256x128xf32>
    %add3A_1269 = arith.addf %add3A_1267, %add3A_1268 : vector<256x128xf32>
    %sub3A_1270 = arith.subf %add3A_1269, %mul3A_1266 : vector<256x128xf32>
    %max3A_1271 = arith.constant 9.99999997E-7 : f32
    %max3A_1272 = vector.broadcast %max3A_1271 : f32 to vector<256x128xf32>
    %max3A_1273 = arith.maximumf %sub3A_1270, %max3A_1272 : vector<256x128xf32>
    %div3A_1274 = arith.divf %mul3A_1266, %max3A_1273 : vector<256x128xf32>
    %gt3A_1275 = arith.constant 0.699999988 : f32
    %gt3A_1276 = vector.broadcast %gt3A_1275 : f32 to vector<256x128xf32>
    %gt3A_1277 = arith.cmpf ogt, %div3A_1274, %gt3A_1276 : vector<256x128xf32>
    %convert_element_type3A_1278 = arith.extui %gt3A_1277 : vector<256x128xi1> to vector<256x128xi32>
    %convert_element_type3A_1279 = arith.sitofp %convert_element_type3A_1278 : vector<256x128xi32> to vector<256x128xf32>
    %dot_general3A_1280 = arith.constant dense<0.000000e+00> : vector<1x128xf32>
    %dot_general3A_1281 = tpu.matmul %while3A_1007#0, %convert_element_type3A_1279, %dot_general3A_1280 {dimension_numbers = #tpu.dot_dimension_numbers<[1], [0], [0], [1], [0, 0, 1, 1], [], []>, transpose_lhs_hint = false} : vector<1x256xf32>, vector<256x128xf32>, vector<1x128xf32> -> vector<1x128xf32>
    %get3A_1282 = arith.constant 3 : index
    %get3A_1283 = arith.constant 0 : index
    %get3A_1284 = vector.load %arg4[%get3A_1282, %get3A_1283] : memref<8x256xf32, #tpu.memory_space<vmem>>, vector<1x128xf32>
    %lt3A_1285 = arith.constant 5.000000e-01 : f32
    %lt3A_1286 = vector.broadcast %lt3A_1285 : f32 to vector<1x128xf32>
    %lt3A_1287 = arith.cmpf olt, %dot_general3A_1281, %lt3A_1286 : vector<1x128xf32>
    %convert_element_type3A_1288 = arith.extui %lt3A_1287 : vector<1x128xi1> to vector<1x128xi32>
    %convert_element_type3A_1289 = arith.sitofp %convert_element_type3A_1288 : vector<1x128xi32> to vector<1x128xf32>
    %mul3A_1290 = arith.mulf %get3A_1284, %convert_element_type3A_1289 : vector<1x128xf32>
    %swap3A_1291 = arith.constant 3 : index
    %swap3A_1292 = arith.constant 0 : index
    %swap3A_1293 = vector.load %arg4[%swap3A_1291, %swap3A_1292] : memref<8x256xf32, #tpu.memory_space<vmem>>, vector<1x128xf32>
    tpu.vector_store %arg4[%swap3A_1291, %swap3A_1292], %mul3A_1290 {strides = array<i32>} : memref<8x256xf32, #tpu.memory_space<vmem>>, vector<1x128xf32>,
    %slice3A_1294 = vector.extract_strided_slice %get3A_4 {offsets = [3, 128], sizes = [1, 128], strides = [1, 1]} : vector<8x256xf32> to vector<1x128xf32>
    %slice3A_1295 = vector.extract_strided_slice %get3A_10 {offsets = [3, 128], sizes = [1, 128], strides = [1, 1]} : vector<8x256xf32> to vector<1x128xf32>
    %slice3A_1296 = vector.extract_strided_slice %get3A_16 {offsets = [3, 128], sizes = [1, 128], strides = [1, 1]} : vector<8x256xf32> to vector<1x128xf32>
    %slice3A_1297 = vector.extract_strided_slice %get3A_22 {offsets = [3, 128], sizes = [1, 128], strides = [1, 1]} : vector<8x256xf32> to vector<1x128xf32>
    %slice3A_1298 = vector.extract_strided_slice %get3A_28 {offsets = [3, 128], sizes = [1, 128], strides = [1, 1]} : vector<8x256xf32> to vector<1x128xf32>
    %min3A_1299 = vector.broadcast %slice3A_954 : vector<256x1xf32> to vector<256x128xf32>
    %min3A_1300 = vector.broadcast %slice3A_1295 : vector<1x128xf32> to vector<256x128xf32>
    %min3A_1301 = arith.minimumf %min3A_1299, %min3A_1300 : vector<256x128xf32>
    %max3A_1302 = vector.broadcast %slice3A_953 : vector<256x1xf32> to vector<256x128xf32>
    %max3A_1303 = vector.broadcast %slice3A_1294 : vector<1x128xf32> to vector<256x128xf32>
    %max3A_1304 = arith.maximumf %max3A_1302, %max3A_1303 : vector<256x128xf32>
    %sub3A_1305 = arith.subf %min3A_1301, %max3A_1304 : vector<256x128xf32>
    %max3A_1306 = arith.constant 0.000000e+00 : f32
    %max3A_1307 = vector.broadcast %max3A_1306 : f32 to vector<256x128xf32>
    %max3A_1308 = arith.maximumf %sub3A_1305, %max3A_1307 : vector<256x128xf32>
    %min3A_1309 = vector.broadcast %slice3A_956 : vector<256x1xf32> to vector<256x128xf32>
    %min3A_1310 = vector.broadcast %slice3A_1297 : vector<1x128xf32> to vector<256x128xf32>
    %min3A_1311 = arith.minimumf %min3A_1309, %min3A_1310 : vector<256x128xf32>
    %max3A_1312 = vector.broadcast %slice3A_955 : vector<256x1xf32> to vector<256x128xf32>
    %max3A_1313 = vector.broadcast %slice3A_1296 : vector<1x128xf32> to vector<256x128xf32>
    %max3A_1314 = arith.maximumf %max3A_1312, %max3A_1313 : vector<256x128xf32>
    %sub3A_1315 = arith.subf %min3A_1311, %max3A_1314 : vector<256x128xf32>
    %max3A_1316 = arith.constant 0.000000e+00 : f32
    %max3A_1317 = vector.broadcast %max3A_1316 : f32 to vector<256x128xf32>
    %max3A_1318 = arith.maximumf %sub3A_1315, %max3A_1317 : vector<256x128xf32>
    %mul3A_1319 = arith.mulf %max3A_1308, %max3A_1318 : vector<256x128xf32>
    %add3A_1320 = vector.broadcast %slice3A_957 : vector<256x1xf32> to vector<256x128xf32>
    %add3A_1321 = vector.broadcast %slice3A_1298 : vector<1x128xf32> to vector<256x128xf32>
    %add3A_1322 = arith.addf %add3A_1320, %add3A_1321 : vector<256x128xf32>
    %sub3A_1323 = arith.subf %add3A_1322, %mul3A_1319 : vector<256x128xf32>
    %max3A_1324 = arith.constant 9.99999997E-7 : f32
    %max3A_1325 = vector.broadcast %max3A_1324 : f32 to vector<256x128xf32>
    %max3A_1326 = arith.maximumf %sub3A_1323, %max3A_1325 : vector<256x128xf32>
    %div3A_1327 = arith.divf %mul3A_1319, %max3A_1326 : vector<256x128xf32>
    %gt3A_1328 = arith.constant 0.699999988 : f32
    %gt3A_1329 = vector.broadcast %gt3A_1328 : f32 to vector<256x128xf32>
    %gt3A_1330 = arith.cmpf ogt, %div3A_1327, %gt3A_1329 : vector<256x128xf32>
    %convert_element_type3A_1331 = arith.extui %gt3A_1330 : vector<256x128xi1> to vector<256x128xi32>
    %convert_element_type3A_1332 = arith.sitofp %convert_element_type3A_1331 : vector<256x128xi32> to vector<256x128xf32>
    %dot_general3A_1333 = arith.constant dense<0.000000e+00> : vector<1x128xf32>
    %dot_general3A_1334 = tpu.matmul %while3A_1007#0, %convert_element_type3A_1332, %dot_general3A_1333 {dimension_numbers = #tpu.dot_dimension_numbers<[1], [0], [0], [1], [0, 0, 1, 1], [], []>, transpose_lhs_hint = false} : vector<1x256xf32>, vector<256x128xf32>, vector<1x128xf32> -> vector<1x128xf32>
    %get3A_1335 = arith.constant 3 : index
    %get3A_1336 = arith.constant 128 : index
    %get3A_1337 = vector.load %arg4[%get3A_1335, %get3A_1336] : memref<8x256xf32, #tpu.memory_space<vmem>>, vector<1x128xf32>
    %lt3A_1338 = arith.constant 5.000000e-01 : f32
    %lt3A_1339 = vector.broadcast %lt3A_1338 : f32 to vector<1x128xf32>
    %lt3A_1340 = arith.cmpf olt, %dot_general3A_1334, %lt3A_1339 : vector<1x128xf32>
    %convert_element_type3A_1341 = arith.extui %lt3A_1340 : vector<1x128xi1> to vector<1x128xi32>
    %convert_element_type3A_1342 = arith.sitofp %convert_element_type3A_1341 : vector<1x128xi32> to vector<1x128xf32>
    %mul3A_1343 = arith.mulf %get3A_1337, %convert_element_type3A_1342 : vector<1x128xf32>
    %swap3A_1344 = arith.constant 3 : index
    %swap3A_1345 = arith.constant 128 : index
    %swap3A_1346 = vector.load %arg4[%swap3A_1344, %swap3A_1345] : memref<8x256xf32, #tpu.memory_space<vmem>>, vector<1x128xf32>
    tpu.vector_store %arg4[%swap3A_1344, %swap3A_1345], %mul3A_1343 {strides = array<i32>} : memref<8x256xf32, #tpu.memory_space<vmem>>, vector<1x128xf32>,
    %slice3A_1347 = vector.extract_strided_slice %get3A_4 {offsets = [4, 0], sizes = [1, 128], strides = [1, 1]} : vector<8x256xf32> to vector<1x128xf32>
    %slice3A_1348 = vector.extract_strided_slice %get3A_10 {offsets = [4, 0], sizes = [1, 128], strides = [1, 1]} : vector<8x256xf32> to vector<1x128xf32>
    %slice3A_1349 = vector.extract_strided_slice %get3A_16 {offsets = [4, 0], sizes = [1, 128], strides = [1, 1]} : vector<8x256xf32> to vector<1x128xf32>
    %slice3A_1350 = vector.extract_strided_slice %get3A_22 {offsets = [4, 0], sizes = [1, 128], strides = [1, 1]} : vector<8x256xf32> to vector<1x128xf32>
    %slice3A_1351 = vector.extract_strided_slice %get3A_28 {offsets = [4, 0], sizes = [1, 128], strides = [1, 1]} : vector<8x256xf32> to vector<1x128xf32>
    %min3A_1352 = vector.broadcast %slice3A_954 : vector<256x1xf32> to vector<256x128xf32>
    %min3A_1353 = vector.broadcast %slice3A_1348 : vector<1x128xf32> to vector<256x128xf32>
    %min3A_1354 = arith.minimumf %min3A_1352, %min3A_1353 : vector<256x128xf32>
    %max3A_1355 = vector.broadcast %slice3A_953 : vector<256x1xf32> to vector<256x128xf32>
    %max3A_1356 = vector.broadcast %slice3A_1347 : vector<1x128xf32> to vector<256x128xf32>
    %max3A_1357 = arith.maximumf %max3A_1355, %max3A_1356 : vector<256x128xf32>
    %sub3A_1358 = arith.subf %min3A_1354, %max3A_1357 : vector<256x128xf32>
    %max3A_1359 = arith.constant 0.000000e+00 : f32
    %max3A_1360 = vector.broadcast %max3A_1359 : f32 to vector<256x128xf32>
    %max3A_1361 = arith.maximumf %sub3A_1358, %max3A_1360 : vector<256x128xf32>
    %min3A_1362 = vector.broadcast %slice3A_956 : vector<256x1xf32> to vector<256x128xf32>
    %min3A_1363 = vector.broadcast %slice3A_1350 : vector<1x128xf32> to vector<256x128xf32>
    %min3A_1364 = arith.minimumf %min3A_1362, %min3A_1363 : vector<256x128xf32>
    %max3A_1365 = vector.broadcast %slice3A_955 : vector<256x1xf32> to vector<256x128xf32>
    %max3A_1366 = vector.broadcast %slice3A_1349 : vector<1x128xf32> to vector<256x128xf32>
    %max3A_1367 = arith.maximumf %max3A_1365, %max3A_1366 : vector<256x128xf32>
    %sub3A_1368 = arith.subf %min3A_1364, %max3A_1367 : vector<256x128xf32>
    %max3A_1369 = arith.constant 0.000000e+00 : f32
    %max3A_1370 = vector.broadcast %max3A_1369 : f32 to vector<256x128xf32>
    %max3A_1371 = arith.maximumf %sub3A_1368, %max3A_1370 : vector<256x128xf32>
    %mul3A_1372 = arith.mulf %max3A_1361, %max3A_1371 : vector<256x128xf32>
    %add3A_1373 = vector.broadcast %slice3A_957 : vector<256x1xf32> to vector<256x128xf32>
    %add3A_1374 = vector.broadcast %slice3A_1351 : vector<1x128xf32> to vector<256x128xf32>
    %add3A_1375 = arith.addf %add3A_1373, %add3A_1374 : vector<256x128xf32>
    %sub3A_1376 = arith.subf %add3A_1375, %mul3A_1372 : vector<256x128xf32>
    %max3A_1377 = arith.constant 9.99999997E-7 : f32
    %max3A_1378 = vector.broadcast %max3A_1377 : f32 to vector<256x128xf32>
    %max3A_1379 = arith.maximumf %sub3A_1376, %max3A_1378 : vector<256x128xf32>
    %div3A_1380 = arith.divf %mul3A_1372, %max3A_1379 : vector<256x128xf32>
    %gt3A_1381 = arith.constant 0.699999988 : f32
    %gt3A_1382 = vector.broadcast %gt3A_1381 : f32 to vector<256x128xf32>
    %gt3A_1383 = arith.cmpf ogt, %div3A_1380, %gt3A_1382 : vector<256x128xf32>
    %convert_element_type3A_1384 = arith.extui %gt3A_1383 : vector<256x128xi1> to vector<256x128xi32>
    %convert_element_type3A_1385 = arith.sitofp %convert_element_type3A_1384 : vector<256x128xi32> to vector<256x128xf32>
    %dot_general3A_1386 = arith.constant dense<0.000000e+00> : vector<1x128xf32>
    %dot_general3A_1387 = tpu.matmul %while3A_1007#0, %convert_element_type3A_1385, %dot_general3A_1386 {dimension_numbers = #tpu.dot_dimension_numbers<[1], [0], [0], [1], [0, 0, 1, 1], [], []>, transpose_lhs_hint = false} : vector<1x256xf32>, vector<256x128xf32>, vector<1x128xf32> -> vector<1x128xf32>
    %get3A_1388 = arith.constant 4 : index
    %get3A_1389 = arith.constant 0 : index
    %get3A_1390 = vector.load %arg4[%get3A_1388, %get3A_1389] : memref<8x256xf32, #tpu.memory_space<vmem>>, vector<1x128xf32>
    %lt3A_1391 = arith.constant 5.000000e-01 : f32
    %lt3A_1392 = vector.broadcast %lt3A_1391 : f32 to vector<1x128xf32>
    %lt3A_1393 = arith.cmpf olt, %dot_general3A_1387, %lt3A_1392 : vector<1x128xf32>
    %convert_element_type3A_1394 = arith.extui %lt3A_1393 : vector<1x128xi1> to vector<1x128xi32>
    %convert_element_type3A_1395 = arith.sitofp %convert_element_type3A_1394 : vector<1x128xi32> to vector<1x128xf32>
    %mul3A_1396 = arith.mulf %get3A_1390, %convert_element_type3A_1395 : vector<1x128xf32>
    %swap3A_1397 = arith.constant 4 : index
    %swap3A_1398 = arith.constant 0 : index
    %swap3A_1399 = vector.load %arg4[%swap3A_1397, %swap3A_1398] : memref<8x256xf32, #tpu.memory_space<vmem>>, vector<1x128xf32>
    tpu.vector_store %arg4[%swap3A_1397, %swap3A_1398], %mul3A_1396 {strides = array<i32>} : memref<8x256xf32, #tpu.memory_space<vmem>>, vector<1x128xf32>,
    %slice3A_1400 = vector.extract_strided_slice %get3A_4 {offsets = [4, 128], sizes = [1, 128], strides = [1, 1]} : vector<8x256xf32> to vector<1x128xf32>
    %slice3A_1401 = vector.extract_strided_slice %get3A_10 {offsets = [4, 128], sizes = [1, 128], strides = [1, 1]} : vector<8x256xf32> to vector<1x128xf32>
    %slice3A_1402 = vector.extract_strided_slice %get3A_16 {offsets = [4, 128], sizes = [1, 128], strides = [1, 1]} : vector<8x256xf32> to vector<1x128xf32>
    %slice3A_1403 = vector.extract_strided_slice %get3A_22 {offsets = [4, 128], sizes = [1, 128], strides = [1, 1]} : vector<8x256xf32> to vector<1x128xf32>
    %slice3A_1404 = vector.extract_strided_slice %get3A_28 {offsets = [4, 128], sizes = [1, 128], strides = [1, 1]} : vector<8x256xf32> to vector<1x128xf32>
    %min3A_1405 = vector.broadcast %slice3A_954 : vector<256x1xf32> to vector<256x128xf32>
    %min3A_1406 = vector.broadcast %slice3A_1401 : vector<1x128xf32> to vector<256x128xf32>
    %min3A_1407 = arith.minimumf %min3A_1405, %min3A_1406 : vector<256x128xf32>
    %max3A_1408 = vector.broadcast %slice3A_953 : vector<256x1xf32> to vector<256x128xf32>
    %max3A_1409 = vector.broadcast %slice3A_1400 : vector<1x128xf32> to vector<256x128xf32>
    %max3A_1410 = arith.maximumf %max3A_1408, %max3A_1409 : vector<256x128xf32>
    %sub3A_1411 = arith.subf %min3A_1407, %max3A_1410 : vector<256x128xf32>
    %max3A_1412 = arith.constant 0.000000e+00 : f32
    %max3A_1413 = vector.broadcast %max3A_1412 : f32 to vector<256x128xf32>
    %max3A_1414 = arith.maximumf %sub3A_1411, %max3A_1413 : vector<256x128xf32>
    %min3A_1415 = vector.broadcast %slice3A_956 : vector<256x1xf32> to vector<256x128xf32>
    %min3A_1416 = vector.broadcast %slice3A_1403 : vector<1x128xf32> to vector<256x128xf32>
    %min3A_1417 = arith.minimumf %min3A_1415, %min3A_1416 : vector<256x128xf32>
    %max3A_1418 = vector.broadcast %slice3A_955 : vector<256x1xf32> to vector<256x128xf32>
    %max3A_1419 = vector.broadcast %slice3A_1402 : vector<1x128xf32> to vector<256x128xf32>
    %max3A_1420 = arith.maximumf %max3A_1418, %max3A_1419 : vector<256x128xf32>
    %sub3A_1421 = arith.subf %min3A_1417, %max3A_1420 : vector<256x128xf32>
    %max3A_1422 = arith.constant 0.000000e+00 : f32
    %max3A_1423 = vector.broadcast %max3A_1422 : f32 to vector<256x128xf32>
    %max3A_1424 = arith.maximumf %sub3A_1421, %max3A_1423 : vector<256x128xf32>
    %mul3A_1425 = arith.mulf %max3A_1414, %max3A_1424 : vector<256x128xf32>
    %add3A_1426 = vector.broadcast %slice3A_957 : vector<256x1xf32> to vector<256x128xf32>
    %add3A_1427 = vector.broadcast %slice3A_1404 : vector<1x128xf32> to vector<256x128xf32>
    %add3A_1428 = arith.addf %add3A_1426, %add3A_1427 : vector<256x128xf32>
    %sub3A_1429 = arith.subf %add3A_1428, %mul3A_1425 : vector<256x128xf32>
    %max3A_1430 = arith.constant 9.99999997E-7 : f32
    %max3A_1431 = vector.broadcast %max3A_1430 : f32 to vector<256x128xf32>
    %max3A_1432 = arith.maximumf %sub3A_1429, %max3A_1431 : vector<256x128xf32>
    %div3A_1433 = arith.divf %mul3A_1425, %max3A_1432 : vector<256x128xf32>
    %gt3A_1434 = arith.constant 0.699999988 : f32
    %gt3A_1435 = vector.broadcast %gt3A_1434 : f32 to vector<256x128xf32>
    %gt3A_1436 = arith.cmpf ogt, %div3A_1433, %gt3A_1435 : vector<256x128xf32>
    %convert_element_type3A_1437 = arith.extui %gt3A_1436 : vector<256x128xi1> to vector<256x128xi32>
    %convert_element_type3A_1438 = arith.sitofp %convert_element_type3A_1437 : vector<256x128xi32> to vector<256x128xf32>
    %dot_general3A_1439 = arith.constant dense<0.000000e+00> : vector<1x128xf32>
    %dot_general3A_1440 = tpu.matmul %while3A_1007#0, %convert_element_type3A_1438, %dot_general3A_1439 {dimension_numbers = #tpu.dot_dimension_numbers<[1], [0], [0], [1], [0, 0, 1, 1], [], []>, transpose_lhs_hint = false} : vector<1x256xf32>, vector<256x128xf32>, vector<1x128xf32> -> vector<1x128xf32>
    %get3A_1441 = arith.constant 4 : index
    %get3A_1442 = arith.constant 128 : index
    %get3A_1443 = vector.load %arg4[%get3A_1441, %get3A_1442] : memref<8x256xf32, #tpu.memory_space<vmem>>, vector<1x128xf32>
    %lt3A_1444 = arith.constant 5.000000e-01 : f32
    %lt3A_1445 = vector.broadcast %lt3A_1444 : f32 to vector<1x128xf32>
    %lt3A_1446 = arith.cmpf olt, %dot_general3A_1440, %lt3A_1445 : vector<1x128xf32>
    %convert_element_type3A_1447 = arith.extui %lt3A_1446 : vector<1x128xi1> to vector<1x128xi32>
    %convert_element_type3A_1448 = arith.sitofp %convert_element_type3A_1447 : vector<1x128xi32> to vector<1x128xf32>
    %mul3A_1449 = arith.mulf %get3A_1443, %convert_element_type3A_1448 : vector<1x128xf32>
    %swap3A_1450 = arith.constant 4 : index
    %swap3A_1451 = arith.constant 128 : index
    %swap3A_1452 = vector.load %arg4[%swap3A_1450, %swap3A_1451] : memref<8x256xf32, #tpu.memory_space<vmem>>, vector<1x128xf32>
    tpu.vector_store %arg4[%swap3A_1450, %swap3A_1451], %mul3A_1449 {strides = array<i32>} : memref<8x256xf32, #tpu.memory_space<vmem>>, vector<1x128xf32>,
    %slice3A_1453 = vector.extract_strided_slice %get3A_4 {offsets = [5, 0], sizes = [1, 128], strides = [1, 1]} : vector<8x256xf32> to vector<1x128xf32>
    %slice3A_1454 = vector.extract_strided_slice %get3A_10 {offsets = [5, 0], sizes = [1, 128], strides = [1, 1]} : vector<8x256xf32> to vector<1x128xf32>
    %slice3A_1455 = vector.extract_strided_slice %get3A_16 {offsets = [5, 0], sizes = [1, 128], strides = [1, 1]} : vector<8x256xf32> to vector<1x128xf32>
    %slice3A_1456 = vector.extract_strided_slice %get3A_22 {offsets = [5, 0], sizes = [1, 128], strides = [1, 1]} : vector<8x256xf32> to vector<1x128xf32>
    %slice3A_1457 = vector.extract_strided_slice %get3A_28 {offsets = [5, 0], sizes = [1, 128], strides = [1, 1]} : vector<8x256xf32> to vector<1x128xf32>
    %min3A_1458 = vector.broadcast %slice3A_954 : vector<256x1xf32> to vector<256x128xf32>
    %min3A_1459 = vector.broadcast %slice3A_1454 : vector<1x128xf32> to vector<256x128xf32>
    %min3A_1460 = arith.minimumf %min3A_1458, %min3A_1459 : vector<256x128xf32>
    %max3A_1461 = vector.broadcast %slice3A_953 : vector<256x1xf32> to vector<256x128xf32>
    %max3A_1462 = vector.broadcast %slice3A_1453 : vector<1x128xf32> to vector<256x128xf32>
    %max3A_1463 = arith.maximumf %max3A_1461, %max3A_1462 : vector<256x128xf32>
    %sub3A_1464 = arith.subf %min3A_1460, %max3A_1463 : vector<256x128xf32>
    %max3A_1465 = arith.constant 0.000000e+00 : f32
    %max3A_1466 = vector.broadcast %max3A_1465 : f32 to vector<256x128xf32>
    %max3A_1467 = arith.maximumf %sub3A_1464, %max3A_1466 : vector<256x128xf32>
    %min3A_1468 = vector.broadcast %slice3A_956 : vector<256x1xf32> to vector<256x128xf32>
    %min3A_1469 = vector.broadcast %slice3A_1456 : vector<1x128xf32> to vector<256x128xf32>
    %min3A_1470 = arith.minimumf %min3A_1468, %min3A_1469 : vector<256x128xf32>
    %max3A_1471 = vector.broadcast %slice3A_955 : vector<256x1xf32> to vector<256x128xf32>
    %max3A_1472 = vector.broadcast %slice3A_1455 : vector<1x128xf32> to vector<256x128xf32>
    %max3A_1473 = arith.maximumf %max3A_1471, %max3A_1472 : vector<256x128xf32>
    %sub3A_1474 = arith.subf %min3A_1470, %max3A_1473 : vector<256x128xf32>
    %max3A_1475 = arith.constant 0.000000e+00 : f32
    %max3A_1476 = vector.broadcast %max3A_1475 : f32 to vector<256x128xf32>
    %max3A_1477 = arith.maximumf %sub3A_1474, %max3A_1476 : vector<256x128xf32>
    %mul3A_1478 = arith.mulf %max3A_1467, %max3A_1477 : vector<256x128xf32>
    %add3A_1479 = vector.broadcast %slice3A_957 : vector<256x1xf32> to vector<256x128xf32>
    %add3A_1480 = vector.broadcast %slice3A_1457 : vector<1x128xf32> to vector<256x128xf32>
    %add3A_1481 = arith.addf %add3A_1479, %add3A_1480 : vector<256x128xf32>
    %sub3A_1482 = arith.subf %add3A_1481, %mul3A_1478 : vector<256x128xf32>
    %max3A_1483 = arith.constant 9.99999997E-7 : f32
    %max3A_1484 = vector.broadcast %max3A_1483 : f32 to vector<256x128xf32>
    %max3A_1485 = arith.maximumf %sub3A_1482, %max3A_1484 : vector<256x128xf32>
    %div3A_1486 = arith.divf %mul3A_1478, %max3A_1485 : vector<256x128xf32>
    %gt3A_1487 = arith.constant 0.699999988 : f32
    %gt3A_1488 = vector.broadcast %gt3A_1487 : f32 to vector<256x128xf32>
    %gt3A_1489 = arith.cmpf ogt, %div3A_1486, %gt3A_1488 : vector<256x128xf32>
    %convert_element_type3A_1490 = arith.extui %gt3A_1489 : vector<256x128xi1> to vector<256x128xi32>
    %convert_element_type3A_1491 = arith.sitofp %convert_element_type3A_1490 : vector<256x128xi32> to vector<256x128xf32>
    %dot_general3A_1492 = arith.constant dense<0.000000e+00> : vector<1x128xf32>
    %dot_general3A_1493 = tpu.matmul %while3A_1007#0, %convert_element_type3A_1491, %dot_general3A_1492 {dimension_numbers = #tpu.dot_dimension_numbers<[1], [0], [0], [1], [0, 0, 1, 1], [], []>, transpose_lhs_hint = false} : vector<1x256xf32>, vector<256x128xf32>, vector<1x128xf32> -> vector<1x128xf32>
    %get3A_1494 = arith.constant 5 : index
    %get3A_1495 = arith.constant 0 : index
    %get3A_1496 = vector.load %arg4[%get3A_1494, %get3A_1495] : memref<8x256xf32, #tpu.memory_space<vmem>>, vector<1x128xf32>
    %lt3A_1497 = arith.constant 5.000000e-01 : f32
    %lt3A_1498 = vector.broadcast %lt3A_1497 : f32 to vector<1x128xf32>
    %lt3A_1499 = arith.cmpf olt, %dot_general3A_1493, %lt3A_1498 : vector<1x128xf32>
    %convert_element_type3A_1500 = arith.extui %lt3A_1499 : vector<1x128xi1> to vector<1x128xi32>
    %convert_element_type3A_1501 = arith.sitofp %convert_element_type3A_1500 : vector<1x128xi32> to vector<1x128xf32>
    %mul3A_1502 = arith.mulf %get3A_1496, %convert_element_type3A_1501 : vector<1x128xf32>
    %swap3A_1503 = arith.constant 5 : index
    %swap3A_1504 = arith.constant 0 : index
    %swap3A_1505 = vector.load %arg4[%swap3A_1503, %swap3A_1504] : memref<8x256xf32, #tpu.memory_space<vmem>>, vector<1x128xf32>
    tpu.vector_store %arg4[%swap3A_1503, %swap3A_1504], %mul3A_1502 {strides = array<i32>} : memref<8x256xf32, #tpu.memory_space<vmem>>, vector<1x128xf32>,
    %slice3A_1506 = vector.extract_strided_slice %get3A_4 {offsets = [5, 128], sizes = [1, 128], strides = [1, 1]} : vector<8x256xf32> to vector<1x128xf32>
    %slice3A_1507 = vector.extract_strided_slice %get3A_10 {offsets = [5, 128], sizes = [1, 128], strides = [1, 1]} : vector<8x256xf32> to vector<1x128xf32>
    %slice3A_1508 = vector.extract_strided_slice %get3A_16 {offsets = [5, 128], sizes = [1, 128], strides = [1, 1]} : vector<8x256xf32> to vector<1x128xf32>
    %slice3A_1509 = vector.extract_strided_slice %get3A_22 {offsets = [5, 128], sizes = [1, 128], strides = [1, 1]} : vector<8x256xf32> to vector<1x128xf32>
    %slice3A_1510 = vector.extract_strided_slice %get3A_28 {offsets = [5, 128], sizes = [1, 128], strides = [1, 1]} : vector<8x256xf32> to vector<1x128xf32>
    %min3A_1511 = vector.broadcast %slice3A_954 : vector<256x1xf32> to vector<256x128xf32>
    %min3A_1512 = vector.broadcast %slice3A_1507 : vector<1x128xf32> to vector<256x128xf32>
    %min3A_1513 = arith.minimumf %min3A_1511, %min3A_1512 : vector<256x128xf32>
    %max3A_1514 = vector.broadcast %slice3A_953 : vector<256x1xf32> to vector<256x128xf32>
    %max3A_1515 = vector.broadcast %slice3A_1506 : vector<1x128xf32> to vector<256x128xf32>
    %max3A_1516 = arith.maximumf %max3A_1514, %max3A_1515 : vector<256x128xf32>
    %sub3A_1517 = arith.subf %min3A_1513, %max3A_1516 : vector<256x128xf32>
    %max3A_1518 = arith.constant 0.000000e+00 : f32
    %max3A_1519 = vector.broadcast %max3A_1518 : f32 to vector<256x128xf32>
    %max3A_1520 = arith.maximumf %sub3A_1517, %max3A_1519 : vector<256x128xf32>
    %min3A_1521 = vector.broadcast %slice3A_956 : vector<256x1xf32> to vector<256x128xf32>
    %min3A_1522 = vector.broadcast %slice3A_1509 : vector<1x128xf32> to vector<256x128xf32>
    %min3A_1523 = arith.minimumf %min3A_1521, %min3A_1522 : vector<256x128xf32>
    %max3A_1524 = vector.broadcast %slice3A_955 : vector<256x1xf32> to vector<256x128xf32>
    %max3A_1525 = vector.broadcast %slice3A_1508 : vector<1x128xf32> to vector<256x128xf32>
    %max3A_1526 = arith.maximumf %max3A_1524, %max3A_1525 : vector<256x128xf32>
    %sub3A_1527 = arith.subf %min3A_1523, %max3A_1526 : vector<256x128xf32>
    %max3A_1528 = arith.constant 0.000000e+00 : f32
    %max3A_1529 = vector.broadcast %max3A_1528 : f32 to vector<256x128xf32>
    %max3A_1530 = arith.maximumf %sub3A_1527, %max3A_1529 : vector<256x128xf32>
    %mul3A_1531 = arith.mulf %max3A_1520, %max3A_1530 : vector<256x128xf32>
    %add3A_1532 = vector.broadcast %slice3A_957 : vector<256x1xf32> to vector<256x128xf32>
    %add3A_1533 = vector.broadcast %slice3A_1510 : vector<1x128xf32> to vector<256x128xf32>
    %add3A_1534 = arith.addf %add3A_1532, %add3A_1533 : vector<256x128xf32>
    %sub3A_1535 = arith.subf %add3A_1534, %mul3A_1531 : vector<256x128xf32>
    %max3A_1536 = arith.constant 9.99999997E-7 : f32
    %max3A_1537 = vector.broadcast %max3A_1536 : f32 to vector<256x128xf32>
    %max3A_1538 = arith.maximumf %sub3A_1535, %max3A_1537 : vector<256x128xf32>
    %div3A_1539 = arith.divf %mul3A_1531, %max3A_1538 : vector<256x128xf32>
    %gt3A_1540 = arith.constant 0.699999988 : f32
    %gt3A_1541 = vector.broadcast %gt3A_1540 : f32 to vector<256x128xf32>
    %gt3A_1542 = arith.cmpf ogt, %div3A_1539, %gt3A_1541 : vector<256x128xf32>
    %convert_element_type3A_1543 = arith.extui %gt3A_1542 : vector<256x128xi1> to vector<256x128xi32>
    %convert_element_type3A_1544 = arith.sitofp %convert_element_type3A_1543 : vector<256x128xi32> to vector<256x128xf32>
    %dot_general3A_1545 = arith.constant dense<0.000000e+00> : vector<1x128xf32>
    %dot_general3A_1546 = tpu.matmul %while3A_1007#0, %convert_element_type3A_1544, %dot_general3A_1545 {dimension_numbers = #tpu.dot_dimension_numbers<[1], [0], [0], [1], [0, 0, 1, 1], [], []>, transpose_lhs_hint = false} : vector<1x256xf32>, vector<256x128xf32>, vector<1x128xf32> -> vector<1x128xf32>
    %get3A_1547 = arith.constant 5 : index
    %get3A_1548 = arith.constant 128 : index
    %get3A_1549 = vector.load %arg4[%get3A_1547, %get3A_1548] : memref<8x256xf32, #tpu.memory_space<vmem>>, vector<1x128xf32>
    %lt3A_1550 = arith.constant 5.000000e-01 : f32
    %lt3A_1551 = vector.broadcast %lt3A_1550 : f32 to vector<1x128xf32>
    %lt3A_1552 = arith.cmpf olt, %dot_general3A_1546, %lt3A_1551 : vector<1x128xf32>
    %convert_element_type3A_1553 = arith.extui %lt3A_1552 : vector<1x128xi1> to vector<1x128xi32>
    %convert_element_type3A_1554 = arith.sitofp %convert_element_type3A_1553 : vector<1x128xi32> to vector<1x128xf32>
    %mul3A_1555 = arith.mulf %get3A_1549, %convert_element_type3A_1554 : vector<1x128xf32>
    %swap3A_1556 = arith.constant 5 : index
    %swap3A_1557 = arith.constant 128 : index
    %swap3A_1558 = vector.load %arg4[%swap3A_1556, %swap3A_1557] : memref<8x256xf32, #tpu.memory_space<vmem>>, vector<1x128xf32>
    tpu.vector_store %arg4[%swap3A_1556, %swap3A_1557], %mul3A_1555 {strides = array<i32>} : memref<8x256xf32, #tpu.memory_space<vmem>>, vector<1x128xf32>,
    %slice3A_1559 = vector.extract_strided_slice %get3A_4 {offsets = [6, 0], sizes = [1, 128], strides = [1, 1]} : vector<8x256xf32> to vector<1x128xf32>
    %slice3A_1560 = vector.extract_strided_slice %get3A_10 {offsets = [6, 0], sizes = [1, 128], strides = [1, 1]} : vector<8x256xf32> to vector<1x128xf32>
    %slice3A_1561 = vector.extract_strided_slice %get3A_16 {offsets = [6, 0], sizes = [1, 128], strides = [1, 1]} : vector<8x256xf32> to vector<1x128xf32>
    %slice3A_1562 = vector.extract_strided_slice %get3A_22 {offsets = [6, 0], sizes = [1, 128], strides = [1, 1]} : vector<8x256xf32> to vector<1x128xf32>
    %slice3A_1563 = vector.extract_strided_slice %get3A_28 {offsets = [6, 0], sizes = [1, 128], strides = [1, 1]} : vector<8x256xf32> to vector<1x128xf32>
    %min3A_1564 = vector.broadcast %slice3A_954 : vector<256x1xf32> to vector<256x128xf32>
    %min3A_1565 = vector.broadcast %slice3A_1560 : vector<1x128xf32> to vector<256x128xf32>
    %min3A_1566 = arith.minimumf %min3A_1564, %min3A_1565 : vector<256x128xf32>
    %max3A_1567 = vector.broadcast %slice3A_953 : vector<256x1xf32> to vector<256x128xf32>
    %max3A_1568 = vector.broadcast %slice3A_1559 : vector<1x128xf32> to vector<256x128xf32>
    %max3A_1569 = arith.maximumf %max3A_1567, %max3A_1568 : vector<256x128xf32>
    %sub3A_1570 = arith.subf %min3A_1566, %max3A_1569 : vector<256x128xf32>
    %max3A_1571 = arith.constant 0.000000e+00 : f32
    %max3A_1572 = vector.broadcast %max3A_1571 : f32 to vector<256x128xf32>
    %max3A_1573 = arith.maximumf %sub3A_1570, %max3A_1572 : vector<256x128xf32>
    %min3A_1574 = vector.broadcast %slice3A_956 : vector<256x1xf32> to vector<256x128xf32>
    %min3A_1575 = vector.broadcast %slice3A_1562 : vector<1x128xf32> to vector<256x128xf32>
    %min3A_1576 = arith.minimumf %min3A_1574, %min3A_1575 : vector<256x128xf32>
    %max3A_1577 = vector.broadcast %slice3A_955 : vector<256x1xf32> to vector<256x128xf32>
    %max3A_1578 = vector.broadcast %slice3A_1561 : vector<1x128xf32> to vector<256x128xf32>
    %max3A_1579 = arith.maximumf %max3A_1577, %max3A_1578 : vector<256x128xf32>
    %sub3A_1580 = arith.subf %min3A_1576, %max3A_1579 : vector<256x128xf32>
    %max3A_1581 = arith.constant 0.000000e+00 : f32
    %max3A_1582 = vector.broadcast %max3A_1581 : f32 to vector<256x128xf32>
    %max3A_1583 = arith.maximumf %sub3A_1580, %max3A_1582 : vector<256x128xf32>
    %mul3A_1584 = arith.mulf %max3A_1573, %max3A_1583 : vector<256x128xf32>
    %add3A_1585 = vector.broadcast %slice3A_957 : vector<256x1xf32> to vector<256x128xf32>
    %add3A_1586 = vector.broadcast %slice3A_1563 : vector<1x128xf32> to vector<256x128xf32>
    %add3A_1587 = arith.addf %add3A_1585, %add3A_1586 : vector<256x128xf32>
    %sub3A_1588 = arith.subf %add3A_1587, %mul3A_1584 : vector<256x128xf32>
    %max3A_1589 = arith.constant 9.99999997E-7 : f32
    %max3A_1590 = vector.broadcast %max3A_1589 : f32 to vector<256x128xf32>
    %max3A_1591 = arith.maximumf %sub3A_1588, %max3A_1590 : vector<256x128xf32>
    %div3A_1592 = arith.divf %mul3A_1584, %max3A_1591 : vector<256x128xf32>
    %gt3A_1593 = arith.constant 0.699999988 : f32
    %gt3A_1594 = vector.broadcast %gt3A_1593 : f32 to vector<256x128xf32>
    %gt3A_1595 = arith.cmpf ogt, %div3A_1592, %gt3A_1594 : vector<256x128xf32>
    %convert_element_type3A_1596 = arith.extui %gt3A_1595 : vector<256x128xi1> to vector<256x128xi32>
    %convert_element_type3A_1597 = arith.sitofp %convert_element_type3A_1596 : vector<256x128xi32> to vector<256x128xf32>
    %dot_general3A_1598 = arith.constant dense<0.000000e+00> : vector<1x128xf32>
    %dot_general3A_1599 = tpu.matmul %while3A_1007#0, %convert_element_type3A_1597, %dot_general3A_1598 {dimension_numbers = #tpu.dot_dimension_numbers<[1], [0], [0], [1], [0, 0, 1, 1], [], []>, transpose_lhs_hint = false} : vector<1x256xf32>, vector<256x128xf32>, vector<1x128xf32> -> vector<1x128xf32>
    %get3A_1600 = arith.constant 6 : index
    %get3A_1601 = arith.constant 0 : index
    %get3A_1602 = vector.load %arg4[%get3A_1600, %get3A_1601] : memref<8x256xf32, #tpu.memory_space<vmem>>, vector<1x128xf32>
    %lt3A_1603 = arith.constant 5.000000e-01 : f32
    %lt3A_1604 = vector.broadcast %lt3A_1603 : f32 to vector<1x128xf32>
    %lt3A_1605 = arith.cmpf olt, %dot_general3A_1599, %lt3A_1604 : vector<1x128xf32>
    %convert_element_type3A_1606 = arith.extui %lt3A_1605 : vector<1x128xi1> to vector<1x128xi32>
    %convert_element_type3A_1607 = arith.sitofp %convert_element_type3A_1606 : vector<1x128xi32> to vector<1x128xf32>
    %mul3A_1608 = arith.mulf %get3A_1602, %convert_element_type3A_1607 : vector<1x128xf32>
    %swap3A_1609 = arith.constant 6 : index
    %swap3A_1610 = arith.constant 0 : index
    %swap3A_1611 = vector.load %arg4[%swap3A_1609, %swap3A_1610] : memref<8x256xf32, #tpu.memory_space<vmem>>, vector<1x128xf32>
    tpu.vector_store %arg4[%swap3A_1609, %swap3A_1610], %mul3A_1608 {strides = array<i32>} : memref<8x256xf32, #tpu.memory_space<vmem>>, vector<1x128xf32>,
    %slice3A_1612 = vector.extract_strided_slice %get3A_4 {offsets = [6, 128], sizes = [1, 128], strides = [1, 1]} : vector<8x256xf32> to vector<1x128xf32>
    %slice3A_1613 = vector.extract_strided_slice %get3A_10 {offsets = [6, 128], sizes = [1, 128], strides = [1, 1]} : vector<8x256xf32> to vector<1x128xf32>
    %slice3A_1614 = vector.extract_strided_slice %get3A_16 {offsets = [6, 128], sizes = [1, 128], strides = [1, 1]} : vector<8x256xf32> to vector<1x128xf32>
    %slice3A_1615 = vector.extract_strided_slice %get3A_22 {offsets = [6, 128], sizes = [1, 128], strides = [1, 1]} : vector<8x256xf32> to vector<1x128xf32>
    %slice3A_1616 = vector.extract_strided_slice %get3A_28 {offsets = [6, 128], sizes = [1, 128], strides = [1, 1]} : vector<8x256xf32> to vector<1x128xf32>
    %min3A_1617 = vector.broadcast %slice3A_954 : vector<256x1xf32> to vector<256x128xf32>
    %min3A_1618 = vector.broadcast %slice3A_1613 : vector<1x128xf32> to vector<256x128xf32>
    %min3A_1619 = arith.minimumf %min3A_1617, %min3A_1618 : vector<256x128xf32>
    %max3A_1620 = vector.broadcast %slice3A_953 : vector<256x1xf32> to vector<256x128xf32>
    %max3A_1621 = vector.broadcast %slice3A_1612 : vector<1x128xf32> to vector<256x128xf32>
    %max3A_1622 = arith.maximumf %max3A_1620, %max3A_1621 : vector<256x128xf32>
    %sub3A_1623 = arith.subf %min3A_1619, %max3A_1622 : vector<256x128xf32>
    %max3A_1624 = arith.constant 0.000000e+00 : f32
    %max3A_1625 = vector.broadcast %max3A_1624 : f32 to vector<256x128xf32>
    %max3A_1626 = arith.maximumf %sub3A_1623, %max3A_1625 : vector<256x128xf32>
    %min3A_1627 = vector.broadcast %slice3A_956 : vector<256x1xf32> to vector<256x128xf32>
    %min3A_1628 = vector.broadcast %slice3A_1615 : vector<1x128xf32> to vector<256x128xf32>
    %min3A_1629 = arith.minimumf %min3A_1627, %min3A_1628 : vector<256x128xf32>
    %max3A_1630 = vector.broadcast %slice3A_955 : vector<256x1xf32> to vector<256x128xf32>
    %max3A_1631 = vector.broadcast %slice3A_1614 : vector<1x128xf32> to vector<256x128xf32>
    %max3A_1632 = arith.maximumf %max3A_1630, %max3A_1631 : vector<256x128xf32>
    %sub3A_1633 = arith.subf %min3A_1629, %max3A_1632 : vector<256x128xf32>
    %max3A_1634 = arith.constant 0.000000e+00 : f32
    %max3A_1635 = vector.broadcast %max3A_1634 : f32 to vector<256x128xf32>
    %max3A_1636 = arith.maximumf %sub3A_1633, %max3A_1635 : vector<256x128xf32>
    %mul3A_1637 = arith.mulf %max3A_1626, %max3A_1636 : vector<256x128xf32>
    %add3A_1638 = vector.broadcast %slice3A_957 : vector<256x1xf32> to vector<256x128xf32>
    %add3A_1639 = vector.broadcast %slice3A_1616 : vector<1x128xf32> to vector<256x128xf32>
    %add3A_1640 = arith.addf %add3A_1638, %add3A_1639 : vector<256x128xf32>
    %sub3A_1641 = arith.subf %add3A_1640, %mul3A_1637 : vector<256x128xf32>
    %max3A_1642 = arith.constant 9.99999997E-7 : f32
    %max3A_1643 = vector.broadcast %max3A_1642 : f32 to vector<256x128xf32>
    %max3A_1644 = arith.maximumf %sub3A_1641, %max3A_1643 : vector<256x128xf32>
    %div3A_1645 = arith.divf %mul3A_1637, %max3A_1644 : vector<256x128xf32>
    %gt3A_1646 = arith.constant 0.699999988 : f32
    %gt3A_1647 = vector.broadcast %gt3A_1646 : f32 to vector<256x128xf32>
    %gt3A_1648 = arith.cmpf ogt, %div3A_1645, %gt3A_1647 : vector<256x128xf32>
    %convert_element_type3A_1649 = arith.extui %gt3A_1648 : vector<256x128xi1> to vector<256x128xi32>
    %convert_element_type3A_1650 = arith.sitofp %convert_element_type3A_1649 : vector<256x128xi32> to vector<256x128xf32>
    %dot_general3A_1651 = arith.constant dense<0.000000e+00> : vector<1x128xf32>
    %dot_general3A_1652 = tpu.matmul %while3A_1007#0, %convert_element_type3A_1650, %dot_general3A_1651 {dimension_numbers = #tpu.dot_dimension_numbers<[1], [0], [0], [1], [0, 0, 1, 1], [], []>, transpose_lhs_hint = false} : vector<1x256xf32>, vector<256x128xf32>, vector<1x128xf32> -> vector<1x128xf32>
    %get3A_1653 = arith.constant 6 : index
    %get3A_1654 = arith.constant 128 : index
    %get3A_1655 = vector.load %arg4[%get3A_1653, %get3A_1654] : memref<8x256xf32, #tpu.memory_space<vmem>>, vector<1x128xf32>
    %lt3A_1656 = arith.constant 5.000000e-01 : f32
    %lt3A_1657 = vector.broadcast %lt3A_1656 : f32 to vector<1x128xf32>
    %lt3A_1658 = arith.cmpf olt, %dot_general3A_1652, %lt3A_1657 : vector<1x128xf32>
    %convert_element_type3A_1659 = arith.extui %lt3A_1658 : vector<1x128xi1> to vector<1x128xi32>
    %convert_element_type3A_1660 = arith.sitofp %convert_element_type3A_1659 : vector<1x128xi32> to vector<1x128xf32>
    %mul3A_1661 = arith.mulf %get3A_1655, %convert_element_type3A_1660 : vector<1x128xf32>
    %swap3A_1662 = arith.constant 6 : index
    %swap3A_1663 = arith.constant 128 : index
    %swap3A_1664 = vector.load %arg4[%swap3A_1662, %swap3A_1663] : memref<8x256xf32, #tpu.memory_space<vmem>>, vector<1x128xf32>
    tpu.vector_store %arg4[%swap3A_1662, %swap3A_1663], %mul3A_1661 {strides = array<i32>} : memref<8x256xf32, #tpu.memory_space<vmem>>, vector<1x128xf32>,
    %slice3A_1665 = vector.extract_strided_slice %get3A_4 {offsets = [7, 0], sizes = [1, 128], strides = [1, 1]} : vector<8x256xf32> to vector<1x128xf32>
    %slice3A_1666 = vector.extract_strided_slice %get3A_10 {offsets = [7, 0], sizes = [1, 128], strides = [1, 1]} : vector<8x256xf32> to vector<1x128xf32>
    %slice3A_1667 = vector.extract_strided_slice %get3A_16 {offsets = [7, 0], sizes = [1, 128], strides = [1, 1]} : vector<8x256xf32> to vector<1x128xf32>
    %slice3A_1668 = vector.extract_strided_slice %get3A_22 {offsets = [7, 0], sizes = [1, 128], strides = [1, 1]} : vector<8x256xf32> to vector<1x128xf32>
    %slice3A_1669 = vector.extract_strided_slice %get3A_28 {offsets = [7, 0], sizes = [1, 128], strides = [1, 1]} : vector<8x256xf32> to vector<1x128xf32>
    %min3A_1670 = vector.broadcast %slice3A_954 : vector<256x1xf32> to vector<256x128xf32>
    %min3A_1671 = vector.broadcast %slice3A_1666 : vector<1x128xf32> to vector<256x128xf32>
    %min3A_1672 = arith.minimumf %min3A_1670, %min3A_1671 : vector<256x128xf32>
    %max3A_1673 = vector.broadcast %slice3A_953 : vector<256x1xf32> to vector<256x128xf32>
    %max3A_1674 = vector.broadcast %slice3A_1665 : vector<1x128xf32> to vector<256x128xf32>
    %max3A_1675 = arith.maximumf %max3A_1673, %max3A_1674 : vector<256x128xf32>
    %sub3A_1676 = arith.subf %min3A_1672, %max3A_1675 : vector<256x128xf32>
    %max3A_1677 = arith.constant 0.000000e+00 : f32
    %max3A_1678 = vector.broadcast %max3A_1677 : f32 to vector<256x128xf32>
    %max3A_1679 = arith.maximumf %sub3A_1676, %max3A_1678 : vector<256x128xf32>
    %min3A_1680 = vector.broadcast %slice3A_956 : vector<256x1xf32> to vector<256x128xf32>
    %min3A_1681 = vector.broadcast %slice3A_1668 : vector<1x128xf32> to vector<256x128xf32>
    %min3A_1682 = arith.minimumf %min3A_1680, %min3A_1681 : vector<256x128xf32>
    %max3A_1683 = vector.broadcast %slice3A_955 : vector<256x1xf32> to vector<256x128xf32>
    %max3A_1684 = vector.broadcast %slice3A_1667 : vector<1x128xf32> to vector<256x128xf32>
    %max3A_1685 = arith.maximumf %max3A_1683, %max3A_1684 : vector<256x128xf32>
    %sub3A_1686 = arith.subf %min3A_1682, %max3A_1685 : vector<256x128xf32>
    %max3A_1687 = arith.constant 0.000000e+00 : f32
    %max3A_1688 = vector.broadcast %max3A_1687 : f32 to vector<256x128xf32>
    %max3A_1689 = arith.maximumf %sub3A_1686, %max3A_1688 : vector<256x128xf32>
    %mul3A_1690 = arith.mulf %max3A_1679, %max3A_1689 : vector<256x128xf32>
    %add3A_1691 = vector.broadcast %slice3A_957 : vector<256x1xf32> to vector<256x128xf32>
    %add3A_1692 = vector.broadcast %slice3A_1669 : vector<1x128xf32> to vector<256x128xf32>
    %add3A_1693 = arith.addf %add3A_1691, %add3A_1692 : vector<256x128xf32>
    %sub3A_1694 = arith.subf %add3A_1693, %mul3A_1690 : vector<256x128xf32>
    %max3A_1695 = arith.constant 9.99999997E-7 : f32
    %max3A_1696 = vector.broadcast %max3A_1695 : f32 to vector<256x128xf32>
    %max3A_1697 = arith.maximumf %sub3A_1694, %max3A_1696 : vector<256x128xf32>
    %div3A_1698 = arith.divf %mul3A_1690, %max3A_1697 : vector<256x128xf32>
    %gt3A_1699 = arith.constant 0.699999988 : f32
    %gt3A_1700 = vector.broadcast %gt3A_1699 : f32 to vector<256x128xf32>
    %gt3A_1701 = arith.cmpf ogt, %div3A_1698, %gt3A_1700 : vector<256x128xf32>
    %convert_element_type3A_1702 = arith.extui %gt3A_1701 : vector<256x128xi1> to vector<256x128xi32>
    %convert_element_type3A_1703 = arith.sitofp %convert_element_type3A_1702 : vector<256x128xi32> to vector<256x128xf32>
    %dot_general3A_1704 = arith.constant dense<0.000000e+00> : vector<1x128xf32>
    %dot_general3A_1705 = tpu.matmul %while3A_1007#0, %convert_element_type3A_1703, %dot_general3A_1704 {dimension_numbers = #tpu.dot_dimension_numbers<[1], [0], [0], [1], [0, 0, 1, 1], [], []>, transpose_lhs_hint = false} : vector<1x256xf32>, vector<256x128xf32>, vector<1x128xf32> -> vector<1x128xf32>
    %get3A_1706 = arith.constant 7 : index
    %get3A_1707 = arith.constant 0 : index
    %get3A_1708 = vector.load %arg4[%get3A_1706, %get3A_1707] : memref<8x256xf32, #tpu.memory_space<vmem>>, vector<1x128xf32>
    %lt3A_1709 = arith.constant 5.000000e-01 : f32
    %lt3A_1710 = vector.broadcast %lt3A_1709 : f32 to vector<1x128xf32>
    %lt3A_1711 = arith.cmpf olt, %dot_general3A_1705, %lt3A_1710 : vector<1x128xf32>
    %convert_element_type3A_1712 = arith.extui %lt3A_1711 : vector<1x128xi1> to vector<1x128xi32>
    %convert_element_type3A_1713 = arith.sitofp %convert_element_type3A_1712 : vector<1x128xi32> to vector<1x128xf32>
    %mul3A_1714 = arith.mulf %get3A_1708, %convert_element_type3A_1713 : vector<1x128xf32>
    %swap3A_1715 = arith.constant 7 : index
    %swap3A_1716 = arith.constant 0 : index
    %swap3A_1717 = vector.load %arg4[%swap3A_1715, %swap3A_1716] : memref<8x256xf32, #tpu.memory_space<vmem>>, vector<1x128xf32>
    tpu.vector_store %arg4[%swap3A_1715, %swap3A_1716], %mul3A_1714 {strides = array<i32>} : memref<8x256xf32, #tpu.memory_space<vmem>>, vector<1x128xf32>,
    %slice3A_1718 = vector.extract_strided_slice %get3A_4 {offsets = [7, 128], sizes = [1, 128], strides = [1, 1]} : vector<8x256xf32> to vector<1x128xf32>
    %slice3A_1719 = vector.extract_strided_slice %get3A_10 {offsets = [7, 128], sizes = [1, 128], strides = [1, 1]} : vector<8x256xf32> to vector<1x128xf32>
    %slice3A_1720 = vector.extract_strided_slice %get3A_16 {offsets = [7, 128], sizes = [1, 128], strides = [1, 1]} : vector<8x256xf32> to vector<1x128xf32>
    %slice3A_1721 = vector.extract_strided_slice %get3A_22 {offsets = [7, 128], sizes = [1, 128], strides = [1, 1]} : vector<8x256xf32> to vector<1x128xf32>
    %slice3A_1722 = vector.extract_strided_slice %get3A_28 {offsets = [7, 128], sizes = [1, 128], strides = [1, 1]} : vector<8x256xf32> to vector<1x128xf32>
    %min3A_1723 = vector.broadcast %slice3A_954 : vector<256x1xf32> to vector<256x128xf32>
    %min3A_1724 = vector.broadcast %slice3A_1719 : vector<1x128xf32> to vector<256x128xf32>
    %min3A_1725 = arith.minimumf %min3A_1723, %min3A_1724 : vector<256x128xf32>
    %max3A_1726 = vector.broadcast %slice3A_953 : vector<256x1xf32> to vector<256x128xf32>
    %max3A_1727 = vector.broadcast %slice3A_1718 : vector<1x128xf32> to vector<256x128xf32>
    %max3A_1728 = arith.maximumf %max3A_1726, %max3A_1727 : vector<256x128xf32>
    %sub3A_1729 = arith.subf %min3A_1725, %max3A_1728 : vector<256x128xf32>
    %max3A_1730 = arith.constant 0.000000e+00 : f32
    %max3A_1731 = vector.broadcast %max3A_1730 : f32 to vector<256x128xf32>
    %max3A_1732 = arith.maximumf %sub3A_1729, %max3A_1731 : vector<256x128xf32>
    %min3A_1733 = vector.broadcast %slice3A_956 : vector<256x1xf32> to vector<256x128xf32>
    %min3A_1734 = vector.broadcast %slice3A_1721 : vector<1x128xf32> to vector<256x128xf32>
    %min3A_1735 = arith.minimumf %min3A_1733, %min3A_1734 : vector<256x128xf32>
    %max3A_1736 = vector.broadcast %slice3A_955 : vector<256x1xf32> to vector<256x128xf32>
    %max3A_1737 = vector.broadcast %slice3A_1720 : vector<1x128xf32> to vector<256x128xf32>
    %max3A_1738 = arith.maximumf %max3A_1736, %max3A_1737 : vector<256x128xf32>
    %sub3A_1739 = arith.subf %min3A_1735, %max3A_1738 : vector<256x128xf32>
    %max3A_1740 = arith.constant 0.000000e+00 : f32
    %max3A_1741 = vector.broadcast %max3A_1740 : f32 to vector<256x128xf32>
    %max3A_1742 = arith.maximumf %sub3A_1739, %max3A_1741 : vector<256x128xf32>
    %mul3A_1743 = arith.mulf %max3A_1732, %max3A_1742 : vector<256x128xf32>
    %add3A_1744 = vector.broadcast %slice3A_957 : vector<256x1xf32> to vector<256x128xf32>
    %add3A_1745 = vector.broadcast %slice3A_1722 : vector<1x128xf32> to vector<256x128xf32>
    %add3A_1746 = arith.addf %add3A_1744, %add3A_1745 : vector<256x128xf32>
    %sub3A_1747 = arith.subf %add3A_1746, %mul3A_1743 : vector<256x128xf32>
    %max3A_1748 = arith.constant 9.99999997E-7 : f32
    %max3A_1749 = vector.broadcast %max3A_1748 : f32 to vector<256x128xf32>
    %max3A_1750 = arith.maximumf %sub3A_1747, %max3A_1749 : vector<256x128xf32>
    %div3A_1751 = arith.divf %mul3A_1743, %max3A_1750 : vector<256x128xf32>
    %gt3A_1752 = arith.constant 0.699999988 : f32
    %gt3A_1753 = vector.broadcast %gt3A_1752 : f32 to vector<256x128xf32>
    %gt3A_1754 = arith.cmpf ogt, %div3A_1751, %gt3A_1753 : vector<256x128xf32>
    %convert_element_type3A_1755 = arith.extui %gt3A_1754 : vector<256x128xi1> to vector<256x128xi32>
    %convert_element_type3A_1756 = arith.sitofp %convert_element_type3A_1755 : vector<256x128xi32> to vector<256x128xf32>
    %dot_general3A_1757 = arith.constant dense<0.000000e+00> : vector<1x128xf32>
    %dot_general3A_1758 = tpu.matmul %while3A_1007#0, %convert_element_type3A_1756, %dot_general3A_1757 {dimension_numbers = #tpu.dot_dimension_numbers<[1], [0], [0], [1], [0, 0, 1, 1], [], []>, transpose_lhs_hint = false} : vector<1x256xf32>, vector<256x128xf32>, vector<1x128xf32> -> vector<1x128xf32>
    %get3A_1759 = arith.constant 7 : index
    %get3A_1760 = arith.constant 128 : index
    %get3A_1761 = vector.load %arg4[%get3A_1759, %get3A_1760] : memref<8x256xf32, #tpu.memory_space<vmem>>, vector<1x128xf32>
    %lt3A_1762 = arith.constant 5.000000e-01 : f32
    %lt3A_1763 = vector.broadcast %lt3A_1762 : f32 to vector<1x128xf32>
    %lt3A_1764 = arith.cmpf olt, %dot_general3A_1758, %lt3A_1763 : vector<1x128xf32>
    %convert_element_type3A_1765 = arith.extui %lt3A_1764 : vector<1x128xi1> to vector<1x128xi32>
    %convert_element_type3A_1766 = arith.sitofp %convert_element_type3A_1765 : vector<1x128xi32> to vector<1x128xf32>
    %mul3A_1767 = arith.mulf %get3A_1761, %convert_element_type3A_1766 : vector<1x128xf32>
    %swap3A_1768 = arith.constant 7 : index
    %swap3A_1769 = arith.constant 128 : index
    %swap3A_1770 = vector.load %arg4[%swap3A_1768, %swap3A_1769] : memref<8x256xf32, #tpu.memory_space<vmem>>, vector<1x128xf32>
    tpu.vector_store %arg4[%swap3A_1768, %swap3A_1769], %mul3A_1767 {strides = array<i32>} : memref<8x256xf32, #tpu.memory_space<vmem>>, vector<1x128xf32>,
    %get3A_1771 = arith.constant 0 : index
    %get3A_1772 = arith.constant 512 : index
    %get3A_1773 = arith.constant 0 : index
    %get3A_1774 = vector.load %arg1[%get3A_1771, %get3A_1772, %get3A_1773] : memref<1x2048x24xf32, #tpu.memory_space<vmem>>, vector<1x256x24xf32>
    %get3A_1775 = vector.shape_cast %get3A_1774 : vector<1x256x24xf32> to vector<256x24xf32>
    %slice3A_1776 = vector.extract_strided_slice %get3A_1775 {offsets = [0, 8], sizes = [256, 1], strides = [1, 1]} : vector<256x24xf32> to vector<256x1xf32>
    %slice3A_1777 = vector.extract_strided_slice %get3A_1775 {offsets = [0, 9], sizes = [256, 1], strides = [1, 1]} : vector<256x24xf32> to vector<256x1xf32>
    %slice3A_1778 = vector.extract_strided_slice %get3A_1775 {offsets = [0, 10], sizes = [256, 1], strides = [1, 1]} : vector<256x24xf32> to vector<256x1xf32>
    %slice3A_1779 = vector.extract_strided_slice %get3A_1775 {offsets = [0, 11], sizes = [256, 1], strides = [1, 1]} : vector<256x24xf32> to vector<256x1xf32>
    %slice3A_1780 = vector.extract_strided_slice %get3A_1775 {offsets = [0, 12], sizes = [256, 1], strides = [1, 1]} : vector<256x24xf32> to vector<256x1xf32>
    %slice3A_1781 = vector.extract_strided_slice %get3A_4 {offsets = [2, 0], sizes = [1, 256], strides = [1, 1]} : vector<8x256xf32> to vector<1x256xf32>
    %slice3A_1782 = vector.extract_strided_slice %get3A_10 {offsets = [2, 0], sizes = [1, 256], strides = [1, 1]} : vector<8x256xf32> to vector<1x256xf32>
    %slice3A_1783 = vector.extract_strided_slice %get3A_16 {offsets = [2, 0], sizes = [1, 256], strides = [1, 1]} : vector<8x256xf32> to vector<1x256xf32>
    %slice3A_1784 = vector.extract_strided_slice %get3A_22 {offsets = [2, 0], sizes = [1, 256], strides = [1, 1]} : vector<8x256xf32> to vector<1x256xf32>
    %slice3A_1785 = vector.extract_strided_slice %get3A_28 {offsets = [2, 0], sizes = [1, 256], strides = [1, 1]} : vector<8x256xf32> to vector<1x256xf32>
    %min3A_1786 = vector.broadcast %slice3A_1777 : vector<256x1xf32> to vector<256x256xf32>
    %min3A_1787 = vector.broadcast %slice3A_1782 : vector<1x256xf32> to vector<256x256xf32>
    %min3A_1788 = arith.minimumf %min3A_1786, %min3A_1787 : vector<256x256xf32>
    %max3A_1789 = vector.broadcast %slice3A_1776 : vector<256x1xf32> to vector<256x256xf32>
    %max3A_1790 = vector.broadcast %slice3A_1781 : vector<1x256xf32> to vector<256x256xf32>
    %max3A_1791 = arith.maximumf %max3A_1789, %max3A_1790 : vector<256x256xf32>
    %sub3A_1792 = arith.subf %min3A_1788, %max3A_1791 : vector<256x256xf32>
    %max3A_1793 = arith.constant 0.000000e+00 : f32
    %max3A_1794 = vector.broadcast %max3A_1793 : f32 to vector<256x256xf32>
    %max3A_1795 = arith.maximumf %sub3A_1792, %max3A_1794 : vector<256x256xf32>
    %min3A_1796 = vector.broadcast %slice3A_1779 : vector<256x1xf32> to vector<256x256xf32>
    %min3A_1797 = vector.broadcast %slice3A_1784 : vector<1x256xf32> to vector<256x256xf32>
    %min3A_1798 = arith.minimumf %min3A_1796, %min3A_1797 : vector<256x256xf32>
    %max3A_1799 = vector.broadcast %slice3A_1778 : vector<256x1xf32> to vector<256x256xf32>
    %max3A_1800 = vector.broadcast %slice3A_1783 : vector<1x256xf32> to vector<256x256xf32>
    %max3A_1801 = arith.maximumf %max3A_1799, %max3A_1800 : vector<256x256xf32>
    %sub3A_1802 = arith.subf %min3A_1798, %max3A_1801 : vector<256x256xf32>
    %max3A_1803 = arith.constant 0.000000e+00 : f32
    %max3A_1804 = vector.broadcast %max3A_1803 : f32 to vector<256x256xf32>
    %max3A_1805 = arith.maximumf %sub3A_1802, %max3A_1804 : vector<256x256xf32>
    %mul3A_1806 = arith.mulf %max3A_1795, %max3A_1805 : vector<256x256xf32>
    %add3A_1807 = vector.broadcast %slice3A_1780 : vector<256x1xf32> to vector<256x256xf32>
    %add3A_1808 = vector.broadcast %slice3A_1785 : vector<1x256xf32> to vector<256x256xf32>
    %add3A_1809 = arith.addf %add3A_1807, %add3A_1808 : vector<256x256xf32>
    %sub3A_1810 = arith.subf %add3A_1809, %mul3A_1806 : vector<256x256xf32>
    %max3A_1811 = arith.constant 9.99999997E-7 : f32
    %max3A_1812 = vector.broadcast %max3A_1811 : f32 to vector<256x256xf32>
    %max3A_1813 = arith.maximumf %sub3A_1810, %max3A_1812 : vector<256x256xf32>
    %div3A_1814 = arith.divf %mul3A_1806, %max3A_1813 : vector<256x256xf32>
    %gt3A_1815 = arith.constant 0.699999988 : f32
    %gt3A_1816 = vector.broadcast %gt3A_1815 : f32 to vector<256x256xf32>
    %gt3A_1817 = arith.cmpf ogt, %div3A_1814, %gt3A_1816 : vector<256x256xf32>
    %convert_element_type3A_1818 = arith.extui %gt3A_1817 : vector<256x256xi1> to vector<256x256xi32>
    %convert_element_type3A_1819 = arith.sitofp %convert_element_type3A_1818 : vector<256x256xi32> to vector<256x256xf32>
    %iota3A_1820 = tpu.iota {dimensions = array<i32: 0>} : vector<256x256xi32>
    %iota3A_1821 = tpu.iota {dimensions = array<i32: 1>} : vector<256x256xi32>
    %lt3A_1822 = arith.cmpi slt, %iota3A_1820, %iota3A_1821 : vector<256x256xi32>
    %convert_element_type3A_1823 = arith.extui %lt3A_1822 : vector<256x256xi1> to vector<256x256xi32>
    %convert_element_type3A_1824 = arith.sitofp %convert_element_type3A_1823 : vector<256x256xi32> to vector<256x256xf32>
    %mul3A_1825 = arith.mulf %convert_element_type3A_1819, %convert_element_type3A_1824 : vector<256x256xf32>
    %get3A_1826 = arith.constant 2 : index
    %get3A_1827 = arith.constant 0 : index
    %get3A_1828 = vector.load %arg4[%get3A_1826, %get3A_1827] : memref<8x256xf32, #tpu.memory_space<vmem>>, vector<1x256xf32>
    %while3A_1829 = arith.constant true
    %while3A_1830:2 = scf.while (%while3A_4770 = %get3A_1828, %while3A_4771 = %while3A_1829) : (vector<1x256xf32>, i1) -> (vector<1x256xf32>, i1) {
      scf.condition(%while3A_4771) %while3A_4770, %while3A_4771 : vector<1x256xf32>, i1
    } do {
    ^bb0(%while3A_4770: vector<1x256xf32>, %while3A_4771: i1):
      %dot_general3A_4772 = arith.constant dense<0.000000e+00> : vector<1x256xf32>
      %dot_general3A_4773 = tpu.matmul %while3A_4770, %mul3A_1825, %dot_general3A_4772 {dimension_numbers = #tpu.dot_dimension_numbers<[1], [0], [0], [1], [0, 0, 1, 1], [], []>, transpose_lhs_hint = false} : vector<1x256xf32>, vector<256x256xf32>, vector<1x256xf32> -> vector<1x256xf32>
      %lt3A_4774 = arith.constant 5.000000e-01 : f32
      %lt3A_4775 = vector.broadcast %lt3A_4774 : f32 to vector<1x256xf32>
      %lt3A_4776 = arith.cmpf olt, %dot_general3A_4773, %lt3A_4775 : vector<1x256xf32>
      %convert_element_type3A_4777 = arith.extui %lt3A_4776 : vector<1x256xi1> to vector<1x256xi32>
      %convert_element_type3A_4778 = arith.sitofp %convert_element_type3A_4777 : vector<1x256xi32> to vector<1x256xf32>
      %mul3A_4779 = arith.mulf %get3A_1828, %convert_element_type3A_4778 : vector<1x256xf32>
      %ne3A = arith.cmpf one, %mul3A_4779, %while3A_4770 : vector<1x256xf32>
      %reduce_or3A = arith.constant 1.000000e+00 : f32
      %reduce_or3A_4780 = arith.constant 0.000000e+00 : f32
      %reduce_or3A_4781 = vector.broadcast %reduce_or3A : f32 to vector<1x256xf32>
      %reduce_or3A_4782 = vector.broadcast %reduce_or3A_4780 : f32 to vector<1x256xf32>
      %reduce_or3A_4783 = arith.select %ne3A, %reduce_or3A_4781, %reduce_or3A_4782 : vector<1x256xi1>, vector<1x256xf32>
      %reduce_or3A_4784 = vector.shape_cast %reduce_or3A_4783 : vector<1x256xf32> to vector<1x1x256xf32>
      %reduce_or3A_4785 = arith.constant dense<0xFF800000> : vector<1xf32>
      %reduce_or3A_4786 = vector.multi_reduction <maximumf>, %reduce_or3A_4784, %reduce_or3A_4785 [1, 2] : vector<1x1x256xf32> to vector<1xf32>
      %reduce_or3A_4787 = vector.shape_cast %reduce_or3A_4786 : vector<1xf32> to vector<1x1x1xf32>
      %reduce_or3A_4788 = vector.extract %reduce_or3A_4787[0, 0, 0] : f32 from vector<1x1x1xf32>
      %reduce_or3A_4789 = arith.constant 0.000000e+00 : f32
      %reduce_or3A_4790 = arith.cmpf ogt, %reduce_or3A_4788, %reduce_or3A_4789 : f32
      scf.yield %mul3A_4779, %reduce_or3A_4790 : vector<1x256xf32>, i1
    }
    %swap3A_1831 = arith.constant 2 : index
    %swap3A_1832 = arith.constant 0 : index
    %swap3A_1833 = vector.load %arg4[%swap3A_1831, %swap3A_1832] : memref<8x256xf32, #tpu.memory_space<vmem>>, vector<1x256xf32>
    tpu.vector_store %arg4[%swap3A_1831, %swap3A_1832], %while3A_1830#0 {strides = array<i32>} : memref<8x256xf32, #tpu.memory_space<vmem>>, vector<1x256xf32>,
    %slice3A_1834 = vector.extract_strided_slice %get3A_4 {offsets = [2, 0], sizes = [1, 128], strides = [1, 1]} : vector<8x256xf32> to vector<1x128xf32>
    %slice3A_1835 = vector.extract_strided_slice %get3A_10 {offsets = [2, 0], sizes = [1, 128], strides = [1, 1]} : vector<8x256xf32> to vector<1x128xf32>
    %slice3A_1836 = vector.extract_strided_slice %get3A_16 {offsets = [2, 0], sizes = [1, 128], strides = [1, 1]} : vector<8x256xf32> to vector<1x128xf32>
    %slice3A_1837 = vector.extract_strided_slice %get3A_22 {offsets = [2, 0], sizes = [1, 128], strides = [1, 1]} : vector<8x256xf32> to vector<1x128xf32>
    %slice3A_1838 = vector.extract_strided_slice %get3A_28 {offsets = [2, 0], sizes = [1, 128], strides = [1, 1]} : vector<8x256xf32> to vector<1x128xf32>
    %min3A_1839 = vector.broadcast %slice3A_1777 : vector<256x1xf32> to vector<256x128xf32>
    %min3A_1840 = vector.broadcast %slice3A_1835 : vector<1x128xf32> to vector<256x128xf32>
    %min3A_1841 = arith.minimumf %min3A_1839, %min3A_1840 : vector<256x128xf32>
    %max3A_1842 = vector.broadcast %slice3A_1776 : vector<256x1xf32> to vector<256x128xf32>
    %max3A_1843 = vector.broadcast %slice3A_1834 : vector<1x128xf32> to vector<256x128xf32>
    %max3A_1844 = arith.maximumf %max3A_1842, %max3A_1843 : vector<256x128xf32>
    %sub3A_1845 = arith.subf %min3A_1841, %max3A_1844 : vector<256x128xf32>
    %max3A_1846 = arith.constant 0.000000e+00 : f32
    %max3A_1847 = vector.broadcast %max3A_1846 : f32 to vector<256x128xf32>
    %max3A_1848 = arith.maximumf %sub3A_1845, %max3A_1847 : vector<256x128xf32>
    %min3A_1849 = vector.broadcast %slice3A_1779 : vector<256x1xf32> to vector<256x128xf32>
    %min3A_1850 = vector.broadcast %slice3A_1837 : vector<1x128xf32> to vector<256x128xf32>
    %min3A_1851 = arith.minimumf %min3A_1849, %min3A_1850 : vector<256x128xf32>
    %max3A_1852 = vector.broadcast %slice3A_1778 : vector<256x1xf32> to vector<256x128xf32>
    %max3A_1853 = vector.broadcast %slice3A_1836 : vector<1x128xf32> to vector<256x128xf32>
    %max3A_1854 = arith.maximumf %max3A_1852, %max3A_1853 : vector<256x128xf32>
    %sub3A_1855 = arith.subf %min3A_1851, %max3A_1854 : vector<256x128xf32>
    %max3A_1856 = arith.constant 0.000000e+00 : f32
    %max3A_1857 = vector.broadcast %max3A_1856 : f32 to vector<256x128xf32>
    %max3A_1858 = arith.maximumf %sub3A_1855, %max3A_1857 : vector<256x128xf32>
    %mul3A_1859 = arith.mulf %max3A_1848, %max3A_1858 : vector<256x128xf32>
    %add3A_1860 = vector.broadcast %slice3A_1780 : vector<256x1xf32> to vector<256x128xf32>
    %add3A_1861 = vector.broadcast %slice3A_1838 : vector<1x128xf32> to vector<256x128xf32>
    %add3A_1862 = arith.addf %add3A_1860, %add3A_1861 : vector<256x128xf32>
    %sub3A_1863 = arith.subf %add3A_1862, %mul3A_1859 : vector<256x128xf32>
    %max3A_1864 = arith.constant 9.99999997E-7 : f32
    %max3A_1865 = vector.broadcast %max3A_1864 : f32 to vector<256x128xf32>
    %max3A_1866 = arith.maximumf %sub3A_1863, %max3A_1865 : vector<256x128xf32>
    %div3A_1867 = arith.divf %mul3A_1859, %max3A_1866 : vector<256x128xf32>
    %gt3A_1868 = arith.constant 0.699999988 : f32
    %gt3A_1869 = vector.broadcast %gt3A_1868 : f32 to vector<256x128xf32>
    %gt3A_1870 = arith.cmpf ogt, %div3A_1867, %gt3A_1869 : vector<256x128xf32>
    %convert_element_type3A_1871 = arith.extui %gt3A_1870 : vector<256x128xi1> to vector<256x128xi32>
    %convert_element_type3A_1872 = arith.sitofp %convert_element_type3A_1871 : vector<256x128xi32> to vector<256x128xf32>
    %iota3A_1873 = tpu.iota {dimensions = array<i32: 0>} : vector<256x128xi32>
    %iota3A_1874 = tpu.iota {dimensions = array<i32: 1>} : vector<256x128xi32>
    %add3A_1875 = arith.constant 0 : i32
    %add3A_1876 = vector.broadcast %add3A_1875 : i32 to vector<256x128xi32>
    %add3A_1877 = arith.addi %iota3A_1874, %add3A_1876 : vector<256x128xi32>
    %lt3A_1878 = arith.cmpi slt, %iota3A_1873, %add3A_1877 : vector<256x128xi32>
    %convert_element_type3A_1879 = arith.extui %lt3A_1878 : vector<256x128xi1> to vector<256x128xi32>
    %convert_element_type3A_1880 = arith.sitofp %convert_element_type3A_1879 : vector<256x128xi32> to vector<256x128xf32>
    %mul3A_1881 = arith.mulf %convert_element_type3A_1872, %convert_element_type3A_1880 : vector<256x128xf32>
    %dot_general3A_1882 = arith.constant dense<0.000000e+00> : vector<1x128xf32>
    %dot_general3A_1883 = tpu.matmul %while3A_1830#0, %mul3A_1881, %dot_general3A_1882 {dimension_numbers = #tpu.dot_dimension_numbers<[1], [0], [0], [1], [0, 0, 1, 1], [], []>, transpose_lhs_hint = false} : vector<1x256xf32>, vector<256x128xf32>, vector<1x128xf32> -> vector<1x128xf32>
    %get3A_1884 = arith.constant 2 : index
    %get3A_1885 = arith.constant 0 : index
    %get3A_1886 = vector.load %arg4[%get3A_1884, %get3A_1885] : memref<8x256xf32, #tpu.memory_space<vmem>>, vector<1x128xf32>
    %lt3A_1887 = arith.constant 5.000000e-01 : f32
    %lt3A_1888 = vector.broadcast %lt3A_1887 : f32 to vector<1x128xf32>
    %lt3A_1889 = arith.cmpf olt, %dot_general3A_1883, %lt3A_1888 : vector<1x128xf32>
    %convert_element_type3A_1890 = arith.extui %lt3A_1889 : vector<1x128xi1> to vector<1x128xi32>
    %convert_element_type3A_1891 = arith.sitofp %convert_element_type3A_1890 : vector<1x128xi32> to vector<1x128xf32>
    %mul3A_1892 = arith.mulf %get3A_1886, %convert_element_type3A_1891 : vector<1x128xf32>
    %swap3A_1893 = arith.constant 2 : index
    %swap3A_1894 = arith.constant 0 : index
    %swap3A_1895 = vector.load %arg4[%swap3A_1893, %swap3A_1894] : memref<8x256xf32, #tpu.memory_space<vmem>>, vector<1x128xf32>
    tpu.vector_store %arg4[%swap3A_1893, %swap3A_1894], %mul3A_1892 {strides = array<i32>} : memref<8x256xf32, #tpu.memory_space<vmem>>, vector<1x128xf32>,
    %slice3A_1896 = vector.extract_strided_slice %get3A_4 {offsets = [2, 128], sizes = [1, 128], strides = [1, 1]} : vector<8x256xf32> to vector<1x128xf32>
    %slice3A_1897 = vector.extract_strided_slice %get3A_10 {offsets = [2, 128], sizes = [1, 128], strides = [1, 1]} : vector<8x256xf32> to vector<1x128xf32>
    %slice3A_1898 = vector.extract_strided_slice %get3A_16 {offsets = [2, 128], sizes = [1, 128], strides = [1, 1]} : vector<8x256xf32> to vector<1x128xf32>
    %slice3A_1899 = vector.extract_strided_slice %get3A_22 {offsets = [2, 128], sizes = [1, 128], strides = [1, 1]} : vector<8x256xf32> to vector<1x128xf32>
    %slice3A_1900 = vector.extract_strided_slice %get3A_28 {offsets = [2, 128], sizes = [1, 128], strides = [1, 1]} : vector<8x256xf32> to vector<1x128xf32>
    %min3A_1901 = vector.broadcast %slice3A_1777 : vector<256x1xf32> to vector<256x128xf32>
    %min3A_1902 = vector.broadcast %slice3A_1897 : vector<1x128xf32> to vector<256x128xf32>
    %min3A_1903 = arith.minimumf %min3A_1901, %min3A_1902 : vector<256x128xf32>
    %max3A_1904 = vector.broadcast %slice3A_1776 : vector<256x1xf32> to vector<256x128xf32>
    %max3A_1905 = vector.broadcast %slice3A_1896 : vector<1x128xf32> to vector<256x128xf32>
    %max3A_1906 = arith.maximumf %max3A_1904, %max3A_1905 : vector<256x128xf32>
    %sub3A_1907 = arith.subf %min3A_1903, %max3A_1906 : vector<256x128xf32>
    %max3A_1908 = arith.constant 0.000000e+00 : f32
    %max3A_1909 = vector.broadcast %max3A_1908 : f32 to vector<256x128xf32>
    %max3A_1910 = arith.maximumf %sub3A_1907, %max3A_1909 : vector<256x128xf32>
    %min3A_1911 = vector.broadcast %slice3A_1779 : vector<256x1xf32> to vector<256x128xf32>
    %min3A_1912 = vector.broadcast %slice3A_1899 : vector<1x128xf32> to vector<256x128xf32>
    %min3A_1913 = arith.minimumf %min3A_1911, %min3A_1912 : vector<256x128xf32>
    %max3A_1914 = vector.broadcast %slice3A_1778 : vector<256x1xf32> to vector<256x128xf32>
    %max3A_1915 = vector.broadcast %slice3A_1898 : vector<1x128xf32> to vector<256x128xf32>
    %max3A_1916 = arith.maximumf %max3A_1914, %max3A_1915 : vector<256x128xf32>
    %sub3A_1917 = arith.subf %min3A_1913, %max3A_1916 : vector<256x128xf32>
    %max3A_1918 = arith.constant 0.000000e+00 : f32
    %max3A_1919 = vector.broadcast %max3A_1918 : f32 to vector<256x128xf32>
    %max3A_1920 = arith.maximumf %sub3A_1917, %max3A_1919 : vector<256x128xf32>
    %mul3A_1921 = arith.mulf %max3A_1910, %max3A_1920 : vector<256x128xf32>
    %add3A_1922 = vector.broadcast %slice3A_1780 : vector<256x1xf32> to vector<256x128xf32>
    %add3A_1923 = vector.broadcast %slice3A_1900 : vector<1x128xf32> to vector<256x128xf32>
    %add3A_1924 = arith.addf %add3A_1922, %add3A_1923 : vector<256x128xf32>
    %sub3A_1925 = arith.subf %add3A_1924, %mul3A_1921 : vector<256x128xf32>
    %max3A_1926 = arith.constant 9.99999997E-7 : f32
    %max3A_1927 = vector.broadcast %max3A_1926 : f32 to vector<256x128xf32>
    %max3A_1928 = arith.maximumf %sub3A_1925, %max3A_1927 : vector<256x128xf32>
    %div3A_1929 = arith.divf %mul3A_1921, %max3A_1928 : vector<256x128xf32>
    %gt3A_1930 = arith.constant 0.699999988 : f32
    %gt3A_1931 = vector.broadcast %gt3A_1930 : f32 to vector<256x128xf32>
    %gt3A_1932 = arith.cmpf ogt, %div3A_1929, %gt3A_1931 : vector<256x128xf32>
    %convert_element_type3A_1933 = arith.extui %gt3A_1932 : vector<256x128xi1> to vector<256x128xi32>
    %convert_element_type3A_1934 = arith.sitofp %convert_element_type3A_1933 : vector<256x128xi32> to vector<256x128xf32>
    %iota3A_1935 = tpu.iota {dimensions = array<i32: 0>} : vector<256x128xi32>
    %iota3A_1936 = tpu.iota {dimensions = array<i32: 1>} : vector<256x128xi32>
    %add3A_1937 = arith.constant 128 : i32
    %add3A_1938 = vector.broadcast %add3A_1937 : i32 to vector<256x128xi32>
    %add3A_1939 = arith.addi %iota3A_1936, %add3A_1938 : vector<256x128xi32>
    %lt3A_1940 = arith.cmpi slt, %iota3A_1935, %add3A_1939 : vector<256x128xi32>
    %convert_element_type3A_1941 = arith.extui %lt3A_1940 : vector<256x128xi1> to vector<256x128xi32>
    %convert_element_type3A_1942 = arith.sitofp %convert_element_type3A_1941 : vector<256x128xi32> to vector<256x128xf32>
    %mul3A_1943 = arith.mulf %convert_element_type3A_1934, %convert_element_type3A_1942 : vector<256x128xf32>
    %dot_general3A_1944 = arith.constant dense<0.000000e+00> : vector<1x128xf32>
    %dot_general3A_1945 = tpu.matmul %while3A_1830#0, %mul3A_1943, %dot_general3A_1944 {dimension_numbers = #tpu.dot_dimension_numbers<[1], [0], [0], [1], [0, 0, 1, 1], [], []>, transpose_lhs_hint = false} : vector<1x256xf32>, vector<256x128xf32>, vector<1x128xf32> -> vector<1x128xf32>
    %get3A_1946 = arith.constant 2 : index
    %get3A_1947 = arith.constant 128 : index
    %get3A_1948 = vector.load %arg4[%get3A_1946, %get3A_1947] : memref<8x256xf32, #tpu.memory_space<vmem>>, vector<1x128xf32>
    %lt3A_1949 = arith.constant 5.000000e-01 : f32
    %lt3A_1950 = vector.broadcast %lt3A_1949 : f32 to vector<1x128xf32>
    %lt3A_1951 = arith.cmpf olt, %dot_general3A_1945, %lt3A_1950 : vector<1x128xf32>
    %convert_element_type3A_1952 = arith.extui %lt3A_1951 : vector<1x128xi1> to vector<1x128xi32>
    %convert_element_type3A_1953 = arith.sitofp %convert_element_type3A_1952 : vector<1x128xi32> to vector<1x128xf32>
    %mul3A_1954 = arith.mulf %get3A_1948, %convert_element_type3A_1953 : vector<1x128xf32>
    %swap3A_1955 = arith.constant 2 : index
    %swap3A_1956 = arith.constant 128 : index
    %swap3A_1957 = vector.load %arg4[%swap3A_1955, %swap3A_1956] : memref<8x256xf32, #tpu.memory_space<vmem>>, vector<1x128xf32>
    tpu.vector_store %arg4[%swap3A_1955, %swap3A_1956], %mul3A_1954 {strides = array<i32>} : memref<8x256xf32, #tpu.memory_space<vmem>>, vector<1x128xf32>,
    %slice3A_1958 = vector.extract_strided_slice %get3A_4 {offsets = [3, 0], sizes = [1, 128], strides = [1, 1]} : vector<8x256xf32> to vector<1x128xf32>
    %slice3A_1959 = vector.extract_strided_slice %get3A_10 {offsets = [3, 0], sizes = [1, 128], strides = [1, 1]} : vector<8x256xf32> to vector<1x128xf32>
    %slice3A_1960 = vector.extract_strided_slice %get3A_16 {offsets = [3, 0], sizes = [1, 128], strides = [1, 1]} : vector<8x256xf32> to vector<1x128xf32>
    %slice3A_1961 = vector.extract_strided_slice %get3A_22 {offsets = [3, 0], sizes = [1, 128], strides = [1, 1]} : vector<8x256xf32> to vector<1x128xf32>
    %slice3A_1962 = vector.extract_strided_slice %get3A_28 {offsets = [3, 0], sizes = [1, 128], strides = [1, 1]} : vector<8x256xf32> to vector<1x128xf32>
    %min3A_1963 = vector.broadcast %slice3A_1777 : vector<256x1xf32> to vector<256x128xf32>
    %min3A_1964 = vector.broadcast %slice3A_1959 : vector<1x128xf32> to vector<256x128xf32>
    %min3A_1965 = arith.minimumf %min3A_1963, %min3A_1964 : vector<256x128xf32>
    %max3A_1966 = vector.broadcast %slice3A_1776 : vector<256x1xf32> to vector<256x128xf32>
    %max3A_1967 = vector.broadcast %slice3A_1958 : vector<1x128xf32> to vector<256x128xf32>
    %max3A_1968 = arith.maximumf %max3A_1966, %max3A_1967 : vector<256x128xf32>
    %sub3A_1969 = arith.subf %min3A_1965, %max3A_1968 : vector<256x128xf32>
    %max3A_1970 = arith.constant 0.000000e+00 : f32
    %max3A_1971 = vector.broadcast %max3A_1970 : f32 to vector<256x128xf32>
    %max3A_1972 = arith.maximumf %sub3A_1969, %max3A_1971 : vector<256x128xf32>
    %min3A_1973 = vector.broadcast %slice3A_1779 : vector<256x1xf32> to vector<256x128xf32>
    %min3A_1974 = vector.broadcast %slice3A_1961 : vector<1x128xf32> to vector<256x128xf32>
    %min3A_1975 = arith.minimumf %min3A_1973, %min3A_1974 : vector<256x128xf32>
    %max3A_1976 = vector.broadcast %slice3A_1778 : vector<256x1xf32> to vector<256x128xf32>
    %max3A_1977 = vector.broadcast %slice3A_1960 : vector<1x128xf32> to vector<256x128xf32>
    %max3A_1978 = arith.maximumf %max3A_1976, %max3A_1977 : vector<256x128xf32>
    %sub3A_1979 = arith.subf %min3A_1975, %max3A_1978 : vector<256x128xf32>
    %max3A_1980 = arith.constant 0.000000e+00 : f32
    %max3A_1981 = vector.broadcast %max3A_1980 : f32 to vector<256x128xf32>
    %max3A_1982 = arith.maximumf %sub3A_1979, %max3A_1981 : vector<256x128xf32>
    %mul3A_1983 = arith.mulf %max3A_1972, %max3A_1982 : vector<256x128xf32>
    %add3A_1984 = vector.broadcast %slice3A_1780 : vector<256x1xf32> to vector<256x128xf32>
    %add3A_1985 = vector.broadcast %slice3A_1962 : vector<1x128xf32> to vector<256x128xf32>
    %add3A_1986 = arith.addf %add3A_1984, %add3A_1985 : vector<256x128xf32>
    %sub3A_1987 = arith.subf %add3A_1986, %mul3A_1983 : vector<256x128xf32>
    %max3A_1988 = arith.constant 9.99999997E-7 : f32
    %max3A_1989 = vector.broadcast %max3A_1988 : f32 to vector<256x128xf32>
    %max3A_1990 = arith.maximumf %sub3A_1987, %max3A_1989 : vector<256x128xf32>
    %div3A_1991 = arith.divf %mul3A_1983, %max3A_1990 : vector<256x128xf32>
    %gt3A_1992 = arith.constant 0.699999988 : f32
    %gt3A_1993 = vector.broadcast %gt3A_1992 : f32 to vector<256x128xf32>
    %gt3A_1994 = arith.cmpf ogt, %div3A_1991, %gt3A_1993 : vector<256x128xf32>
    %convert_element_type3A_1995 = arith.extui %gt3A_1994 : vector<256x128xi1> to vector<256x128xi32>
    %convert_element_type3A_1996 = arith.sitofp %convert_element_type3A_1995 : vector<256x128xi32> to vector<256x128xf32>
    %dot_general3A_1997 = arith.constant dense<0.000000e+00> : vector<1x128xf32>
    %dot_general3A_1998 = tpu.matmul %while3A_1830#0, %convert_element_type3A_1996, %dot_general3A_1997 {dimension_numbers = #tpu.dot_dimension_numbers<[1], [0], [0], [1], [0, 0, 1, 1], [], []>, transpose_lhs_hint = false} : vector<1x256xf32>, vector<256x128xf32>, vector<1x128xf32> -> vector<1x128xf32>
    %get3A_1999 = arith.constant 3 : index
    %get3A_2000 = arith.constant 0 : index
    %get3A_2001 = vector.load %arg4[%get3A_1999, %get3A_2000] : memref<8x256xf32, #tpu.memory_space<vmem>>, vector<1x128xf32>
    %lt3A_2002 = arith.constant 5.000000e-01 : f32
    %lt3A_2003 = vector.broadcast %lt3A_2002 : f32 to vector<1x128xf32>
    %lt3A_2004 = arith.cmpf olt, %dot_general3A_1998, %lt3A_2003 : vector<1x128xf32>
    %convert_element_type3A_2005 = arith.extui %lt3A_2004 : vector<1x128xi1> to vector<1x128xi32>
    %convert_element_type3A_2006 = arith.sitofp %convert_element_type3A_2005 : vector<1x128xi32> to vector<1x128xf32>
    %mul3A_2007 = arith.mulf %get3A_2001, %convert_element_type3A_2006 : vector<1x128xf32>
    %swap3A_2008 = arith.constant 3 : index
    %swap3A_2009 = arith.constant 0 : index
    %swap3A_2010 = vector.load %arg4[%swap3A_2008, %swap3A_2009] : memref<8x256xf32, #tpu.memory_space<vmem>>, vector<1x128xf32>
    tpu.vector_store %arg4[%swap3A_2008, %swap3A_2009], %mul3A_2007 {strides = array<i32>} : memref<8x256xf32, #tpu.memory_space<vmem>>, vector<1x128xf32>,
    %slice3A_2011 = vector.extract_strided_slice %get3A_4 {offsets = [3, 128], sizes = [1, 128], strides = [1, 1]} : vector<8x256xf32> to vector<1x128xf32>
    %slice3A_2012 = vector.extract_strided_slice %get3A_10 {offsets = [3, 128], sizes = [1, 128], strides = [1, 1]} : vector<8x256xf32> to vector<1x128xf32>
    %slice3A_2013 = vector.extract_strided_slice %get3A_16 {offsets = [3, 128], sizes = [1, 128], strides = [1, 1]} : vector<8x256xf32> to vector<1x128xf32>
    %slice3A_2014 = vector.extract_strided_slice %get3A_22 {offsets = [3, 128], sizes = [1, 128], strides = [1, 1]} : vector<8x256xf32> to vector<1x128xf32>
    %slice3A_2015 = vector.extract_strided_slice %get3A_28 {offsets = [3, 128], sizes = [1, 128], strides = [1, 1]} : vector<8x256xf32> to vector<1x128xf32>
    %min3A_2016 = vector.broadcast %slice3A_1777 : vector<256x1xf32> to vector<256x128xf32>
    %min3A_2017 = vector.broadcast %slice3A_2012 : vector<1x128xf32> to vector<256x128xf32>
    %min3A_2018 = arith.minimumf %min3A_2016, %min3A_2017 : vector<256x128xf32>
    %max3A_2019 = vector.broadcast %slice3A_1776 : vector<256x1xf32> to vector<256x128xf32>
    %max3A_2020 = vector.broadcast %slice3A_2011 : vector<1x128xf32> to vector<256x128xf32>
    %max3A_2021 = arith.maximumf %max3A_2019, %max3A_2020 : vector<256x128xf32>
    %sub3A_2022 = arith.subf %min3A_2018, %max3A_2021 : vector<256x128xf32>
    %max3A_2023 = arith.constant 0.000000e+00 : f32
    %max3A_2024 = vector.broadcast %max3A_2023 : f32 to vector<256x128xf32>
    %max3A_2025 = arith.maximumf %sub3A_2022, %max3A_2024 : vector<256x128xf32>
    %min3A_2026 = vector.broadcast %slice3A_1779 : vector<256x1xf32> to vector<256x128xf32>
    %min3A_2027 = vector.broadcast %slice3A_2014 : vector<1x128xf32> to vector<256x128xf32>
    %min3A_2028 = arith.minimumf %min3A_2026, %min3A_2027 : vector<256x128xf32>
    %max3A_2029 = vector.broadcast %slice3A_1778 : vector<256x1xf32> to vector<256x128xf32>
    %max3A_2030 = vector.broadcast %slice3A_2013 : vector<1x128xf32> to vector<256x128xf32>
    %max3A_2031 = arith.maximumf %max3A_2029, %max3A_2030 : vector<256x128xf32>
    %sub3A_2032 = arith.subf %min3A_2028, %max3A_2031 : vector<256x128xf32>
    %max3A_2033 = arith.constant 0.000000e+00 : f32
    %max3A_2034 = vector.broadcast %max3A_2033 : f32 to vector<256x128xf32>
    %max3A_2035 = arith.maximumf %sub3A_2032, %max3A_2034 : vector<256x128xf32>
    %mul3A_2036 = arith.mulf %max3A_2025, %max3A_2035 : vector<256x128xf32>
    %add3A_2037 = vector.broadcast %slice3A_1780 : vector<256x1xf32> to vector<256x128xf32>
    %add3A_2038 = vector.broadcast %slice3A_2015 : vector<1x128xf32> to vector<256x128xf32>
    %add3A_2039 = arith.addf %add3A_2037, %add3A_2038 : vector<256x128xf32>
    %sub3A_2040 = arith.subf %add3A_2039, %mul3A_2036 : vector<256x128xf32>
    %max3A_2041 = arith.constant 9.99999997E-7 : f32
    %max3A_2042 = vector.broadcast %max3A_2041 : f32 to vector<256x128xf32>
    %max3A_2043 = arith.maximumf %sub3A_2040, %max3A_2042 : vector<256x128xf32>
    %div3A_2044 = arith.divf %mul3A_2036, %max3A_2043 : vector<256x128xf32>
    %gt3A_2045 = arith.constant 0.699999988 : f32
    %gt3A_2046 = vector.broadcast %gt3A_2045 : f32 to vector<256x128xf32>
    %gt3A_2047 = arith.cmpf ogt, %div3A_2044, %gt3A_2046 : vector<256x128xf32>
    %convert_element_type3A_2048 = arith.extui %gt3A_2047 : vector<256x128xi1> to vector<256x128xi32>
    %convert_element_type3A_2049 = arith.sitofp %convert_element_type3A_2048 : vector<256x128xi32> to vector<256x128xf32>
    %dot_general3A_2050 = arith.constant dense<0.000000e+00> : vector<1x128xf32>
    %dot_general3A_2051 = tpu.matmul %while3A_1830#0, %convert_element_type3A_2049, %dot_general3A_2050 {dimension_numbers = #tpu.dot_dimension_numbers<[1], [0], [0], [1], [0, 0, 1, 1], [], []>, transpose_lhs_hint = false} : vector<1x256xf32>, vector<256x128xf32>, vector<1x128xf32> -> vector<1x128xf32>
    %get3A_2052 = arith.constant 3 : index
    %get3A_2053 = arith.constant 128 : index
    %get3A_2054 = vector.load %arg4[%get3A_2052, %get3A_2053] : memref<8x256xf32, #tpu.memory_space<vmem>>, vector<1x128xf32>
    %lt3A_2055 = arith.constant 5.000000e-01 : f32
    %lt3A_2056 = vector.broadcast %lt3A_2055 : f32 to vector<1x128xf32>
    %lt3A_2057 = arith.cmpf olt, %dot_general3A_2051, %lt3A_2056 : vector<1x128xf32>
    %convert_element_type3A_2058 = arith.extui %lt3A_2057 : vector<1x128xi1> to vector<1x128xi32>
    %convert_element_type3A_2059 = arith.sitofp %convert_element_type3A_2058 : vector<1x128xi32> to vector<1x128xf32>
    %mul3A_2060 = arith.mulf %get3A_2054, %convert_element_type3A_2059 : vector<1x128xf32>
    %swap3A_2061 = arith.constant 3 : index
    %swap3A_2062 = arith.constant 128 : index
    %swap3A_2063 = vector.load %arg4[%swap3A_2061, %swap3A_2062] : memref<8x256xf32, #tpu.memory_space<vmem>>, vector<1x128xf32>
    tpu.vector_store %arg4[%swap3A_2061, %swap3A_2062], %mul3A_2060 {strides = array<i32>} : memref<8x256xf32, #tpu.memory_space<vmem>>, vector<1x128xf32>,
    %slice3A_2064 = vector.extract_strided_slice %get3A_4 {offsets = [4, 0], sizes = [1, 128], strides = [1, 1]} : vector<8x256xf32> to vector<1x128xf32>
    %slice3A_2065 = vector.extract_strided_slice %get3A_10 {offsets = [4, 0], sizes = [1, 128], strides = [1, 1]} : vector<8x256xf32> to vector<1x128xf32>
    %slice3A_2066 = vector.extract_strided_slice %get3A_16 {offsets = [4, 0], sizes = [1, 128], strides = [1, 1]} : vector<8x256xf32> to vector<1x128xf32>
    %slice3A_2067 = vector.extract_strided_slice %get3A_22 {offsets = [4, 0], sizes = [1, 128], strides = [1, 1]} : vector<8x256xf32> to vector<1x128xf32>
    %slice3A_2068 = vector.extract_strided_slice %get3A_28 {offsets = [4, 0], sizes = [1, 128], strides = [1, 1]} : vector<8x256xf32> to vector<1x128xf32>
    %min3A_2069 = vector.broadcast %slice3A_1777 : vector<256x1xf32> to vector<256x128xf32>
    %min3A_2070 = vector.broadcast %slice3A_2065 : vector<1x128xf32> to vector<256x128xf32>
    %min3A_2071 = arith.minimumf %min3A_2069, %min3A_2070 : vector<256x128xf32>
    %max3A_2072 = vector.broadcast %slice3A_1776 : vector<256x1xf32> to vector<256x128xf32>
    %max3A_2073 = vector.broadcast %slice3A_2064 : vector<1x128xf32> to vector<256x128xf32>
    %max3A_2074 = arith.maximumf %max3A_2072, %max3A_2073 : vector<256x128xf32>
    %sub3A_2075 = arith.subf %min3A_2071, %max3A_2074 : vector<256x128xf32>
    %max3A_2076 = arith.constant 0.000000e+00 : f32
    %max3A_2077 = vector.broadcast %max3A_2076 : f32 to vector<256x128xf32>
    %max3A_2078 = arith.maximumf %sub3A_2075, %max3A_2077 : vector<256x128xf32>
    %min3A_2079 = vector.broadcast %slice3A_1779 : vector<256x1xf32> to vector<256x128xf32>
    %min3A_2080 = vector.broadcast %slice3A_2067 : vector<1x128xf32> to vector<256x128xf32>
    %min3A_2081 = arith.minimumf %min3A_2079, %min3A_2080 : vector<256x128xf32>
    %max3A_2082 = vector.broadcast %slice3A_1778 : vector<256x1xf32> to vector<256x128xf32>
    %max3A_2083 = vector.broadcast %slice3A_2066 : vector<1x128xf32> to vector<256x128xf32>
    %max3A_2084 = arith.maximumf %max3A_2082, %max3A_2083 : vector<256x128xf32>
    %sub3A_2085 = arith.subf %min3A_2081, %max3A_2084 : vector<256x128xf32>
    %max3A_2086 = arith.constant 0.000000e+00 : f32
    %max3A_2087 = vector.broadcast %max3A_2086 : f32 to vector<256x128xf32>
    %max3A_2088 = arith.maximumf %sub3A_2085, %max3A_2087 : vector<256x128xf32>
    %mul3A_2089 = arith.mulf %max3A_2078, %max3A_2088 : vector<256x128xf32>
    %add3A_2090 = vector.broadcast %slice3A_1780 : vector<256x1xf32> to vector<256x128xf32>
    %add3A_2091 = vector.broadcast %slice3A_2068 : vector<1x128xf32> to vector<256x128xf32>
    %add3A_2092 = arith.addf %add3A_2090, %add3A_2091 : vector<256x128xf32>
    %sub3A_2093 = arith.subf %add3A_2092, %mul3A_2089 : vector<256x128xf32>
    %max3A_2094 = arith.constant 9.99999997E-7 : f32
    %max3A_2095 = vector.broadcast %max3A_2094 : f32 to vector<256x128xf32>
    %max3A_2096 = arith.maximumf %sub3A_2093, %max3A_2095 : vector<256x128xf32>
    %div3A_2097 = arith.divf %mul3A_2089, %max3A_2096 : vector<256x128xf32>
    %gt3A_2098 = arith.constant 0.699999988 : f32
    %gt3A_2099 = vector.broadcast %gt3A_2098 : f32 to vector<256x128xf32>
    %gt3A_2100 = arith.cmpf ogt, %div3A_2097, %gt3A_2099 : vector<256x128xf32>
    %convert_element_type3A_2101 = arith.extui %gt3A_2100 : vector<256x128xi1> to vector<256x128xi32>
    %convert_element_type3A_2102 = arith.sitofp %convert_element_type3A_2101 : vector<256x128xi32> to vector<256x128xf32>
    %dot_general3A_2103 = arith.constant dense<0.000000e+00> : vector<1x128xf32>
    %dot_general3A_2104 = tpu.matmul %while3A_1830#0, %convert_element_type3A_2102, %dot_general3A_2103 {dimension_numbers = #tpu.dot_dimension_numbers<[1], [0], [0], [1], [0, 0, 1, 1], [], []>, transpose_lhs_hint = false} : vector<1x256xf32>, vector<256x128xf32>, vector<1x128xf32> -> vector<1x128xf32>
    %get3A_2105 = arith.constant 4 : index
    %get3A_2106 = arith.constant 0 : index
    %get3A_2107 = vector.load %arg4[%get3A_2105, %get3A_2106] : memref<8x256xf32, #tpu.memory_space<vmem>>, vector<1x128xf32>
    %lt3A_2108 = arith.constant 5.000000e-01 : f32
    %lt3A_2109 = vector.broadcast %lt3A_2108 : f32 to vector<1x128xf32>
    %lt3A_2110 = arith.cmpf olt, %dot_general3A_2104, %lt3A_2109 : vector<1x128xf32>
    %convert_element_type3A_2111 = arith.extui %lt3A_2110 : vector<1x128xi1> to vector<1x128xi32>
    %convert_element_type3A_2112 = arith.sitofp %convert_element_type3A_2111 : vector<1x128xi32> to vector<1x128xf32>
    %mul3A_2113 = arith.mulf %get3A_2107, %convert_element_type3A_2112 : vector<1x128xf32>
    %swap3A_2114 = arith.constant 4 : index
    %swap3A_2115 = arith.constant 0 : index
    %swap3A_2116 = vector.load %arg4[%swap3A_2114, %swap3A_2115] : memref<8x256xf32, #tpu.memory_space<vmem>>, vector<1x128xf32>
    tpu.vector_store %arg4[%swap3A_2114, %swap3A_2115], %mul3A_2113 {strides = array<i32>} : memref<8x256xf32, #tpu.memory_space<vmem>>, vector<1x128xf32>,
    %slice3A_2117 = vector.extract_strided_slice %get3A_4 {offsets = [4, 128], sizes = [1, 128], strides = [1, 1]} : vector<8x256xf32> to vector<1x128xf32>
    %slice3A_2118 = vector.extract_strided_slice %get3A_10 {offsets = [4, 128], sizes = [1, 128], strides = [1, 1]} : vector<8x256xf32> to vector<1x128xf32>
    %slice3A_2119 = vector.extract_strided_slice %get3A_16 {offsets = [4, 128], sizes = [1, 128], strides = [1, 1]} : vector<8x256xf32> to vector<1x128xf32>
    %slice3A_2120 = vector.extract_strided_slice %get3A_22 {offsets = [4, 128], sizes = [1, 128], strides = [1, 1]} : vector<8x256xf32> to vector<1x128xf32>
    %slice3A_2121 = vector.extract_strided_slice %get3A_28 {offsets = [4, 128], sizes = [1, 128], strides = [1, 1]} : vector<8x256xf32> to vector<1x128xf32>
    %min3A_2122 = vector.broadcast %slice3A_1777 : vector<256x1xf32> to vector<256x128xf32>
    %min3A_2123 = vector.broadcast %slice3A_2118 : vector<1x128xf32> to vector<256x128xf32>
    %min3A_2124 = arith.minimumf %min3A_2122, %min3A_2123 : vector<256x128xf32>
    %max3A_2125 = vector.broadcast %slice3A_1776 : vector<256x1xf32> to vector<256x128xf32>
    %max3A_2126 = vector.broadcast %slice3A_2117 : vector<1x128xf32> to vector<256x128xf32>
    %max3A_2127 = arith.maximumf %max3A_2125, %max3A_2126 : vector<256x128xf32>
    %sub3A_2128 = arith.subf %min3A_2124, %max3A_2127 : vector<256x128xf32>
    %max3A_2129 = arith.constant 0.000000e+00 : f32
    %max3A_2130 = vector.broadcast %max3A_2129 : f32 to vector<256x128xf32>
    %max3A_2131 = arith.maximumf %sub3A_2128, %max3A_2130 : vector<256x128xf32>
    %min3A_2132 = vector.broadcast %slice3A_1779 : vector<256x1xf32> to vector<256x128xf32>
    %min3A_2133 = vector.broadcast %slice3A_2120 : vector<1x128xf32> to vector<256x128xf32>
    %min3A_2134 = arith.minimumf %min3A_2132, %min3A_2133 : vector<256x128xf32>
    %max3A_2135 = vector.broadcast %slice3A_1778 : vector<256x1xf32> to vector<256x128xf32>
    %max3A_2136 = vector.broadcast %slice3A_2119 : vector<1x128xf32> to vector<256x128xf32>
    %max3A_2137 = arith.maximumf %max3A_2135, %max3A_2136 : vector<256x128xf32>
    %sub3A_2138 = arith.subf %min3A_2134, %max3A_2137 : vector<256x128xf32>
    %max3A_2139 = arith.constant 0.000000e+00 : f32
    %max3A_2140 = vector.broadcast %max3A_2139 : f32 to vector<256x128xf32>
    %max3A_2141 = arith.maximumf %sub3A_2138, %max3A_2140 : vector<256x128xf32>
    %mul3A_2142 = arith.mulf %max3A_2131, %max3A_2141 : vector<256x128xf32>
    %add3A_2143 = vector.broadcast %slice3A_1780 : vector<256x1xf32> to vector<256x128xf32>
    %add3A_2144 = vector.broadcast %slice3A_2121 : vector<1x128xf32> to vector<256x128xf32>
    %add3A_2145 = arith.addf %add3A_2143, %add3A_2144 : vector<256x128xf32>
    %sub3A_2146 = arith.subf %add3A_2145, %mul3A_2142 : vector<256x128xf32>
    %max3A_2147 = arith.constant 9.99999997E-7 : f32
    %max3A_2148 = vector.broadcast %max3A_2147 : f32 to vector<256x128xf32>
    %max3A_2149 = arith.maximumf %sub3A_2146, %max3A_2148 : vector<256x128xf32>
    %div3A_2150 = arith.divf %mul3A_2142, %max3A_2149 : vector<256x128xf32>
    %gt3A_2151 = arith.constant 0.699999988 : f32
    %gt3A_2152 = vector.broadcast %gt3A_2151 : f32 to vector<256x128xf32>
    %gt3A_2153 = arith.cmpf ogt, %div3A_2150, %gt3A_2152 : vector<256x128xf32>
    %convert_element_type3A_2154 = arith.extui %gt3A_2153 : vector<256x128xi1> to vector<256x128xi32>
    %convert_element_type3A_2155 = arith.sitofp %convert_element_type3A_2154 : vector<256x128xi32> to vector<256x128xf32>
    %dot_general3A_2156 = arith.constant dense<0.000000e+00> : vector<1x128xf32>
    %dot_general3A_2157 = tpu.matmul %while3A_1830#0, %convert_element_type3A_2155, %dot_general3A_2156 {dimension_numbers = #tpu.dot_dimension_numbers<[1], [0], [0], [1], [0, 0, 1, 1], [], []>, transpose_lhs_hint = false} : vector<1x256xf32>, vector<256x128xf32>, vector<1x128xf32> -> vector<1x128xf32>
    %get3A_2158 = arith.constant 4 : index
    %get3A_2159 = arith.constant 128 : index
    %get3A_2160 = vector.load %arg4[%get3A_2158, %get3A_2159] : memref<8x256xf32, #tpu.memory_space<vmem>>, vector<1x128xf32>
    %lt3A_2161 = arith.constant 5.000000e-01 : f32
    %lt3A_2162 = vector.broadcast %lt3A_2161 : f32 to vector<1x128xf32>
    %lt3A_2163 = arith.cmpf olt, %dot_general3A_2157, %lt3A_2162 : vector<1x128xf32>
    %convert_element_type3A_2164 = arith.extui %lt3A_2163 : vector<1x128xi1> to vector<1x128xi32>
    %convert_element_type3A_2165 = arith.sitofp %convert_element_type3A_2164 : vector<1x128xi32> to vector<1x128xf32>
    %mul3A_2166 = arith.mulf %get3A_2160, %convert_element_type3A_2165 : vector<1x128xf32>
    %swap3A_2167 = arith.constant 4 : index
    %swap3A_2168 = arith.constant 128 : index
    %swap3A_2169 = vector.load %arg4[%swap3A_2167, %swap3A_2168] : memref<8x256xf32, #tpu.memory_space<vmem>>, vector<1x128xf32>
    tpu.vector_store %arg4[%swap3A_2167, %swap3A_2168], %mul3A_2166 {strides = array<i32>} : memref<8x256xf32, #tpu.memory_space<vmem>>, vector<1x128xf32>,
    %slice3A_2170 = vector.extract_strided_slice %get3A_4 {offsets = [5, 0], sizes = [1, 128], strides = [1, 1]} : vector<8x256xf32> to vector<1x128xf32>
    %slice3A_2171 = vector.extract_strided_slice %get3A_10 {offsets = [5, 0], sizes = [1, 128], strides = [1, 1]} : vector<8x256xf32> to vector<1x128xf32>
    %slice3A_2172 = vector.extract_strided_slice %get3A_16 {offsets = [5, 0], sizes = [1, 128], strides = [1, 1]} : vector<8x256xf32> to vector<1x128xf32>
    %slice3A_2173 = vector.extract_strided_slice %get3A_22 {offsets = [5, 0], sizes = [1, 128], strides = [1, 1]} : vector<8x256xf32> to vector<1x128xf32>
    %slice3A_2174 = vector.extract_strided_slice %get3A_28 {offsets = [5, 0], sizes = [1, 128], strides = [1, 1]} : vector<8x256xf32> to vector<1x128xf32>
    %min3A_2175 = vector.broadcast %slice3A_1777 : vector<256x1xf32> to vector<256x128xf32>
    %min3A_2176 = vector.broadcast %slice3A_2171 : vector<1x128xf32> to vector<256x128xf32>
    %min3A_2177 = arith.minimumf %min3A_2175, %min3A_2176 : vector<256x128xf32>
    %max3A_2178 = vector.broadcast %slice3A_1776 : vector<256x1xf32> to vector<256x128xf32>
    %max3A_2179 = vector.broadcast %slice3A_2170 : vector<1x128xf32> to vector<256x128xf32>
    %max3A_2180 = arith.maximumf %max3A_2178, %max3A_2179 : vector<256x128xf32>
    %sub3A_2181 = arith.subf %min3A_2177, %max3A_2180 : vector<256x128xf32>
    %max3A_2182 = arith.constant 0.000000e+00 : f32
    %max3A_2183 = vector.broadcast %max3A_2182 : f32 to vector<256x128xf32>
    %max3A_2184 = arith.maximumf %sub3A_2181, %max3A_2183 : vector<256x128xf32>
    %min3A_2185 = vector.broadcast %slice3A_1779 : vector<256x1xf32> to vector<256x128xf32>
    %min3A_2186 = vector.broadcast %slice3A_2173 : vector<1x128xf32> to vector<256x128xf32>
    %min3A_2187 = arith.minimumf %min3A_2185, %min3A_2186 : vector<256x128xf32>
    %max3A_2188 = vector.broadcast %slice3A_1778 : vector<256x1xf32> to vector<256x128xf32>
    %max3A_2189 = vector.broadcast %slice3A_2172 : vector<1x128xf32> to vector<256x128xf32>
    %max3A_2190 = arith.maximumf %max3A_2188, %max3A_2189 : vector<256x128xf32>
    %sub3A_2191 = arith.subf %min3A_2187, %max3A_2190 : vector<256x128xf32>
    %max3A_2192 = arith.constant 0.000000e+00 : f32
    %max3A_2193 = vector.broadcast %max3A_2192 : f32 to vector<256x128xf32>
    %max3A_2194 = arith.maximumf %sub3A_2191, %max3A_2193 : vector<256x128xf32>
    %mul3A_2195 = arith.mulf %max3A_2184, %max3A_2194 : vector<256x128xf32>
    %add3A_2196 = vector.broadcast %slice3A_1780 : vector<256x1xf32> to vector<256x128xf32>
    %add3A_2197 = vector.broadcast %slice3A_2174 : vector<1x128xf32> to vector<256x128xf32>
    %add3A_2198 = arith.addf %add3A_2196, %add3A_2197 : vector<256x128xf32>
    %sub3A_2199 = arith.subf %add3A_2198, %mul3A_2195 : vector<256x128xf32>
    %max3A_2200 = arith.constant 9.99999997E-7 : f32
    %max3A_2201 = vector.broadcast %max3A_2200 : f32 to vector<256x128xf32>
    %max3A_2202 = arith.maximumf %sub3A_2199, %max3A_2201 : vector<256x128xf32>
    %div3A_2203 = arith.divf %mul3A_2195, %max3A_2202 : vector<256x128xf32>
    %gt3A_2204 = arith.constant 0.699999988 : f32
    %gt3A_2205 = vector.broadcast %gt3A_2204 : f32 to vector<256x128xf32>
    %gt3A_2206 = arith.cmpf ogt, %div3A_2203, %gt3A_2205 : vector<256x128xf32>
    %convert_element_type3A_2207 = arith.extui %gt3A_2206 : vector<256x128xi1> to vector<256x128xi32>
    %convert_element_type3A_2208 = arith.sitofp %convert_element_type3A_2207 : vector<256x128xi32> to vector<256x128xf32>
    %dot_general3A_2209 = arith.constant dense<0.000000e+00> : vector<1x128xf32>
    %dot_general3A_2210 = tpu.matmul %while3A_1830#0, %convert_element_type3A_2208, %dot_general3A_2209 {dimension_numbers = #tpu.dot_dimension_numbers<[1], [0], [0], [1], [0, 0, 1, 1], [], []>, transpose_lhs_hint = false} : vector<1x256xf32>, vector<256x128xf32>, vector<1x128xf32> -> vector<1x128xf32>
    %get3A_2211 = arith.constant 5 : index
    %get3A_2212 = arith.constant 0 : index
    %get3A_2213 = vector.load %arg4[%get3A_2211, %get3A_2212] : memref<8x256xf32, #tpu.memory_space<vmem>>, vector<1x128xf32>
    %lt3A_2214 = arith.constant 5.000000e-01 : f32
    %lt3A_2215 = vector.broadcast %lt3A_2214 : f32 to vector<1x128xf32>
    %lt3A_2216 = arith.cmpf olt, %dot_general3A_2210, %lt3A_2215 : vector<1x128xf32>
    %convert_element_type3A_2217 = arith.extui %lt3A_2216 : vector<1x128xi1> to vector<1x128xi32>
    %convert_element_type3A_2218 = arith.sitofp %convert_element_type3A_2217 : vector<1x128xi32> to vector<1x128xf32>
    %mul3A_2219 = arith.mulf %get3A_2213, %convert_element_type3A_2218 : vector<1x128xf32>
    %swap3A_2220 = arith.constant 5 : index
    %swap3A_2221 = arith.constant 0 : index
    %swap3A_2222 = vector.load %arg4[%swap3A_2220, %swap3A_2221] : memref<8x256xf32, #tpu.memory_space<vmem>>, vector<1x128xf32>
    tpu.vector_store %arg4[%swap3A_2220, %swap3A_2221], %mul3A_2219 {strides = array<i32>} : memref<8x256xf32, #tpu.memory_space<vmem>>, vector<1x128xf32>,
    %slice3A_2223 = vector.extract_strided_slice %get3A_4 {offsets = [5, 128], sizes = [1, 128], strides = [1, 1]} : vector<8x256xf32> to vector<1x128xf32>
    %slice3A_2224 = vector.extract_strided_slice %get3A_10 {offsets = [5, 128], sizes = [1, 128], strides = [1, 1]} : vector<8x256xf32> to vector<1x128xf32>
    %slice3A_2225 = vector.extract_strided_slice %get3A_16 {offsets = [5, 128], sizes = [1, 128], strides = [1, 1]} : vector<8x256xf32> to vector<1x128xf32>
    %slice3A_2226 = vector.extract_strided_slice %get3A_22 {offsets = [5, 128], sizes = [1, 128], strides = [1, 1]} : vector<8x256xf32> to vector<1x128xf32>
    %slice3A_2227 = vector.extract_strided_slice %get3A_28 {offsets = [5, 128], sizes = [1, 128], strides = [1, 1]} : vector<8x256xf32> to vector<1x128xf32>
    %min3A_2228 = vector.broadcast %slice3A_1777 : vector<256x1xf32> to vector<256x128xf32>
    %min3A_2229 = vector.broadcast %slice3A_2224 : vector<1x128xf32> to vector<256x128xf32>
    %min3A_2230 = arith.minimumf %min3A_2228, %min3A_2229 : vector<256x128xf32>
    %max3A_2231 = vector.broadcast %slice3A_1776 : vector<256x1xf32> to vector<256x128xf32>
    %max3A_2232 = vector.broadcast %slice3A_2223 : vector<1x128xf32> to vector<256x128xf32>
    %max3A_2233 = arith.maximumf %max3A_2231, %max3A_2232 : vector<256x128xf32>
    %sub3A_2234 = arith.subf %min3A_2230, %max3A_2233 : vector<256x128xf32>
    %max3A_2235 = arith.constant 0.000000e+00 : f32
    %max3A_2236 = vector.broadcast %max3A_2235 : f32 to vector<256x128xf32>
    %max3A_2237 = arith.maximumf %sub3A_2234, %max3A_2236 : vector<256x128xf32>
    %min3A_2238 = vector.broadcast %slice3A_1779 : vector<256x1xf32> to vector<256x128xf32>
    %min3A_2239 = vector.broadcast %slice3A_2226 : vector<1x128xf32> to vector<256x128xf32>
    %min3A_2240 = arith.minimumf %min3A_2238, %min3A_2239 : vector<256x128xf32>
    %max3A_2241 = vector.broadcast %slice3A_1778 : vector<256x1xf32> to vector<256x128xf32>
    %max3A_2242 = vector.broadcast %slice3A_2225 : vector<1x128xf32> to vector<256x128xf32>
    %max3A_2243 = arith.maximumf %max3A_2241, %max3A_2242 : vector<256x128xf32>
    %sub3A_2244 = arith.subf %min3A_2240, %max3A_2243 : vector<256x128xf32>
    %max3A_2245 = arith.constant 0.000000e+00 : f32
    %max3A_2246 = vector.broadcast %max3A_2245 : f32 to vector<256x128xf32>
    %max3A_2247 = arith.maximumf %sub3A_2244, %max3A_2246 : vector<256x128xf32>
    %mul3A_2248 = arith.mulf %max3A_2237, %max3A_2247 : vector<256x128xf32>
    %add3A_2249 = vector.broadcast %slice3A_1780 : vector<256x1xf32> to vector<256x128xf32>
    %add3A_2250 = vector.broadcast %slice3A_2227 : vector<1x128xf32> to vector<256x128xf32>
    %add3A_2251 = arith.addf %add3A_2249, %add3A_2250 : vector<256x128xf32>
    %sub3A_2252 = arith.subf %add3A_2251, %mul3A_2248 : vector<256x128xf32>
    %max3A_2253 = arith.constant 9.99999997E-7 : f32
    %max3A_2254 = vector.broadcast %max3A_2253 : f32 to vector<256x128xf32>
    %max3A_2255 = arith.maximumf %sub3A_2252, %max3A_2254 : vector<256x128xf32>
    %div3A_2256 = arith.divf %mul3A_2248, %max3A_2255 : vector<256x128xf32>
    %gt3A_2257 = arith.constant 0.699999988 : f32
    %gt3A_2258 = vector.broadcast %gt3A_2257 : f32 to vector<256x128xf32>
    %gt3A_2259 = arith.cmpf ogt, %div3A_2256, %gt3A_2258 : vector<256x128xf32>
    %convert_element_type3A_2260 = arith.extui %gt3A_2259 : vector<256x128xi1> to vector<256x128xi32>
    %convert_element_type3A_2261 = arith.sitofp %convert_element_type3A_2260 : vector<256x128xi32> to vector<256x128xf32>
    %dot_general3A_2262 = arith.constant dense<0.000000e+00> : vector<1x128xf32>
    %dot_general3A_2263 = tpu.matmul %while3A_1830#0, %convert_element_type3A_2261, %dot_general3A_2262 {dimension_numbers = #tpu.dot_dimension_numbers<[1], [0], [0], [1], [0, 0, 1, 1], [], []>, transpose_lhs_hint = false} : vector<1x256xf32>, vector<256x128xf32>, vector<1x128xf32> -> vector<1x128xf32>
    %get3A_2264 = arith.constant 5 : index
    %get3A_2265 = arith.constant 128 : index
    %get3A_2266 = vector.load %arg4[%get3A_2264, %get3A_2265] : memref<8x256xf32, #tpu.memory_space<vmem>>, vector<1x128xf32>
    %lt3A_2267 = arith.constant 5.000000e-01 : f32
    %lt3A_2268 = vector.broadcast %lt3A_2267 : f32 to vector<1x128xf32>
    %lt3A_2269 = arith.cmpf olt, %dot_general3A_2263, %lt3A_2268 : vector<1x128xf32>
    %convert_element_type3A_2270 = arith.extui %lt3A_2269 : vector<1x128xi1> to vector<1x128xi32>
    %convert_element_type3A_2271 = arith.sitofp %convert_element_type3A_2270 : vector<1x128xi32> to vector<1x128xf32>
    %mul3A_2272 = arith.mulf %get3A_2266, %convert_element_type3A_2271 : vector<1x128xf32>
    %swap3A_2273 = arith.constant 5 : index
    %swap3A_2274 = arith.constant 128 : index
    %swap3A_2275 = vector.load %arg4[%swap3A_2273, %swap3A_2274] : memref<8x256xf32, #tpu.memory_space<vmem>>, vector<1x128xf32>
    tpu.vector_store %arg4[%swap3A_2273, %swap3A_2274], %mul3A_2272 {strides = array<i32>} : memref<8x256xf32, #tpu.memory_space<vmem>>, vector<1x128xf32>,
    %slice3A_2276 = vector.extract_strided_slice %get3A_4 {offsets = [6, 0], sizes = [1, 128], strides = [1, 1]} : vector<8x256xf32> to vector<1x128xf32>
    %slice3A_2277 = vector.extract_strided_slice %get3A_10 {offsets = [6, 0], sizes = [1, 128], strides = [1, 1]} : vector<8x256xf32> to vector<1x128xf32>
    %slice3A_2278 = vector.extract_strided_slice %get3A_16 {offsets = [6, 0], sizes = [1, 128], strides = [1, 1]} : vector<8x256xf32> to vector<1x128xf32>
    %slice3A_2279 = vector.extract_strided_slice %get3A_22 {offsets = [6, 0], sizes = [1, 128], strides = [1, 1]} : vector<8x256xf32> to vector<1x128xf32>
    %slice3A_2280 = vector.extract_strided_slice %get3A_28 {offsets = [6, 0], sizes = [1, 128], strides = [1, 1]} : vector<8x256xf32> to vector<1x128xf32>
    %min3A_2281 = vector.broadcast %slice3A_1777 : vector<256x1xf32> to vector<256x128xf32>
    %min3A_2282 = vector.broadcast %slice3A_2277 : vector<1x128xf32> to vector<256x128xf32>
    %min3A_2283 = arith.minimumf %min3A_2281, %min3A_2282 : vector<256x128xf32>
    %max3A_2284 = vector.broadcast %slice3A_1776 : vector<256x1xf32> to vector<256x128xf32>
    %max3A_2285 = vector.broadcast %slice3A_2276 : vector<1x128xf32> to vector<256x128xf32>
    %max3A_2286 = arith.maximumf %max3A_2284, %max3A_2285 : vector<256x128xf32>
    %sub3A_2287 = arith.subf %min3A_2283, %max3A_2286 : vector<256x128xf32>
    %max3A_2288 = arith.constant 0.000000e+00 : f32
    %max3A_2289 = vector.broadcast %max3A_2288 : f32 to vector<256x128xf32>
    %max3A_2290 = arith.maximumf %sub3A_2287, %max3A_2289 : vector<256x128xf32>
    %min3A_2291 = vector.broadcast %slice3A_1779 : vector<256x1xf32> to vector<256x128xf32>
    %min3A_2292 = vector.broadcast %slice3A_2279 : vector<1x128xf32> to vector<256x128xf32>
    %min3A_2293 = arith.minimumf %min3A_2291, %min3A_2292 : vector<256x128xf32>
    %max3A_2294 = vector.broadcast %slice3A_1778 : vector<256x1xf32> to vector<256x128xf32>
    %max3A_2295 = vector.broadcast %slice3A_2278 : vector<1x128xf32> to vector<256x128xf32>
    %max3A_2296 = arith.maximumf %max3A_2294, %max3A_2295 : vector<256x128xf32>
    %sub3A_2297 = arith.subf %min3A_2293, %max3A_2296 : vector<256x128xf32>
    %max3A_2298 = arith.constant 0.000000e+00 : f32
    %max3A_2299 = vector.broadcast %max3A_2298 : f32 to vector<256x128xf32>
    %max3A_2300 = arith.maximumf %sub3A_2297, %max3A_2299 : vector<256x128xf32>
    %mul3A_2301 = arith.mulf %max3A_2290, %max3A_2300 : vector<256x128xf32>
    %add3A_2302 = vector.broadcast %slice3A_1780 : vector<256x1xf32> to vector<256x128xf32>
    %add3A_2303 = vector.broadcast %slice3A_2280 : vector<1x128xf32> to vector<256x128xf32>
    %add3A_2304 = arith.addf %add3A_2302, %add3A_2303 : vector<256x128xf32>
    %sub3A_2305 = arith.subf %add3A_2304, %mul3A_2301 : vector<256x128xf32>
    %max3A_2306 = arith.constant 9.99999997E-7 : f32
    %max3A_2307 = vector.broadcast %max3A_2306 : f32 to vector<256x128xf32>
    %max3A_2308 = arith.maximumf %sub3A_2305, %max3A_2307 : vector<256x128xf32>
    %div3A_2309 = arith.divf %mul3A_2301, %max3A_2308 : vector<256x128xf32>
    %gt3A_2310 = arith.constant 0.699999988 : f32
    %gt3A_2311 = vector.broadcast %gt3A_2310 : f32 to vector<256x128xf32>
    %gt3A_2312 = arith.cmpf ogt, %div3A_2309, %gt3A_2311 : vector<256x128xf32>
    %convert_element_type3A_2313 = arith.extui %gt3A_2312 : vector<256x128xi1> to vector<256x128xi32>
    %convert_element_type3A_2314 = arith.sitofp %convert_element_type3A_2313 : vector<256x128xi32> to vector<256x128xf32>
    %dot_general3A_2315 = arith.constant dense<0.000000e+00> : vector<1x128xf32>
    %dot_general3A_2316 = tpu.matmul %while3A_1830#0, %convert_element_type3A_2314, %dot_general3A_2315 {dimension_numbers = #tpu.dot_dimension_numbers<[1], [0], [0], [1], [0, 0, 1, 1], [], []>, transpose_lhs_hint = false} : vector<1x256xf32>, vector<256x128xf32>, vector<1x128xf32> -> vector<1x128xf32>
    %get3A_2317 = arith.constant 6 : index
    %get3A_2318 = arith.constant 0 : index
    %get3A_2319 = vector.load %arg4[%get3A_2317, %get3A_2318] : memref<8x256xf32, #tpu.memory_space<vmem>>, vector<1x128xf32>
    %lt3A_2320 = arith.constant 5.000000e-01 : f32
    %lt3A_2321 = vector.broadcast %lt3A_2320 : f32 to vector<1x128xf32>
    %lt3A_2322 = arith.cmpf olt, %dot_general3A_2316, %lt3A_2321 : vector<1x128xf32>
    %convert_element_type3A_2323 = arith.extui %lt3A_2322 : vector<1x128xi1> to vector<1x128xi32>
    %convert_element_type3A_2324 = arith.sitofp %convert_element_type3A_2323 : vector<1x128xi32> to vector<1x128xf32>
    %mul3A_2325 = arith.mulf %get3A_2319, %convert_element_type3A_2324 : vector<1x128xf32>
    %swap3A_2326 = arith.constant 6 : index
    %swap3A_2327 = arith.constant 0 : index
    %swap3A_2328 = vector.load %arg4[%swap3A_2326, %swap3A_2327] : memref<8x256xf32, #tpu.memory_space<vmem>>, vector<1x128xf32>
    tpu.vector_store %arg4[%swap3A_2326, %swap3A_2327], %mul3A_2325 {strides = array<i32>} : memref<8x256xf32, #tpu.memory_space<vmem>>, vector<1x128xf32>,
    %slice3A_2329 = vector.extract_strided_slice %get3A_4 {offsets = [6, 128], sizes = [1, 128], strides = [1, 1]} : vector<8x256xf32> to vector<1x128xf32>
    %slice3A_2330 = vector.extract_strided_slice %get3A_10 {offsets = [6, 128], sizes = [1, 128], strides = [1, 1]} : vector<8x256xf32> to vector<1x128xf32>
    %slice3A_2331 = vector.extract_strided_slice %get3A_16 {offsets = [6, 128], sizes = [1, 128], strides = [1, 1]} : vector<8x256xf32> to vector<1x128xf32>
    %slice3A_2332 = vector.extract_strided_slice %get3A_22 {offsets = [6, 128], sizes = [1, 128], strides = [1, 1]} : vector<8x256xf32> to vector<1x128xf32>
    %slice3A_2333 = vector.extract_strided_slice %get3A_28 {offsets = [6, 128], sizes = [1, 128], strides = [1, 1]} : vector<8x256xf32> to vector<1x128xf32>
    %min3A_2334 = vector.broadcast %slice3A_1777 : vector<256x1xf32> to vector<256x128xf32>
    %min3A_2335 = vector.broadcast %slice3A_2330 : vector<1x128xf32> to vector<256x128xf32>
    %min3A_2336 = arith.minimumf %min3A_2334, %min3A_2335 : vector<256x128xf32>
    %max3A_2337 = vector.broadcast %slice3A_1776 : vector<256x1xf32> to vector<256x128xf32>
    %max3A_2338 = vector.broadcast %slice3A_2329 : vector<1x128xf32> to vector<256x128xf32>
    %max3A_2339 = arith.maximumf %max3A_2337, %max3A_2338 : vector<256x128xf32>
    %sub3A_2340 = arith.subf %min3A_2336, %max3A_2339 : vector<256x128xf32>
    %max3A_2341 = arith.constant 0.000000e+00 : f32
    %max3A_2342 = vector.broadcast %max3A_2341 : f32 to vector<256x128xf32>
    %max3A_2343 = arith.maximumf %sub3A_2340, %max3A_2342 : vector<256x128xf32>
    %min3A_2344 = vector.broadcast %slice3A_1779 : vector<256x1xf32> to vector<256x128xf32>
    %min3A_2345 = vector.broadcast %slice3A_2332 : vector<1x128xf32> to vector<256x128xf32>
    %min3A_2346 = arith.minimumf %min3A_2344, %min3A_2345 : vector<256x128xf32>
    %max3A_2347 = vector.broadcast %slice3A_1778 : vector<256x1xf32> to vector<256x128xf32>
    %max3A_2348 = vector.broadcast %slice3A_2331 : vector<1x128xf32> to vector<256x128xf32>
    %max3A_2349 = arith.maximumf %max3A_2347, %max3A_2348 : vector<256x128xf32>
    %sub3A_2350 = arith.subf %min3A_2346, %max3A_2349 : vector<256x128xf32>
    %max3A_2351 = arith.constant 0.000000e+00 : f32
    %max3A_2352 = vector.broadcast %max3A_2351 : f32 to vector<256x128xf32>
    %max3A_2353 = arith.maximumf %sub3A_2350, %max3A_2352 : vector<256x128xf32>
    %mul3A_2354 = arith.mulf %max3A_2343, %max3A_2353 : vector<256x128xf32>
    %add3A_2355 = vector.broadcast %slice3A_1780 : vector<256x1xf32> to vector<256x128xf32>
    %add3A_2356 = vector.broadcast %slice3A_2333 : vector<1x128xf32> to vector<256x128xf32>
    %add3A_2357 = arith.addf %add3A_2355, %add3A_2356 : vector<256x128xf32>
    %sub3A_2358 = arith.subf %add3A_2357, %mul3A_2354 : vector<256x128xf32>
    %max3A_2359 = arith.constant 9.99999997E-7 : f32
    %max3A_2360 = vector.broadcast %max3A_2359 : f32 to vector<256x128xf32>
    %max3A_2361 = arith.maximumf %sub3A_2358, %max3A_2360 : vector<256x128xf32>
    %div3A_2362 = arith.divf %mul3A_2354, %max3A_2361 : vector<256x128xf32>
    %gt3A_2363 = arith.constant 0.699999988 : f32
    %gt3A_2364 = vector.broadcast %gt3A_2363 : f32 to vector<256x128xf32>
    %gt3A_2365 = arith.cmpf ogt, %div3A_2362, %gt3A_2364 : vector<256x128xf32>
    %convert_element_type3A_2366 = arith.extui %gt3A_2365 : vector<256x128xi1> to vector<256x128xi32>
    %convert_element_type3A_2367 = arith.sitofp %convert_element_type3A_2366 : vector<256x128xi32> to vector<256x128xf32>
    %dot_general3A_2368 = arith.constant dense<0.000000e+00> : vector<1x128xf32>
    %dot_general3A_2369 = tpu.matmul %while3A_1830#0, %convert_element_type3A_2367, %dot_general3A_2368 {dimension_numbers = #tpu.dot_dimension_numbers<[1], [0], [0], [1], [0, 0, 1, 1], [], []>, transpose_lhs_hint = false} : vector<1x256xf32>, vector<256x128xf32>, vector<1x128xf32> -> vector<1x128xf32>
    %get3A_2370 = arith.constant 6 : index
    %get3A_2371 = arith.constant 128 : index
    %get3A_2372 = vector.load %arg4[%get3A_2370, %get3A_2371] : memref<8x256xf32, #tpu.memory_space<vmem>>, vector<1x128xf32>
    %lt3A_2373 = arith.constant 5.000000e-01 : f32
    %lt3A_2374 = vector.broadcast %lt3A_2373 : f32 to vector<1x128xf32>
    %lt3A_2375 = arith.cmpf olt, %dot_general3A_2369, %lt3A_2374 : vector<1x128xf32>
    %convert_element_type3A_2376 = arith.extui %lt3A_2375 : vector<1x128xi1> to vector<1x128xi32>
    %convert_element_type3A_2377 = arith.sitofp %convert_element_type3A_2376 : vector<1x128xi32> to vector<1x128xf32>
    %mul3A_2378 = arith.mulf %get3A_2372, %convert_element_type3A_2377 : vector<1x128xf32>
    %swap3A_2379 = arith.constant 6 : index
    %swap3A_2380 = arith.constant 128 : index
    %swap3A_2381 = vector.load %arg4[%swap3A_2379, %swap3A_2380] : memref<8x256xf32, #tpu.memory_space<vmem>>, vector<1x128xf32>
    tpu.vector_store %arg4[%swap3A_2379, %swap3A_2380], %mul3A_2378 {strides = array<i32>} : memref<8x256xf32, #tpu.memory_space<vmem>>, vector<1x128xf32>,
    %slice3A_2382 = vector.extract_strided_slice %get3A_4 {offsets = [7, 0], sizes = [1, 128], strides = [1, 1]} : vector<8x256xf32> to vector<1x128xf32>
    %slice3A_2383 = vector.extract_strided_slice %get3A_10 {offsets = [7, 0], sizes = [1, 128], strides = [1, 1]} : vector<8x256xf32> to vector<1x128xf32>
    %slice3A_2384 = vector.extract_strided_slice %get3A_16 {offsets = [7, 0], sizes = [1, 128], strides = [1, 1]} : vector<8x256xf32> to vector<1x128xf32>
    %slice3A_2385 = vector.extract_strided_slice %get3A_22 {offsets = [7, 0], sizes = [1, 128], strides = [1, 1]} : vector<8x256xf32> to vector<1x128xf32>
    %slice3A_2386 = vector.extract_strided_slice %get3A_28 {offsets = [7, 0], sizes = [1, 128], strides = [1, 1]} : vector<8x256xf32> to vector<1x128xf32>
    %min3A_2387 = vector.broadcast %slice3A_1777 : vector<256x1xf32> to vector<256x128xf32>
    %min3A_2388 = vector.broadcast %slice3A_2383 : vector<1x128xf32> to vector<256x128xf32>
    %min3A_2389 = arith.minimumf %min3A_2387, %min3A_2388 : vector<256x128xf32>
    %max3A_2390 = vector.broadcast %slice3A_1776 : vector<256x1xf32> to vector<256x128xf32>
    %max3A_2391 = vector.broadcast %slice3A_2382 : vector<1x128xf32> to vector<256x128xf32>
    %max3A_2392 = arith.maximumf %max3A_2390, %max3A_2391 : vector<256x128xf32>
    %sub3A_2393 = arith.subf %min3A_2389, %max3A_2392 : vector<256x128xf32>
    %max3A_2394 = arith.constant 0.000000e+00 : f32
    %max3A_2395 = vector.broadcast %max3A_2394 : f32 to vector<256x128xf32>
    %max3A_2396 = arith.maximumf %sub3A_2393, %max3A_2395 : vector<256x128xf32>
    %min3A_2397 = vector.broadcast %slice3A_1779 : vector<256x1xf32> to vector<256x128xf32>
    %min3A_2398 = vector.broadcast %slice3A_2385 : vector<1x128xf32> to vector<256x128xf32>
    %min3A_2399 = arith.minimumf %min3A_2397, %min3A_2398 : vector<256x128xf32>
    %max3A_2400 = vector.broadcast %slice3A_1778 : vector<256x1xf32> to vector<256x128xf32>
    %max3A_2401 = vector.broadcast %slice3A_2384 : vector<1x128xf32> to vector<256x128xf32>
    %max3A_2402 = arith.maximumf %max3A_2400, %max3A_2401 : vector<256x128xf32>
    %sub3A_2403 = arith.subf %min3A_2399, %max3A_2402 : vector<256x128xf32>
    %max3A_2404 = arith.constant 0.000000e+00 : f32
    %max3A_2405 = vector.broadcast %max3A_2404 : f32 to vector<256x128xf32>
    %max3A_2406 = arith.maximumf %sub3A_2403, %max3A_2405 : vector<256x128xf32>
    %mul3A_2407 = arith.mulf %max3A_2396, %max3A_2406 : vector<256x128xf32>
    %add3A_2408 = vector.broadcast %slice3A_1780 : vector<256x1xf32> to vector<256x128xf32>
    %add3A_2409 = vector.broadcast %slice3A_2386 : vector<1x128xf32> to vector<256x128xf32>
    %add3A_2410 = arith.addf %add3A_2408, %add3A_2409 : vector<256x128xf32>
    %sub3A_2411 = arith.subf %add3A_2410, %mul3A_2407 : vector<256x128xf32>
    %max3A_2412 = arith.constant 9.99999997E-7 : f32
    %max3A_2413 = vector.broadcast %max3A_2412 : f32 to vector<256x128xf32>
    %max3A_2414 = arith.maximumf %sub3A_2411, %max3A_2413 : vector<256x128xf32>
    %div3A_2415 = arith.divf %mul3A_2407, %max3A_2414 : vector<256x128xf32>
    %gt3A_2416 = arith.constant 0.699999988 : f32
    %gt3A_2417 = vector.broadcast %gt3A_2416 : f32 to vector<256x128xf32>
    %gt3A_2418 = arith.cmpf ogt, %div3A_2415, %gt3A_2417 : vector<256x128xf32>
    %convert_element_type3A_2419 = arith.extui %gt3A_2418 : vector<256x128xi1> to vector<256x128xi32>
    %convert_element_type3A_2420 = arith.sitofp %convert_element_type3A_2419 : vector<256x128xi32> to vector<256x128xf32>
    %dot_general3A_2421 = arith.constant dense<0.000000e+00> : vector<1x128xf32>
    %dot_general3A_2422 = tpu.matmul %while3A_1830#0, %convert_element_type3A_2420, %dot_general3A_2421 {dimension_numbers = #tpu.dot_dimension_numbers<[1], [0], [0], [1], [0, 0, 1, 1], [], []>, transpose_lhs_hint = false} : vector<1x256xf32>, vector<256x128xf32>, vector<1x128xf32> -> vector<1x128xf32>
    %get3A_2423 = arith.constant 7 : index
    %get3A_2424 = arith.constant 0 : index
    %get3A_2425 = vector.load %arg4[%get3A_2423, %get3A_2424] : memref<8x256xf32, #tpu.memory_space<vmem>>, vector<1x128xf32>
    %lt3A_2426 = arith.constant 5.000000e-01 : f32
    %lt3A_2427 = vector.broadcast %lt3A_2426 : f32 to vector<1x128xf32>
    %lt3A_2428 = arith.cmpf olt, %dot_general3A_2422, %lt3A_2427 : vector<1x128xf32>
    %convert_element_type3A_2429 = arith.extui %lt3A_2428 : vector<1x128xi1> to vector<1x128xi32>
    %convert_element_type3A_2430 = arith.sitofp %convert_element_type3A_2429 : vector<1x128xi32> to vector<1x128xf32>
    %mul3A_2431 = arith.mulf %get3A_2425, %convert_element_type3A_2430 : vector<1x128xf32>
    %swap3A_2432 = arith.constant 7 : index
    %swap3A_2433 = arith.constant 0 : index
    %swap3A_2434 = vector.load %arg4[%swap3A_2432, %swap3A_2433] : memref<8x256xf32, #tpu.memory_space<vmem>>, vector<1x128xf32>
    tpu.vector_store %arg4[%swap3A_2432, %swap3A_2433], %mul3A_2431 {strides = array<i32>} : memref<8x256xf32, #tpu.memory_space<vmem>>, vector<1x128xf32>,
    %slice3A_2435 = vector.extract_strided_slice %get3A_4 {offsets = [7, 128], sizes = [1, 128], strides = [1, 1]} : vector<8x256xf32> to vector<1x128xf32>
    %slice3A_2436 = vector.extract_strided_slice %get3A_10 {offsets = [7, 128], sizes = [1, 128], strides = [1, 1]} : vector<8x256xf32> to vector<1x128xf32>
    %slice3A_2437 = vector.extract_strided_slice %get3A_16 {offsets = [7, 128], sizes = [1, 128], strides = [1, 1]} : vector<8x256xf32> to vector<1x128xf32>
    %slice3A_2438 = vector.extract_strided_slice %get3A_22 {offsets = [7, 128], sizes = [1, 128], strides = [1, 1]} : vector<8x256xf32> to vector<1x128xf32>
    %slice3A_2439 = vector.extract_strided_slice %get3A_28 {offsets = [7, 128], sizes = [1, 128], strides = [1, 1]} : vector<8x256xf32> to vector<1x128xf32>
    %min3A_2440 = vector.broadcast %slice3A_1777 : vector<256x1xf32> to vector<256x128xf32>
    %min3A_2441 = vector.broadcast %slice3A_2436 : vector<1x128xf32> to vector<256x128xf32>
    %min3A_2442 = arith.minimumf %min3A_2440, %min3A_2441 : vector<256x128xf32>
    %max3A_2443 = vector.broadcast %slice3A_1776 : vector<256x1xf32> to vector<256x128xf32>
    %max3A_2444 = vector.broadcast %slice3A_2435 : vector<1x128xf32> to vector<256x128xf32>
    %max3A_2445 = arith.maximumf %max3A_2443, %max3A_2444 : vector<256x128xf32>
    %sub3A_2446 = arith.subf %min3A_2442, %max3A_2445 : vector<256x128xf32>
    %max3A_2447 = arith.constant 0.000000e+00 : f32
    %max3A_2448 = vector.broadcast %max3A_2447 : f32 to vector<256x128xf32>
    %max3A_2449 = arith.maximumf %sub3A_2446, %max3A_2448 : vector<256x128xf32>
    %min3A_2450 = vector.broadcast %slice3A_1779 : vector<256x1xf32> to vector<256x128xf32>
    %min3A_2451 = vector.broadcast %slice3A_2438 : vector<1x128xf32> to vector<256x128xf32>
    %min3A_2452 = arith.minimumf %min3A_2450, %min3A_2451 : vector<256x128xf32>
    %max3A_2453 = vector.broadcast %slice3A_1778 : vector<256x1xf32> to vector<256x128xf32>
    %max3A_2454 = vector.broadcast %slice3A_2437 : vector<1x128xf32> to vector<256x128xf32>
    %max3A_2455 = arith.maximumf %max3A_2453, %max3A_2454 : vector<256x128xf32>
    %sub3A_2456 = arith.subf %min3A_2452, %max3A_2455 : vector<256x128xf32>
    %max3A_2457 = arith.constant 0.000000e+00 : f32
    %max3A_2458 = vector.broadcast %max3A_2457 : f32 to vector<256x128xf32>
    %max3A_2459 = arith.maximumf %sub3A_2456, %max3A_2458 : vector<256x128xf32>
    %mul3A_2460 = arith.mulf %max3A_2449, %max3A_2459 : vector<256x128xf32>
    %add3A_2461 = vector.broadcast %slice3A_1780 : vector<256x1xf32> to vector<256x128xf32>
    %add3A_2462 = vector.broadcast %slice3A_2439 : vector<1x128xf32> to vector<256x128xf32>
    %add3A_2463 = arith.addf %add3A_2461, %add3A_2462 : vector<256x128xf32>
    %sub3A_2464 = arith.subf %add3A_2463, %mul3A_2460 : vector<256x128xf32>
    %max3A_2465 = arith.constant 9.99999997E-7 : f32
    %max3A_2466 = vector.broadcast %max3A_2465 : f32 to vector<256x128xf32>
    %max3A_2467 = arith.maximumf %sub3A_2464, %max3A_2466 : vector<256x128xf32>
    %div3A_2468 = arith.divf %mul3A_2460, %max3A_2467 : vector<256x128xf32>
    %gt3A_2469 = arith.constant 0.699999988 : f32
    %gt3A_2470 = vector.broadcast %gt3A_2469 : f32 to vector<256x128xf32>
    %gt3A_2471 = arith.cmpf ogt, %div3A_2468, %gt3A_2470 : vector<256x128xf32>
    %convert_element_type3A_2472 = arith.extui %gt3A_2471 : vector<256x128xi1> to vector<256x128xi32>
    %convert_element_type3A_2473 = arith.sitofp %convert_element_type3A_2472 : vector<256x128xi32> to vector<256x128xf32>
    %dot_general3A_2474 = arith.constant dense<0.000000e+00> : vector<1x128xf32>
    %dot_general3A_2475 = tpu.matmul %while3A_1830#0, %convert_element_type3A_2473, %dot_general3A_2474 {dimension_numbers = #tpu.dot_dimension_numbers<[1], [0], [0], [1], [0, 0, 1, 1], [], []>, transpose_lhs_hint = false} : vector<1x256xf32>, vector<256x128xf32>, vector<1x128xf32> -> vector<1x128xf32>
    %get3A_2476 = arith.constant 7 : index
    %get3A_2477 = arith.constant 128 : index
    %get3A_2478 = vector.load %arg4[%get3A_2476, %get3A_2477] : memref<8x256xf32, #tpu.memory_space<vmem>>, vector<1x128xf32>
    %lt3A_2479 = arith.constant 5.000000e-01 : f32
    %lt3A_2480 = vector.broadcast %lt3A_2479 : f32 to vector<1x128xf32>
    %lt3A_2481 = arith.cmpf olt, %dot_general3A_2475, %lt3A_2480 : vector<1x128xf32>
    %convert_element_type3A_2482 = arith.extui %lt3A_2481 : vector<1x128xi1> to vector<1x128xi32>
    %convert_element_type3A_2483 = arith.sitofp %convert_element_type3A_2482 : vector<1x128xi32> to vector<1x128xf32>
    %mul3A_2484 = arith.mulf %get3A_2478, %convert_element_type3A_2483 : vector<1x128xf32>
    %swap3A_2485 = arith.constant 7 : index
    %swap3A_2486 = arith.constant 128 : index
    %swap3A_2487 = vector.load %arg4[%swap3A_2485, %swap3A_2486] : memref<8x256xf32, #tpu.memory_space<vmem>>, vector<1x128xf32>
    tpu.vector_store %arg4[%swap3A_2485, %swap3A_2486], %mul3A_2484 {strides = array<i32>} : memref<8x256xf32, #tpu.memory_space<vmem>>, vector<1x128xf32>,
    %get3A_2488 = arith.constant 0 : index
    %get3A_2489 = arith.constant 768 : index
    %get3A_2490 = arith.constant 0 : index
    %get3A_2491 = vector.load %arg1[%get3A_2488, %get3A_2489, %get3A_2490] : memref<1x2048x24xf32, #tpu.memory_space<vmem>>, vector<1x256x24xf32>
    %get3A_2492 = vector.shape_cast %get3A_2491 : vector<1x256x24xf32> to vector<256x24xf32>
    %slice3A_2493 = vector.extract_strided_slice %get3A_2492 {offsets = [0, 8], sizes = [256, 1], strides = [1, 1]} : vector<256x24xf32> to vector<256x1xf32>
    %slice3A_2494 = vector.extract_strided_slice %get3A_2492 {offsets = [0, 9], sizes = [256, 1], strides = [1, 1]} : vector<256x24xf32> to vector<256x1xf32>
    %slice3A_2495 = vector.extract_strided_slice %get3A_2492 {offsets = [0, 10], sizes = [256, 1], strides = [1, 1]} : vector<256x24xf32> to vector<256x1xf32>
    %slice3A_2496 = vector.extract_strided_slice %get3A_2492 {offsets = [0, 11], sizes = [256, 1], strides = [1, 1]} : vector<256x24xf32> to vector<256x1xf32>
    %slice3A_2497 = vector.extract_strided_slice %get3A_2492 {offsets = [0, 12], sizes = [256, 1], strides = [1, 1]} : vector<256x24xf32> to vector<256x1xf32>
    %slice3A_2498 = vector.extract_strided_slice %get3A_4 {offsets = [3, 0], sizes = [1, 256], strides = [1, 1]} : vector<8x256xf32> to vector<1x256xf32>
    %slice3A_2499 = vector.extract_strided_slice %get3A_10 {offsets = [3, 0], sizes = [1, 256], strides = [1, 1]} : vector<8x256xf32> to vector<1x256xf32>
    %slice3A_2500 = vector.extract_strided_slice %get3A_16 {offsets = [3, 0], sizes = [1, 256], strides = [1, 1]} : vector<8x256xf32> to vector<1x256xf32>
    %slice3A_2501 = vector.extract_strided_slice %get3A_22 {offsets = [3, 0], sizes = [1, 256], strides = [1, 1]} : vector<8x256xf32> to vector<1x256xf32>
    %slice3A_2502 = vector.extract_strided_slice %get3A_28 {offsets = [3, 0], sizes = [1, 256], strides = [1, 1]} : vector<8x256xf32> to vector<1x256xf32>
    %min3A_2503 = vector.broadcast %slice3A_2494 : vector<256x1xf32> to vector<256x256xf32>
    %min3A_2504 = vector.broadcast %slice3A_2499 : vector<1x256xf32> to vector<256x256xf32>
    %min3A_2505 = arith.minimumf %min3A_2503, %min3A_2504 : vector<256x256xf32>
    %max3A_2506 = vector.broadcast %slice3A_2493 : vector<256x1xf32> to vector<256x256xf32>
    %max3A_2507 = vector.broadcast %slice3A_2498 : vector<1x256xf32> to vector<256x256xf32>
    %max3A_2508 = arith.maximumf %max3A_2506, %max3A_2507 : vector<256x256xf32>
    %sub3A_2509 = arith.subf %min3A_2505, %max3A_2508 : vector<256x256xf32>
    %max3A_2510 = arith.constant 0.000000e+00 : f32
    %max3A_2511 = vector.broadcast %max3A_2510 : f32 to vector<256x256xf32>
    %max3A_2512 = arith.maximumf %sub3A_2509, %max3A_2511 : vector<256x256xf32>
    %min3A_2513 = vector.broadcast %slice3A_2496 : vector<256x1xf32> to vector<256x256xf32>
    %min3A_2514 = vector.broadcast %slice3A_2501 : vector<1x256xf32> to vector<256x256xf32>
    %min3A_2515 = arith.minimumf %min3A_2513, %min3A_2514 : vector<256x256xf32>
    %max3A_2516 = vector.broadcast %slice3A_2495 : vector<256x1xf32> to vector<256x256xf32>
    %max3A_2517 = vector.broadcast %slice3A_2500 : vector<1x256xf32> to vector<256x256xf32>
    %max3A_2518 = arith.maximumf %max3A_2516, %max3A_2517 : vector<256x256xf32>
    %sub3A_2519 = arith.subf %min3A_2515, %max3A_2518 : vector<256x256xf32>
    %max3A_2520 = arith.constant 0.000000e+00 : f32
    %max3A_2521 = vector.broadcast %max3A_2520 : f32 to vector<256x256xf32>
    %max3A_2522 = arith.maximumf %sub3A_2519, %max3A_2521 : vector<256x256xf32>
    %mul3A_2523 = arith.mulf %max3A_2512, %max3A_2522 : vector<256x256xf32>
    %add3A_2524 = vector.broadcast %slice3A_2497 : vector<256x1xf32> to vector<256x256xf32>
    %add3A_2525 = vector.broadcast %slice3A_2502 : vector<1x256xf32> to vector<256x256xf32>
    %add3A_2526 = arith.addf %add3A_2524, %add3A_2525 : vector<256x256xf32>
    %sub3A_2527 = arith.subf %add3A_2526, %mul3A_2523 : vector<256x256xf32>
    %max3A_2528 = arith.constant 9.99999997E-7 : f32
    %max3A_2529 = vector.broadcast %max3A_2528 : f32 to vector<256x256xf32>
    %max3A_2530 = arith.maximumf %sub3A_2527, %max3A_2529 : vector<256x256xf32>
    %div3A_2531 = arith.divf %mul3A_2523, %max3A_2530 : vector<256x256xf32>
    %gt3A_2532 = arith.constant 0.699999988 : f32
    %gt3A_2533 = vector.broadcast %gt3A_2532 : f32 to vector<256x256xf32>
    %gt3A_2534 = arith.cmpf ogt, %div3A_2531, %gt3A_2533 : vector<256x256xf32>
    %convert_element_type3A_2535 = arith.extui %gt3A_2534 : vector<256x256xi1> to vector<256x256xi32>
    %convert_element_type3A_2536 = arith.sitofp %convert_element_type3A_2535 : vector<256x256xi32> to vector<256x256xf32>
    %iota3A_2537 = tpu.iota {dimensions = array<i32: 0>} : vector<256x256xi32>
    %iota3A_2538 = tpu.iota {dimensions = array<i32: 1>} : vector<256x256xi32>
    %lt3A_2539 = arith.cmpi slt, %iota3A_2537, %iota3A_2538 : vector<256x256xi32>
    %convert_element_type3A_2540 = arith.extui %lt3A_2539 : vector<256x256xi1> to vector<256x256xi32>
    %convert_element_type3A_2541 = arith.sitofp %convert_element_type3A_2540 : vector<256x256xi32> to vector<256x256xf32>
    %mul3A_2542 = arith.mulf %convert_element_type3A_2536, %convert_element_type3A_2541 : vector<256x256xf32>
    %get3A_2543 = arith.constant 3 : index
    %get3A_2544 = arith.constant 0 : index
    %get3A_2545 = vector.load %arg4[%get3A_2543, %get3A_2544] : memref<8x256xf32, #tpu.memory_space<vmem>>, vector<1x256xf32>
    %while3A_2546 = arith.constant true
    %while3A_2547:2 = scf.while (%while3A_4770 = %get3A_2545, %while3A_4771 = %while3A_2546) : (vector<1x256xf32>, i1) -> (vector<1x256xf32>, i1) {
      scf.condition(%while3A_4771) %while3A_4770, %while3A_4771 : vector<1x256xf32>, i1
    } do {
    ^bb0(%while3A_4770: vector<1x256xf32>, %while3A_4771: i1):
      %dot_general3A_4772 = arith.constant dense<0.000000e+00> : vector<1x256xf32>
      %dot_general3A_4773 = tpu.matmul %while3A_4770, %mul3A_2542, %dot_general3A_4772 {dimension_numbers = #tpu.dot_dimension_numbers<[1], [0], [0], [1], [0, 0, 1, 1], [], []>, transpose_lhs_hint = false} : vector<1x256xf32>, vector<256x256xf32>, vector<1x256xf32> -> vector<1x256xf32>
      %lt3A_4774 = arith.constant 5.000000e-01 : f32
      %lt3A_4775 = vector.broadcast %lt3A_4774 : f32 to vector<1x256xf32>
      %lt3A_4776 = arith.cmpf olt, %dot_general3A_4773, %lt3A_4775 : vector<1x256xf32>
      %convert_element_type3A_4777 = arith.extui %lt3A_4776 : vector<1x256xi1> to vector<1x256xi32>
      %convert_element_type3A_4778 = arith.sitofp %convert_element_type3A_4777 : vector<1x256xi32> to vector<1x256xf32>
      %mul3A_4779 = arith.mulf %get3A_2545, %convert_element_type3A_4778 : vector<1x256xf32>
      %ne3A = arith.cmpf one, %mul3A_4779, %while3A_4770 : vector<1x256xf32>
      %reduce_or3A = arith.constant 1.000000e+00 : f32
      %reduce_or3A_4780 = arith.constant 0.000000e+00 : f32
      %reduce_or3A_4781 = vector.broadcast %reduce_or3A : f32 to vector<1x256xf32>
      %reduce_or3A_4782 = vector.broadcast %reduce_or3A_4780 : f32 to vector<1x256xf32>
      %reduce_or3A_4783 = arith.select %ne3A, %reduce_or3A_4781, %reduce_or3A_4782 : vector<1x256xi1>, vector<1x256xf32>
      %reduce_or3A_4784 = vector.shape_cast %reduce_or3A_4783 : vector<1x256xf32> to vector<1x1x256xf32>
      %reduce_or3A_4785 = arith.constant dense<0xFF800000> : vector<1xf32>
      %reduce_or3A_4786 = vector.multi_reduction <maximumf>, %reduce_or3A_4784, %reduce_or3A_4785 [1, 2] : vector<1x1x256xf32> to vector<1xf32>
      %reduce_or3A_4787 = vector.shape_cast %reduce_or3A_4786 : vector<1xf32> to vector<1x1x1xf32>
      %reduce_or3A_4788 = vector.extract %reduce_or3A_4787[0, 0, 0] : f32 from vector<1x1x1xf32>
      %reduce_or3A_4789 = arith.constant 0.000000e+00 : f32
      %reduce_or3A_4790 = arith.cmpf ogt, %reduce_or3A_4788, %reduce_or3A_4789 : f32
      scf.yield %mul3A_4779, %reduce_or3A_4790 : vector<1x256xf32>, i1
    }
    %swap3A_2548 = arith.constant 3 : index
    %swap3A_2549 = arith.constant 0 : index
    %swap3A_2550 = vector.load %arg4[%swap3A_2548, %swap3A_2549] : memref<8x256xf32, #tpu.memory_space<vmem>>, vector<1x256xf32>
    tpu.vector_store %arg4[%swap3A_2548, %swap3A_2549], %while3A_2547#0 {strides = array<i32>} : memref<8x256xf32, #tpu.memory_space<vmem>>, vector<1x256xf32>,
    %slice3A_2551 = vector.extract_strided_slice %get3A_4 {offsets = [3, 0], sizes = [1, 128], strides = [1, 1]} : vector<8x256xf32> to vector<1x128xf32>
    %slice3A_2552 = vector.extract_strided_slice %get3A_10 {offsets = [3, 0], sizes = [1, 128], strides = [1, 1]} : vector<8x256xf32> to vector<1x128xf32>
    %slice3A_2553 = vector.extract_strided_slice %get3A_16 {offsets = [3, 0], sizes = [1, 128], strides = [1, 1]} : vector<8x256xf32> to vector<1x128xf32>
    %slice3A_2554 = vector.extract_strided_slice %get3A_22 {offsets = [3, 0], sizes = [1, 128], strides = [1, 1]} : vector<8x256xf32> to vector<1x128xf32>
    %slice3A_2555 = vector.extract_strided_slice %get3A_28 {offsets = [3, 0], sizes = [1, 128], strides = [1, 1]} : vector<8x256xf32> to vector<1x128xf32>
    %min3A_2556 = vector.broadcast %slice3A_2494 : vector<256x1xf32> to vector<256x128xf32>
    %min3A_2557 = vector.broadcast %slice3A_2552 : vector<1x128xf32> to vector<256x128xf32>
    %min3A_2558 = arith.minimumf %min3A_2556, %min3A_2557 : vector<256x128xf32>
    %max3A_2559 = vector.broadcast %slice3A_2493 : vector<256x1xf32> to vector<256x128xf32>
    %max3A_2560 = vector.broadcast %slice3A_2551 : vector<1x128xf32> to vector<256x128xf32>
    %max3A_2561 = arith.maximumf %max3A_2559, %max3A_2560 : vector<256x128xf32>
    %sub3A_2562 = arith.subf %min3A_2558, %max3A_2561 : vector<256x128xf32>
    %max3A_2563 = arith.constant 0.000000e+00 : f32
    %max3A_2564 = vector.broadcast %max3A_2563 : f32 to vector<256x128xf32>
    %max3A_2565 = arith.maximumf %sub3A_2562, %max3A_2564 : vector<256x128xf32>
    %min3A_2566 = vector.broadcast %slice3A_2496 : vector<256x1xf32> to vector<256x128xf32>
    %min3A_2567 = vector.broadcast %slice3A_2554 : vector<1x128xf32> to vector<256x128xf32>
    %min3A_2568 = arith.minimumf %min3A_2566, %min3A_2567 : vector<256x128xf32>
    %max3A_2569 = vector.broadcast %slice3A_2495 : vector<256x1xf32> to vector<256x128xf32>
    %max3A_2570 = vector.broadcast %slice3A_2553 : vector<1x128xf32> to vector<256x128xf32>
    %max3A_2571 = arith.maximumf %max3A_2569, %max3A_2570 : vector<256x128xf32>
    %sub3A_2572 = arith.subf %min3A_2568, %max3A_2571 : vector<256x128xf32>
    %max3A_2573 = arith.constant 0.000000e+00 : f32
    %max3A_2574 = vector.broadcast %max3A_2573 : f32 to vector<256x128xf32>
    %max3A_2575 = arith.maximumf %sub3A_2572, %max3A_2574 : vector<256x128xf32>
    %mul3A_2576 = arith.mulf %max3A_2565, %max3A_2575 : vector<256x128xf32>
    %add3A_2577 = vector.broadcast %slice3A_2497 : vector<256x1xf32> to vector<256x128xf32>
    %add3A_2578 = vector.broadcast %slice3A_2555 : vector<1x128xf32> to vector<256x128xf32>
    %add3A_2579 = arith.addf %add3A_2577, %add3A_2578 : vector<256x128xf32>
    %sub3A_2580 = arith.subf %add3A_2579, %mul3A_2576 : vector<256x128xf32>
    %max3A_2581 = arith.constant 9.99999997E-7 : f32
    %max3A_2582 = vector.broadcast %max3A_2581 : f32 to vector<256x128xf32>
    %max3A_2583 = arith.maximumf %sub3A_2580, %max3A_2582 : vector<256x128xf32>
    %div3A_2584 = arith.divf %mul3A_2576, %max3A_2583 : vector<256x128xf32>
    %gt3A_2585 = arith.constant 0.699999988 : f32
    %gt3A_2586 = vector.broadcast %gt3A_2585 : f32 to vector<256x128xf32>
    %gt3A_2587 = arith.cmpf ogt, %div3A_2584, %gt3A_2586 : vector<256x128xf32>
    %convert_element_type3A_2588 = arith.extui %gt3A_2587 : vector<256x128xi1> to vector<256x128xi32>
    %convert_element_type3A_2589 = arith.sitofp %convert_element_type3A_2588 : vector<256x128xi32> to vector<256x128xf32>
    %iota3A_2590 = tpu.iota {dimensions = array<i32: 0>} : vector<256x128xi32>
    %iota3A_2591 = tpu.iota {dimensions = array<i32: 1>} : vector<256x128xi32>
    %add3A_2592 = arith.constant 0 : i32
    %add3A_2593 = vector.broadcast %add3A_2592 : i32 to vector<256x128xi32>
    %add3A_2594 = arith.addi %iota3A_2591, %add3A_2593 : vector<256x128xi32>
    %lt3A_2595 = arith.cmpi slt, %iota3A_2590, %add3A_2594 : vector<256x128xi32>
    %convert_element_type3A_2596 = arith.extui %lt3A_2595 : vector<256x128xi1> to vector<256x128xi32>
    %convert_element_type3A_2597 = arith.sitofp %convert_element_type3A_2596 : vector<256x128xi32> to vector<256x128xf32>
    %mul3A_2598 = arith.mulf %convert_element_type3A_2589, %convert_element_type3A_2597 : vector<256x128xf32>
    %dot_general3A_2599 = arith.constant dense<0.000000e+00> : vector<1x128xf32>
    %dot_general3A_2600 = tpu.matmul %while3A_2547#0, %mul3A_2598, %dot_general3A_2599 {dimension_numbers = #tpu.dot_dimension_numbers<[1], [0], [0], [1], [0, 0, 1, 1], [], []>, transpose_lhs_hint = false} : vector<1x256xf32>, vector<256x128xf32>, vector<1x128xf32> -> vector<1x128xf32>
    %get3A_2601 = arith.constant 3 : index
    %get3A_2602 = arith.constant 0 : index
    %get3A_2603 = vector.load %arg4[%get3A_2601, %get3A_2602] : memref<8x256xf32, #tpu.memory_space<vmem>>, vector<1x128xf32>
    %lt3A_2604 = arith.constant 5.000000e-01 : f32
    %lt3A_2605 = vector.broadcast %lt3A_2604 : f32 to vector<1x128xf32>
    %lt3A_2606 = arith.cmpf olt, %dot_general3A_2600, %lt3A_2605 : vector<1x128xf32>
    %convert_element_type3A_2607 = arith.extui %lt3A_2606 : vector<1x128xi1> to vector<1x128xi32>
    %convert_element_type3A_2608 = arith.sitofp %convert_element_type3A_2607 : vector<1x128xi32> to vector<1x128xf32>
    %mul3A_2609 = arith.mulf %get3A_2603, %convert_element_type3A_2608 : vector<1x128xf32>
    %swap3A_2610 = arith.constant 3 : index
    %swap3A_2611 = arith.constant 0 : index
    %swap3A_2612 = vector.load %arg4[%swap3A_2610, %swap3A_2611] : memref<8x256xf32, #tpu.memory_space<vmem>>, vector<1x128xf32>
    tpu.vector_store %arg4[%swap3A_2610, %swap3A_2611], %mul3A_2609 {strides = array<i32>} : memref<8x256xf32, #tpu.memory_space<vmem>>, vector<1x128xf32>,
    %slice3A_2613 = vector.extract_strided_slice %get3A_4 {offsets = [3, 128], sizes = [1, 128], strides = [1, 1]} : vector<8x256xf32> to vector<1x128xf32>
    %slice3A_2614 = vector.extract_strided_slice %get3A_10 {offsets = [3, 128], sizes = [1, 128], strides = [1, 1]} : vector<8x256xf32> to vector<1x128xf32>
    %slice3A_2615 = vector.extract_strided_slice %get3A_16 {offsets = [3, 128], sizes = [1, 128], strides = [1, 1]} : vector<8x256xf32> to vector<1x128xf32>
    %slice3A_2616 = vector.extract_strided_slice %get3A_22 {offsets = [3, 128], sizes = [1, 128], strides = [1, 1]} : vector<8x256xf32> to vector<1x128xf32>
    %slice3A_2617 = vector.extract_strided_slice %get3A_28 {offsets = [3, 128], sizes = [1, 128], strides = [1, 1]} : vector<8x256xf32> to vector<1x128xf32>
    %min3A_2618 = vector.broadcast %slice3A_2494 : vector<256x1xf32> to vector<256x128xf32>
    %min3A_2619 = vector.broadcast %slice3A_2614 : vector<1x128xf32> to vector<256x128xf32>
    %min3A_2620 = arith.minimumf %min3A_2618, %min3A_2619 : vector<256x128xf32>
    %max3A_2621 = vector.broadcast %slice3A_2493 : vector<256x1xf32> to vector<256x128xf32>
    %max3A_2622 = vector.broadcast %slice3A_2613 : vector<1x128xf32> to vector<256x128xf32>
    %max3A_2623 = arith.maximumf %max3A_2621, %max3A_2622 : vector<256x128xf32>
    %sub3A_2624 = arith.subf %min3A_2620, %max3A_2623 : vector<256x128xf32>
    %max3A_2625 = arith.constant 0.000000e+00 : f32
    %max3A_2626 = vector.broadcast %max3A_2625 : f32 to vector<256x128xf32>
    %max3A_2627 = arith.maximumf %sub3A_2624, %max3A_2626 : vector<256x128xf32>
    %min3A_2628 = vector.broadcast %slice3A_2496 : vector<256x1xf32> to vector<256x128xf32>
    %min3A_2629 = vector.broadcast %slice3A_2616 : vector<1x128xf32> to vector<256x128xf32>
    %min3A_2630 = arith.minimumf %min3A_2628, %min3A_2629 : vector<256x128xf32>
    %max3A_2631 = vector.broadcast %slice3A_2495 : vector<256x1xf32> to vector<256x128xf32>
    %max3A_2632 = vector.broadcast %slice3A_2615 : vector<1x128xf32> to vector<256x128xf32>
    %max3A_2633 = arith.maximumf %max3A_2631, %max3A_2632 : vector<256x128xf32>
    %sub3A_2634 = arith.subf %min3A_2630, %max3A_2633 : vector<256x128xf32>
    %max3A_2635 = arith.constant 0.000000e+00 : f32
    %max3A_2636 = vector.broadcast %max3A_2635 : f32 to vector<256x128xf32>
    %max3A_2637 = arith.maximumf %sub3A_2634, %max3A_2636 : vector<256x128xf32>
    %mul3A_2638 = arith.mulf %max3A_2627, %max3A_2637 : vector<256x128xf32>
    %add3A_2639 = vector.broadcast %slice3A_2497 : vector<256x1xf32> to vector<256x128xf32>
    %add3A_2640 = vector.broadcast %slice3A_2617 : vector<1x128xf32> to vector<256x128xf32>
    %add3A_2641 = arith.addf %add3A_2639, %add3A_2640 : vector<256x128xf32>
    %sub3A_2642 = arith.subf %add3A_2641, %mul3A_2638 : vector<256x128xf32>
    %max3A_2643 = arith.constant 9.99999997E-7 : f32
    %max3A_2644 = vector.broadcast %max3A_2643 : f32 to vector<256x128xf32>
    %max3A_2645 = arith.maximumf %sub3A_2642, %max3A_2644 : vector<256x128xf32>
    %div3A_2646 = arith.divf %mul3A_2638, %max3A_2645 : vector<256x128xf32>
    %gt3A_2647 = arith.constant 0.699999988 : f32
    %gt3A_2648 = vector.broadcast %gt3A_2647 : f32 to vector<256x128xf32>
    %gt3A_2649 = arith.cmpf ogt, %div3A_2646, %gt3A_2648 : vector<256x128xf32>
    %convert_element_type3A_2650 = arith.extui %gt3A_2649 : vector<256x128xi1> to vector<256x128xi32>
    %convert_element_type3A_2651 = arith.sitofp %convert_element_type3A_2650 : vector<256x128xi32> to vector<256x128xf32>
    %iota3A_2652 = tpu.iota {dimensions = array<i32: 0>} : vector<256x128xi32>
    %iota3A_2653 = tpu.iota {dimensions = array<i32: 1>} : vector<256x128xi32>
    %add3A_2654 = arith.constant 128 : i32
    %add3A_2655 = vector.broadcast %add3A_2654 : i32 to vector<256x128xi32>
    %add3A_2656 = arith.addi %iota3A_2653, %add3A_2655 : vector<256x128xi32>
    %lt3A_2657 = arith.cmpi slt, %iota3A_2652, %add3A_2656 : vector<256x128xi32>
    %convert_element_type3A_2658 = arith.extui %lt3A_2657 : vector<256x128xi1> to vector<256x128xi32>
    %convert_element_type3A_2659 = arith.sitofp %convert_element_type3A_2658 : vector<256x128xi32> to vector<256x128xf32>
    %mul3A_2660 = arith.mulf %convert_element_type3A_2651, %convert_element_type3A_2659 : vector<256x128xf32>
    %dot_general3A_2661 = arith.constant dense<0.000000e+00> : vector<1x128xf32>
    %dot_general3A_2662 = tpu.matmul %while3A_2547#0, %mul3A_2660, %dot_general3A_2661 {dimension_numbers = #tpu.dot_dimension_numbers<[1], [0], [0], [1], [0, 0, 1, 1], [], []>, transpose_lhs_hint = false} : vector<1x256xf32>, vector<256x128xf32>, vector<1x128xf32> -> vector<1x128xf32>
    %get3A_2663 = arith.constant 3 : index
    %get3A_2664 = arith.constant 128 : index
    %get3A_2665 = vector.load %arg4[%get3A_2663, %get3A_2664] : memref<8x256xf32, #tpu.memory_space<vmem>>, vector<1x128xf32>
    %lt3A_2666 = arith.constant 5.000000e-01 : f32
    %lt3A_2667 = vector.broadcast %lt3A_2666 : f32 to vector<1x128xf32>
    %lt3A_2668 = arith.cmpf olt, %dot_general3A_2662, %lt3A_2667 : vector<1x128xf32>
    %convert_element_type3A_2669 = arith.extui %lt3A_2668 : vector<1x128xi1> to vector<1x128xi32>
    %convert_element_type3A_2670 = arith.sitofp %convert_element_type3A_2669 : vector<1x128xi32> to vector<1x128xf32>
    %mul3A_2671 = arith.mulf %get3A_2665, %convert_element_type3A_2670 : vector<1x128xf32>
    %swap3A_2672 = arith.constant 3 : index
    %swap3A_2673 = arith.constant 128 : index
    %swap3A_2674 = vector.load %arg4[%swap3A_2672, %swap3A_2673] : memref<8x256xf32, #tpu.memory_space<vmem>>, vector<1x128xf32>
    tpu.vector_store %arg4[%swap3A_2672, %swap3A_2673], %mul3A_2671 {strides = array<i32>} : memref<8x256xf32, #tpu.memory_space<vmem>>, vector<1x128xf32>,
    %slice3A_2675 = vector.extract_strided_slice %get3A_4 {offsets = [4, 0], sizes = [1, 128], strides = [1, 1]} : vector<8x256xf32> to vector<1x128xf32>
    %slice3A_2676 = vector.extract_strided_slice %get3A_10 {offsets = [4, 0], sizes = [1, 128], strides = [1, 1]} : vector<8x256xf32> to vector<1x128xf32>
    %slice3A_2677 = vector.extract_strided_slice %get3A_16 {offsets = [4, 0], sizes = [1, 128], strides = [1, 1]} : vector<8x256xf32> to vector<1x128xf32>
    %slice3A_2678 = vector.extract_strided_slice %get3A_22 {offsets = [4, 0], sizes = [1, 128], strides = [1, 1]} : vector<8x256xf32> to vector<1x128xf32>
    %slice3A_2679 = vector.extract_strided_slice %get3A_28 {offsets = [4, 0], sizes = [1, 128], strides = [1, 1]} : vector<8x256xf32> to vector<1x128xf32>
    %min3A_2680 = vector.broadcast %slice3A_2494 : vector<256x1xf32> to vector<256x128xf32>
    %min3A_2681 = vector.broadcast %slice3A_2676 : vector<1x128xf32> to vector<256x128xf32>
    %min3A_2682 = arith.minimumf %min3A_2680, %min3A_2681 : vector<256x128xf32>
    %max3A_2683 = vector.broadcast %slice3A_2493 : vector<256x1xf32> to vector<256x128xf32>
    %max3A_2684 = vector.broadcast %slice3A_2675 : vector<1x128xf32> to vector<256x128xf32>
    %max3A_2685 = arith.maximumf %max3A_2683, %max3A_2684 : vector<256x128xf32>
    %sub3A_2686 = arith.subf %min3A_2682, %max3A_2685 : vector<256x128xf32>
    %max3A_2687 = arith.constant 0.000000e+00 : f32
    %max3A_2688 = vector.broadcast %max3A_2687 : f32 to vector<256x128xf32>
    %max3A_2689 = arith.maximumf %sub3A_2686, %max3A_2688 : vector<256x128xf32>
    %min3A_2690 = vector.broadcast %slice3A_2496 : vector<256x1xf32> to vector<256x128xf32>
    %min3A_2691 = vector.broadcast %slice3A_2678 : vector<1x128xf32> to vector<256x128xf32>
    %min3A_2692 = arith.minimumf %min3A_2690, %min3A_2691 : vector<256x128xf32>
    %max3A_2693 = vector.broadcast %slice3A_2495 : vector<256x1xf32> to vector<256x128xf32>
    %max3A_2694 = vector.broadcast %slice3A_2677 : vector<1x128xf32> to vector<256x128xf32>
    %max3A_2695 = arith.maximumf %max3A_2693, %max3A_2694 : vector<256x128xf32>
    %sub3A_2696 = arith.subf %min3A_2692, %max3A_2695 : vector<256x128xf32>
    %max3A_2697 = arith.constant 0.000000e+00 : f32
    %max3A_2698 = vector.broadcast %max3A_2697 : f32 to vector<256x128xf32>
    %max3A_2699 = arith.maximumf %sub3A_2696, %max3A_2698 : vector<256x128xf32>
    %mul3A_2700 = arith.mulf %max3A_2689, %max3A_2699 : vector<256x128xf32>
    %add3A_2701 = vector.broadcast %slice3A_2497 : vector<256x1xf32> to vector<256x128xf32>
    %add3A_2702 = vector.broadcast %slice3A_2679 : vector<1x128xf32> to vector<256x128xf32>
    %add3A_2703 = arith.addf %add3A_2701, %add3A_2702 : vector<256x128xf32>
    %sub3A_2704 = arith.subf %add3A_2703, %mul3A_2700 : vector<256x128xf32>
    %max3A_2705 = arith.constant 9.99999997E-7 : f32
    %max3A_2706 = vector.broadcast %max3A_2705 : f32 to vector<256x128xf32>
    %max3A_2707 = arith.maximumf %sub3A_2704, %max3A_2706 : vector<256x128xf32>
    %div3A_2708 = arith.divf %mul3A_2700, %max3A_2707 : vector<256x128xf32>
    %gt3A_2709 = arith.constant 0.699999988 : f32
    %gt3A_2710 = vector.broadcast %gt3A_2709 : f32 to vector<256x128xf32>
    %gt3A_2711 = arith.cmpf ogt, %div3A_2708, %gt3A_2710 : vector<256x128xf32>
    %convert_element_type3A_2712 = arith.extui %gt3A_2711 : vector<256x128xi1> to vector<256x128xi32>
    %convert_element_type3A_2713 = arith.sitofp %convert_element_type3A_2712 : vector<256x128xi32> to vector<256x128xf32>
    %dot_general3A_2714 = arith.constant dense<0.000000e+00> : vector<1x128xf32>
    %dot_general3A_2715 = tpu.matmul %while3A_2547#0, %convert_element_type3A_2713, %dot_general3A_2714 {dimension_numbers = #tpu.dot_dimension_numbers<[1], [0], [0], [1], [0, 0, 1, 1], [], []>, transpose_lhs_hint = false} : vector<1x256xf32>, vector<256x128xf32>, vector<1x128xf32> -> vector<1x128xf32>
    %get3A_2716 = arith.constant 4 : index
    %get3A_2717 = arith.constant 0 : index
    %get3A_2718 = vector.load %arg4[%get3A_2716, %get3A_2717] : memref<8x256xf32, #tpu.memory_space<vmem>>, vector<1x128xf32>
    %lt3A_2719 = arith.constant 5.000000e-01 : f32
    %lt3A_2720 = vector.broadcast %lt3A_2719 : f32 to vector<1x128xf32>
    %lt3A_2721 = arith.cmpf olt, %dot_general3A_2715, %lt3A_2720 : vector<1x128xf32>
    %convert_element_type3A_2722 = arith.extui %lt3A_2721 : vector<1x128xi1> to vector<1x128xi32>
    %convert_element_type3A_2723 = arith.sitofp %convert_element_type3A_2722 : vector<1x128xi32> to vector<1x128xf32>
    %mul3A_2724 = arith.mulf %get3A_2718, %convert_element_type3A_2723 : vector<1x128xf32>
    %swap3A_2725 = arith.constant 4 : index
    %swap3A_2726 = arith.constant 0 : index
    %swap3A_2727 = vector.load %arg4[%swap3A_2725, %swap3A_2726] : memref<8x256xf32, #tpu.memory_space<vmem>>, vector<1x128xf32>
    tpu.vector_store %arg4[%swap3A_2725, %swap3A_2726], %mul3A_2724 {strides = array<i32>} : memref<8x256xf32, #tpu.memory_space<vmem>>, vector<1x128xf32>,
    %slice3A_2728 = vector.extract_strided_slice %get3A_4 {offsets = [4, 128], sizes = [1, 128], strides = [1, 1]} : vector<8x256xf32> to vector<1x128xf32>
    %slice3A_2729 = vector.extract_strided_slice %get3A_10 {offsets = [4, 128], sizes = [1, 128], strides = [1, 1]} : vector<8x256xf32> to vector<1x128xf32>
    %slice3A_2730 = vector.extract_strided_slice %get3A_16 {offsets = [4, 128], sizes = [1, 128], strides = [1, 1]} : vector<8x256xf32> to vector<1x128xf32>
    %slice3A_2731 = vector.extract_strided_slice %get3A_22 {offsets = [4, 128], sizes = [1, 128], strides = [1, 1]} : vector<8x256xf32> to vector<1x128xf32>
    %slice3A_2732 = vector.extract_strided_slice %get3A_28 {offsets = [4, 128], sizes = [1, 128], strides = [1, 1]} : vector<8x256xf32> to vector<1x128xf32>
    %min3A_2733 = vector.broadcast %slice3A_2494 : vector<256x1xf32> to vector<256x128xf32>
    %min3A_2734 = vector.broadcast %slice3A_2729 : vector<1x128xf32> to vector<256x128xf32>
    %min3A_2735 = arith.minimumf %min3A_2733, %min3A_2734 : vector<256x128xf32>
    %max3A_2736 = vector.broadcast %slice3A_2493 : vector<256x1xf32> to vector<256x128xf32>
    %max3A_2737 = vector.broadcast %slice3A_2728 : vector<1x128xf32> to vector<256x128xf32>
    %max3A_2738 = arith.maximumf %max3A_2736, %max3A_2737 : vector<256x128xf32>
    %sub3A_2739 = arith.subf %min3A_2735, %max3A_2738 : vector<256x128xf32>
    %max3A_2740 = arith.constant 0.000000e+00 : f32
    %max3A_2741 = vector.broadcast %max3A_2740 : f32 to vector<256x128xf32>
    %max3A_2742 = arith.maximumf %sub3A_2739, %max3A_2741 : vector<256x128xf32>
    %min3A_2743 = vector.broadcast %slice3A_2496 : vector<256x1xf32> to vector<256x128xf32>
    %min3A_2744 = vector.broadcast %slice3A_2731 : vector<1x128xf32> to vector<256x128xf32>
    %min3A_2745 = arith.minimumf %min3A_2743, %min3A_2744 : vector<256x128xf32>
    %max3A_2746 = vector.broadcast %slice3A_2495 : vector<256x1xf32> to vector<256x128xf32>
    %max3A_2747 = vector.broadcast %slice3A_2730 : vector<1x128xf32> to vector<256x128xf32>
    %max3A_2748 = arith.maximumf %max3A_2746, %max3A_2747 : vector<256x128xf32>
    %sub3A_2749 = arith.subf %min3A_2745, %max3A_2748 : vector<256x128xf32>
    %max3A_2750 = arith.constant 0.000000e+00 : f32
    %max3A_2751 = vector.broadcast %max3A_2750 : f32 to vector<256x128xf32>
    %max3A_2752 = arith.maximumf %sub3A_2749, %max3A_2751 : vector<256x128xf32>
    %mul3A_2753 = arith.mulf %max3A_2742, %max3A_2752 : vector<256x128xf32>
    %add3A_2754 = vector.broadcast %slice3A_2497 : vector<256x1xf32> to vector<256x128xf32>
    %add3A_2755 = vector.broadcast %slice3A_2732 : vector<1x128xf32> to vector<256x128xf32>
    %add3A_2756 = arith.addf %add3A_2754, %add3A_2755 : vector<256x128xf32>
    %sub3A_2757 = arith.subf %add3A_2756, %mul3A_2753 : vector<256x128xf32>
    %max3A_2758 = arith.constant 9.99999997E-7 : f32
    %max3A_2759 = vector.broadcast %max3A_2758 : f32 to vector<256x128xf32>
    %max3A_2760 = arith.maximumf %sub3A_2757, %max3A_2759 : vector<256x128xf32>
    %div3A_2761 = arith.divf %mul3A_2753, %max3A_2760 : vector<256x128xf32>
    %gt3A_2762 = arith.constant 0.699999988 : f32
    %gt3A_2763 = vector.broadcast %gt3A_2762 : f32 to vector<256x128xf32>
    %gt3A_2764 = arith.cmpf ogt, %div3A_2761, %gt3A_2763 : vector<256x128xf32>
    %convert_element_type3A_2765 = arith.extui %gt3A_2764 : vector<256x128xi1> to vector<256x128xi32>
    %convert_element_type3A_2766 = arith.sitofp %convert_element_type3A_2765 : vector<256x128xi32> to vector<256x128xf32>
    %dot_general3A_2767 = arith.constant dense<0.000000e+00> : vector<1x128xf32>
    %dot_general3A_2768 = tpu.matmul %while3A_2547#0, %convert_element_type3A_2766, %dot_general3A_2767 {dimension_numbers = #tpu.dot_dimension_numbers<[1], [0], [0], [1], [0, 0, 1, 1], [], []>, transpose_lhs_hint = false} : vector<1x256xf32>, vector<256x128xf32>, vector<1x128xf32> -> vector<1x128xf32>
    %get3A_2769 = arith.constant 4 : index
    %get3A_2770 = arith.constant 128 : index
    %get3A_2771 = vector.load %arg4[%get3A_2769, %get3A_2770] : memref<8x256xf32, #tpu.memory_space<vmem>>, vector<1x128xf32>
    %lt3A_2772 = arith.constant 5.000000e-01 : f32
    %lt3A_2773 = vector.broadcast %lt3A_2772 : f32 to vector<1x128xf32>
    %lt3A_2774 = arith.cmpf olt, %dot_general3A_2768, %lt3A_2773 : vector<1x128xf32>
    %convert_element_type3A_2775 = arith.extui %lt3A_2774 : vector<1x128xi1> to vector<1x128xi32>
    %convert_element_type3A_2776 = arith.sitofp %convert_element_type3A_2775 : vector<1x128xi32> to vector<1x128xf32>
    %mul3A_2777 = arith.mulf %get3A_2771, %convert_element_type3A_2776 : vector<1x128xf32>
    %swap3A_2778 = arith.constant 4 : index
    %swap3A_2779 = arith.constant 128 : index
    %swap3A_2780 = vector.load %arg4[%swap3A_2778, %swap3A_2779] : memref<8x256xf32, #tpu.memory_space<vmem>>, vector<1x128xf32>
    tpu.vector_store %arg4[%swap3A_2778, %swap3A_2779], %mul3A_2777 {strides = array<i32>} : memref<8x256xf32, #tpu.memory_space<vmem>>, vector<1x128xf32>,
    %slice3A_2781 = vector.extract_strided_slice %get3A_4 {offsets = [5, 0], sizes = [1, 128], strides = [1, 1]} : vector<8x256xf32> to vector<1x128xf32>
    %slice3A_2782 = vector.extract_strided_slice %get3A_10 {offsets = [5, 0], sizes = [1, 128], strides = [1, 1]} : vector<8x256xf32> to vector<1x128xf32>
    %slice3A_2783 = vector.extract_strided_slice %get3A_16 {offsets = [5, 0], sizes = [1, 128], strides = [1, 1]} : vector<8x256xf32> to vector<1x128xf32>
    %slice3A_2784 = vector.extract_strided_slice %get3A_22 {offsets = [5, 0], sizes = [1, 128], strides = [1, 1]} : vector<8x256xf32> to vector<1x128xf32>
    %slice3A_2785 = vector.extract_strided_slice %get3A_28 {offsets = [5, 0], sizes = [1, 128], strides = [1, 1]} : vector<8x256xf32> to vector<1x128xf32>
    %min3A_2786 = vector.broadcast %slice3A_2494 : vector<256x1xf32> to vector<256x128xf32>
    %min3A_2787 = vector.broadcast %slice3A_2782 : vector<1x128xf32> to vector<256x128xf32>
    %min3A_2788 = arith.minimumf %min3A_2786, %min3A_2787 : vector<256x128xf32>
    %max3A_2789 = vector.broadcast %slice3A_2493 : vector<256x1xf32> to vector<256x128xf32>
    %max3A_2790 = vector.broadcast %slice3A_2781 : vector<1x128xf32> to vector<256x128xf32>
    %max3A_2791 = arith.maximumf %max3A_2789, %max3A_2790 : vector<256x128xf32>
    %sub3A_2792 = arith.subf %min3A_2788, %max3A_2791 : vector<256x128xf32>
    %max3A_2793 = arith.constant 0.000000e+00 : f32
    %max3A_2794 = vector.broadcast %max3A_2793 : f32 to vector<256x128xf32>
    %max3A_2795 = arith.maximumf %sub3A_2792, %max3A_2794 : vector<256x128xf32>
    %min3A_2796 = vector.broadcast %slice3A_2496 : vector<256x1xf32> to vector<256x128xf32>
    %min3A_2797 = vector.broadcast %slice3A_2784 : vector<1x128xf32> to vector<256x128xf32>
    %min3A_2798 = arith.minimumf %min3A_2796, %min3A_2797 : vector<256x128xf32>
    %max3A_2799 = vector.broadcast %slice3A_2495 : vector<256x1xf32> to vector<256x128xf32>
    %max3A_2800 = vector.broadcast %slice3A_2783 : vector<1x128xf32> to vector<256x128xf32>
    %max3A_2801 = arith.maximumf %max3A_2799, %max3A_2800 : vector<256x128xf32>
    %sub3A_2802 = arith.subf %min3A_2798, %max3A_2801 : vector<256x128xf32>
    %max3A_2803 = arith.constant 0.000000e+00 : f32
    %max3A_2804 = vector.broadcast %max3A_2803 : f32 to vector<256x128xf32>
    %max3A_2805 = arith.maximumf %sub3A_2802, %max3A_2804 : vector<256x128xf32>
    %mul3A_2806 = arith.mulf %max3A_2795, %max3A_2805 : vector<256x128xf32>
    %add3A_2807 = vector.broadcast %slice3A_2497 : vector<256x1xf32> to vector<256x128xf32>
    %add3A_2808 = vector.broadcast %slice3A_2785 : vector<1x128xf32> to vector<256x128xf32>
    %add3A_2809 = arith.addf %add3A_2807, %add3A_2808 : vector<256x128xf32>
    %sub3A_2810 = arith.subf %add3A_2809, %mul3A_2806 : vector<256x128xf32>
    %max3A_2811 = arith.constant 9.99999997E-7 : f32
    %max3A_2812 = vector.broadcast %max3A_2811 : f32 to vector<256x128xf32>
    %max3A_2813 = arith.maximumf %sub3A_2810, %max3A_2812 : vector<256x128xf32>
    %div3A_2814 = arith.divf %mul3A_2806, %max3A_2813 : vector<256x128xf32>
    %gt3A_2815 = arith.constant 0.699999988 : f32
    %gt3A_2816 = vector.broadcast %gt3A_2815 : f32 to vector<256x128xf32>
    %gt3A_2817 = arith.cmpf ogt, %div3A_2814, %gt3A_2816 : vector<256x128xf32>
    %convert_element_type3A_2818 = arith.extui %gt3A_2817 : vector<256x128xi1> to vector<256x128xi32>
    %convert_element_type3A_2819 = arith.sitofp %convert_element_type3A_2818 : vector<256x128xi32> to vector<256x128xf32>
    %dot_general3A_2820 = arith.constant dense<0.000000e+00> : vector<1x128xf32>
    %dot_general3A_2821 = tpu.matmul %while3A_2547#0, %convert_element_type3A_2819, %dot_general3A_2820 {dimension_numbers = #tpu.dot_dimension_numbers<[1], [0], [0], [1], [0, 0, 1, 1], [], []>, transpose_lhs_hint = false} : vector<1x256xf32>, vector<256x128xf32>, vector<1x128xf32> -> vector<1x128xf32>
    %get3A_2822 = arith.constant 5 : index
    %get3A_2823 = arith.constant 0 : index
    %get3A_2824 = vector.load %arg4[%get3A_2822, %get3A_2823] : memref<8x256xf32, #tpu.memory_space<vmem>>, vector<1x128xf32>
    %lt3A_2825 = arith.constant 5.000000e-01 : f32
    %lt3A_2826 = vector.broadcast %lt3A_2825 : f32 to vector<1x128xf32>
    %lt3A_2827 = arith.cmpf olt, %dot_general3A_2821, %lt3A_2826 : vector<1x128xf32>
    %convert_element_type3A_2828 = arith.extui %lt3A_2827 : vector<1x128xi1> to vector<1x128xi32>
    %convert_element_type3A_2829 = arith.sitofp %convert_element_type3A_2828 : vector<1x128xi32> to vector<1x128xf32>
    %mul3A_2830 = arith.mulf %get3A_2824, %convert_element_type3A_2829 : vector<1x128xf32>
    %swap3A_2831 = arith.constant 5 : index
    %swap3A_2832 = arith.constant 0 : index
    %swap3A_2833 = vector.load %arg4[%swap3A_2831, %swap3A_2832] : memref<8x256xf32, #tpu.memory_space<vmem>>, vector<1x128xf32>
    tpu.vector_store %arg4[%swap3A_2831, %swap3A_2832], %mul3A_2830 {strides = array<i32>} : memref<8x256xf32, #tpu.memory_space<vmem>>, vector<1x128xf32>,
    %slice3A_2834 = vector.extract_strided_slice %get3A_4 {offsets = [5, 128], sizes = [1, 128], strides = [1, 1]} : vector<8x256xf32> to vector<1x128xf32>
    %slice3A_2835 = vector.extract_strided_slice %get3A_10 {offsets = [5, 128], sizes = [1, 128], strides = [1, 1]} : vector<8x256xf32> to vector<1x128xf32>
    %slice3A_2836 = vector.extract_strided_slice %get3A_16 {offsets = [5, 128], sizes = [1, 128], strides = [1, 1]} : vector<8x256xf32> to vector<1x128xf32>
    %slice3A_2837 = vector.extract_strided_slice %get3A_22 {offsets = [5, 128], sizes = [1, 128], strides = [1, 1]} : vector<8x256xf32> to vector<1x128xf32>
    %slice3A_2838 = vector.extract_strided_slice %get3A_28 {offsets = [5, 128], sizes = [1, 128], strides = [1, 1]} : vector<8x256xf32> to vector<1x128xf32>
    %min3A_2839 = vector.broadcast %slice3A_2494 : vector<256x1xf32> to vector<256x128xf32>
    %min3A_2840 = vector.broadcast %slice3A_2835 : vector<1x128xf32> to vector<256x128xf32>
    %min3A_2841 = arith.minimumf %min3A_2839, %min3A_2840 : vector<256x128xf32>
    %max3A_2842 = vector.broadcast %slice3A_2493 : vector<256x1xf32> to vector<256x128xf32>
    %max3A_2843 = vector.broadcast %slice3A_2834 : vector<1x128xf32> to vector<256x128xf32>
    %max3A_2844 = arith.maximumf %max3A_2842, %max3A_2843 : vector<256x128xf32>
    %sub3A_2845 = arith.subf %min3A_2841, %max3A_2844 : vector<256x128xf32>
    %max3A_2846 = arith.constant 0.000000e+00 : f32
    %max3A_2847 = vector.broadcast %max3A_2846 : f32 to vector<256x128xf32>
    %max3A_2848 = arith.maximumf %sub3A_2845, %max3A_2847 : vector<256x128xf32>
    %min3A_2849 = vector.broadcast %slice3A_2496 : vector<256x1xf32> to vector<256x128xf32>
    %min3A_2850 = vector.broadcast %slice3A_2837 : vector<1x128xf32> to vector<256x128xf32>
    %min3A_2851 = arith.minimumf %min3A_2849, %min3A_2850 : vector<256x128xf32>
    %max3A_2852 = vector.broadcast %slice3A_2495 : vector<256x1xf32> to vector<256x128xf32>
    %max3A_2853 = vector.broadcast %slice3A_2836 : vector<1x128xf32> to vector<256x128xf32>
    %max3A_2854 = arith.maximumf %max3A_2852, %max3A_2853 : vector<256x128xf32>
    %sub3A_2855 = arith.subf %min3A_2851, %max3A_2854 : vector<256x128xf32>
    %max3A_2856 = arith.constant 0.000000e+00 : f32
    %max3A_2857 = vector.broadcast %max3A_2856 : f32 to vector<256x128xf32>
    %max3A_2858 = arith.maximumf %sub3A_2855, %max3A_2857 : vector<256x128xf32>
    %mul3A_2859 = arith.mulf %max3A_2848, %max3A_2858 : vector<256x128xf32>
    %add3A_2860 = vector.broadcast %slice3A_2497 : vector<256x1xf32> to vector<256x128xf32>
    %add3A_2861 = vector.broadcast %slice3A_2838 : vector<1x128xf32> to vector<256x128xf32>
    %add3A_2862 = arith.addf %add3A_2860, %add3A_2861 : vector<256x128xf32>
    %sub3A_2863 = arith.subf %add3A_2862, %mul3A_2859 : vector<256x128xf32>
    %max3A_2864 = arith.constant 9.99999997E-7 : f32
    %max3A_2865 = vector.broadcast %max3A_2864 : f32 to vector<256x128xf32>
    %max3A_2866 = arith.maximumf %sub3A_2863, %max3A_2865 : vector<256x128xf32>
    %div3A_2867 = arith.divf %mul3A_2859, %max3A_2866 : vector<256x128xf32>
    %gt3A_2868 = arith.constant 0.699999988 : f32
    %gt3A_2869 = vector.broadcast %gt3A_2868 : f32 to vector<256x128xf32>
    %gt3A_2870 = arith.cmpf ogt, %div3A_2867, %gt3A_2869 : vector<256x128xf32>
    %convert_element_type3A_2871 = arith.extui %gt3A_2870 : vector<256x128xi1> to vector<256x128xi32>
    %convert_element_type3A_2872 = arith.sitofp %convert_element_type3A_2871 : vector<256x128xi32> to vector<256x128xf32>
    %dot_general3A_2873 = arith.constant dense<0.000000e+00> : vector<1x128xf32>
    %dot_general3A_2874 = tpu.matmul %while3A_2547#0, %convert_element_type3A_2872, %dot_general3A_2873 {dimension_numbers = #tpu.dot_dimension_numbers<[1], [0], [0], [1], [0, 0, 1, 1], [], []>, transpose_lhs_hint = false} : vector<1x256xf32>, vector<256x128xf32>, vector<1x128xf32> -> vector<1x128xf32>
    %get3A_2875 = arith.constant 5 : index
    %get3A_2876 = arith.constant 128 : index
    %get3A_2877 = vector.load %arg4[%get3A_2875, %get3A_2876] : memref<8x256xf32, #tpu.memory_space<vmem>>, vector<1x128xf32>
    %lt3A_2878 = arith.constant 5.000000e-01 : f32
    %lt3A_2879 = vector.broadcast %lt3A_2878 : f32 to vector<1x128xf32>
    %lt3A_2880 = arith.cmpf olt, %dot_general3A_2874, %lt3A_2879 : vector<1x128xf32>
    %convert_element_type3A_2881 = arith.extui %lt3A_2880 : vector<1x128xi1> to vector<1x128xi32>
    %convert_element_type3A_2882 = arith.sitofp %convert_element_type3A_2881 : vector<1x128xi32> to vector<1x128xf32>
    %mul3A_2883 = arith.mulf %get3A_2877, %convert_element_type3A_2882 : vector<1x128xf32>
    %swap3A_2884 = arith.constant 5 : index
    %swap3A_2885 = arith.constant 128 : index
    %swap3A_2886 = vector.load %arg4[%swap3A_2884, %swap3A_2885] : memref<8x256xf32, #tpu.memory_space<vmem>>, vector<1x128xf32>
    tpu.vector_store %arg4[%swap3A_2884, %swap3A_2885], %mul3A_2883 {strides = array<i32>} : memref<8x256xf32, #tpu.memory_space<vmem>>, vector<1x128xf32>,
    %slice3A_2887 = vector.extract_strided_slice %get3A_4 {offsets = [6, 0], sizes = [1, 128], strides = [1, 1]} : vector<8x256xf32> to vector<1x128xf32>
    %slice3A_2888 = vector.extract_strided_slice %get3A_10 {offsets = [6, 0], sizes = [1, 128], strides = [1, 1]} : vector<8x256xf32> to vector<1x128xf32>
    %slice3A_2889 = vector.extract_strided_slice %get3A_16 {offsets = [6, 0], sizes = [1, 128], strides = [1, 1]} : vector<8x256xf32> to vector<1x128xf32>
    %slice3A_2890 = vector.extract_strided_slice %get3A_22 {offsets = [6, 0], sizes = [1, 128], strides = [1, 1]} : vector<8x256xf32> to vector<1x128xf32>
    %slice3A_2891 = vector.extract_strided_slice %get3A_28 {offsets = [6, 0], sizes = [1, 128], strides = [1, 1]} : vector<8x256xf32> to vector<1x128xf32>
    %min3A_2892 = vector.broadcast %slice3A_2494 : vector<256x1xf32> to vector<256x128xf32>
    %min3A_2893 = vector.broadcast %slice3A_2888 : vector<1x128xf32> to vector<256x128xf32>
    %min3A_2894 = arith.minimumf %min3A_2892, %min3A_2893 : vector<256x128xf32>
    %max3A_2895 = vector.broadcast %slice3A_2493 : vector<256x1xf32> to vector<256x128xf32>
    %max3A_2896 = vector.broadcast %slice3A_2887 : vector<1x128xf32> to vector<256x128xf32>
    %max3A_2897 = arith.maximumf %max3A_2895, %max3A_2896 : vector<256x128xf32>
    %sub3A_2898 = arith.subf %min3A_2894, %max3A_2897 : vector<256x128xf32>
    %max3A_2899 = arith.constant 0.000000e+00 : f32
    %max3A_2900 = vector.broadcast %max3A_2899 : f32 to vector<256x128xf32>
    %max3A_2901 = arith.maximumf %sub3A_2898, %max3A_2900 : vector<256x128xf32>
    %min3A_2902 = vector.broadcast %slice3A_2496 : vector<256x1xf32> to vector<256x128xf32>
    %min3A_2903 = vector.broadcast %slice3A_2890 : vector<1x128xf32> to vector<256x128xf32>
    %min3A_2904 = arith.minimumf %min3A_2902, %min3A_2903 : vector<256x128xf32>
    %max3A_2905 = vector.broadcast %slice3A_2495 : vector<256x1xf32> to vector<256x128xf32>
    %max3A_2906 = vector.broadcast %slice3A_2889 : vector<1x128xf32> to vector<256x128xf32>
    %max3A_2907 = arith.maximumf %max3A_2905, %max3A_2906 : vector<256x128xf32>
    %sub3A_2908 = arith.subf %min3A_2904, %max3A_2907 : vector<256x128xf32>
    %max3A_2909 = arith.constant 0.000000e+00 : f32
    %max3A_2910 = vector.broadcast %max3A_2909 : f32 to vector<256x128xf32>
    %max3A_2911 = arith.maximumf %sub3A_2908, %max3A_2910 : vector<256x128xf32>
    %mul3A_2912 = arith.mulf %max3A_2901, %max3A_2911 : vector<256x128xf32>
    %add3A_2913 = vector.broadcast %slice3A_2497 : vector<256x1xf32> to vector<256x128xf32>
    %add3A_2914 = vector.broadcast %slice3A_2891 : vector<1x128xf32> to vector<256x128xf32>
    %add3A_2915 = arith.addf %add3A_2913, %add3A_2914 : vector<256x128xf32>
    %sub3A_2916 = arith.subf %add3A_2915, %mul3A_2912 : vector<256x128xf32>
    %max3A_2917 = arith.constant 9.99999997E-7 : f32
    %max3A_2918 = vector.broadcast %max3A_2917 : f32 to vector<256x128xf32>
    %max3A_2919 = arith.maximumf %sub3A_2916, %max3A_2918 : vector<256x128xf32>
    %div3A_2920 = arith.divf %mul3A_2912, %max3A_2919 : vector<256x128xf32>
    %gt3A_2921 = arith.constant 0.699999988 : f32
    %gt3A_2922 = vector.broadcast %gt3A_2921 : f32 to vector<256x128xf32>
    %gt3A_2923 = arith.cmpf ogt, %div3A_2920, %gt3A_2922 : vector<256x128xf32>
    %convert_element_type3A_2924 = arith.extui %gt3A_2923 : vector<256x128xi1> to vector<256x128xi32>
    %convert_element_type3A_2925 = arith.sitofp %convert_element_type3A_2924 : vector<256x128xi32> to vector<256x128xf32>
    %dot_general3A_2926 = arith.constant dense<0.000000e+00> : vector<1x128xf32>
    %dot_general3A_2927 = tpu.matmul %while3A_2547#0, %convert_element_type3A_2925, %dot_general3A_2926 {dimension_numbers = #tpu.dot_dimension_numbers<[1], [0], [0], [1], [0, 0, 1, 1], [], []>, transpose_lhs_hint = false} : vector<1x256xf32>, vector<256x128xf32>, vector<1x128xf32> -> vector<1x128xf32>
    %get3A_2928 = arith.constant 6 : index
    %get3A_2929 = arith.constant 0 : index
    %get3A_2930 = vector.load %arg4[%get3A_2928, %get3A_2929] : memref<8x256xf32, #tpu.memory_space<vmem>>, vector<1x128xf32>
    %lt3A_2931 = arith.constant 5.000000e-01 : f32
    %lt3A_2932 = vector.broadcast %lt3A_2931 : f32 to vector<1x128xf32>
    %lt3A_2933 = arith.cmpf olt, %dot_general3A_2927, %lt3A_2932 : vector<1x128xf32>
    %convert_element_type3A_2934 = arith.extui %lt3A_2933 : vector<1x128xi1> to vector<1x128xi32>
    %convert_element_type3A_2935 = arith.sitofp %convert_element_type3A_2934 : vector<1x128xi32> to vector<1x128xf32>
    %mul3A_2936 = arith.mulf %get3A_2930, %convert_element_type3A_2935 : vector<1x128xf32>
    %swap3A_2937 = arith.constant 6 : index
    %swap3A_2938 = arith.constant 0 : index
    %swap3A_2939 = vector.load %arg4[%swap3A_2937, %swap3A_2938] : memref<8x256xf32, #tpu.memory_space<vmem>>, vector<1x128xf32>
    tpu.vector_store %arg4[%swap3A_2937, %swap3A_2938], %mul3A_2936 {strides = array<i32>} : memref<8x256xf32, #tpu.memory_space<vmem>>, vector<1x128xf32>,
    %slice3A_2940 = vector.extract_strided_slice %get3A_4 {offsets = [6, 128], sizes = [1, 128], strides = [1, 1]} : vector<8x256xf32> to vector<1x128xf32>
    %slice3A_2941 = vector.extract_strided_slice %get3A_10 {offsets = [6, 128], sizes = [1, 128], strides = [1, 1]} : vector<8x256xf32> to vector<1x128xf32>
    %slice3A_2942 = vector.extract_strided_slice %get3A_16 {offsets = [6, 128], sizes = [1, 128], strides = [1, 1]} : vector<8x256xf32> to vector<1x128xf32>
    %slice3A_2943 = vector.extract_strided_slice %get3A_22 {offsets = [6, 128], sizes = [1, 128], strides = [1, 1]} : vector<8x256xf32> to vector<1x128xf32>
    %slice3A_2944 = vector.extract_strided_slice %get3A_28 {offsets = [6, 128], sizes = [1, 128], strides = [1, 1]} : vector<8x256xf32> to vector<1x128xf32>
    %min3A_2945 = vector.broadcast %slice3A_2494 : vector<256x1xf32> to vector<256x128xf32>
    %min3A_2946 = vector.broadcast %slice3A_2941 : vector<1x128xf32> to vector<256x128xf32>
    %min3A_2947 = arith.minimumf %min3A_2945, %min3A_2946 : vector<256x128xf32>
    %max3A_2948 = vector.broadcast %slice3A_2493 : vector<256x1xf32> to vector<256x128xf32>
    %max3A_2949 = vector.broadcast %slice3A_2940 : vector<1x128xf32> to vector<256x128xf32>
    %max3A_2950 = arith.maximumf %max3A_2948, %max3A_2949 : vector<256x128xf32>
    %sub3A_2951 = arith.subf %min3A_2947, %max3A_2950 : vector<256x128xf32>
    %max3A_2952 = arith.constant 0.000000e+00 : f32
    %max3A_2953 = vector.broadcast %max3A_2952 : f32 to vector<256x128xf32>
    %max3A_2954 = arith.maximumf %sub3A_2951, %max3A_2953 : vector<256x128xf32>
    %min3A_2955 = vector.broadcast %slice3A_2496 : vector<256x1xf32> to vector<256x128xf32>
    %min3A_2956 = vector.broadcast %slice3A_2943 : vector<1x128xf32> to vector<256x128xf32>
    %min3A_2957 = arith.minimumf %min3A_2955, %min3A_2956 : vector<256x128xf32>
    %max3A_2958 = vector.broadcast %slice3A_2495 : vector<256x1xf32> to vector<256x128xf32>
    %max3A_2959 = vector.broadcast %slice3A_2942 : vector<1x128xf32> to vector<256x128xf32>
    %max3A_2960 = arith.maximumf %max3A_2958, %max3A_2959 : vector<256x128xf32>
    %sub3A_2961 = arith.subf %min3A_2957, %max3A_2960 : vector<256x128xf32>
    %max3A_2962 = arith.constant 0.000000e+00 : f32
    %max3A_2963 = vector.broadcast %max3A_2962 : f32 to vector<256x128xf32>
    %max3A_2964 = arith.maximumf %sub3A_2961, %max3A_2963 : vector<256x128xf32>
    %mul3A_2965 = arith.mulf %max3A_2954, %max3A_2964 : vector<256x128xf32>
    %add3A_2966 = vector.broadcast %slice3A_2497 : vector<256x1xf32> to vector<256x128xf32>
    %add3A_2967 = vector.broadcast %slice3A_2944 : vector<1x128xf32> to vector<256x128xf32>
    %add3A_2968 = arith.addf %add3A_2966, %add3A_2967 : vector<256x128xf32>
    %sub3A_2969 = arith.subf %add3A_2968, %mul3A_2965 : vector<256x128xf32>
    %max3A_2970 = arith.constant 9.99999997E-7 : f32
    %max3A_2971 = vector.broadcast %max3A_2970 : f32 to vector<256x128xf32>
    %max3A_2972 = arith.maximumf %sub3A_2969, %max3A_2971 : vector<256x128xf32>
    %div3A_2973 = arith.divf %mul3A_2965, %max3A_2972 : vector<256x128xf32>
    %gt3A_2974 = arith.constant 0.699999988 : f32
    %gt3A_2975 = vector.broadcast %gt3A_2974 : f32 to vector<256x128xf32>
    %gt3A_2976 = arith.cmpf ogt, %div3A_2973, %gt3A_2975 : vector<256x128xf32>
    %convert_element_type3A_2977 = arith.extui %gt3A_2976 : vector<256x128xi1> to vector<256x128xi32>
    %convert_element_type3A_2978 = arith.sitofp %convert_element_type3A_2977 : vector<256x128xi32> to vector<256x128xf32>
    %dot_general3A_2979 = arith.constant dense<0.000000e+00> : vector<1x128xf32>
    %dot_general3A_2980 = tpu.matmul %while3A_2547#0, %convert_element_type3A_2978, %dot_general3A_2979 {dimension_numbers = #tpu.dot_dimension_numbers<[1], [0], [0], [1], [0, 0, 1, 1], [], []>, transpose_lhs_hint = false} : vector<1x256xf32>, vector<256x128xf32>, vector<1x128xf32> -> vector<1x128xf32>
    %get3A_2981 = arith.constant 6 : index
    %get3A_2982 = arith.constant 128 : index
    %get3A_2983 = vector.load %arg4[%get3A_2981, %get3A_2982] : memref<8x256xf32, #tpu.memory_space<vmem>>, vector<1x128xf32>
    %lt3A_2984 = arith.constant 5.000000e-01 : f32
    %lt3A_2985 = vector.broadcast %lt3A_2984 : f32 to vector<1x128xf32>
    %lt3A_2986 = arith.cmpf olt, %dot_general3A_2980, %lt3A_2985 : vector<1x128xf32>
    %convert_element_type3A_2987 = arith.extui %lt3A_2986 : vector<1x128xi1> to vector<1x128xi32>
    %convert_element_type3A_2988 = arith.sitofp %convert_element_type3A_2987 : vector<1x128xi32> to vector<1x128xf32>
    %mul3A_2989 = arith.mulf %get3A_2983, %convert_element_type3A_2988 : vector<1x128xf32>
    %swap3A_2990 = arith.constant 6 : index
    %swap3A_2991 = arith.constant 128 : index
    %swap3A_2992 = vector.load %arg4[%swap3A_2990, %swap3A_2991] : memref<8x256xf32, #tpu.memory_space<vmem>>, vector<1x128xf32>
    tpu.vector_store %arg4[%swap3A_2990, %swap3A_2991], %mul3A_2989 {strides = array<i32>} : memref<8x256xf32, #tpu.memory_space<vmem>>, vector<1x128xf32>,
    %slice3A_2993 = vector.extract_strided_slice %get3A_4 {offsets = [7, 0], sizes = [1, 128], strides = [1, 1]} : vector<8x256xf32> to vector<1x128xf32>
    %slice3A_2994 = vector.extract_strided_slice %get3A_10 {offsets = [7, 0], sizes = [1, 128], strides = [1, 1]} : vector<8x256xf32> to vector<1x128xf32>
    %slice3A_2995 = vector.extract_strided_slice %get3A_16 {offsets = [7, 0], sizes = [1, 128], strides = [1, 1]} : vector<8x256xf32> to vector<1x128xf32>
    %slice3A_2996 = vector.extract_strided_slice %get3A_22 {offsets = [7, 0], sizes = [1, 128], strides = [1, 1]} : vector<8x256xf32> to vector<1x128xf32>
    %slice3A_2997 = vector.extract_strided_slice %get3A_28 {offsets = [7, 0], sizes = [1, 128], strides = [1, 1]} : vector<8x256xf32> to vector<1x128xf32>
    %min3A_2998 = vector.broadcast %slice3A_2494 : vector<256x1xf32> to vector<256x128xf32>
    %min3A_2999 = vector.broadcast %slice3A_2994 : vector<1x128xf32> to vector<256x128xf32>
    %min3A_3000 = arith.minimumf %min3A_2998, %min3A_2999 : vector<256x128xf32>
    %max3A_3001 = vector.broadcast %slice3A_2493 : vector<256x1xf32> to vector<256x128xf32>
    %max3A_3002 = vector.broadcast %slice3A_2993 : vector<1x128xf32> to vector<256x128xf32>
    %max3A_3003 = arith.maximumf %max3A_3001, %max3A_3002 : vector<256x128xf32>
    %sub3A_3004 = arith.subf %min3A_3000, %max3A_3003 : vector<256x128xf32>
    %max3A_3005 = arith.constant 0.000000e+00 : f32
    %max3A_3006 = vector.broadcast %max3A_3005 : f32 to vector<256x128xf32>
    %max3A_3007 = arith.maximumf %sub3A_3004, %max3A_3006 : vector<256x128xf32>
    %min3A_3008 = vector.broadcast %slice3A_2496 : vector<256x1xf32> to vector<256x128xf32>
    %min3A_3009 = vector.broadcast %slice3A_2996 : vector<1x128xf32> to vector<256x128xf32>
    %min3A_3010 = arith.minimumf %min3A_3008, %min3A_3009 : vector<256x128xf32>
    %max3A_3011 = vector.broadcast %slice3A_2495 : vector<256x1xf32> to vector<256x128xf32>
    %max3A_3012 = vector.broadcast %slice3A_2995 : vector<1x128xf32> to vector<256x128xf32>
    %max3A_3013 = arith.maximumf %max3A_3011, %max3A_3012 : vector<256x128xf32>
    %sub3A_3014 = arith.subf %min3A_3010, %max3A_3013 : vector<256x128xf32>
    %max3A_3015 = arith.constant 0.000000e+00 : f32
    %max3A_3016 = vector.broadcast %max3A_3015 : f32 to vector<256x128xf32>
    %max3A_3017 = arith.maximumf %sub3A_3014, %max3A_3016 : vector<256x128xf32>
    %mul3A_3018 = arith.mulf %max3A_3007, %max3A_3017 : vector<256x128xf32>
    %add3A_3019 = vector.broadcast %slice3A_2497 : vector<256x1xf32> to vector<256x128xf32>
    %add3A_3020 = vector.broadcast %slice3A_2997 : vector<1x128xf32> to vector<256x128xf32>
    %add3A_3021 = arith.addf %add3A_3019, %add3A_3020 : vector<256x128xf32>
    %sub3A_3022 = arith.subf %add3A_3021, %mul3A_3018 : vector<256x128xf32>
    %max3A_3023 = arith.constant 9.99999997E-7 : f32
    %max3A_3024 = vector.broadcast %max3A_3023 : f32 to vector<256x128xf32>
    %max3A_3025 = arith.maximumf %sub3A_3022, %max3A_3024 : vector<256x128xf32>
    %div3A_3026 = arith.divf %mul3A_3018, %max3A_3025 : vector<256x128xf32>
    %gt3A_3027 = arith.constant 0.699999988 : f32
    %gt3A_3028 = vector.broadcast %gt3A_3027 : f32 to vector<256x128xf32>
    %gt3A_3029 = arith.cmpf ogt, %div3A_3026, %gt3A_3028 : vector<256x128xf32>
    %convert_element_type3A_3030 = arith.extui %gt3A_3029 : vector<256x128xi1> to vector<256x128xi32>
    %convert_element_type3A_3031 = arith.sitofp %convert_element_type3A_3030 : vector<256x128xi32> to vector<256x128xf32>
    %dot_general3A_3032 = arith.constant dense<0.000000e+00> : vector<1x128xf32>
    %dot_general3A_3033 = tpu.matmul %while3A_2547#0, %convert_element_type3A_3031, %dot_general3A_3032 {dimension_numbers = #tpu.dot_dimension_numbers<[1], [0], [0], [1], [0, 0, 1, 1], [], []>, transpose_lhs_hint = false} : vector<1x256xf32>, vector<256x128xf32>, vector<1x128xf32> -> vector<1x128xf32>
    %get3A_3034 = arith.constant 7 : index
    %get3A_3035 = arith.constant 0 : index
    %get3A_3036 = vector.load %arg4[%get3A_3034, %get3A_3035] : memref<8x256xf32, #tpu.memory_space<vmem>>, vector<1x128xf32>
    %lt3A_3037 = arith.constant 5.000000e-01 : f32
    %lt3A_3038 = vector.broadcast %lt3A_3037 : f32 to vector<1x128xf32>
    %lt3A_3039 = arith.cmpf olt, %dot_general3A_3033, %lt3A_3038 : vector<1x128xf32>
    %convert_element_type3A_3040 = arith.extui %lt3A_3039 : vector<1x128xi1> to vector<1x128xi32>
    %convert_element_type3A_3041 = arith.sitofp %convert_element_type3A_3040 : vector<1x128xi32> to vector<1x128xf32>
    %mul3A_3042 = arith.mulf %get3A_3036, %convert_element_type3A_3041 : vector<1x128xf32>
    %swap3A_3043 = arith.constant 7 : index
    %swap3A_3044 = arith.constant 0 : index
    %swap3A_3045 = vector.load %arg4[%swap3A_3043, %swap3A_3044] : memref<8x256xf32, #tpu.memory_space<vmem>>, vector<1x128xf32>
    tpu.vector_store %arg4[%swap3A_3043, %swap3A_3044], %mul3A_3042 {strides = array<i32>} : memref<8x256xf32, #tpu.memory_space<vmem>>, vector<1x128xf32>,
    %slice3A_3046 = vector.extract_strided_slice %get3A_4 {offsets = [7, 128], sizes = [1, 128], strides = [1, 1]} : vector<8x256xf32> to vector<1x128xf32>
    %slice3A_3047 = vector.extract_strided_slice %get3A_10 {offsets = [7, 128], sizes = [1, 128], strides = [1, 1]} : vector<8x256xf32> to vector<1x128xf32>
    %slice3A_3048 = vector.extract_strided_slice %get3A_16 {offsets = [7, 128], sizes = [1, 128], strides = [1, 1]} : vector<8x256xf32> to vector<1x128xf32>
    %slice3A_3049 = vector.extract_strided_slice %get3A_22 {offsets = [7, 128], sizes = [1, 128], strides = [1, 1]} : vector<8x256xf32> to vector<1x128xf32>
    %slice3A_3050 = vector.extract_strided_slice %get3A_28 {offsets = [7, 128], sizes = [1, 128], strides = [1, 1]} : vector<8x256xf32> to vector<1x128xf32>
    %min3A_3051 = vector.broadcast %slice3A_2494 : vector<256x1xf32> to vector<256x128xf32>
    %min3A_3052 = vector.broadcast %slice3A_3047 : vector<1x128xf32> to vector<256x128xf32>
    %min3A_3053 = arith.minimumf %min3A_3051, %min3A_3052 : vector<256x128xf32>
    %max3A_3054 = vector.broadcast %slice3A_2493 : vector<256x1xf32> to vector<256x128xf32>
    %max3A_3055 = vector.broadcast %slice3A_3046 : vector<1x128xf32> to vector<256x128xf32>
    %max3A_3056 = arith.maximumf %max3A_3054, %max3A_3055 : vector<256x128xf32>
    %sub3A_3057 = arith.subf %min3A_3053, %max3A_3056 : vector<256x128xf32>
    %max3A_3058 = arith.constant 0.000000e+00 : f32
    %max3A_3059 = vector.broadcast %max3A_3058 : f32 to vector<256x128xf32>
    %max3A_3060 = arith.maximumf %sub3A_3057, %max3A_3059 : vector<256x128xf32>
    %min3A_3061 = vector.broadcast %slice3A_2496 : vector<256x1xf32> to vector<256x128xf32>
    %min3A_3062 = vector.broadcast %slice3A_3049 : vector<1x128xf32> to vector<256x128xf32>
    %min3A_3063 = arith.minimumf %min3A_3061, %min3A_3062 : vector<256x128xf32>
    %max3A_3064 = vector.broadcast %slice3A_2495 : vector<256x1xf32> to vector<256x128xf32>
    %max3A_3065 = vector.broadcast %slice3A_3048 : vector<1x128xf32> to vector<256x128xf32>
    %max3A_3066 = arith.maximumf %max3A_3064, %max3A_3065 : vector<256x128xf32>
    %sub3A_3067 = arith.subf %min3A_3063, %max3A_3066 : vector<256x128xf32>
    %max3A_3068 = arith.constant 0.000000e+00 : f32
    %max3A_3069 = vector.broadcast %max3A_3068 : f32 to vector<256x128xf32>
    %max3A_3070 = arith.maximumf %sub3A_3067, %max3A_3069 : vector<256x128xf32>
    %mul3A_3071 = arith.mulf %max3A_3060, %max3A_3070 : vector<256x128xf32>
    %add3A_3072 = vector.broadcast %slice3A_2497 : vector<256x1xf32> to vector<256x128xf32>
    %add3A_3073 = vector.broadcast %slice3A_3050 : vector<1x128xf32> to vector<256x128xf32>
    %add3A_3074 = arith.addf %add3A_3072, %add3A_3073 : vector<256x128xf32>
    %sub3A_3075 = arith.subf %add3A_3074, %mul3A_3071 : vector<256x128xf32>
    %max3A_3076 = arith.constant 9.99999997E-7 : f32
    %max3A_3077 = vector.broadcast %max3A_3076 : f32 to vector<256x128xf32>
    %max3A_3078 = arith.maximumf %sub3A_3075, %max3A_3077 : vector<256x128xf32>
    %div3A_3079 = arith.divf %mul3A_3071, %max3A_3078 : vector<256x128xf32>
    %gt3A_3080 = arith.constant 0.699999988 : f32
    %gt3A_3081 = vector.broadcast %gt3A_3080 : f32 to vector<256x128xf32>
    %gt3A_3082 = arith.cmpf ogt, %div3A_3079, %gt3A_3081 : vector<256x128xf32>
    %convert_element_type3A_3083 = arith.extui %gt3A_3082 : vector<256x128xi1> to vector<256x128xi32>
    %convert_element_type3A_3084 = arith.sitofp %convert_element_type3A_3083 : vector<256x128xi32> to vector<256x128xf32>
    %dot_general3A_3085 = arith.constant dense<0.000000e+00> : vector<1x128xf32>
    %dot_general3A_3086 = tpu.matmul %while3A_2547#0, %convert_element_type3A_3084, %dot_general3A_3085 {dimension_numbers = #tpu.dot_dimension_numbers<[1], [0], [0], [1], [0, 0, 1, 1], [], []>, transpose_lhs_hint = false} : vector<1x256xf32>, vector<256x128xf32>, vector<1x128xf32> -> vector<1x128xf32>
    %get3A_3087 = arith.constant 7 : index
    %get3A_3088 = arith.constant 128 : index
    %get3A_3089 = vector.load %arg4[%get3A_3087, %get3A_3088] : memref<8x256xf32, #tpu.memory_space<vmem>>, vector<1x128xf32>
    %lt3A_3090 = arith.constant 5.000000e-01 : f32
    %lt3A_3091 = vector.broadcast %lt3A_3090 : f32 to vector<1x128xf32>
    %lt3A_3092 = arith.cmpf olt, %dot_general3A_3086, %lt3A_3091 : vector<1x128xf32>
    %convert_element_type3A_3093 = arith.extui %lt3A_3092 : vector<1x128xi1> to vector<1x128xi32>
    %convert_element_type3A_3094 = arith.sitofp %convert_element_type3A_3093 : vector<1x128xi32> to vector<1x128xf32>
    %mul3A_3095 = arith.mulf %get3A_3089, %convert_element_type3A_3094 : vector<1x128xf32>
    %swap3A_3096 = arith.constant 7 : index
    %swap3A_3097 = arith.constant 128 : index
    %swap3A_3098 = vector.load %arg4[%swap3A_3096, %swap3A_3097] : memref<8x256xf32, #tpu.memory_space<vmem>>, vector<1x128xf32>
    tpu.vector_store %arg4[%swap3A_3096, %swap3A_3097], %mul3A_3095 {strides = array<i32>} : memref<8x256xf32, #tpu.memory_space<vmem>>, vector<1x128xf32>,
    %get3A_3099 = arith.constant 0 : index
    %get3A_3100 = arith.constant 1024 : index
    %get3A_3101 = arith.constant 0 : index
    %get3A_3102 = vector.load %arg1[%get3A_3099, %get3A_3100, %get3A_3101] : memref<1x2048x24xf32, #tpu.memory_space<vmem>>, vector<1x256x24xf32>
    %get3A_3103 = vector.shape_cast %get3A_3102 : vector<1x256x24xf32> to vector<256x24xf32>
    %slice3A_3104 = vector.extract_strided_slice %get3A_3103 {offsets = [0, 8], sizes = [256, 1], strides = [1, 1]} : vector<256x24xf32> to vector<256x1xf32>
    %slice3A_3105 = vector.extract_strided_slice %get3A_3103 {offsets = [0, 9], sizes = [256, 1], strides = [1, 1]} : vector<256x24xf32> to vector<256x1xf32>
    %slice3A_3106 = vector.extract_strided_slice %get3A_3103 {offsets = [0, 10], sizes = [256, 1], strides = [1, 1]} : vector<256x24xf32> to vector<256x1xf32>
    %slice3A_3107 = vector.extract_strided_slice %get3A_3103 {offsets = [0, 11], sizes = [256, 1], strides = [1, 1]} : vector<256x24xf32> to vector<256x1xf32>
    %slice3A_3108 = vector.extract_strided_slice %get3A_3103 {offsets = [0, 12], sizes = [256, 1], strides = [1, 1]} : vector<256x24xf32> to vector<256x1xf32>
    %slice3A_3109 = vector.extract_strided_slice %get3A_4 {offsets = [4, 0], sizes = [1, 256], strides = [1, 1]} : vector<8x256xf32> to vector<1x256xf32>
    %slice3A_3110 = vector.extract_strided_slice %get3A_10 {offsets = [4, 0], sizes = [1, 256], strides = [1, 1]} : vector<8x256xf32> to vector<1x256xf32>
    %slice3A_3111 = vector.extract_strided_slice %get3A_16 {offsets = [4, 0], sizes = [1, 256], strides = [1, 1]} : vector<8x256xf32> to vector<1x256xf32>
    %slice3A_3112 = vector.extract_strided_slice %get3A_22 {offsets = [4, 0], sizes = [1, 256], strides = [1, 1]} : vector<8x256xf32> to vector<1x256xf32>
    %slice3A_3113 = vector.extract_strided_slice %get3A_28 {offsets = [4, 0], sizes = [1, 256], strides = [1, 1]} : vector<8x256xf32> to vector<1x256xf32>
    %min3A_3114 = vector.broadcast %slice3A_3105 : vector<256x1xf32> to vector<256x256xf32>
    %min3A_3115 = vector.broadcast %slice3A_3110 : vector<1x256xf32> to vector<256x256xf32>
    %min3A_3116 = arith.minimumf %min3A_3114, %min3A_3115 : vector<256x256xf32>
    %max3A_3117 = vector.broadcast %slice3A_3104 : vector<256x1xf32> to vector<256x256xf32>
    %max3A_3118 = vector.broadcast %slice3A_3109 : vector<1x256xf32> to vector<256x256xf32>
    %max3A_3119 = arith.maximumf %max3A_3117, %max3A_3118 : vector<256x256xf32>
    %sub3A_3120 = arith.subf %min3A_3116, %max3A_3119 : vector<256x256xf32>
    %max3A_3121 = arith.constant 0.000000e+00 : f32
    %max3A_3122 = vector.broadcast %max3A_3121 : f32 to vector<256x256xf32>
    %max3A_3123 = arith.maximumf %sub3A_3120, %max3A_3122 : vector<256x256xf32>
    %min3A_3124 = vector.broadcast %slice3A_3107 : vector<256x1xf32> to vector<256x256xf32>
    %min3A_3125 = vector.broadcast %slice3A_3112 : vector<1x256xf32> to vector<256x256xf32>
    %min3A_3126 = arith.minimumf %min3A_3124, %min3A_3125 : vector<256x256xf32>
    %max3A_3127 = vector.broadcast %slice3A_3106 : vector<256x1xf32> to vector<256x256xf32>
    %max3A_3128 = vector.broadcast %slice3A_3111 : vector<1x256xf32> to vector<256x256xf32>
    %max3A_3129 = arith.maximumf %max3A_3127, %max3A_3128 : vector<256x256xf32>
    %sub3A_3130 = arith.subf %min3A_3126, %max3A_3129 : vector<256x256xf32>
    %max3A_3131 = arith.constant 0.000000e+00 : f32
    %max3A_3132 = vector.broadcast %max3A_3131 : f32 to vector<256x256xf32>
    %max3A_3133 = arith.maximumf %sub3A_3130, %max3A_3132 : vector<256x256xf32>
    %mul3A_3134 = arith.mulf %max3A_3123, %max3A_3133 : vector<256x256xf32>
    %add3A_3135 = vector.broadcast %slice3A_3108 : vector<256x1xf32> to vector<256x256xf32>
    %add3A_3136 = vector.broadcast %slice3A_3113 : vector<1x256xf32> to vector<256x256xf32>
    %add3A_3137 = arith.addf %add3A_3135, %add3A_3136 : vector<256x256xf32>
    %sub3A_3138 = arith.subf %add3A_3137, %mul3A_3134 : vector<256x256xf32>
    %max3A_3139 = arith.constant 9.99999997E-7 : f32
    %max3A_3140 = vector.broadcast %max3A_3139 : f32 to vector<256x256xf32>
    %max3A_3141 = arith.maximumf %sub3A_3138, %max3A_3140 : vector<256x256xf32>
    %div3A_3142 = arith.divf %mul3A_3134, %max3A_3141 : vector<256x256xf32>
    %gt3A_3143 = arith.constant 0.699999988 : f32
    %gt3A_3144 = vector.broadcast %gt3A_3143 : f32 to vector<256x256xf32>
    %gt3A_3145 = arith.cmpf ogt, %div3A_3142, %gt3A_3144 : vector<256x256xf32>
    %convert_element_type3A_3146 = arith.extui %gt3A_3145 : vector<256x256xi1> to vector<256x256xi32>
    %convert_element_type3A_3147 = arith.sitofp %convert_element_type3A_3146 : vector<256x256xi32> to vector<256x256xf32>
    %iota3A_3148 = tpu.iota {dimensions = array<i32: 0>} : vector<256x256xi32>
    %iota3A_3149 = tpu.iota {dimensions = array<i32: 1>} : vector<256x256xi32>
    %lt3A_3150 = arith.cmpi slt, %iota3A_3148, %iota3A_3149 : vector<256x256xi32>
    %convert_element_type3A_3151 = arith.extui %lt3A_3150 : vector<256x256xi1> to vector<256x256xi32>
    %convert_element_type3A_3152 = arith.sitofp %convert_element_type3A_3151 : vector<256x256xi32> to vector<256x256xf32>
    %mul3A_3153 = arith.mulf %convert_element_type3A_3147, %convert_element_type3A_3152 : vector<256x256xf32>
    %get3A_3154 = arith.constant 4 : index
    %get3A_3155 = arith.constant 0 : index
    %get3A_3156 = vector.load %arg4[%get3A_3154, %get3A_3155] : memref<8x256xf32, #tpu.memory_space<vmem>>, vector<1x256xf32>
    %while3A_3157 = arith.constant true
    %while3A_3158:2 = scf.while (%while3A_4770 = %get3A_3156, %while3A_4771 = %while3A_3157) : (vector<1x256xf32>, i1) -> (vector<1x256xf32>, i1) {
      scf.condition(%while3A_4771) %while3A_4770, %while3A_4771 : vector<1x256xf32>, i1
    } do {
    ^bb0(%while3A_4770: vector<1x256xf32>, %while3A_4771: i1):
      %dot_general3A_4772 = arith.constant dense<0.000000e+00> : vector<1x256xf32>
      %dot_general3A_4773 = tpu.matmul %while3A_4770, %mul3A_3153, %dot_general3A_4772 {dimension_numbers = #tpu.dot_dimension_numbers<[1], [0], [0], [1], [0, 0, 1, 1], [], []>, transpose_lhs_hint = false} : vector<1x256xf32>, vector<256x256xf32>, vector<1x256xf32> -> vector<1x256xf32>
      %lt3A_4774 = arith.constant 5.000000e-01 : f32
      %lt3A_4775 = vector.broadcast %lt3A_4774 : f32 to vector<1x256xf32>
      %lt3A_4776 = arith.cmpf olt, %dot_general3A_4773, %lt3A_4775 : vector<1x256xf32>
      %convert_element_type3A_4777 = arith.extui %lt3A_4776 : vector<1x256xi1> to vector<1x256xi32>
      %convert_element_type3A_4778 = arith.sitofp %convert_element_type3A_4777 : vector<1x256xi32> to vector<1x256xf32>
      %mul3A_4779 = arith.mulf %get3A_3156, %convert_element_type3A_4778 : vector<1x256xf32>
      %ne3A = arith.cmpf one, %mul3A_4779, %while3A_4770 : vector<1x256xf32>
      %reduce_or3A = arith.constant 1.000000e+00 : f32
      %reduce_or3A_4780 = arith.constant 0.000000e+00 : f32
      %reduce_or3A_4781 = vector.broadcast %reduce_or3A : f32 to vector<1x256xf32>
      %reduce_or3A_4782 = vector.broadcast %reduce_or3A_4780 : f32 to vector<1x256xf32>
      %reduce_or3A_4783 = arith.select %ne3A, %reduce_or3A_4781, %reduce_or3A_4782 : vector<1x256xi1>, vector<1x256xf32>
      %reduce_or3A_4784 = vector.shape_cast %reduce_or3A_4783 : vector<1x256xf32> to vector<1x1x256xf32>
      %reduce_or3A_4785 = arith.constant dense<0xFF800000> : vector<1xf32>
      %reduce_or3A_4786 = vector.multi_reduction <maximumf>, %reduce_or3A_4784, %reduce_or3A_4785 [1, 2] : vector<1x1x256xf32> to vector<1xf32>
      %reduce_or3A_4787 = vector.shape_cast %reduce_or3A_4786 : vector<1xf32> to vector<1x1x1xf32>
      %reduce_or3A_4788 = vector.extract %reduce_or3A_4787[0, 0, 0] : f32 from vector<1x1x1xf32>
      %reduce_or3A_4789 = arith.constant 0.000000e+00 : f32
      %reduce_or3A_4790 = arith.cmpf ogt, %reduce_or3A_4788, %reduce_or3A_4789 : f32
      scf.yield %mul3A_4779, %reduce_or3A_4790 : vector<1x256xf32>, i1
    }
    %swap3A_3159 = arith.constant 4 : index
    %swap3A_3160 = arith.constant 0 : index
    %swap3A_3161 = vector.load %arg4[%swap3A_3159, %swap3A_3160] : memref<8x256xf32, #tpu.memory_space<vmem>>, vector<1x256xf32>
    tpu.vector_store %arg4[%swap3A_3159, %swap3A_3160], %while3A_3158#0 {strides = array<i32>} : memref<8x256xf32, #tpu.memory_space<vmem>>, vector<1x256xf32>,
    %slice3A_3162 = vector.extract_strided_slice %get3A_4 {offsets = [4, 0], sizes = [1, 128], strides = [1, 1]} : vector<8x256xf32> to vector<1x128xf32>
    %slice3A_3163 = vector.extract_strided_slice %get3A_10 {offsets = [4, 0], sizes = [1, 128], strides = [1, 1]} : vector<8x256xf32> to vector<1x128xf32>
    %slice3A_3164 = vector.extract_strided_slice %get3A_16 {offsets = [4, 0], sizes = [1, 128], strides = [1, 1]} : vector<8x256xf32> to vector<1x128xf32>
    %slice3A_3165 = vector.extract_strided_slice %get3A_22 {offsets = [4, 0], sizes = [1, 128], strides = [1, 1]} : vector<8x256xf32> to vector<1x128xf32>
    %slice3A_3166 = vector.extract_strided_slice %get3A_28 {offsets = [4, 0], sizes = [1, 128], strides = [1, 1]} : vector<8x256xf32> to vector<1x128xf32>
    %min3A_3167 = vector.broadcast %slice3A_3105 : vector<256x1xf32> to vector<256x128xf32>
    %min3A_3168 = vector.broadcast %slice3A_3163 : vector<1x128xf32> to vector<256x128xf32>
    %min3A_3169 = arith.minimumf %min3A_3167, %min3A_3168 : vector<256x128xf32>
    %max3A_3170 = vector.broadcast %slice3A_3104 : vector<256x1xf32> to vector<256x128xf32>
    %max3A_3171 = vector.broadcast %slice3A_3162 : vector<1x128xf32> to vector<256x128xf32>
    %max3A_3172 = arith.maximumf %max3A_3170, %max3A_3171 : vector<256x128xf32>
    %sub3A_3173 = arith.subf %min3A_3169, %max3A_3172 : vector<256x128xf32>
    %max3A_3174 = arith.constant 0.000000e+00 : f32
    %max3A_3175 = vector.broadcast %max3A_3174 : f32 to vector<256x128xf32>
    %max3A_3176 = arith.maximumf %sub3A_3173, %max3A_3175 : vector<256x128xf32>
    %min3A_3177 = vector.broadcast %slice3A_3107 : vector<256x1xf32> to vector<256x128xf32>
    %min3A_3178 = vector.broadcast %slice3A_3165 : vector<1x128xf32> to vector<256x128xf32>
    %min3A_3179 = arith.minimumf %min3A_3177, %min3A_3178 : vector<256x128xf32>
    %max3A_3180 = vector.broadcast %slice3A_3106 : vector<256x1xf32> to vector<256x128xf32>
    %max3A_3181 = vector.broadcast %slice3A_3164 : vector<1x128xf32> to vector<256x128xf32>
    %max3A_3182 = arith.maximumf %max3A_3180, %max3A_3181 : vector<256x128xf32>
    %sub3A_3183 = arith.subf %min3A_3179, %max3A_3182 : vector<256x128xf32>
    %max3A_3184 = arith.constant 0.000000e+00 : f32
    %max3A_3185 = vector.broadcast %max3A_3184 : f32 to vector<256x128xf32>
    %max3A_3186 = arith.maximumf %sub3A_3183, %max3A_3185 : vector<256x128xf32>
    %mul3A_3187 = arith.mulf %max3A_3176, %max3A_3186 : vector<256x128xf32>
    %add3A_3188 = vector.broadcast %slice3A_3108 : vector<256x1xf32> to vector<256x128xf32>
    %add3A_3189 = vector.broadcast %slice3A_3166 : vector<1x128xf32> to vector<256x128xf32>
    %add3A_3190 = arith.addf %add3A_3188, %add3A_3189 : vector<256x128xf32>
    %sub3A_3191 = arith.subf %add3A_3190, %mul3A_3187 : vector<256x128xf32>
    %max3A_3192 = arith.constant 9.99999997E-7 : f32
    %max3A_3193 = vector.broadcast %max3A_3192 : f32 to vector<256x128xf32>
    %max3A_3194 = arith.maximumf %sub3A_3191, %max3A_3193 : vector<256x128xf32>
    %div3A_3195 = arith.divf %mul3A_3187, %max3A_3194 : vector<256x128xf32>
    %gt3A_3196 = arith.constant 0.699999988 : f32
    %gt3A_3197 = vector.broadcast %gt3A_3196 : f32 to vector<256x128xf32>
    %gt3A_3198 = arith.cmpf ogt, %div3A_3195, %gt3A_3197 : vector<256x128xf32>
    %convert_element_type3A_3199 = arith.extui %gt3A_3198 : vector<256x128xi1> to vector<256x128xi32>
    %convert_element_type3A_3200 = arith.sitofp %convert_element_type3A_3199 : vector<256x128xi32> to vector<256x128xf32>
    %iota3A_3201 = tpu.iota {dimensions = array<i32: 0>} : vector<256x128xi32>
    %iota3A_3202 = tpu.iota {dimensions = array<i32: 1>} : vector<256x128xi32>
    %add3A_3203 = arith.constant 0 : i32
    %add3A_3204 = vector.broadcast %add3A_3203 : i32 to vector<256x128xi32>
    %add3A_3205 = arith.addi %iota3A_3202, %add3A_3204 : vector<256x128xi32>
    %lt3A_3206 = arith.cmpi slt, %iota3A_3201, %add3A_3205 : vector<256x128xi32>
    %convert_element_type3A_3207 = arith.extui %lt3A_3206 : vector<256x128xi1> to vector<256x128xi32>
    %convert_element_type3A_3208 = arith.sitofp %convert_element_type3A_3207 : vector<256x128xi32> to vector<256x128xf32>
    %mul3A_3209 = arith.mulf %convert_element_type3A_3200, %convert_element_type3A_3208 : vector<256x128xf32>
    %dot_general3A_3210 = arith.constant dense<0.000000e+00> : vector<1x128xf32>
    %dot_general3A_3211 = tpu.matmul %while3A_3158#0, %mul3A_3209, %dot_general3A_3210 {dimension_numbers = #tpu.dot_dimension_numbers<[1], [0], [0], [1], [0, 0, 1, 1], [], []>, transpose_lhs_hint = false} : vector<1x256xf32>, vector<256x128xf32>, vector<1x128xf32> -> vector<1x128xf32>
    %get3A_3212 = arith.constant 4 : index
    %get3A_3213 = arith.constant 0 : index
    %get3A_3214 = vector.load %arg4[%get3A_3212, %get3A_3213] : memref<8x256xf32, #tpu.memory_space<vmem>>, vector<1x128xf32>
    %lt3A_3215 = arith.constant 5.000000e-01 : f32
    %lt3A_3216 = vector.broadcast %lt3A_3215 : f32 to vector<1x128xf32>
    %lt3A_3217 = arith.cmpf olt, %dot_general3A_3211, %lt3A_3216 : vector<1x128xf32>
    %convert_element_type3A_3218 = arith.extui %lt3A_3217 : vector<1x128xi1> to vector<1x128xi32>
    %convert_element_type3A_3219 = arith.sitofp %convert_element_type3A_3218 : vector<1x128xi32> to vector<1x128xf32>
    %mul3A_3220 = arith.mulf %get3A_3214, %convert_element_type3A_3219 : vector<1x128xf32>
    %swap3A_3221 = arith.constant 4 : index
    %swap3A_3222 = arith.constant 0 : index
    %swap3A_3223 = vector.load %arg4[%swap3A_3221, %swap3A_3222] : memref<8x256xf32, #tpu.memory_space<vmem>>, vector<1x128xf32>
    tpu.vector_store %arg4[%swap3A_3221, %swap3A_3222], %mul3A_3220 {strides = array<i32>} : memref<8x256xf32, #tpu.memory_space<vmem>>, vector<1x128xf32>,
    %slice3A_3224 = vector.extract_strided_slice %get3A_4 {offsets = [4, 128], sizes = [1, 128], strides = [1, 1]} : vector<8x256xf32> to vector<1x128xf32>
    %slice3A_3225 = vector.extract_strided_slice %get3A_10 {offsets = [4, 128], sizes = [1, 128], strides = [1, 1]} : vector<8x256xf32> to vector<1x128xf32>
    %slice3A_3226 = vector.extract_strided_slice %get3A_16 {offsets = [4, 128], sizes = [1, 128], strides = [1, 1]} : vector<8x256xf32> to vector<1x128xf32>
    %slice3A_3227 = vector.extract_strided_slice %get3A_22 {offsets = [4, 128], sizes = [1, 128], strides = [1, 1]} : vector<8x256xf32> to vector<1x128xf32>
    %slice3A_3228 = vector.extract_strided_slice %get3A_28 {offsets = [4, 128], sizes = [1, 128], strides = [1, 1]} : vector<8x256xf32> to vector<1x128xf32>
    %min3A_3229 = vector.broadcast %slice3A_3105 : vector<256x1xf32> to vector<256x128xf32>
    %min3A_3230 = vector.broadcast %slice3A_3225 : vector<1x128xf32> to vector<256x128xf32>
    %min3A_3231 = arith.minimumf %min3A_3229, %min3A_3230 : vector<256x128xf32>
    %max3A_3232 = vector.broadcast %slice3A_3104 : vector<256x1xf32> to vector<256x128xf32>
    %max3A_3233 = vector.broadcast %slice3A_3224 : vector<1x128xf32> to vector<256x128xf32>
    %max3A_3234 = arith.maximumf %max3A_3232, %max3A_3233 : vector<256x128xf32>
    %sub3A_3235 = arith.subf %min3A_3231, %max3A_3234 : vector<256x128xf32>
    %max3A_3236 = arith.constant 0.000000e+00 : f32
    %max3A_3237 = vector.broadcast %max3A_3236 : f32 to vector<256x128xf32>
    %max3A_3238 = arith.maximumf %sub3A_3235, %max3A_3237 : vector<256x128xf32>
    %min3A_3239 = vector.broadcast %slice3A_3107 : vector<256x1xf32> to vector<256x128xf32>
    %min3A_3240 = vector.broadcast %slice3A_3227 : vector<1x128xf32> to vector<256x128xf32>
    %min3A_3241 = arith.minimumf %min3A_3239, %min3A_3240 : vector<256x128xf32>
    %max3A_3242 = vector.broadcast %slice3A_3106 : vector<256x1xf32> to vector<256x128xf32>
    %max3A_3243 = vector.broadcast %slice3A_3226 : vector<1x128xf32> to vector<256x128xf32>
    %max3A_3244 = arith.maximumf %max3A_3242, %max3A_3243 : vector<256x128xf32>
    %sub3A_3245 = arith.subf %min3A_3241, %max3A_3244 : vector<256x128xf32>
    %max3A_3246 = arith.constant 0.000000e+00 : f32
    %max3A_3247 = vector.broadcast %max3A_3246 : f32 to vector<256x128xf32>
    %max3A_3248 = arith.maximumf %sub3A_3245, %max3A_3247 : vector<256x128xf32>
    %mul3A_3249 = arith.mulf %max3A_3238, %max3A_3248 : vector<256x128xf32>
    %add3A_3250 = vector.broadcast %slice3A_3108 : vector<256x1xf32> to vector<256x128xf32>
    %add3A_3251 = vector.broadcast %slice3A_3228 : vector<1x128xf32> to vector<256x128xf32>
    %add3A_3252 = arith.addf %add3A_3250, %add3A_3251 : vector<256x128xf32>
    %sub3A_3253 = arith.subf %add3A_3252, %mul3A_3249 : vector<256x128xf32>
    %max3A_3254 = arith.constant 9.99999997E-7 : f32
    %max3A_3255 = vector.broadcast %max3A_3254 : f32 to vector<256x128xf32>
    %max3A_3256 = arith.maximumf %sub3A_3253, %max3A_3255 : vector<256x128xf32>
    %div3A_3257 = arith.divf %mul3A_3249, %max3A_3256 : vector<256x128xf32>
    %gt3A_3258 = arith.constant 0.699999988 : f32
    %gt3A_3259 = vector.broadcast %gt3A_3258 : f32 to vector<256x128xf32>
    %gt3A_3260 = arith.cmpf ogt, %div3A_3257, %gt3A_3259 : vector<256x128xf32>
    %convert_element_type3A_3261 = arith.extui %gt3A_3260 : vector<256x128xi1> to vector<256x128xi32>
    %convert_element_type3A_3262 = arith.sitofp %convert_element_type3A_3261 : vector<256x128xi32> to vector<256x128xf32>
    %iota3A_3263 = tpu.iota {dimensions = array<i32: 0>} : vector<256x128xi32>
    %iota3A_3264 = tpu.iota {dimensions = array<i32: 1>} : vector<256x128xi32>
    %add3A_3265 = arith.constant 128 : i32
    %add3A_3266 = vector.broadcast %add3A_3265 : i32 to vector<256x128xi32>
    %add3A_3267 = arith.addi %iota3A_3264, %add3A_3266 : vector<256x128xi32>
    %lt3A_3268 = arith.cmpi slt, %iota3A_3263, %add3A_3267 : vector<256x128xi32>
    %convert_element_type3A_3269 = arith.extui %lt3A_3268 : vector<256x128xi1> to vector<256x128xi32>
    %convert_element_type3A_3270 = arith.sitofp %convert_element_type3A_3269 : vector<256x128xi32> to vector<256x128xf32>
    %mul3A_3271 = arith.mulf %convert_element_type3A_3262, %convert_element_type3A_3270 : vector<256x128xf32>
    %dot_general3A_3272 = arith.constant dense<0.000000e+00> : vector<1x128xf32>
    %dot_general3A_3273 = tpu.matmul %while3A_3158#0, %mul3A_3271, %dot_general3A_3272 {dimension_numbers = #tpu.dot_dimension_numbers<[1], [0], [0], [1], [0, 0, 1, 1], [], []>, transpose_lhs_hint = false} : vector<1x256xf32>, vector<256x128xf32>, vector<1x128xf32> -> vector<1x128xf32>
    %get3A_3274 = arith.constant 4 : index
    %get3A_3275 = arith.constant 128 : index
    %get3A_3276 = vector.load %arg4[%get3A_3274, %get3A_3275] : memref<8x256xf32, #tpu.memory_space<vmem>>, vector<1x128xf32>
    %lt3A_3277 = arith.constant 5.000000e-01 : f32
    %lt3A_3278 = vector.broadcast %lt3A_3277 : f32 to vector<1x128xf32>
    %lt3A_3279 = arith.cmpf olt, %dot_general3A_3273, %lt3A_3278 : vector<1x128xf32>
    %convert_element_type3A_3280 = arith.extui %lt3A_3279 : vector<1x128xi1> to vector<1x128xi32>
    %convert_element_type3A_3281 = arith.sitofp %convert_element_type3A_3280 : vector<1x128xi32> to vector<1x128xf32>
    %mul3A_3282 = arith.mulf %get3A_3276, %convert_element_type3A_3281 : vector<1x128xf32>
    %swap3A_3283 = arith.constant 4 : index
    %swap3A_3284 = arith.constant 128 : index
    %swap3A_3285 = vector.load %arg4[%swap3A_3283, %swap3A_3284] : memref<8x256xf32, #tpu.memory_space<vmem>>, vector<1x128xf32>
    tpu.vector_store %arg4[%swap3A_3283, %swap3A_3284], %mul3A_3282 {strides = array<i32>} : memref<8x256xf32, #tpu.memory_space<vmem>>, vector<1x128xf32>,
    %slice3A_3286 = vector.extract_strided_slice %get3A_4 {offsets = [5, 0], sizes = [1, 128], strides = [1, 1]} : vector<8x256xf32> to vector<1x128xf32>
    %slice3A_3287 = vector.extract_strided_slice %get3A_10 {offsets = [5, 0], sizes = [1, 128], strides = [1, 1]} : vector<8x256xf32> to vector<1x128xf32>
    %slice3A_3288 = vector.extract_strided_slice %get3A_16 {offsets = [5, 0], sizes = [1, 128], strides = [1, 1]} : vector<8x256xf32> to vector<1x128xf32>
    %slice3A_3289 = vector.extract_strided_slice %get3A_22 {offsets = [5, 0], sizes = [1, 128], strides = [1, 1]} : vector<8x256xf32> to vector<1x128xf32>
    %slice3A_3290 = vector.extract_strided_slice %get3A_28 {offsets = [5, 0], sizes = [1, 128], strides = [1, 1]} : vector<8x256xf32> to vector<1x128xf32>
    %min3A_3291 = vector.broadcast %slice3A_3105 : vector<256x1xf32> to vector<256x128xf32>
    %min3A_3292 = vector.broadcast %slice3A_3287 : vector<1x128xf32> to vector<256x128xf32>
    %min3A_3293 = arith.minimumf %min3A_3291, %min3A_3292 : vector<256x128xf32>
    %max3A_3294 = vector.broadcast %slice3A_3104 : vector<256x1xf32> to vector<256x128xf32>
    %max3A_3295 = vector.broadcast %slice3A_3286 : vector<1x128xf32> to vector<256x128xf32>
    %max3A_3296 = arith.maximumf %max3A_3294, %max3A_3295 : vector<256x128xf32>
    %sub3A_3297 = arith.subf %min3A_3293, %max3A_3296 : vector<256x128xf32>
    %max3A_3298 = arith.constant 0.000000e+00 : f32
    %max3A_3299 = vector.broadcast %max3A_3298 : f32 to vector<256x128xf32>
    %max3A_3300 = arith.maximumf %sub3A_3297, %max3A_3299 : vector<256x128xf32>
    %min3A_3301 = vector.broadcast %slice3A_3107 : vector<256x1xf32> to vector<256x128xf32>
    %min3A_3302 = vector.broadcast %slice3A_3289 : vector<1x128xf32> to vector<256x128xf32>
    %min3A_3303 = arith.minimumf %min3A_3301, %min3A_3302 : vector<256x128xf32>
    %max3A_3304 = vector.broadcast %slice3A_3106 : vector<256x1xf32> to vector<256x128xf32>
    %max3A_3305 = vector.broadcast %slice3A_3288 : vector<1x128xf32> to vector<256x128xf32>
    %max3A_3306 = arith.maximumf %max3A_3304, %max3A_3305 : vector<256x128xf32>
    %sub3A_3307 = arith.subf %min3A_3303, %max3A_3306 : vector<256x128xf32>
    %max3A_3308 = arith.constant 0.000000e+00 : f32
    %max3A_3309 = vector.broadcast %max3A_3308 : f32 to vector<256x128xf32>
    %max3A_3310 = arith.maximumf %sub3A_3307, %max3A_3309 : vector<256x128xf32>
    %mul3A_3311 = arith.mulf %max3A_3300, %max3A_3310 : vector<256x128xf32>
    %add3A_3312 = vector.broadcast %slice3A_3108 : vector<256x1xf32> to vector<256x128xf32>
    %add3A_3313 = vector.broadcast %slice3A_3290 : vector<1x128xf32> to vector<256x128xf32>
    %add3A_3314 = arith.addf %add3A_3312, %add3A_3313 : vector<256x128xf32>
    %sub3A_3315 = arith.subf %add3A_3314, %mul3A_3311 : vector<256x128xf32>
    %max3A_3316 = arith.constant 9.99999997E-7 : f32
    %max3A_3317 = vector.broadcast %max3A_3316 : f32 to vector<256x128xf32>
    %max3A_3318 = arith.maximumf %sub3A_3315, %max3A_3317 : vector<256x128xf32>
    %div3A_3319 = arith.divf %mul3A_3311, %max3A_3318 : vector<256x128xf32>
    %gt3A_3320 = arith.constant 0.699999988 : f32
    %gt3A_3321 = vector.broadcast %gt3A_3320 : f32 to vector<256x128xf32>
    %gt3A_3322 = arith.cmpf ogt, %div3A_3319, %gt3A_3321 : vector<256x128xf32>
    %convert_element_type3A_3323 = arith.extui %gt3A_3322 : vector<256x128xi1> to vector<256x128xi32>
    %convert_element_type3A_3324 = arith.sitofp %convert_element_type3A_3323 : vector<256x128xi32> to vector<256x128xf32>
    %dot_general3A_3325 = arith.constant dense<0.000000e+00> : vector<1x128xf32>
    %dot_general3A_3326 = tpu.matmul %while3A_3158#0, %convert_element_type3A_3324, %dot_general3A_3325 {dimension_numbers = #tpu.dot_dimension_numbers<[1], [0], [0], [1], [0, 0, 1, 1], [], []>, transpose_lhs_hint = false} : vector<1x256xf32>, vector<256x128xf32>, vector<1x128xf32> -> vector<1x128xf32>
    %get3A_3327 = arith.constant 5 : index
    %get3A_3328 = arith.constant 0 : index
    %get3A_3329 = vector.load %arg4[%get3A_3327, %get3A_3328] : memref<8x256xf32, #tpu.memory_space<vmem>>, vector<1x128xf32>
    %lt3A_3330 = arith.constant 5.000000e-01 : f32
    %lt3A_3331 = vector.broadcast %lt3A_3330 : f32 to vector<1x128xf32>
    %lt3A_3332 = arith.cmpf olt, %dot_general3A_3326, %lt3A_3331 : vector<1x128xf32>
    %convert_element_type3A_3333 = arith.extui %lt3A_3332 : vector<1x128xi1> to vector<1x128xi32>
    %convert_element_type3A_3334 = arith.sitofp %convert_element_type3A_3333 : vector<1x128xi32> to vector<1x128xf32>
    %mul3A_3335 = arith.mulf %get3A_3329, %convert_element_type3A_3334 : vector<1x128xf32>
    %swap3A_3336 = arith.constant 5 : index
    %swap3A_3337 = arith.constant 0 : index
    %swap3A_3338 = vector.load %arg4[%swap3A_3336, %swap3A_3337] : memref<8x256xf32, #tpu.memory_space<vmem>>, vector<1x128xf32>
    tpu.vector_store %arg4[%swap3A_3336, %swap3A_3337], %mul3A_3335 {strides = array<i32>} : memref<8x256xf32, #tpu.memory_space<vmem>>, vector<1x128xf32>,
    %slice3A_3339 = vector.extract_strided_slice %get3A_4 {offsets = [5, 128], sizes = [1, 128], strides = [1, 1]} : vector<8x256xf32> to vector<1x128xf32>
    %slice3A_3340 = vector.extract_strided_slice %get3A_10 {offsets = [5, 128], sizes = [1, 128], strides = [1, 1]} : vector<8x256xf32> to vector<1x128xf32>
    %slice3A_3341 = vector.extract_strided_slice %get3A_16 {offsets = [5, 128], sizes = [1, 128], strides = [1, 1]} : vector<8x256xf32> to vector<1x128xf32>
    %slice3A_3342 = vector.extract_strided_slice %get3A_22 {offsets = [5, 128], sizes = [1, 128], strides = [1, 1]} : vector<8x256xf32> to vector<1x128xf32>
    %slice3A_3343 = vector.extract_strided_slice %get3A_28 {offsets = [5, 128], sizes = [1, 128], strides = [1, 1]} : vector<8x256xf32> to vector<1x128xf32>
    %min3A_3344 = vector.broadcast %slice3A_3105 : vector<256x1xf32> to vector<256x128xf32>
    %min3A_3345 = vector.broadcast %slice3A_3340 : vector<1x128xf32> to vector<256x128xf32>
    %min3A_3346 = arith.minimumf %min3A_3344, %min3A_3345 : vector<256x128xf32>
    %max3A_3347 = vector.broadcast %slice3A_3104 : vector<256x1xf32> to vector<256x128xf32>
    %max3A_3348 = vector.broadcast %slice3A_3339 : vector<1x128xf32> to vector<256x128xf32>
    %max3A_3349 = arith.maximumf %max3A_3347, %max3A_3348 : vector<256x128xf32>
    %sub3A_3350 = arith.subf %min3A_3346, %max3A_3349 : vector<256x128xf32>
    %max3A_3351 = arith.constant 0.000000e+00 : f32
    %max3A_3352 = vector.broadcast %max3A_3351 : f32 to vector<256x128xf32>
    %max3A_3353 = arith.maximumf %sub3A_3350, %max3A_3352 : vector<256x128xf32>
    %min3A_3354 = vector.broadcast %slice3A_3107 : vector<256x1xf32> to vector<256x128xf32>
    %min3A_3355 = vector.broadcast %slice3A_3342 : vector<1x128xf32> to vector<256x128xf32>
    %min3A_3356 = arith.minimumf %min3A_3354, %min3A_3355 : vector<256x128xf32>
    %max3A_3357 = vector.broadcast %slice3A_3106 : vector<256x1xf32> to vector<256x128xf32>
    %max3A_3358 = vector.broadcast %slice3A_3341 : vector<1x128xf32> to vector<256x128xf32>
    %max3A_3359 = arith.maximumf %max3A_3357, %max3A_3358 : vector<256x128xf32>
    %sub3A_3360 = arith.subf %min3A_3356, %max3A_3359 : vector<256x128xf32>
    %max3A_3361 = arith.constant 0.000000e+00 : f32
    %max3A_3362 = vector.broadcast %max3A_3361 : f32 to vector<256x128xf32>
    %max3A_3363 = arith.maximumf %sub3A_3360, %max3A_3362 : vector<256x128xf32>
    %mul3A_3364 = arith.mulf %max3A_3353, %max3A_3363 : vector<256x128xf32>
    %add3A_3365 = vector.broadcast %slice3A_3108 : vector<256x1xf32> to vector<256x128xf32>
    %add3A_3366 = vector.broadcast %slice3A_3343 : vector<1x128xf32> to vector<256x128xf32>
    %add3A_3367 = arith.addf %add3A_3365, %add3A_3366 : vector<256x128xf32>
    %sub3A_3368 = arith.subf %add3A_3367, %mul3A_3364 : vector<256x128xf32>
    %max3A_3369 = arith.constant 9.99999997E-7 : f32
    %max3A_3370 = vector.broadcast %max3A_3369 : f32 to vector<256x128xf32>
    %max3A_3371 = arith.maximumf %sub3A_3368, %max3A_3370 : vector<256x128xf32>
    %div3A_3372 = arith.divf %mul3A_3364, %max3A_3371 : vector<256x128xf32>
    %gt3A_3373 = arith.constant 0.699999988 : f32
    %gt3A_3374 = vector.broadcast %gt3A_3373 : f32 to vector<256x128xf32>
    %gt3A_3375 = arith.cmpf ogt, %div3A_3372, %gt3A_3374 : vector<256x128xf32>
    %convert_element_type3A_3376 = arith.extui %gt3A_3375 : vector<256x128xi1> to vector<256x128xi32>
    %convert_element_type3A_3377 = arith.sitofp %convert_element_type3A_3376 : vector<256x128xi32> to vector<256x128xf32>
    %dot_general3A_3378 = arith.constant dense<0.000000e+00> : vector<1x128xf32>
    %dot_general3A_3379 = tpu.matmul %while3A_3158#0, %convert_element_type3A_3377, %dot_general3A_3378 {dimension_numbers = #tpu.dot_dimension_numbers<[1], [0], [0], [1], [0, 0, 1, 1], [], []>, transpose_lhs_hint = false} : vector<1x256xf32>, vector<256x128xf32>, vector<1x128xf32> -> vector<1x128xf32>
    %get3A_3380 = arith.constant 5 : index
    %get3A_3381 = arith.constant 128 : index
    %get3A_3382 = vector.load %arg4[%get3A_3380, %get3A_3381] : memref<8x256xf32, #tpu.memory_space<vmem>>, vector<1x128xf32>
    %lt3A_3383 = arith.constant 5.000000e-01 : f32
    %lt3A_3384 = vector.broadcast %lt3A_3383 : f32 to vector<1x128xf32>
    %lt3A_3385 = arith.cmpf olt, %dot_general3A_3379, %lt3A_3384 : vector<1x128xf32>
    %convert_element_type3A_3386 = arith.extui %lt3A_3385 : vector<1x128xi1> to vector<1x128xi32>
    %convert_element_type3A_3387 = arith.sitofp %convert_element_type3A_3386 : vector<1x128xi32> to vector<1x128xf32>
    %mul3A_3388 = arith.mulf %get3A_3382, %convert_element_type3A_3387 : vector<1x128xf32>
    %swap3A_3389 = arith.constant 5 : index
    %swap3A_3390 = arith.constant 128 : index
    %swap3A_3391 = vector.load %arg4[%swap3A_3389, %swap3A_3390] : memref<8x256xf32, #tpu.memory_space<vmem>>, vector<1x128xf32>
    tpu.vector_store %arg4[%swap3A_3389, %swap3A_3390], %mul3A_3388 {strides = array<i32>} : memref<8x256xf32, #tpu.memory_space<vmem>>, vector<1x128xf32>,
    %slice3A_3392 = vector.extract_strided_slice %get3A_4 {offsets = [6, 0], sizes = [1, 128], strides = [1, 1]} : vector<8x256xf32> to vector<1x128xf32>
    %slice3A_3393 = vector.extract_strided_slice %get3A_10 {offsets = [6, 0], sizes = [1, 128], strides = [1, 1]} : vector<8x256xf32> to vector<1x128xf32>
    %slice3A_3394 = vector.extract_strided_slice %get3A_16 {offsets = [6, 0], sizes = [1, 128], strides = [1, 1]} : vector<8x256xf32> to vector<1x128xf32>
    %slice3A_3395 = vector.extract_strided_slice %get3A_22 {offsets = [6, 0], sizes = [1, 128], strides = [1, 1]} : vector<8x256xf32> to vector<1x128xf32>
    %slice3A_3396 = vector.extract_strided_slice %get3A_28 {offsets = [6, 0], sizes = [1, 128], strides = [1, 1]} : vector<8x256xf32> to vector<1x128xf32>
    %min3A_3397 = vector.broadcast %slice3A_3105 : vector<256x1xf32> to vector<256x128xf32>
    %min3A_3398 = vector.broadcast %slice3A_3393 : vector<1x128xf32> to vector<256x128xf32>
    %min3A_3399 = arith.minimumf %min3A_3397, %min3A_3398 : vector<256x128xf32>
    %max3A_3400 = vector.broadcast %slice3A_3104 : vector<256x1xf32> to vector<256x128xf32>
    %max3A_3401 = vector.broadcast %slice3A_3392 : vector<1x128xf32> to vector<256x128xf32>
    %max3A_3402 = arith.maximumf %max3A_3400, %max3A_3401 : vector<256x128xf32>
    %sub3A_3403 = arith.subf %min3A_3399, %max3A_3402 : vector<256x128xf32>
    %max3A_3404 = arith.constant 0.000000e+00 : f32
    %max3A_3405 = vector.broadcast %max3A_3404 : f32 to vector<256x128xf32>
    %max3A_3406 = arith.maximumf %sub3A_3403, %max3A_3405 : vector<256x128xf32>
    %min3A_3407 = vector.broadcast %slice3A_3107 : vector<256x1xf32> to vector<256x128xf32>
    %min3A_3408 = vector.broadcast %slice3A_3395 : vector<1x128xf32> to vector<256x128xf32>
    %min3A_3409 = arith.minimumf %min3A_3407, %min3A_3408 : vector<256x128xf32>
    %max3A_3410 = vector.broadcast %slice3A_3106 : vector<256x1xf32> to vector<256x128xf32>
    %max3A_3411 = vector.broadcast %slice3A_3394 : vector<1x128xf32> to vector<256x128xf32>
    %max3A_3412 = arith.maximumf %max3A_3410, %max3A_3411 : vector<256x128xf32>
    %sub3A_3413 = arith.subf %min3A_3409, %max3A_3412 : vector<256x128xf32>
    %max3A_3414 = arith.constant 0.000000e+00 : f32
    %max3A_3415 = vector.broadcast %max3A_3414 : f32 to vector<256x128xf32>
    %max3A_3416 = arith.maximumf %sub3A_3413, %max3A_3415 : vector<256x128xf32>
    %mul3A_3417 = arith.mulf %max3A_3406, %max3A_3416 : vector<256x128xf32>
    %add3A_3418 = vector.broadcast %slice3A_3108 : vector<256x1xf32> to vector<256x128xf32>
    %add3A_3419 = vector.broadcast %slice3A_3396 : vector<1x128xf32> to vector<256x128xf32>
    %add3A_3420 = arith.addf %add3A_3418, %add3A_3419 : vector<256x128xf32>
    %sub3A_3421 = arith.subf %add3A_3420, %mul3A_3417 : vector<256x128xf32>
    %max3A_3422 = arith.constant 9.99999997E-7 : f32
    %max3A_3423 = vector.broadcast %max3A_3422 : f32 to vector<256x128xf32>
    %max3A_3424 = arith.maximumf %sub3A_3421, %max3A_3423 : vector<256x128xf32>
    %div3A_3425 = arith.divf %mul3A_3417, %max3A_3424 : vector<256x128xf32>
    %gt3A_3426 = arith.constant 0.699999988 : f32
    %gt3A_3427 = vector.broadcast %gt3A_3426 : f32 to vector<256x128xf32>
    %gt3A_3428 = arith.cmpf ogt, %div3A_3425, %gt3A_3427 : vector<256x128xf32>
    %convert_element_type3A_3429 = arith.extui %gt3A_3428 : vector<256x128xi1> to vector<256x128xi32>
    %convert_element_type3A_3430 = arith.sitofp %convert_element_type3A_3429 : vector<256x128xi32> to vector<256x128xf32>
    %dot_general3A_3431 = arith.constant dense<0.000000e+00> : vector<1x128xf32>
    %dot_general3A_3432 = tpu.matmul %while3A_3158#0, %convert_element_type3A_3430, %dot_general3A_3431 {dimension_numbers = #tpu.dot_dimension_numbers<[1], [0], [0], [1], [0, 0, 1, 1], [], []>, transpose_lhs_hint = false} : vector<1x256xf32>, vector<256x128xf32>, vector<1x128xf32> -> vector<1x128xf32>
    %get3A_3433 = arith.constant 6 : index
    %get3A_3434 = arith.constant 0 : index
    %get3A_3435 = vector.load %arg4[%get3A_3433, %get3A_3434] : memref<8x256xf32, #tpu.memory_space<vmem>>, vector<1x128xf32>
    %lt3A_3436 = arith.constant 5.000000e-01 : f32
    %lt3A_3437 = vector.broadcast %lt3A_3436 : f32 to vector<1x128xf32>
    %lt3A_3438 = arith.cmpf olt, %dot_general3A_3432, %lt3A_3437 : vector<1x128xf32>
    %convert_element_type3A_3439 = arith.extui %lt3A_3438 : vector<1x128xi1> to vector<1x128xi32>
    %convert_element_type3A_3440 = arith.sitofp %convert_element_type3A_3439 : vector<1x128xi32> to vector<1x128xf32>
    %mul3A_3441 = arith.mulf %get3A_3435, %convert_element_type3A_3440 : vector<1x128xf32>
    %swap3A_3442 = arith.constant 6 : index
    %swap3A_3443 = arith.constant 0 : index
    %swap3A_3444 = vector.load %arg4[%swap3A_3442, %swap3A_3443] : memref<8x256xf32, #tpu.memory_space<vmem>>, vector<1x128xf32>
    tpu.vector_store %arg4[%swap3A_3442, %swap3A_3443], %mul3A_3441 {strides = array<i32>} : memref<8x256xf32, #tpu.memory_space<vmem>>, vector<1x128xf32>,
    %slice3A_3445 = vector.extract_strided_slice %get3A_4 {offsets = [6, 128], sizes = [1, 128], strides = [1, 1]} : vector<8x256xf32> to vector<1x128xf32>
    %slice3A_3446 = vector.extract_strided_slice %get3A_10 {offsets = [6, 128], sizes = [1, 128], strides = [1, 1]} : vector<8x256xf32> to vector<1x128xf32>
    %slice3A_3447 = vector.extract_strided_slice %get3A_16 {offsets = [6, 128], sizes = [1, 128], strides = [1, 1]} : vector<8x256xf32> to vector<1x128xf32>
    %slice3A_3448 = vector.extract_strided_slice %get3A_22 {offsets = [6, 128], sizes = [1, 128], strides = [1, 1]} : vector<8x256xf32> to vector<1x128xf32>
    %slice3A_3449 = vector.extract_strided_slice %get3A_28 {offsets = [6, 128], sizes = [1, 128], strides = [1, 1]} : vector<8x256xf32> to vector<1x128xf32>
    %min3A_3450 = vector.broadcast %slice3A_3105 : vector<256x1xf32> to vector<256x128xf32>
    %min3A_3451 = vector.broadcast %slice3A_3446 : vector<1x128xf32> to vector<256x128xf32>
    %min3A_3452 = arith.minimumf %min3A_3450, %min3A_3451 : vector<256x128xf32>
    %max3A_3453 = vector.broadcast %slice3A_3104 : vector<256x1xf32> to vector<256x128xf32>
    %max3A_3454 = vector.broadcast %slice3A_3445 : vector<1x128xf32> to vector<256x128xf32>
    %max3A_3455 = arith.maximumf %max3A_3453, %max3A_3454 : vector<256x128xf32>
    %sub3A_3456 = arith.subf %min3A_3452, %max3A_3455 : vector<256x128xf32>
    %max3A_3457 = arith.constant 0.000000e+00 : f32
    %max3A_3458 = vector.broadcast %max3A_3457 : f32 to vector<256x128xf32>
    %max3A_3459 = arith.maximumf %sub3A_3456, %max3A_3458 : vector<256x128xf32>
    %min3A_3460 = vector.broadcast %slice3A_3107 : vector<256x1xf32> to vector<256x128xf32>
    %min3A_3461 = vector.broadcast %slice3A_3448 : vector<1x128xf32> to vector<256x128xf32>
    %min3A_3462 = arith.minimumf %min3A_3460, %min3A_3461 : vector<256x128xf32>
    %max3A_3463 = vector.broadcast %slice3A_3106 : vector<256x1xf32> to vector<256x128xf32>
    %max3A_3464 = vector.broadcast %slice3A_3447 : vector<1x128xf32> to vector<256x128xf32>
    %max3A_3465 = arith.maximumf %max3A_3463, %max3A_3464 : vector<256x128xf32>
    %sub3A_3466 = arith.subf %min3A_3462, %max3A_3465 : vector<256x128xf32>
    %max3A_3467 = arith.constant 0.000000e+00 : f32
    %max3A_3468 = vector.broadcast %max3A_3467 : f32 to vector<256x128xf32>
    %max3A_3469 = arith.maximumf %sub3A_3466, %max3A_3468 : vector<256x128xf32>
    %mul3A_3470 = arith.mulf %max3A_3459, %max3A_3469 : vector<256x128xf32>
    %add3A_3471 = vector.broadcast %slice3A_3108 : vector<256x1xf32> to vector<256x128xf32>
    %add3A_3472 = vector.broadcast %slice3A_3449 : vector<1x128xf32> to vector<256x128xf32>
    %add3A_3473 = arith.addf %add3A_3471, %add3A_3472 : vector<256x128xf32>
    %sub3A_3474 = arith.subf %add3A_3473, %mul3A_3470 : vector<256x128xf32>
    %max3A_3475 = arith.constant 9.99999997E-7 : f32
    %max3A_3476 = vector.broadcast %max3A_3475 : f32 to vector<256x128xf32>
    %max3A_3477 = arith.maximumf %sub3A_3474, %max3A_3476 : vector<256x128xf32>
    %div3A_3478 = arith.divf %mul3A_3470, %max3A_3477 : vector<256x128xf32>
    %gt3A_3479 = arith.constant 0.699999988 : f32
    %gt3A_3480 = vector.broadcast %gt3A_3479 : f32 to vector<256x128xf32>
    %gt3A_3481 = arith.cmpf ogt, %div3A_3478, %gt3A_3480 : vector<256x128xf32>
    %convert_element_type3A_3482 = arith.extui %gt3A_3481 : vector<256x128xi1> to vector<256x128xi32>
    %convert_element_type3A_3483 = arith.sitofp %convert_element_type3A_3482 : vector<256x128xi32> to vector<256x128xf32>
    %dot_general3A_3484 = arith.constant dense<0.000000e+00> : vector<1x128xf32>
    %dot_general3A_3485 = tpu.matmul %while3A_3158#0, %convert_element_type3A_3483, %dot_general3A_3484 {dimension_numbers = #tpu.dot_dimension_numbers<[1], [0], [0], [1], [0, 0, 1, 1], [], []>, transpose_lhs_hint = false} : vector<1x256xf32>, vector<256x128xf32>, vector<1x128xf32> -> vector<1x128xf32>
    %get3A_3486 = arith.constant 6 : index
    %get3A_3487 = arith.constant 128 : index
    %get3A_3488 = vector.load %arg4[%get3A_3486, %get3A_3487] : memref<8x256xf32, #tpu.memory_space<vmem>>, vector<1x128xf32>
    %lt3A_3489 = arith.constant 5.000000e-01 : f32
    %lt3A_3490 = vector.broadcast %lt3A_3489 : f32 to vector<1x128xf32>
    %lt3A_3491 = arith.cmpf olt, %dot_general3A_3485, %lt3A_3490 : vector<1x128xf32>
    %convert_element_type3A_3492 = arith.extui %lt3A_3491 : vector<1x128xi1> to vector<1x128xi32>
    %convert_element_type3A_3493 = arith.sitofp %convert_element_type3A_3492 : vector<1x128xi32> to vector<1x128xf32>
    %mul3A_3494 = arith.mulf %get3A_3488, %convert_element_type3A_3493 : vector<1x128xf32>
    %swap3A_3495 = arith.constant 6 : index
    %swap3A_3496 = arith.constant 128 : index
    %swap3A_3497 = vector.load %arg4[%swap3A_3495, %swap3A_3496] : memref<8x256xf32, #tpu.memory_space<vmem>>, vector<1x128xf32>
    tpu.vector_store %arg4[%swap3A_3495, %swap3A_3496], %mul3A_3494 {strides = array<i32>} : memref<8x256xf32, #tpu.memory_space<vmem>>, vector<1x128xf32>,
    %slice3A_3498 = vector.extract_strided_slice %get3A_4 {offsets = [7, 0], sizes = [1, 128], strides = [1, 1]} : vector<8x256xf32> to vector<1x128xf32>
    %slice3A_3499 = vector.extract_strided_slice %get3A_10 {offsets = [7, 0], sizes = [1, 128], strides = [1, 1]} : vector<8x256xf32> to vector<1x128xf32>
    %slice3A_3500 = vector.extract_strided_slice %get3A_16 {offsets = [7, 0], sizes = [1, 128], strides = [1, 1]} : vector<8x256xf32> to vector<1x128xf32>
    %slice3A_3501 = vector.extract_strided_slice %get3A_22 {offsets = [7, 0], sizes = [1, 128], strides = [1, 1]} : vector<8x256xf32> to vector<1x128xf32>
    %slice3A_3502 = vector.extract_strided_slice %get3A_28 {offsets = [7, 0], sizes = [1, 128], strides = [1, 1]} : vector<8x256xf32> to vector<1x128xf32>
    %min3A_3503 = vector.broadcast %slice3A_3105 : vector<256x1xf32> to vector<256x128xf32>
    %min3A_3504 = vector.broadcast %slice3A_3499 : vector<1x128xf32> to vector<256x128xf32>
    %min3A_3505 = arith.minimumf %min3A_3503, %min3A_3504 : vector<256x128xf32>
    %max3A_3506 = vector.broadcast %slice3A_3104 : vector<256x1xf32> to vector<256x128xf32>
    %max3A_3507 = vector.broadcast %slice3A_3498 : vector<1x128xf32> to vector<256x128xf32>
    %max3A_3508 = arith.maximumf %max3A_3506, %max3A_3507 : vector<256x128xf32>
    %sub3A_3509 = arith.subf %min3A_3505, %max3A_3508 : vector<256x128xf32>
    %max3A_3510 = arith.constant 0.000000e+00 : f32
    %max3A_3511 = vector.broadcast %max3A_3510 : f32 to vector<256x128xf32>
    %max3A_3512 = arith.maximumf %sub3A_3509, %max3A_3511 : vector<256x128xf32>
    %min3A_3513 = vector.broadcast %slice3A_3107 : vector<256x1xf32> to vector<256x128xf32>
    %min3A_3514 = vector.broadcast %slice3A_3501 : vector<1x128xf32> to vector<256x128xf32>
    %min3A_3515 = arith.minimumf %min3A_3513, %min3A_3514 : vector<256x128xf32>
    %max3A_3516 = vector.broadcast %slice3A_3106 : vector<256x1xf32> to vector<256x128xf32>
    %max3A_3517 = vector.broadcast %slice3A_3500 : vector<1x128xf32> to vector<256x128xf32>
    %max3A_3518 = arith.maximumf %max3A_3516, %max3A_3517 : vector<256x128xf32>
    %sub3A_3519 = arith.subf %min3A_3515, %max3A_3518 : vector<256x128xf32>
    %max3A_3520 = arith.constant 0.000000e+00 : f32
    %max3A_3521 = vector.broadcast %max3A_3520 : f32 to vector<256x128xf32>
    %max3A_3522 = arith.maximumf %sub3A_3519, %max3A_3521 : vector<256x128xf32>
    %mul3A_3523 = arith.mulf %max3A_3512, %max3A_3522 : vector<256x128xf32>
    %add3A_3524 = vector.broadcast %slice3A_3108 : vector<256x1xf32> to vector<256x128xf32>
    %add3A_3525 = vector.broadcast %slice3A_3502 : vector<1x128xf32> to vector<256x128xf32>
    %add3A_3526 = arith.addf %add3A_3524, %add3A_3525 : vector<256x128xf32>
    %sub3A_3527 = arith.subf %add3A_3526, %mul3A_3523 : vector<256x128xf32>
    %max3A_3528 = arith.constant 9.99999997E-7 : f32
    %max3A_3529 = vector.broadcast %max3A_3528 : f32 to vector<256x128xf32>
    %max3A_3530 = arith.maximumf %sub3A_3527, %max3A_3529 : vector<256x128xf32>
    %div3A_3531 = arith.divf %mul3A_3523, %max3A_3530 : vector<256x128xf32>
    %gt3A_3532 = arith.constant 0.699999988 : f32
    %gt3A_3533 = vector.broadcast %gt3A_3532 : f32 to vector<256x128xf32>
    %gt3A_3534 = arith.cmpf ogt, %div3A_3531, %gt3A_3533 : vector<256x128xf32>
    %convert_element_type3A_3535 = arith.extui %gt3A_3534 : vector<256x128xi1> to vector<256x128xi32>
    %convert_element_type3A_3536 = arith.sitofp %convert_element_type3A_3535 : vector<256x128xi32> to vector<256x128xf32>
    %dot_general3A_3537 = arith.constant dense<0.000000e+00> : vector<1x128xf32>
    %dot_general3A_3538 = tpu.matmul %while3A_3158#0, %convert_element_type3A_3536, %dot_general3A_3537 {dimension_numbers = #tpu.dot_dimension_numbers<[1], [0], [0], [1], [0, 0, 1, 1], [], []>, transpose_lhs_hint = false} : vector<1x256xf32>, vector<256x128xf32>, vector<1x128xf32> -> vector<1x128xf32>
    %get3A_3539 = arith.constant 7 : index
    %get3A_3540 = arith.constant 0 : index
    %get3A_3541 = vector.load %arg4[%get3A_3539, %get3A_3540] : memref<8x256xf32, #tpu.memory_space<vmem>>, vector<1x128xf32>
    %lt3A_3542 = arith.constant 5.000000e-01 : f32
    %lt3A_3543 = vector.broadcast %lt3A_3542 : f32 to vector<1x128xf32>
    %lt3A_3544 = arith.cmpf olt, %dot_general3A_3538, %lt3A_3543 : vector<1x128xf32>
    %convert_element_type3A_3545 = arith.extui %lt3A_3544 : vector<1x128xi1> to vector<1x128xi32>
    %convert_element_type3A_3546 = arith.sitofp %convert_element_type3A_3545 : vector<1x128xi32> to vector<1x128xf32>
    %mul3A_3547 = arith.mulf %get3A_3541, %convert_element_type3A_3546 : vector<1x128xf32>
    %swap3A_3548 = arith.constant 7 : index
    %swap3A_3549 = arith.constant 0 : index
    %swap3A_3550 = vector.load %arg4[%swap3A_3548, %swap3A_3549] : memref<8x256xf32, #tpu.memory_space<vmem>>, vector<1x128xf32>
    tpu.vector_store %arg4[%swap3A_3548, %swap3A_3549], %mul3A_3547 {strides = array<i32>} : memref<8x256xf32, #tpu.memory_space<vmem>>, vector<1x128xf32>,
    %slice3A_3551 = vector.extract_strided_slice %get3A_4 {offsets = [7, 128], sizes = [1, 128], strides = [1, 1]} : vector<8x256xf32> to vector<1x128xf32>
    %slice3A_3552 = vector.extract_strided_slice %get3A_10 {offsets = [7, 128], sizes = [1, 128], strides = [1, 1]} : vector<8x256xf32> to vector<1x128xf32>
    %slice3A_3553 = vector.extract_strided_slice %get3A_16 {offsets = [7, 128], sizes = [1, 128], strides = [1, 1]} : vector<8x256xf32> to vector<1x128xf32>
    %slice3A_3554 = vector.extract_strided_slice %get3A_22 {offsets = [7, 128], sizes = [1, 128], strides = [1, 1]} : vector<8x256xf32> to vector<1x128xf32>
    %slice3A_3555 = vector.extract_strided_slice %get3A_28 {offsets = [7, 128], sizes = [1, 128], strides = [1, 1]} : vector<8x256xf32> to vector<1x128xf32>
    %min3A_3556 = vector.broadcast %slice3A_3105 : vector<256x1xf32> to vector<256x128xf32>
    %min3A_3557 = vector.broadcast %slice3A_3552 : vector<1x128xf32> to vector<256x128xf32>
    %min3A_3558 = arith.minimumf %min3A_3556, %min3A_3557 : vector<256x128xf32>
    %max3A_3559 = vector.broadcast %slice3A_3104 : vector<256x1xf32> to vector<256x128xf32>
    %max3A_3560 = vector.broadcast %slice3A_3551 : vector<1x128xf32> to vector<256x128xf32>
    %max3A_3561 = arith.maximumf %max3A_3559, %max3A_3560 : vector<256x128xf32>
    %sub3A_3562 = arith.subf %min3A_3558, %max3A_3561 : vector<256x128xf32>
    %max3A_3563 = arith.constant 0.000000e+00 : f32
    %max3A_3564 = vector.broadcast %max3A_3563 : f32 to vector<256x128xf32>
    %max3A_3565 = arith.maximumf %sub3A_3562, %max3A_3564 : vector<256x128xf32>
    %min3A_3566 = vector.broadcast %slice3A_3107 : vector<256x1xf32> to vector<256x128xf32>
    %min3A_3567 = vector.broadcast %slice3A_3554 : vector<1x128xf32> to vector<256x128xf32>
    %min3A_3568 = arith.minimumf %min3A_3566, %min3A_3567 : vector<256x128xf32>
    %max3A_3569 = vector.broadcast %slice3A_3106 : vector<256x1xf32> to vector<256x128xf32>
    %max3A_3570 = vector.broadcast %slice3A_3553 : vector<1x128xf32> to vector<256x128xf32>
    %max3A_3571 = arith.maximumf %max3A_3569, %max3A_3570 : vector<256x128xf32>
    %sub3A_3572 = arith.subf %min3A_3568, %max3A_3571 : vector<256x128xf32>
    %max3A_3573 = arith.constant 0.000000e+00 : f32
    %max3A_3574 = vector.broadcast %max3A_3573 : f32 to vector<256x128xf32>
    %max3A_3575 = arith.maximumf %sub3A_3572, %max3A_3574 : vector<256x128xf32>
    %mul3A_3576 = arith.mulf %max3A_3565, %max3A_3575 : vector<256x128xf32>
    %add3A_3577 = vector.broadcast %slice3A_3108 : vector<256x1xf32> to vector<256x128xf32>
    %add3A_3578 = vector.broadcast %slice3A_3555 : vector<1x128xf32> to vector<256x128xf32>
    %add3A_3579 = arith.addf %add3A_3577, %add3A_3578 : vector<256x128xf32>
    %sub3A_3580 = arith.subf %add3A_3579, %mul3A_3576 : vector<256x128xf32>
    %max3A_3581 = arith.constant 9.99999997E-7 : f32
    %max3A_3582 = vector.broadcast %max3A_3581 : f32 to vector<256x128xf32>
    %max3A_3583 = arith.maximumf %sub3A_3580, %max3A_3582 : vector<256x128xf32>
    %div3A_3584 = arith.divf %mul3A_3576, %max3A_3583 : vector<256x128xf32>
    %gt3A_3585 = arith.constant 0.699999988 : f32
    %gt3A_3586 = vector.broadcast %gt3A_3585 : f32 to vector<256x128xf32>
    %gt3A_3587 = arith.cmpf ogt, %div3A_3584, %gt3A_3586 : vector<256x128xf32>
    %convert_element_type3A_3588 = arith.extui %gt3A_3587 : vector<256x128xi1> to vector<256x128xi32>
    %convert_element_type3A_3589 = arith.sitofp %convert_element_type3A_3588 : vector<256x128xi32> to vector<256x128xf32>
    %dot_general3A_3590 = arith.constant dense<0.000000e+00> : vector<1x128xf32>
    %dot_general3A_3591 = tpu.matmul %while3A_3158#0, %convert_element_type3A_3589, %dot_general3A_3590 {dimension_numbers = #tpu.dot_dimension_numbers<[1], [0], [0], [1], [0, 0, 1, 1], [], []>, transpose_lhs_hint = false} : vector<1x256xf32>, vector<256x128xf32>, vector<1x128xf32> -> vector<1x128xf32>
    %get3A_3592 = arith.constant 7 : index
    %get3A_3593 = arith.constant 128 : index
    %get3A_3594 = vector.load %arg4[%get3A_3592, %get3A_3593] : memref<8x256xf32, #tpu.memory_space<vmem>>, vector<1x128xf32>
    %lt3A_3595 = arith.constant 5.000000e-01 : f32
    %lt3A_3596 = vector.broadcast %lt3A_3595 : f32 to vector<1x128xf32>
    %lt3A_3597 = arith.cmpf olt, %dot_general3A_3591, %lt3A_3596 : vector<1x128xf32>
    %convert_element_type3A_3598 = arith.extui %lt3A_3597 : vector<1x128xi1> to vector<1x128xi32>
    %convert_element_type3A_3599 = arith.sitofp %convert_element_type3A_3598 : vector<1x128xi32> to vector<1x128xf32>
    %mul3A_3600 = arith.mulf %get3A_3594, %convert_element_type3A_3599 : vector<1x128xf32>
    %swap3A_3601 = arith.constant 7 : index
    %swap3A_3602 = arith.constant 128 : index
    %swap3A_3603 = vector.load %arg4[%swap3A_3601, %swap3A_3602] : memref<8x256xf32, #tpu.memory_space<vmem>>, vector<1x128xf32>
    tpu.vector_store %arg4[%swap3A_3601, %swap3A_3602], %mul3A_3600 {strides = array<i32>} : memref<8x256xf32, #tpu.memory_space<vmem>>, vector<1x128xf32>,
    %get3A_3604 = arith.constant 0 : index
    %get3A_3605 = arith.constant 1280 : index
    %get3A_3606 = arith.constant 0 : index
    %get3A_3607 = vector.load %arg1[%get3A_3604, %get3A_3605, %get3A_3606] : memref<1x2048x24xf32, #tpu.memory_space<vmem>>, vector<1x256x24xf32>
    %get3A_3608 = vector.shape_cast %get3A_3607 : vector<1x256x24xf32> to vector<256x24xf32>
    %slice3A_3609 = vector.extract_strided_slice %get3A_3608 {offsets = [0, 8], sizes = [256, 1], strides = [1, 1]} : vector<256x24xf32> to vector<256x1xf32>
    %slice3A_3610 = vector.extract_strided_slice %get3A_3608 {offsets = [0, 9], sizes = [256, 1], strides = [1, 1]} : vector<256x24xf32> to vector<256x1xf32>
    %slice3A_3611 = vector.extract_strided_slice %get3A_3608 {offsets = [0, 10], sizes = [256, 1], strides = [1, 1]} : vector<256x24xf32> to vector<256x1xf32>
    %slice3A_3612 = vector.extract_strided_slice %get3A_3608 {offsets = [0, 11], sizes = [256, 1], strides = [1, 1]} : vector<256x24xf32> to vector<256x1xf32>
    %slice3A_3613 = vector.extract_strided_slice %get3A_3608 {offsets = [0, 12], sizes = [256, 1], strides = [1, 1]} : vector<256x24xf32> to vector<256x1xf32>
    %slice3A_3614 = vector.extract_strided_slice %get3A_4 {offsets = [5, 0], sizes = [1, 256], strides = [1, 1]} : vector<8x256xf32> to vector<1x256xf32>
    %slice3A_3615 = vector.extract_strided_slice %get3A_10 {offsets = [5, 0], sizes = [1, 256], strides = [1, 1]} : vector<8x256xf32> to vector<1x256xf32>
    %slice3A_3616 = vector.extract_strided_slice %get3A_16 {offsets = [5, 0], sizes = [1, 256], strides = [1, 1]} : vector<8x256xf32> to vector<1x256xf32>
    %slice3A_3617 = vector.extract_strided_slice %get3A_22 {offsets = [5, 0], sizes = [1, 256], strides = [1, 1]} : vector<8x256xf32> to vector<1x256xf32>
    %slice3A_3618 = vector.extract_strided_slice %get3A_28 {offsets = [5, 0], sizes = [1, 256], strides = [1, 1]} : vector<8x256xf32> to vector<1x256xf32>
    %min3A_3619 = vector.broadcast %slice3A_3610 : vector<256x1xf32> to vector<256x256xf32>
    %min3A_3620 = vector.broadcast %slice3A_3615 : vector<1x256xf32> to vector<256x256xf32>
    %min3A_3621 = arith.minimumf %min3A_3619, %min3A_3620 : vector<256x256xf32>
    %max3A_3622 = vector.broadcast %slice3A_3609 : vector<256x1xf32> to vector<256x256xf32>
    %max3A_3623 = vector.broadcast %slice3A_3614 : vector<1x256xf32> to vector<256x256xf32>
    %max3A_3624 = arith.maximumf %max3A_3622, %max3A_3623 : vector<256x256xf32>
    %sub3A_3625 = arith.subf %min3A_3621, %max3A_3624 : vector<256x256xf32>
    %max3A_3626 = arith.constant 0.000000e+00 : f32
    %max3A_3627 = vector.broadcast %max3A_3626 : f32 to vector<256x256xf32>
    %max3A_3628 = arith.maximumf %sub3A_3625, %max3A_3627 : vector<256x256xf32>
    %min3A_3629 = vector.broadcast %slice3A_3612 : vector<256x1xf32> to vector<256x256xf32>
    %min3A_3630 = vector.broadcast %slice3A_3617 : vector<1x256xf32> to vector<256x256xf32>
    %min3A_3631 = arith.minimumf %min3A_3629, %min3A_3630 : vector<256x256xf32>
    %max3A_3632 = vector.broadcast %slice3A_3611 : vector<256x1xf32> to vector<256x256xf32>
    %max3A_3633 = vector.broadcast %slice3A_3616 : vector<1x256xf32> to vector<256x256xf32>
    %max3A_3634 = arith.maximumf %max3A_3632, %max3A_3633 : vector<256x256xf32>
    %sub3A_3635 = arith.subf %min3A_3631, %max3A_3634 : vector<256x256xf32>
    %max3A_3636 = arith.constant 0.000000e+00 : f32
    %max3A_3637 = vector.broadcast %max3A_3636 : f32 to vector<256x256xf32>
    %max3A_3638 = arith.maximumf %sub3A_3635, %max3A_3637 : vector<256x256xf32>
    %mul3A_3639 = arith.mulf %max3A_3628, %max3A_3638 : vector<256x256xf32>
    %add3A_3640 = vector.broadcast %slice3A_3613 : vector<256x1xf32> to vector<256x256xf32>
    %add3A_3641 = vector.broadcast %slice3A_3618 : vector<1x256xf32> to vector<256x256xf32>
    %add3A_3642 = arith.addf %add3A_3640, %add3A_3641 : vector<256x256xf32>
    %sub3A_3643 = arith.subf %add3A_3642, %mul3A_3639 : vector<256x256xf32>
    %max3A_3644 = arith.constant 9.99999997E-7 : f32
    %max3A_3645 = vector.broadcast %max3A_3644 : f32 to vector<256x256xf32>
    %max3A_3646 = arith.maximumf %sub3A_3643, %max3A_3645 : vector<256x256xf32>
    %div3A_3647 = arith.divf %mul3A_3639, %max3A_3646 : vector<256x256xf32>
    %gt3A_3648 = arith.constant 0.699999988 : f32
    %gt3A_3649 = vector.broadcast %gt3A_3648 : f32 to vector<256x256xf32>
    %gt3A_3650 = arith.cmpf ogt, %div3A_3647, %gt3A_3649 : vector<256x256xf32>
    %convert_element_type3A_3651 = arith.extui %gt3A_3650 : vector<256x256xi1> to vector<256x256xi32>
    %convert_element_type3A_3652 = arith.sitofp %convert_element_type3A_3651 : vector<256x256xi32> to vector<256x256xf32>
    %iota3A_3653 = tpu.iota {dimensions = array<i32: 0>} : vector<256x256xi32>
    %iota3A_3654 = tpu.iota {dimensions = array<i32: 1>} : vector<256x256xi32>
    %lt3A_3655 = arith.cmpi slt, %iota3A_3653, %iota3A_3654 : vector<256x256xi32>
    %convert_element_type3A_3656 = arith.extui %lt3A_3655 : vector<256x256xi1> to vector<256x256xi32>
    %convert_element_type3A_3657 = arith.sitofp %convert_element_type3A_3656 : vector<256x256xi32> to vector<256x256xf32>
    %mul3A_3658 = arith.mulf %convert_element_type3A_3652, %convert_element_type3A_3657 : vector<256x256xf32>
    %get3A_3659 = arith.constant 5 : index
    %get3A_3660 = arith.constant 0 : index
    %get3A_3661 = vector.load %arg4[%get3A_3659, %get3A_3660] : memref<8x256xf32, #tpu.memory_space<vmem>>, vector<1x256xf32>
    %while3A_3662 = arith.constant true
    %while3A_3663:2 = scf.while (%while3A_4770 = %get3A_3661, %while3A_4771 = %while3A_3662) : (vector<1x256xf32>, i1) -> (vector<1x256xf32>, i1) {
      scf.condition(%while3A_4771) %while3A_4770, %while3A_4771 : vector<1x256xf32>, i1
    } do {
    ^bb0(%while3A_4770: vector<1x256xf32>, %while3A_4771: i1):
      %dot_general3A_4772 = arith.constant dense<0.000000e+00> : vector<1x256xf32>
      %dot_general3A_4773 = tpu.matmul %while3A_4770, %mul3A_3658, %dot_general3A_4772 {dimension_numbers = #tpu.dot_dimension_numbers<[1], [0], [0], [1], [0, 0, 1, 1], [], []>, transpose_lhs_hint = false} : vector<1x256xf32>, vector<256x256xf32>, vector<1x256xf32> -> vector<1x256xf32>
      %lt3A_4774 = arith.constant 5.000000e-01 : f32
      %lt3A_4775 = vector.broadcast %lt3A_4774 : f32 to vector<1x256xf32>
      %lt3A_4776 = arith.cmpf olt, %dot_general3A_4773, %lt3A_4775 : vector<1x256xf32>
      %convert_element_type3A_4777 = arith.extui %lt3A_4776 : vector<1x256xi1> to vector<1x256xi32>
      %convert_element_type3A_4778 = arith.sitofp %convert_element_type3A_4777 : vector<1x256xi32> to vector<1x256xf32>
      %mul3A_4779 = arith.mulf %get3A_3661, %convert_element_type3A_4778 : vector<1x256xf32>
      %ne3A = arith.cmpf one, %mul3A_4779, %while3A_4770 : vector<1x256xf32>
      %reduce_or3A = arith.constant 1.000000e+00 : f32
      %reduce_or3A_4780 = arith.constant 0.000000e+00 : f32
      %reduce_or3A_4781 = vector.broadcast %reduce_or3A : f32 to vector<1x256xf32>
      %reduce_or3A_4782 = vector.broadcast %reduce_or3A_4780 : f32 to vector<1x256xf32>
      %reduce_or3A_4783 = arith.select %ne3A, %reduce_or3A_4781, %reduce_or3A_4782 : vector<1x256xi1>, vector<1x256xf32>
      %reduce_or3A_4784 = vector.shape_cast %reduce_or3A_4783 : vector<1x256xf32> to vector<1x1x256xf32>
      %reduce_or3A_4785 = arith.constant dense<0xFF800000> : vector<1xf32>
      %reduce_or3A_4786 = vector.multi_reduction <maximumf>, %reduce_or3A_4784, %reduce_or3A_4785 [1, 2] : vector<1x1x256xf32> to vector<1xf32>
      %reduce_or3A_4787 = vector.shape_cast %reduce_or3A_4786 : vector<1xf32> to vector<1x1x1xf32>
      %reduce_or3A_4788 = vector.extract %reduce_or3A_4787[0, 0, 0] : f32 from vector<1x1x1xf32>
      %reduce_or3A_4789 = arith.constant 0.000000e+00 : f32
      %reduce_or3A_4790 = arith.cmpf ogt, %reduce_or3A_4788, %reduce_or3A_4789 : f32
      scf.yield %mul3A_4779, %reduce_or3A_4790 : vector<1x256xf32>, i1
    }
    %swap3A_3664 = arith.constant 5 : index
    %swap3A_3665 = arith.constant 0 : index
    %swap3A_3666 = vector.load %arg4[%swap3A_3664, %swap3A_3665] : memref<8x256xf32, #tpu.memory_space<vmem>>, vector<1x256xf32>
    tpu.vector_store %arg4[%swap3A_3664, %swap3A_3665], %while3A_3663#0 {strides = array<i32>} : memref<8x256xf32, #tpu.memory_space<vmem>>, vector<1x256xf32>,
    %slice3A_3667 = vector.extract_strided_slice %get3A_4 {offsets = [5, 0], sizes = [1, 128], strides = [1, 1]} : vector<8x256xf32> to vector<1x128xf32>
    %slice3A_3668 = vector.extract_strided_slice %get3A_10 {offsets = [5, 0], sizes = [1, 128], strides = [1, 1]} : vector<8x256xf32> to vector<1x128xf32>
    %slice3A_3669 = vector.extract_strided_slice %get3A_16 {offsets = [5, 0], sizes = [1, 128], strides = [1, 1]} : vector<8x256xf32> to vector<1x128xf32>
    %slice3A_3670 = vector.extract_strided_slice %get3A_22 {offsets = [5, 0], sizes = [1, 128], strides = [1, 1]} : vector<8x256xf32> to vector<1x128xf32>
    %slice3A_3671 = vector.extract_strided_slice %get3A_28 {offsets = [5, 0], sizes = [1, 128], strides = [1, 1]} : vector<8x256xf32> to vector<1x128xf32>
    %min3A_3672 = vector.broadcast %slice3A_3610 : vector<256x1xf32> to vector<256x128xf32>
    %min3A_3673 = vector.broadcast %slice3A_3668 : vector<1x128xf32> to vector<256x128xf32>
    %min3A_3674 = arith.minimumf %min3A_3672, %min3A_3673 : vector<256x128xf32>
    %max3A_3675 = vector.broadcast %slice3A_3609 : vector<256x1xf32> to vector<256x128xf32>
    %max3A_3676 = vector.broadcast %slice3A_3667 : vector<1x128xf32> to vector<256x128xf32>
    %max3A_3677 = arith.maximumf %max3A_3675, %max3A_3676 : vector<256x128xf32>
    %sub3A_3678 = arith.subf %min3A_3674, %max3A_3677 : vector<256x128xf32>
    %max3A_3679 = arith.constant 0.000000e+00 : f32
    %max3A_3680 = vector.broadcast %max3A_3679 : f32 to vector<256x128xf32>
    %max3A_3681 = arith.maximumf %sub3A_3678, %max3A_3680 : vector<256x128xf32>
    %min3A_3682 = vector.broadcast %slice3A_3612 : vector<256x1xf32> to vector<256x128xf32>
    %min3A_3683 = vector.broadcast %slice3A_3670 : vector<1x128xf32> to vector<256x128xf32>
    %min3A_3684 = arith.minimumf %min3A_3682, %min3A_3683 : vector<256x128xf32>
    %max3A_3685 = vector.broadcast %slice3A_3611 : vector<256x1xf32> to vector<256x128xf32>
    %max3A_3686 = vector.broadcast %slice3A_3669 : vector<1x128xf32> to vector<256x128xf32>
    %max3A_3687 = arith.maximumf %max3A_3685, %max3A_3686 : vector<256x128xf32>
    %sub3A_3688 = arith.subf %min3A_3684, %max3A_3687 : vector<256x128xf32>
    %max3A_3689 = arith.constant 0.000000e+00 : f32
    %max3A_3690 = vector.broadcast %max3A_3689 : f32 to vector<256x128xf32>
    %max3A_3691 = arith.maximumf %sub3A_3688, %max3A_3690 : vector<256x128xf32>
    %mul3A_3692 = arith.mulf %max3A_3681, %max3A_3691 : vector<256x128xf32>
    %add3A_3693 = vector.broadcast %slice3A_3613 : vector<256x1xf32> to vector<256x128xf32>
    %add3A_3694 = vector.broadcast %slice3A_3671 : vector<1x128xf32> to vector<256x128xf32>
    %add3A_3695 = arith.addf %add3A_3693, %add3A_3694 : vector<256x128xf32>
    %sub3A_3696 = arith.subf %add3A_3695, %mul3A_3692 : vector<256x128xf32>
    %max3A_3697 = arith.constant 9.99999997E-7 : f32
    %max3A_3698 = vector.broadcast %max3A_3697 : f32 to vector<256x128xf32>
    %max3A_3699 = arith.maximumf %sub3A_3696, %max3A_3698 : vector<256x128xf32>
    %div3A_3700 = arith.divf %mul3A_3692, %max3A_3699 : vector<256x128xf32>
    %gt3A_3701 = arith.constant 0.699999988 : f32
    %gt3A_3702 = vector.broadcast %gt3A_3701 : f32 to vector<256x128xf32>
    %gt3A_3703 = arith.cmpf ogt, %div3A_3700, %gt3A_3702 : vector<256x128xf32>
    %convert_element_type3A_3704 = arith.extui %gt3A_3703 : vector<256x128xi1> to vector<256x128xi32>
    %convert_element_type3A_3705 = arith.sitofp %convert_element_type3A_3704 : vector<256x128xi32> to vector<256x128xf32>
    %iota3A_3706 = tpu.iota {dimensions = array<i32: 0>} : vector<256x128xi32>
    %iota3A_3707 = tpu.iota {dimensions = array<i32: 1>} : vector<256x128xi32>
    %add3A_3708 = arith.constant 0 : i32
    %add3A_3709 = vector.broadcast %add3A_3708 : i32 to vector<256x128xi32>
    %add3A_3710 = arith.addi %iota3A_3707, %add3A_3709 : vector<256x128xi32>
    %lt3A_3711 = arith.cmpi slt, %iota3A_3706, %add3A_3710 : vector<256x128xi32>
    %convert_element_type3A_3712 = arith.extui %lt3A_3711 : vector<256x128xi1> to vector<256x128xi32>
    %convert_element_type3A_3713 = arith.sitofp %convert_element_type3A_3712 : vector<256x128xi32> to vector<256x128xf32>
    %mul3A_3714 = arith.mulf %convert_element_type3A_3705, %convert_element_type3A_3713 : vector<256x128xf32>
    %dot_general3A_3715 = arith.constant dense<0.000000e+00> : vector<1x128xf32>
    %dot_general3A_3716 = tpu.matmul %while3A_3663#0, %mul3A_3714, %dot_general3A_3715 {dimension_numbers = #tpu.dot_dimension_numbers<[1], [0], [0], [1], [0, 0, 1, 1], [], []>, transpose_lhs_hint = false} : vector<1x256xf32>, vector<256x128xf32>, vector<1x128xf32> -> vector<1x128xf32>
    %get3A_3717 = arith.constant 5 : index
    %get3A_3718 = arith.constant 0 : index
    %get3A_3719 = vector.load %arg4[%get3A_3717, %get3A_3718] : memref<8x256xf32, #tpu.memory_space<vmem>>, vector<1x128xf32>
    %lt3A_3720 = arith.constant 5.000000e-01 : f32
    %lt3A_3721 = vector.broadcast %lt3A_3720 : f32 to vector<1x128xf32>
    %lt3A_3722 = arith.cmpf olt, %dot_general3A_3716, %lt3A_3721 : vector<1x128xf32>
    %convert_element_type3A_3723 = arith.extui %lt3A_3722 : vector<1x128xi1> to vector<1x128xi32>
    %convert_element_type3A_3724 = arith.sitofp %convert_element_type3A_3723 : vector<1x128xi32> to vector<1x128xf32>
    %mul3A_3725 = arith.mulf %get3A_3719, %convert_element_type3A_3724 : vector<1x128xf32>
    %swap3A_3726 = arith.constant 5 : index
    %swap3A_3727 = arith.constant 0 : index
    %swap3A_3728 = vector.load %arg4[%swap3A_3726, %swap3A_3727] : memref<8x256xf32, #tpu.memory_space<vmem>>, vector<1x128xf32>
    tpu.vector_store %arg4[%swap3A_3726, %swap3A_3727], %mul3A_3725 {strides = array<i32>} : memref<8x256xf32, #tpu.memory_space<vmem>>, vector<1x128xf32>,
    %slice3A_3729 = vector.extract_strided_slice %get3A_4 {offsets = [5, 128], sizes = [1, 128], strides = [1, 1]} : vector<8x256xf32> to vector<1x128xf32>
    %slice3A_3730 = vector.extract_strided_slice %get3A_10 {offsets = [5, 128], sizes = [1, 128], strides = [1, 1]} : vector<8x256xf32> to vector<1x128xf32>
    %slice3A_3731 = vector.extract_strided_slice %get3A_16 {offsets = [5, 128], sizes = [1, 128], strides = [1, 1]} : vector<8x256xf32> to vector<1x128xf32>
    %slice3A_3732 = vector.extract_strided_slice %get3A_22 {offsets = [5, 128], sizes = [1, 128], strides = [1, 1]} : vector<8x256xf32> to vector<1x128xf32>
    %slice3A_3733 = vector.extract_strided_slice %get3A_28 {offsets = [5, 128], sizes = [1, 128], strides = [1, 1]} : vector<8x256xf32> to vector<1x128xf32>
    %min3A_3734 = vector.broadcast %slice3A_3610 : vector<256x1xf32> to vector<256x128xf32>
    %min3A_3735 = vector.broadcast %slice3A_3730 : vector<1x128xf32> to vector<256x128xf32>
    %min3A_3736 = arith.minimumf %min3A_3734, %min3A_3735 : vector<256x128xf32>
    %max3A_3737 = vector.broadcast %slice3A_3609 : vector<256x1xf32> to vector<256x128xf32>
    %max3A_3738 = vector.broadcast %slice3A_3729 : vector<1x128xf32> to vector<256x128xf32>
    %max3A_3739 = arith.maximumf %max3A_3737, %max3A_3738 : vector<256x128xf32>
    %sub3A_3740 = arith.subf %min3A_3736, %max3A_3739 : vector<256x128xf32>
    %max3A_3741 = arith.constant 0.000000e+00 : f32
    %max3A_3742 = vector.broadcast %max3A_3741 : f32 to vector<256x128xf32>
    %max3A_3743 = arith.maximumf %sub3A_3740, %max3A_3742 : vector<256x128xf32>
    %min3A_3744 = vector.broadcast %slice3A_3612 : vector<256x1xf32> to vector<256x128xf32>
    %min3A_3745 = vector.broadcast %slice3A_3732 : vector<1x128xf32> to vector<256x128xf32>
    %min3A_3746 = arith.minimumf %min3A_3744, %min3A_3745 : vector<256x128xf32>
    %max3A_3747 = vector.broadcast %slice3A_3611 : vector<256x1xf32> to vector<256x128xf32>
    %max3A_3748 = vector.broadcast %slice3A_3731 : vector<1x128xf32> to vector<256x128xf32>
    %max3A_3749 = arith.maximumf %max3A_3747, %max3A_3748 : vector<256x128xf32>
    %sub3A_3750 = arith.subf %min3A_3746, %max3A_3749 : vector<256x128xf32>
    %max3A_3751 = arith.constant 0.000000e+00 : f32
    %max3A_3752 = vector.broadcast %max3A_3751 : f32 to vector<256x128xf32>
    %max3A_3753 = arith.maximumf %sub3A_3750, %max3A_3752 : vector<256x128xf32>
    %mul3A_3754 = arith.mulf %max3A_3743, %max3A_3753 : vector<256x128xf32>
    %add3A_3755 = vector.broadcast %slice3A_3613 : vector<256x1xf32> to vector<256x128xf32>
    %add3A_3756 = vector.broadcast %slice3A_3733 : vector<1x128xf32> to vector<256x128xf32>
    %add3A_3757 = arith.addf %add3A_3755, %add3A_3756 : vector<256x128xf32>
    %sub3A_3758 = arith.subf %add3A_3757, %mul3A_3754 : vector<256x128xf32>
    %max3A_3759 = arith.constant 9.99999997E-7 : f32
    %max3A_3760 = vector.broadcast %max3A_3759 : f32 to vector<256x128xf32>
    %max3A_3761 = arith.maximumf %sub3A_3758, %max3A_3760 : vector<256x128xf32>
    %div3A_3762 = arith.divf %mul3A_3754, %max3A_3761 : vector<256x128xf32>
    %gt3A_3763 = arith.constant 0.699999988 : f32
    %gt3A_3764 = vector.broadcast %gt3A_3763 : f32 to vector<256x128xf32>
    %gt3A_3765 = arith.cmpf ogt, %div3A_3762, %gt3A_3764 : vector<256x128xf32>
    %convert_element_type3A_3766 = arith.extui %gt3A_3765 : vector<256x128xi1> to vector<256x128xi32>
    %convert_element_type3A_3767 = arith.sitofp %convert_element_type3A_3766 : vector<256x128xi32> to vector<256x128xf32>
    %iota3A_3768 = tpu.iota {dimensions = array<i32: 0>} : vector<256x128xi32>
    %iota3A_3769 = tpu.iota {dimensions = array<i32: 1>} : vector<256x128xi32>
    %add3A_3770 = arith.constant 128 : i32
    %add3A_3771 = vector.broadcast %add3A_3770 : i32 to vector<256x128xi32>
    %add3A_3772 = arith.addi %iota3A_3769, %add3A_3771 : vector<256x128xi32>
    %lt3A_3773 = arith.cmpi slt, %iota3A_3768, %add3A_3772 : vector<256x128xi32>
    %convert_element_type3A_3774 = arith.extui %lt3A_3773 : vector<256x128xi1> to vector<256x128xi32>
    %convert_element_type3A_3775 = arith.sitofp %convert_element_type3A_3774 : vector<256x128xi32> to vector<256x128xf32>
    %mul3A_3776 = arith.mulf %convert_element_type3A_3767, %convert_element_type3A_3775 : vector<256x128xf32>
    %dot_general3A_3777 = arith.constant dense<0.000000e+00> : vector<1x128xf32>
    %dot_general3A_3778 = tpu.matmul %while3A_3663#0, %mul3A_3776, %dot_general3A_3777 {dimension_numbers = #tpu.dot_dimension_numbers<[1], [0], [0], [1], [0, 0, 1, 1], [], []>, transpose_lhs_hint = false} : vector<1x256xf32>, vector<256x128xf32>, vector<1x128xf32> -> vector<1x128xf32>
    %get3A_3779 = arith.constant 5 : index
    %get3A_3780 = arith.constant 128 : index
    %get3A_3781 = vector.load %arg4[%get3A_3779, %get3A_3780] : memref<8x256xf32, #tpu.memory_space<vmem>>, vector<1x128xf32>
    %lt3A_3782 = arith.constant 5.000000e-01 : f32
    %lt3A_3783 = vector.broadcast %lt3A_3782 : f32 to vector<1x128xf32>
    %lt3A_3784 = arith.cmpf olt, %dot_general3A_3778, %lt3A_3783 : vector<1x128xf32>
    %convert_element_type3A_3785 = arith.extui %lt3A_3784 : vector<1x128xi1> to vector<1x128xi32>
    %convert_element_type3A_3786 = arith.sitofp %convert_element_type3A_3785 : vector<1x128xi32> to vector<1x128xf32>
    %mul3A_3787 = arith.mulf %get3A_3781, %convert_element_type3A_3786 : vector<1x128xf32>
    %swap3A_3788 = arith.constant 5 : index
    %swap3A_3789 = arith.constant 128 : index
    %swap3A_3790 = vector.load %arg4[%swap3A_3788, %swap3A_3789] : memref<8x256xf32, #tpu.memory_space<vmem>>, vector<1x128xf32>
    tpu.vector_store %arg4[%swap3A_3788, %swap3A_3789], %mul3A_3787 {strides = array<i32>} : memref<8x256xf32, #tpu.memory_space<vmem>>, vector<1x128xf32>,
    %slice3A_3791 = vector.extract_strided_slice %get3A_4 {offsets = [6, 0], sizes = [1, 128], strides = [1, 1]} : vector<8x256xf32> to vector<1x128xf32>
    %slice3A_3792 = vector.extract_strided_slice %get3A_10 {offsets = [6, 0], sizes = [1, 128], strides = [1, 1]} : vector<8x256xf32> to vector<1x128xf32>
    %slice3A_3793 = vector.extract_strided_slice %get3A_16 {offsets = [6, 0], sizes = [1, 128], strides = [1, 1]} : vector<8x256xf32> to vector<1x128xf32>
    %slice3A_3794 = vector.extract_strided_slice %get3A_22 {offsets = [6, 0], sizes = [1, 128], strides = [1, 1]} : vector<8x256xf32> to vector<1x128xf32>
    %slice3A_3795 = vector.extract_strided_slice %get3A_28 {offsets = [6, 0], sizes = [1, 128], strides = [1, 1]} : vector<8x256xf32> to vector<1x128xf32>
    %min3A_3796 = vector.broadcast %slice3A_3610 : vector<256x1xf32> to vector<256x128xf32>
    %min3A_3797 = vector.broadcast %slice3A_3792 : vector<1x128xf32> to vector<256x128xf32>
    %min3A_3798 = arith.minimumf %min3A_3796, %min3A_3797 : vector<256x128xf32>
    %max3A_3799 = vector.broadcast %slice3A_3609 : vector<256x1xf32> to vector<256x128xf32>
    %max3A_3800 = vector.broadcast %slice3A_3791 : vector<1x128xf32> to vector<256x128xf32>
    %max3A_3801 = arith.maximumf %max3A_3799, %max3A_3800 : vector<256x128xf32>
    %sub3A_3802 = arith.subf %min3A_3798, %max3A_3801 : vector<256x128xf32>
    %max3A_3803 = arith.constant 0.000000e+00 : f32
    %max3A_3804 = vector.broadcast %max3A_3803 : f32 to vector<256x128xf32>
    %max3A_3805 = arith.maximumf %sub3A_3802, %max3A_3804 : vector<256x128xf32>
    %min3A_3806 = vector.broadcast %slice3A_3612 : vector<256x1xf32> to vector<256x128xf32>
    %min3A_3807 = vector.broadcast %slice3A_3794 : vector<1x128xf32> to vector<256x128xf32>
    %min3A_3808 = arith.minimumf %min3A_3806, %min3A_3807 : vector<256x128xf32>
    %max3A_3809 = vector.broadcast %slice3A_3611 : vector<256x1xf32> to vector<256x128xf32>
    %max3A_3810 = vector.broadcast %slice3A_3793 : vector<1x128xf32> to vector<256x128xf32>
    %max3A_3811 = arith.maximumf %max3A_3809, %max3A_3810 : vector<256x128xf32>
    %sub3A_3812 = arith.subf %min3A_3808, %max3A_3811 : vector<256x128xf32>
    %max3A_3813 = arith.constant 0.000000e+00 : f32
    %max3A_3814 = vector.broadcast %max3A_3813 : f32 to vector<256x128xf32>
    %max3A_3815 = arith.maximumf %sub3A_3812, %max3A_3814 : vector<256x128xf32>
    %mul3A_3816 = arith.mulf %max3A_3805, %max3A_3815 : vector<256x128xf32>
    %add3A_3817 = vector.broadcast %slice3A_3613 : vector<256x1xf32> to vector<256x128xf32>
    %add3A_3818 = vector.broadcast %slice3A_3795 : vector<1x128xf32> to vector<256x128xf32>
    %add3A_3819 = arith.addf %add3A_3817, %add3A_3818 : vector<256x128xf32>
    %sub3A_3820 = arith.subf %add3A_3819, %mul3A_3816 : vector<256x128xf32>
    %max3A_3821 = arith.constant 9.99999997E-7 : f32
    %max3A_3822 = vector.broadcast %max3A_3821 : f32 to vector<256x128xf32>
    %max3A_3823 = arith.maximumf %sub3A_3820, %max3A_3822 : vector<256x128xf32>
    %div3A_3824 = arith.divf %mul3A_3816, %max3A_3823 : vector<256x128xf32>
    %gt3A_3825 = arith.constant 0.699999988 : f32
    %gt3A_3826 = vector.broadcast %gt3A_3825 : f32 to vector<256x128xf32>
    %gt3A_3827 = arith.cmpf ogt, %div3A_3824, %gt3A_3826 : vector<256x128xf32>
    %convert_element_type3A_3828 = arith.extui %gt3A_3827 : vector<256x128xi1> to vector<256x128xi32>
    %convert_element_type3A_3829 = arith.sitofp %convert_element_type3A_3828 : vector<256x128xi32> to vector<256x128xf32>
    %dot_general3A_3830 = arith.constant dense<0.000000e+00> : vector<1x128xf32>
    %dot_general3A_3831 = tpu.matmul %while3A_3663#0, %convert_element_type3A_3829, %dot_general3A_3830 {dimension_numbers = #tpu.dot_dimension_numbers<[1], [0], [0], [1], [0, 0, 1, 1], [], []>, transpose_lhs_hint = false} : vector<1x256xf32>, vector<256x128xf32>, vector<1x128xf32> -> vector<1x128xf32>
    %get3A_3832 = arith.constant 6 : index
    %get3A_3833 = arith.constant 0 : index
    %get3A_3834 = vector.load %arg4[%get3A_3832, %get3A_3833] : memref<8x256xf32, #tpu.memory_space<vmem>>, vector<1x128xf32>
    %lt3A_3835 = arith.constant 5.000000e-01 : f32
    %lt3A_3836 = vector.broadcast %lt3A_3835 : f32 to vector<1x128xf32>
    %lt3A_3837 = arith.cmpf olt, %dot_general3A_3831, %lt3A_3836 : vector<1x128xf32>
    %convert_element_type3A_3838 = arith.extui %lt3A_3837 : vector<1x128xi1> to vector<1x128xi32>
    %convert_element_type3A_3839 = arith.sitofp %convert_element_type3A_3838 : vector<1x128xi32> to vector<1x128xf32>
    %mul3A_3840 = arith.mulf %get3A_3834, %convert_element_type3A_3839 : vector<1x128xf32>
    %swap3A_3841 = arith.constant 6 : index
    %swap3A_3842 = arith.constant 0 : index
    %swap3A_3843 = vector.load %arg4[%swap3A_3841, %swap3A_3842] : memref<8x256xf32, #tpu.memory_space<vmem>>, vector<1x128xf32>
    tpu.vector_store %arg4[%swap3A_3841, %swap3A_3842], %mul3A_3840 {strides = array<i32>} : memref<8x256xf32, #tpu.memory_space<vmem>>, vector<1x128xf32>,
    %slice3A_3844 = vector.extract_strided_slice %get3A_4 {offsets = [6, 128], sizes = [1, 128], strides = [1, 1]} : vector<8x256xf32> to vector<1x128xf32>
    %slice3A_3845 = vector.extract_strided_slice %get3A_10 {offsets = [6, 128], sizes = [1, 128], strides = [1, 1]} : vector<8x256xf32> to vector<1x128xf32>
    %slice3A_3846 = vector.extract_strided_slice %get3A_16 {offsets = [6, 128], sizes = [1, 128], strides = [1, 1]} : vector<8x256xf32> to vector<1x128xf32>
    %slice3A_3847 = vector.extract_strided_slice %get3A_22 {offsets = [6, 128], sizes = [1, 128], strides = [1, 1]} : vector<8x256xf32> to vector<1x128xf32>
    %slice3A_3848 = vector.extract_strided_slice %get3A_28 {offsets = [6, 128], sizes = [1, 128], strides = [1, 1]} : vector<8x256xf32> to vector<1x128xf32>
    %min3A_3849 = vector.broadcast %slice3A_3610 : vector<256x1xf32> to vector<256x128xf32>
    %min3A_3850 = vector.broadcast %slice3A_3845 : vector<1x128xf32> to vector<256x128xf32>
    %min3A_3851 = arith.minimumf %min3A_3849, %min3A_3850 : vector<256x128xf32>
    %max3A_3852 = vector.broadcast %slice3A_3609 : vector<256x1xf32> to vector<256x128xf32>
    %max3A_3853 = vector.broadcast %slice3A_3844 : vector<1x128xf32> to vector<256x128xf32>
    %max3A_3854 = arith.maximumf %max3A_3852, %max3A_3853 : vector<256x128xf32>
    %sub3A_3855 = arith.subf %min3A_3851, %max3A_3854 : vector<256x128xf32>
    %max3A_3856 = arith.constant 0.000000e+00 : f32
    %max3A_3857 = vector.broadcast %max3A_3856 : f32 to vector<256x128xf32>
    %max3A_3858 = arith.maximumf %sub3A_3855, %max3A_3857 : vector<256x128xf32>
    %min3A_3859 = vector.broadcast %slice3A_3612 : vector<256x1xf32> to vector<256x128xf32>
    %min3A_3860 = vector.broadcast %slice3A_3847 : vector<1x128xf32> to vector<256x128xf32>
    %min3A_3861 = arith.minimumf %min3A_3859, %min3A_3860 : vector<256x128xf32>
    %max3A_3862 = vector.broadcast %slice3A_3611 : vector<256x1xf32> to vector<256x128xf32>
    %max3A_3863 = vector.broadcast %slice3A_3846 : vector<1x128xf32> to vector<256x128xf32>
    %max3A_3864 = arith.maximumf %max3A_3862, %max3A_3863 : vector<256x128xf32>
    %sub3A_3865 = arith.subf %min3A_3861, %max3A_3864 : vector<256x128xf32>
    %max3A_3866 = arith.constant 0.000000e+00 : f32
    %max3A_3867 = vector.broadcast %max3A_3866 : f32 to vector<256x128xf32>
    %max3A_3868 = arith.maximumf %sub3A_3865, %max3A_3867 : vector<256x128xf32>
    %mul3A_3869 = arith.mulf %max3A_3858, %max3A_3868 : vector<256x128xf32>
    %add3A_3870 = vector.broadcast %slice3A_3613 : vector<256x1xf32> to vector<256x128xf32>
    %add3A_3871 = vector.broadcast %slice3A_3848 : vector<1x128xf32> to vector<256x128xf32>
    %add3A_3872 = arith.addf %add3A_3870, %add3A_3871 : vector<256x128xf32>
    %sub3A_3873 = arith.subf %add3A_3872, %mul3A_3869 : vector<256x128xf32>
    %max3A_3874 = arith.constant 9.99999997E-7 : f32
    %max3A_3875 = vector.broadcast %max3A_3874 : f32 to vector<256x128xf32>
    %max3A_3876 = arith.maximumf %sub3A_3873, %max3A_3875 : vector<256x128xf32>
    %div3A_3877 = arith.divf %mul3A_3869, %max3A_3876 : vector<256x128xf32>
    %gt3A_3878 = arith.constant 0.699999988 : f32
    %gt3A_3879 = vector.broadcast %gt3A_3878 : f32 to vector<256x128xf32>
    %gt3A_3880 = arith.cmpf ogt, %div3A_3877, %gt3A_3879 : vector<256x128xf32>
    %convert_element_type3A_3881 = arith.extui %gt3A_3880 : vector<256x128xi1> to vector<256x128xi32>
    %convert_element_type3A_3882 = arith.sitofp %convert_element_type3A_3881 : vector<256x128xi32> to vector<256x128xf32>
    %dot_general3A_3883 = arith.constant dense<0.000000e+00> : vector<1x128xf32>
    %dot_general3A_3884 = tpu.matmul %while3A_3663#0, %convert_element_type3A_3882, %dot_general3A_3883 {dimension_numbers = #tpu.dot_dimension_numbers<[1], [0], [0], [1], [0, 0, 1, 1], [], []>, transpose_lhs_hint = false} : vector<1x256xf32>, vector<256x128xf32>, vector<1x128xf32> -> vector<1x128xf32>
    %get3A_3885 = arith.constant 6 : index
    %get3A_3886 = arith.constant 128 : index
    %get3A_3887 = vector.load %arg4[%get3A_3885, %get3A_3886] : memref<8x256xf32, #tpu.memory_space<vmem>>, vector<1x128xf32>
    %lt3A_3888 = arith.constant 5.000000e-01 : f32
    %lt3A_3889 = vector.broadcast %lt3A_3888 : f32 to vector<1x128xf32>
    %lt3A_3890 = arith.cmpf olt, %dot_general3A_3884, %lt3A_3889 : vector<1x128xf32>
    %convert_element_type3A_3891 = arith.extui %lt3A_3890 : vector<1x128xi1> to vector<1x128xi32>
    %convert_element_type3A_3892 = arith.sitofp %convert_element_type3A_3891 : vector<1x128xi32> to vector<1x128xf32>
    %mul3A_3893 = arith.mulf %get3A_3887, %convert_element_type3A_3892 : vector<1x128xf32>
    %swap3A_3894 = arith.constant 6 : index
    %swap3A_3895 = arith.constant 128 : index
    %swap3A_3896 = vector.load %arg4[%swap3A_3894, %swap3A_3895] : memref<8x256xf32, #tpu.memory_space<vmem>>, vector<1x128xf32>
    tpu.vector_store %arg4[%swap3A_3894, %swap3A_3895], %mul3A_3893 {strides = array<i32>} : memref<8x256xf32, #tpu.memory_space<vmem>>, vector<1x128xf32>,
    %slice3A_3897 = vector.extract_strided_slice %get3A_4 {offsets = [7, 0], sizes = [1, 128], strides = [1, 1]} : vector<8x256xf32> to vector<1x128xf32>
    %slice3A_3898 = vector.extract_strided_slice %get3A_10 {offsets = [7, 0], sizes = [1, 128], strides = [1, 1]} : vector<8x256xf32> to vector<1x128xf32>
    %slice3A_3899 = vector.extract_strided_slice %get3A_16 {offsets = [7, 0], sizes = [1, 128], strides = [1, 1]} : vector<8x256xf32> to vector<1x128xf32>
    %slice3A_3900 = vector.extract_strided_slice %get3A_22 {offsets = [7, 0], sizes = [1, 128], strides = [1, 1]} : vector<8x256xf32> to vector<1x128xf32>
    %slice3A_3901 = vector.extract_strided_slice %get3A_28 {offsets = [7, 0], sizes = [1, 128], strides = [1, 1]} : vector<8x256xf32> to vector<1x128xf32>
    %min3A_3902 = vector.broadcast %slice3A_3610 : vector<256x1xf32> to vector<256x128xf32>
    %min3A_3903 = vector.broadcast %slice3A_3898 : vector<1x128xf32> to vector<256x128xf32>
    %min3A_3904 = arith.minimumf %min3A_3902, %min3A_3903 : vector<256x128xf32>
    %max3A_3905 = vector.broadcast %slice3A_3609 : vector<256x1xf32> to vector<256x128xf32>
    %max3A_3906 = vector.broadcast %slice3A_3897 : vector<1x128xf32> to vector<256x128xf32>
    %max3A_3907 = arith.maximumf %max3A_3905, %max3A_3906 : vector<256x128xf32>
    %sub3A_3908 = arith.subf %min3A_3904, %max3A_3907 : vector<256x128xf32>
    %max3A_3909 = arith.constant 0.000000e+00 : f32
    %max3A_3910 = vector.broadcast %max3A_3909 : f32 to vector<256x128xf32>
    %max3A_3911 = arith.maximumf %sub3A_3908, %max3A_3910 : vector<256x128xf32>
    %min3A_3912 = vector.broadcast %slice3A_3612 : vector<256x1xf32> to vector<256x128xf32>
    %min3A_3913 = vector.broadcast %slice3A_3900 : vector<1x128xf32> to vector<256x128xf32>
    %min3A_3914 = arith.minimumf %min3A_3912, %min3A_3913 : vector<256x128xf32>
    %max3A_3915 = vector.broadcast %slice3A_3611 : vector<256x1xf32> to vector<256x128xf32>
    %max3A_3916 = vector.broadcast %slice3A_3899 : vector<1x128xf32> to vector<256x128xf32>
    %max3A_3917 = arith.maximumf %max3A_3915, %max3A_3916 : vector<256x128xf32>
    %sub3A_3918 = arith.subf %min3A_3914, %max3A_3917 : vector<256x128xf32>
    %max3A_3919 = arith.constant 0.000000e+00 : f32
    %max3A_3920 = vector.broadcast %max3A_3919 : f32 to vector<256x128xf32>
    %max3A_3921 = arith.maximumf %sub3A_3918, %max3A_3920 : vector<256x128xf32>
    %mul3A_3922 = arith.mulf %max3A_3911, %max3A_3921 : vector<256x128xf32>
    %add3A_3923 = vector.broadcast %slice3A_3613 : vector<256x1xf32> to vector<256x128xf32>
    %add3A_3924 = vector.broadcast %slice3A_3901 : vector<1x128xf32> to vector<256x128xf32>
    %add3A_3925 = arith.addf %add3A_3923, %add3A_3924 : vector<256x128xf32>
    %sub3A_3926 = arith.subf %add3A_3925, %mul3A_3922 : vector<256x128xf32>
    %max3A_3927 = arith.constant 9.99999997E-7 : f32
    %max3A_3928 = vector.broadcast %max3A_3927 : f32 to vector<256x128xf32>
    %max3A_3929 = arith.maximumf %sub3A_3926, %max3A_3928 : vector<256x128xf32>
    %div3A_3930 = arith.divf %mul3A_3922, %max3A_3929 : vector<256x128xf32>
    %gt3A_3931 = arith.constant 0.699999988 : f32
    %gt3A_3932 = vector.broadcast %gt3A_3931 : f32 to vector<256x128xf32>
    %gt3A_3933 = arith.cmpf ogt, %div3A_3930, %gt3A_3932 : vector<256x128xf32>
    %convert_element_type3A_3934 = arith.extui %gt3A_3933 : vector<256x128xi1> to vector<256x128xi32>
    %convert_element_type3A_3935 = arith.sitofp %convert_element_type3A_3934 : vector<256x128xi32> to vector<256x128xf32>
    %dot_general3A_3936 = arith.constant dense<0.000000e+00> : vector<1x128xf32>
    %dot_general3A_3937 = tpu.matmul %while3A_3663#0, %convert_element_type3A_3935, %dot_general3A_3936 {dimension_numbers = #tpu.dot_dimension_numbers<[1], [0], [0], [1], [0, 0, 1, 1], [], []>, transpose_lhs_hint = false} : vector<1x256xf32>, vector<256x128xf32>, vector<1x128xf32> -> vector<1x128xf32>
    %get3A_3938 = arith.constant 7 : index
    %get3A_3939 = arith.constant 0 : index
    %get3A_3940 = vector.load %arg4[%get3A_3938, %get3A_3939] : memref<8x256xf32, #tpu.memory_space<vmem>>, vector<1x128xf32>
    %lt3A_3941 = arith.constant 5.000000e-01 : f32
    %lt3A_3942 = vector.broadcast %lt3A_3941 : f32 to vector<1x128xf32>
    %lt3A_3943 = arith.cmpf olt, %dot_general3A_3937, %lt3A_3942 : vector<1x128xf32>
    %convert_element_type3A_3944 = arith.extui %lt3A_3943 : vector<1x128xi1> to vector<1x128xi32>
    %convert_element_type3A_3945 = arith.sitofp %convert_element_type3A_3944 : vector<1x128xi32> to vector<1x128xf32>
    %mul3A_3946 = arith.mulf %get3A_3940, %convert_element_type3A_3945 : vector<1x128xf32>
    %swap3A_3947 = arith.constant 7 : index
    %swap3A_3948 = arith.constant 0 : index
    %swap3A_3949 = vector.load %arg4[%swap3A_3947, %swap3A_3948] : memref<8x256xf32, #tpu.memory_space<vmem>>, vector<1x128xf32>
    tpu.vector_store %arg4[%swap3A_3947, %swap3A_3948], %mul3A_3946 {strides = array<i32>} : memref<8x256xf32, #tpu.memory_space<vmem>>, vector<1x128xf32>,
    %slice3A_3950 = vector.extract_strided_slice %get3A_4 {offsets = [7, 128], sizes = [1, 128], strides = [1, 1]} : vector<8x256xf32> to vector<1x128xf32>
    %slice3A_3951 = vector.extract_strided_slice %get3A_10 {offsets = [7, 128], sizes = [1, 128], strides = [1, 1]} : vector<8x256xf32> to vector<1x128xf32>
    %slice3A_3952 = vector.extract_strided_slice %get3A_16 {offsets = [7, 128], sizes = [1, 128], strides = [1, 1]} : vector<8x256xf32> to vector<1x128xf32>
    %slice3A_3953 = vector.extract_strided_slice %get3A_22 {offsets = [7, 128], sizes = [1, 128], strides = [1, 1]} : vector<8x256xf32> to vector<1x128xf32>
    %slice3A_3954 = vector.extract_strided_slice %get3A_28 {offsets = [7, 128], sizes = [1, 128], strides = [1, 1]} : vector<8x256xf32> to vector<1x128xf32>
    %min3A_3955 = vector.broadcast %slice3A_3610 : vector<256x1xf32> to vector<256x128xf32>
    %min3A_3956 = vector.broadcast %slice3A_3951 : vector<1x128xf32> to vector<256x128xf32>
    %min3A_3957 = arith.minimumf %min3A_3955, %min3A_3956 : vector<256x128xf32>
    %max3A_3958 = vector.broadcast %slice3A_3609 : vector<256x1xf32> to vector<256x128xf32>
    %max3A_3959 = vector.broadcast %slice3A_3950 : vector<1x128xf32> to vector<256x128xf32>
    %max3A_3960 = arith.maximumf %max3A_3958, %max3A_3959 : vector<256x128xf32>
    %sub3A_3961 = arith.subf %min3A_3957, %max3A_3960 : vector<256x128xf32>
    %max3A_3962 = arith.constant 0.000000e+00 : f32
    %max3A_3963 = vector.broadcast %max3A_3962 : f32 to vector<256x128xf32>
    %max3A_3964 = arith.maximumf %sub3A_3961, %max3A_3963 : vector<256x128xf32>
    %min3A_3965 = vector.broadcast %slice3A_3612 : vector<256x1xf32> to vector<256x128xf32>
    %min3A_3966 = vector.broadcast %slice3A_3953 : vector<1x128xf32> to vector<256x128xf32>
    %min3A_3967 = arith.minimumf %min3A_3965, %min3A_3966 : vector<256x128xf32>
    %max3A_3968 = vector.broadcast %slice3A_3611 : vector<256x1xf32> to vector<256x128xf32>
    %max3A_3969 = vector.broadcast %slice3A_3952 : vector<1x128xf32> to vector<256x128xf32>
    %max3A_3970 = arith.maximumf %max3A_3968, %max3A_3969 : vector<256x128xf32>
    %sub3A_3971 = arith.subf %min3A_3967, %max3A_3970 : vector<256x128xf32>
    %max3A_3972 = arith.constant 0.000000e+00 : f32
    %max3A_3973 = vector.broadcast %max3A_3972 : f32 to vector<256x128xf32>
    %max3A_3974 = arith.maximumf %sub3A_3971, %max3A_3973 : vector<256x128xf32>
    %mul3A_3975 = arith.mulf %max3A_3964, %max3A_3974 : vector<256x128xf32>
    %add3A_3976 = vector.broadcast %slice3A_3613 : vector<256x1xf32> to vector<256x128xf32>
    %add3A_3977 = vector.broadcast %slice3A_3954 : vector<1x128xf32> to vector<256x128xf32>
    %add3A_3978 = arith.addf %add3A_3976, %add3A_3977 : vector<256x128xf32>
    %sub3A_3979 = arith.subf %add3A_3978, %mul3A_3975 : vector<256x128xf32>
    %max3A_3980 = arith.constant 9.99999997E-7 : f32
    %max3A_3981 = vector.broadcast %max3A_3980 : f32 to vector<256x128xf32>
    %max3A_3982 = arith.maximumf %sub3A_3979, %max3A_3981 : vector<256x128xf32>
    %div3A_3983 = arith.divf %mul3A_3975, %max3A_3982 : vector<256x128xf32>
    %gt3A_3984 = arith.constant 0.699999988 : f32
    %gt3A_3985 = vector.broadcast %gt3A_3984 : f32 to vector<256x128xf32>
    %gt3A_3986 = arith.cmpf ogt, %div3A_3983, %gt3A_3985 : vector<256x128xf32>
    %convert_element_type3A_3987 = arith.extui %gt3A_3986 : vector<256x128xi1> to vector<256x128xi32>
    %convert_element_type3A_3988 = arith.sitofp %convert_element_type3A_3987 : vector<256x128xi32> to vector<256x128xf32>
    %dot_general3A_3989 = arith.constant dense<0.000000e+00> : vector<1x128xf32>
    %dot_general3A_3990 = tpu.matmul %while3A_3663#0, %convert_element_type3A_3988, %dot_general3A_3989 {dimension_numbers = #tpu.dot_dimension_numbers<[1], [0], [0], [1], [0, 0, 1, 1], [], []>, transpose_lhs_hint = false} : vector<1x256xf32>, vector<256x128xf32>, vector<1x128xf32> -> vector<1x128xf32>
    %get3A_3991 = arith.constant 7 : index
    %get3A_3992 = arith.constant 128 : index
    %get3A_3993 = vector.load %arg4[%get3A_3991, %get3A_3992] : memref<8x256xf32, #tpu.memory_space<vmem>>, vector<1x128xf32>
    %lt3A_3994 = arith.constant 5.000000e-01 : f32
    %lt3A_3995 = vector.broadcast %lt3A_3994 : f32 to vector<1x128xf32>
    %lt3A_3996 = arith.cmpf olt, %dot_general3A_3990, %lt3A_3995 : vector<1x128xf32>
    %convert_element_type3A_3997 = arith.extui %lt3A_3996 : vector<1x128xi1> to vector<1x128xi32>
    %convert_element_type3A_3998 = arith.sitofp %convert_element_type3A_3997 : vector<1x128xi32> to vector<1x128xf32>
    %mul3A_3999 = arith.mulf %get3A_3993, %convert_element_type3A_3998 : vector<1x128xf32>
    %swap3A_4000 = arith.constant 7 : index
    %swap3A_4001 = arith.constant 128 : index
    %swap3A_4002 = vector.load %arg4[%swap3A_4000, %swap3A_4001] : memref<8x256xf32, #tpu.memory_space<vmem>>, vector<1x128xf32>
    tpu.vector_store %arg4[%swap3A_4000, %swap3A_4001], %mul3A_3999 {strides = array<i32>} : memref<8x256xf32, #tpu.memory_space<vmem>>, vector<1x128xf32>,
    %get3A_4003 = arith.constant 0 : index
    %get3A_4004 = arith.constant 1536 : index
    %get3A_4005 = arith.constant 0 : index
    %get3A_4006 = vector.load %arg1[%get3A_4003, %get3A_4004, %get3A_4005] : memref<1x2048x24xf32, #tpu.memory_space<vmem>>, vector<1x256x24xf32>
    %get3A_4007 = vector.shape_cast %get3A_4006 : vector<1x256x24xf32> to vector<256x24xf32>
    %slice3A_4008 = vector.extract_strided_slice %get3A_4007 {offsets = [0, 8], sizes = [256, 1], strides = [1, 1]} : vector<256x24xf32> to vector<256x1xf32>
    %slice3A_4009 = vector.extract_strided_slice %get3A_4007 {offsets = [0, 9], sizes = [256, 1], strides = [1, 1]} : vector<256x24xf32> to vector<256x1xf32>
    %slice3A_4010 = vector.extract_strided_slice %get3A_4007 {offsets = [0, 10], sizes = [256, 1], strides = [1, 1]} : vector<256x24xf32> to vector<256x1xf32>
    %slice3A_4011 = vector.extract_strided_slice %get3A_4007 {offsets = [0, 11], sizes = [256, 1], strides = [1, 1]} : vector<256x24xf32> to vector<256x1xf32>
    %slice3A_4012 = vector.extract_strided_slice %get3A_4007 {offsets = [0, 12], sizes = [256, 1], strides = [1, 1]} : vector<256x24xf32> to vector<256x1xf32>
    %slice3A_4013 = vector.extract_strided_slice %get3A_4 {offsets = [6, 0], sizes = [1, 256], strides = [1, 1]} : vector<8x256xf32> to vector<1x256xf32>
    %slice3A_4014 = vector.extract_strided_slice %get3A_10 {offsets = [6, 0], sizes = [1, 256], strides = [1, 1]} : vector<8x256xf32> to vector<1x256xf32>
    %slice3A_4015 = vector.extract_strided_slice %get3A_16 {offsets = [6, 0], sizes = [1, 256], strides = [1, 1]} : vector<8x256xf32> to vector<1x256xf32>
    %slice3A_4016 = vector.extract_strided_slice %get3A_22 {offsets = [6, 0], sizes = [1, 256], strides = [1, 1]} : vector<8x256xf32> to vector<1x256xf32>
    %slice3A_4017 = vector.extract_strided_slice %get3A_28 {offsets = [6, 0], sizes = [1, 256], strides = [1, 1]} : vector<8x256xf32> to vector<1x256xf32>
    %min3A_4018 = vector.broadcast %slice3A_4009 : vector<256x1xf32> to vector<256x256xf32>
    %min3A_4019 = vector.broadcast %slice3A_4014 : vector<1x256xf32> to vector<256x256xf32>
    %min3A_4020 = arith.minimumf %min3A_4018, %min3A_4019 : vector<256x256xf32>
    %max3A_4021 = vector.broadcast %slice3A_4008 : vector<256x1xf32> to vector<256x256xf32>
    %max3A_4022 = vector.broadcast %slice3A_4013 : vector<1x256xf32> to vector<256x256xf32>
    %max3A_4023 = arith.maximumf %max3A_4021, %max3A_4022 : vector<256x256xf32>
    %sub3A_4024 = arith.subf %min3A_4020, %max3A_4023 : vector<256x256xf32>
    %max3A_4025 = arith.constant 0.000000e+00 : f32
    %max3A_4026 = vector.broadcast %max3A_4025 : f32 to vector<256x256xf32>
    %max3A_4027 = arith.maximumf %sub3A_4024, %max3A_4026 : vector<256x256xf32>
    %min3A_4028 = vector.broadcast %slice3A_4011 : vector<256x1xf32> to vector<256x256xf32>
    %min3A_4029 = vector.broadcast %slice3A_4016 : vector<1x256xf32> to vector<256x256xf32>
    %min3A_4030 = arith.minimumf %min3A_4028, %min3A_4029 : vector<256x256xf32>
    %max3A_4031 = vector.broadcast %slice3A_4010 : vector<256x1xf32> to vector<256x256xf32>
    %max3A_4032 = vector.broadcast %slice3A_4015 : vector<1x256xf32> to vector<256x256xf32>
    %max3A_4033 = arith.maximumf %max3A_4031, %max3A_4032 : vector<256x256xf32>
    %sub3A_4034 = arith.subf %min3A_4030, %max3A_4033 : vector<256x256xf32>
    %max3A_4035 = arith.constant 0.000000e+00 : f32
    %max3A_4036 = vector.broadcast %max3A_4035 : f32 to vector<256x256xf32>
    %max3A_4037 = arith.maximumf %sub3A_4034, %max3A_4036 : vector<256x256xf32>
    %mul3A_4038 = arith.mulf %max3A_4027, %max3A_4037 : vector<256x256xf32>
    %add3A_4039 = vector.broadcast %slice3A_4012 : vector<256x1xf32> to vector<256x256xf32>
    %add3A_4040 = vector.broadcast %slice3A_4017 : vector<1x256xf32> to vector<256x256xf32>
    %add3A_4041 = arith.addf %add3A_4039, %add3A_4040 : vector<256x256xf32>
    %sub3A_4042 = arith.subf %add3A_4041, %mul3A_4038 : vector<256x256xf32>
    %max3A_4043 = arith.constant 9.99999997E-7 : f32
    %max3A_4044 = vector.broadcast %max3A_4043 : f32 to vector<256x256xf32>
    %max3A_4045 = arith.maximumf %sub3A_4042, %max3A_4044 : vector<256x256xf32>
    %div3A_4046 = arith.divf %mul3A_4038, %max3A_4045 : vector<256x256xf32>
    %gt3A_4047 = arith.constant 0.699999988 : f32
    %gt3A_4048 = vector.broadcast %gt3A_4047 : f32 to vector<256x256xf32>
    %gt3A_4049 = arith.cmpf ogt, %div3A_4046, %gt3A_4048 : vector<256x256xf32>
    %convert_element_type3A_4050 = arith.extui %gt3A_4049 : vector<256x256xi1> to vector<256x256xi32>
    %convert_element_type3A_4051 = arith.sitofp %convert_element_type3A_4050 : vector<256x256xi32> to vector<256x256xf32>
    %iota3A_4052 = tpu.iota {dimensions = array<i32: 0>} : vector<256x256xi32>
    %iota3A_4053 = tpu.iota {dimensions = array<i32: 1>} : vector<256x256xi32>
    %lt3A_4054 = arith.cmpi slt, %iota3A_4052, %iota3A_4053 : vector<256x256xi32>
    %convert_element_type3A_4055 = arith.extui %lt3A_4054 : vector<256x256xi1> to vector<256x256xi32>
    %convert_element_type3A_4056 = arith.sitofp %convert_element_type3A_4055 : vector<256x256xi32> to vector<256x256xf32>
    %mul3A_4057 = arith.mulf %convert_element_type3A_4051, %convert_element_type3A_4056 : vector<256x256xf32>
    %get3A_4058 = arith.constant 6 : index
    %get3A_4059 = arith.constant 0 : index
    %get3A_4060 = vector.load %arg4[%get3A_4058, %get3A_4059] : memref<8x256xf32, #tpu.memory_space<vmem>>, vector<1x256xf32>
    %while3A_4061 = arith.constant true
    %while3A_4062:2 = scf.while (%while3A_4770 = %get3A_4060, %while3A_4771 = %while3A_4061) : (vector<1x256xf32>, i1) -> (vector<1x256xf32>, i1) {
      scf.condition(%while3A_4771) %while3A_4770, %while3A_4771 : vector<1x256xf32>, i1
    } do {
    ^bb0(%while3A_4770: vector<1x256xf32>, %while3A_4771: i1):
      %dot_general3A_4772 = arith.constant dense<0.000000e+00> : vector<1x256xf32>
      %dot_general3A_4773 = tpu.matmul %while3A_4770, %mul3A_4057, %dot_general3A_4772 {dimension_numbers = #tpu.dot_dimension_numbers<[1], [0], [0], [1], [0, 0, 1, 1], [], []>, transpose_lhs_hint = false} : vector<1x256xf32>, vector<256x256xf32>, vector<1x256xf32> -> vector<1x256xf32>
      %lt3A_4774 = arith.constant 5.000000e-01 : f32
      %lt3A_4775 = vector.broadcast %lt3A_4774 : f32 to vector<1x256xf32>
      %lt3A_4776 = arith.cmpf olt, %dot_general3A_4773, %lt3A_4775 : vector<1x256xf32>
      %convert_element_type3A_4777 = arith.extui %lt3A_4776 : vector<1x256xi1> to vector<1x256xi32>
      %convert_element_type3A_4778 = arith.sitofp %convert_element_type3A_4777 : vector<1x256xi32> to vector<1x256xf32>
      %mul3A_4779 = arith.mulf %get3A_4060, %convert_element_type3A_4778 : vector<1x256xf32>
      %ne3A = arith.cmpf one, %mul3A_4779, %while3A_4770 : vector<1x256xf32>
      %reduce_or3A = arith.constant 1.000000e+00 : f32
      %reduce_or3A_4780 = arith.constant 0.000000e+00 : f32
      %reduce_or3A_4781 = vector.broadcast %reduce_or3A : f32 to vector<1x256xf32>
      %reduce_or3A_4782 = vector.broadcast %reduce_or3A_4780 : f32 to vector<1x256xf32>
      %reduce_or3A_4783 = arith.select %ne3A, %reduce_or3A_4781, %reduce_or3A_4782 : vector<1x256xi1>, vector<1x256xf32>
      %reduce_or3A_4784 = vector.shape_cast %reduce_or3A_4783 : vector<1x256xf32> to vector<1x1x256xf32>
      %reduce_or3A_4785 = arith.constant dense<0xFF800000> : vector<1xf32>
      %reduce_or3A_4786 = vector.multi_reduction <maximumf>, %reduce_or3A_4784, %reduce_or3A_4785 [1, 2] : vector<1x1x256xf32> to vector<1xf32>
      %reduce_or3A_4787 = vector.shape_cast %reduce_or3A_4786 : vector<1xf32> to vector<1x1x1xf32>
      %reduce_or3A_4788 = vector.extract %reduce_or3A_4787[0, 0, 0] : f32 from vector<1x1x1xf32>
      %reduce_or3A_4789 = arith.constant 0.000000e+00 : f32
      %reduce_or3A_4790 = arith.cmpf ogt, %reduce_or3A_4788, %reduce_or3A_4789 : f32
      scf.yield %mul3A_4779, %reduce_or3A_4790 : vector<1x256xf32>, i1
    }
    %swap3A_4063 = arith.constant 6 : index
    %swap3A_4064 = arith.constant 0 : index
    %swap3A_4065 = vector.load %arg4[%swap3A_4063, %swap3A_4064] : memref<8x256xf32, #tpu.memory_space<vmem>>, vector<1x256xf32>
    tpu.vector_store %arg4[%swap3A_4063, %swap3A_4064], %while3A_4062#0 {strides = array<i32>} : memref<8x256xf32, #tpu.memory_space<vmem>>, vector<1x256xf32>,
    %slice3A_4066 = vector.extract_strided_slice %get3A_4 {offsets = [6, 0], sizes = [1, 128], strides = [1, 1]} : vector<8x256xf32> to vector<1x128xf32>
    %slice3A_4067 = vector.extract_strided_slice %get3A_10 {offsets = [6, 0], sizes = [1, 128], strides = [1, 1]} : vector<8x256xf32> to vector<1x128xf32>
    %slice3A_4068 = vector.extract_strided_slice %get3A_16 {offsets = [6, 0], sizes = [1, 128], strides = [1, 1]} : vector<8x256xf32> to vector<1x128xf32>
    %slice3A_4069 = vector.extract_strided_slice %get3A_22 {offsets = [6, 0], sizes = [1, 128], strides = [1, 1]} : vector<8x256xf32> to vector<1x128xf32>
    %slice3A_4070 = vector.extract_strided_slice %get3A_28 {offsets = [6, 0], sizes = [1, 128], strides = [1, 1]} : vector<8x256xf32> to vector<1x128xf32>
    %min3A_4071 = vector.broadcast %slice3A_4009 : vector<256x1xf32> to vector<256x128xf32>
    %min3A_4072 = vector.broadcast %slice3A_4067 : vector<1x128xf32> to vector<256x128xf32>
    %min3A_4073 = arith.minimumf %min3A_4071, %min3A_4072 : vector<256x128xf32>
    %max3A_4074 = vector.broadcast %slice3A_4008 : vector<256x1xf32> to vector<256x128xf32>
    %max3A_4075 = vector.broadcast %slice3A_4066 : vector<1x128xf32> to vector<256x128xf32>
    %max3A_4076 = arith.maximumf %max3A_4074, %max3A_4075 : vector<256x128xf32>
    %sub3A_4077 = arith.subf %min3A_4073, %max3A_4076 : vector<256x128xf32>
    %max3A_4078 = arith.constant 0.000000e+00 : f32
    %max3A_4079 = vector.broadcast %max3A_4078 : f32 to vector<256x128xf32>
    %max3A_4080 = arith.maximumf %sub3A_4077, %max3A_4079 : vector<256x128xf32>
    %min3A_4081 = vector.broadcast %slice3A_4011 : vector<256x1xf32> to vector<256x128xf32>
    %min3A_4082 = vector.broadcast %slice3A_4069 : vector<1x128xf32> to vector<256x128xf32>
    %min3A_4083 = arith.minimumf %min3A_4081, %min3A_4082 : vector<256x128xf32>
    %max3A_4084 = vector.broadcast %slice3A_4010 : vector<256x1xf32> to vector<256x128xf32>
    %max3A_4085 = vector.broadcast %slice3A_4068 : vector<1x128xf32> to vector<256x128xf32>
    %max3A_4086 = arith.maximumf %max3A_4084, %max3A_4085 : vector<256x128xf32>
    %sub3A_4087 = arith.subf %min3A_4083, %max3A_4086 : vector<256x128xf32>
    %max3A_4088 = arith.constant 0.000000e+00 : f32
    %max3A_4089 = vector.broadcast %max3A_4088 : f32 to vector<256x128xf32>
    %max3A_4090 = arith.maximumf %sub3A_4087, %max3A_4089 : vector<256x128xf32>
    %mul3A_4091 = arith.mulf %max3A_4080, %max3A_4090 : vector<256x128xf32>
    %add3A_4092 = vector.broadcast %slice3A_4012 : vector<256x1xf32> to vector<256x128xf32>
    %add3A_4093 = vector.broadcast %slice3A_4070 : vector<1x128xf32> to vector<256x128xf32>
    %add3A_4094 = arith.addf %add3A_4092, %add3A_4093 : vector<256x128xf32>
    %sub3A_4095 = arith.subf %add3A_4094, %mul3A_4091 : vector<256x128xf32>
    %max3A_4096 = arith.constant 9.99999997E-7 : f32
    %max3A_4097 = vector.broadcast %max3A_4096 : f32 to vector<256x128xf32>
    %max3A_4098 = arith.maximumf %sub3A_4095, %max3A_4097 : vector<256x128xf32>
    %div3A_4099 = arith.divf %mul3A_4091, %max3A_4098 : vector<256x128xf32>
    %gt3A_4100 = arith.constant 0.699999988 : f32
    %gt3A_4101 = vector.broadcast %gt3A_4100 : f32 to vector<256x128xf32>
    %gt3A_4102 = arith.cmpf ogt, %div3A_4099, %gt3A_4101 : vector<256x128xf32>
    %convert_element_type3A_4103 = arith.extui %gt3A_4102 : vector<256x128xi1> to vector<256x128xi32>
    %convert_element_type3A_4104 = arith.sitofp %convert_element_type3A_4103 : vector<256x128xi32> to vector<256x128xf32>
    %iota3A_4105 = tpu.iota {dimensions = array<i32: 0>} : vector<256x128xi32>
    %iota3A_4106 = tpu.iota {dimensions = array<i32: 1>} : vector<256x128xi32>
    %add3A_4107 = arith.constant 0 : i32
    %add3A_4108 = vector.broadcast %add3A_4107 : i32 to vector<256x128xi32>
    %add3A_4109 = arith.addi %iota3A_4106, %add3A_4108 : vector<256x128xi32>
    %lt3A_4110 = arith.cmpi slt, %iota3A_4105, %add3A_4109 : vector<256x128xi32>
    %convert_element_type3A_4111 = arith.extui %lt3A_4110 : vector<256x128xi1> to vector<256x128xi32>
    %convert_element_type3A_4112 = arith.sitofp %convert_element_type3A_4111 : vector<256x128xi32> to vector<256x128xf32>
    %mul3A_4113 = arith.mulf %convert_element_type3A_4104, %convert_element_type3A_4112 : vector<256x128xf32>
    %dot_general3A_4114 = arith.constant dense<0.000000e+00> : vector<1x128xf32>
    %dot_general3A_4115 = tpu.matmul %while3A_4062#0, %mul3A_4113, %dot_general3A_4114 {dimension_numbers = #tpu.dot_dimension_numbers<[1], [0], [0], [1], [0, 0, 1, 1], [], []>, transpose_lhs_hint = false} : vector<1x256xf32>, vector<256x128xf32>, vector<1x128xf32> -> vector<1x128xf32>
    %get3A_4116 = arith.constant 6 : index
    %get3A_4117 = arith.constant 0 : index
    %get3A_4118 = vector.load %arg4[%get3A_4116, %get3A_4117] : memref<8x256xf32, #tpu.memory_space<vmem>>, vector<1x128xf32>
    %lt3A_4119 = arith.constant 5.000000e-01 : f32
    %lt3A_4120 = vector.broadcast %lt3A_4119 : f32 to vector<1x128xf32>
    %lt3A_4121 = arith.cmpf olt, %dot_general3A_4115, %lt3A_4120 : vector<1x128xf32>
    %convert_element_type3A_4122 = arith.extui %lt3A_4121 : vector<1x128xi1> to vector<1x128xi32>
    %convert_element_type3A_4123 = arith.sitofp %convert_element_type3A_4122 : vector<1x128xi32> to vector<1x128xf32>
    %mul3A_4124 = arith.mulf %get3A_4118, %convert_element_type3A_4123 : vector<1x128xf32>
    %swap3A_4125 = arith.constant 6 : index
    %swap3A_4126 = arith.constant 0 : index
    %swap3A_4127 = vector.load %arg4[%swap3A_4125, %swap3A_4126] : memref<8x256xf32, #tpu.memory_space<vmem>>, vector<1x128xf32>
    tpu.vector_store %arg4[%swap3A_4125, %swap3A_4126], %mul3A_4124 {strides = array<i32>} : memref<8x256xf32, #tpu.memory_space<vmem>>, vector<1x128xf32>,
    %slice3A_4128 = vector.extract_strided_slice %get3A_4 {offsets = [6, 128], sizes = [1, 128], strides = [1, 1]} : vector<8x256xf32> to vector<1x128xf32>
    %slice3A_4129 = vector.extract_strided_slice %get3A_10 {offsets = [6, 128], sizes = [1, 128], strides = [1, 1]} : vector<8x256xf32> to vector<1x128xf32>
    %slice3A_4130 = vector.extract_strided_slice %get3A_16 {offsets = [6, 128], sizes = [1, 128], strides = [1, 1]} : vector<8x256xf32> to vector<1x128xf32>
    %slice3A_4131 = vector.extract_strided_slice %get3A_22 {offsets = [6, 128], sizes = [1, 128], strides = [1, 1]} : vector<8x256xf32> to vector<1x128xf32>
    %slice3A_4132 = vector.extract_strided_slice %get3A_28 {offsets = [6, 128], sizes = [1, 128], strides = [1, 1]} : vector<8x256xf32> to vector<1x128xf32>
    %min3A_4133 = vector.broadcast %slice3A_4009 : vector<256x1xf32> to vector<256x128xf32>
    %min3A_4134 = vector.broadcast %slice3A_4129 : vector<1x128xf32> to vector<256x128xf32>
    %min3A_4135 = arith.minimumf %min3A_4133, %min3A_4134 : vector<256x128xf32>
    %max3A_4136 = vector.broadcast %slice3A_4008 : vector<256x1xf32> to vector<256x128xf32>
    %max3A_4137 = vector.broadcast %slice3A_4128 : vector<1x128xf32> to vector<256x128xf32>
    %max3A_4138 = arith.maximumf %max3A_4136, %max3A_4137 : vector<256x128xf32>
    %sub3A_4139 = arith.subf %min3A_4135, %max3A_4138 : vector<256x128xf32>
    %max3A_4140 = arith.constant 0.000000e+00 : f32
    %max3A_4141 = vector.broadcast %max3A_4140 : f32 to vector<256x128xf32>
    %max3A_4142 = arith.maximumf %sub3A_4139, %max3A_4141 : vector<256x128xf32>
    %min3A_4143 = vector.broadcast %slice3A_4011 : vector<256x1xf32> to vector<256x128xf32>
    %min3A_4144 = vector.broadcast %slice3A_4131 : vector<1x128xf32> to vector<256x128xf32>
    %min3A_4145 = arith.minimumf %min3A_4143, %min3A_4144 : vector<256x128xf32>
    %max3A_4146 = vector.broadcast %slice3A_4010 : vector<256x1xf32> to vector<256x128xf32>
    %max3A_4147 = vector.broadcast %slice3A_4130 : vector<1x128xf32> to vector<256x128xf32>
    %max3A_4148 = arith.maximumf %max3A_4146, %max3A_4147 : vector<256x128xf32>
    %sub3A_4149 = arith.subf %min3A_4145, %max3A_4148 : vector<256x128xf32>
    %max3A_4150 = arith.constant 0.000000e+00 : f32
    %max3A_4151 = vector.broadcast %max3A_4150 : f32 to vector<256x128xf32>
    %max3A_4152 = arith.maximumf %sub3A_4149, %max3A_4151 : vector<256x128xf32>
    %mul3A_4153 = arith.mulf %max3A_4142, %max3A_4152 : vector<256x128xf32>
    %add3A_4154 = vector.broadcast %slice3A_4012 : vector<256x1xf32> to vector<256x128xf32>
    %add3A_4155 = vector.broadcast %slice3A_4132 : vector<1x128xf32> to vector<256x128xf32>
    %add3A_4156 = arith.addf %add3A_4154, %add3A_4155 : vector<256x128xf32>
    %sub3A_4157 = arith.subf %add3A_4156, %mul3A_4153 : vector<256x128xf32>
    %max3A_4158 = arith.constant 9.99999997E-7 : f32
    %max3A_4159 = vector.broadcast %max3A_4158 : f32 to vector<256x128xf32>
    %max3A_4160 = arith.maximumf %sub3A_4157, %max3A_4159 : vector<256x128xf32>
    %div3A_4161 = arith.divf %mul3A_4153, %max3A_4160 : vector<256x128xf32>
    %gt3A_4162 = arith.constant 0.699999988 : f32
    %gt3A_4163 = vector.broadcast %gt3A_4162 : f32 to vector<256x128xf32>
    %gt3A_4164 = arith.cmpf ogt, %div3A_4161, %gt3A_4163 : vector<256x128xf32>
    %convert_element_type3A_4165 = arith.extui %gt3A_4164 : vector<256x128xi1> to vector<256x128xi32>
    %convert_element_type3A_4166 = arith.sitofp %convert_element_type3A_4165 : vector<256x128xi32> to vector<256x128xf32>
    %iota3A_4167 = tpu.iota {dimensions = array<i32: 0>} : vector<256x128xi32>
    %iota3A_4168 = tpu.iota {dimensions = array<i32: 1>} : vector<256x128xi32>
    %add3A_4169 = arith.constant 128 : i32
    %add3A_4170 = vector.broadcast %add3A_4169 : i32 to vector<256x128xi32>
    %add3A_4171 = arith.addi %iota3A_4168, %add3A_4170 : vector<256x128xi32>
    %lt3A_4172 = arith.cmpi slt, %iota3A_4167, %add3A_4171 : vector<256x128xi32>
    %convert_element_type3A_4173 = arith.extui %lt3A_4172 : vector<256x128xi1> to vector<256x128xi32>
    %convert_element_type3A_4174 = arith.sitofp %convert_element_type3A_4173 : vector<256x128xi32> to vector<256x128xf32>
    %mul3A_4175 = arith.mulf %convert_element_type3A_4166, %convert_element_type3A_4174 : vector<256x128xf32>
    %dot_general3A_4176 = arith.constant dense<0.000000e+00> : vector<1x128xf32>
    %dot_general3A_4177 = tpu.matmul %while3A_4062#0, %mul3A_4175, %dot_general3A_4176 {dimension_numbers = #tpu.dot_dimension_numbers<[1], [0], [0], [1], [0, 0, 1, 1], [], []>, transpose_lhs_hint = false} : vector<1x256xf32>, vector<256x128xf32>, vector<1x128xf32> -> vector<1x128xf32>
    %get3A_4178 = arith.constant 6 : index
    %get3A_4179 = arith.constant 128 : index
    %get3A_4180 = vector.load %arg4[%get3A_4178, %get3A_4179] : memref<8x256xf32, #tpu.memory_space<vmem>>, vector<1x128xf32>
    %lt3A_4181 = arith.constant 5.000000e-01 : f32
    %lt3A_4182 = vector.broadcast %lt3A_4181 : f32 to vector<1x128xf32>
    %lt3A_4183 = arith.cmpf olt, %dot_general3A_4177, %lt3A_4182 : vector<1x128xf32>
    %convert_element_type3A_4184 = arith.extui %lt3A_4183 : vector<1x128xi1> to vector<1x128xi32>
    %convert_element_type3A_4185 = arith.sitofp %convert_element_type3A_4184 : vector<1x128xi32> to vector<1x128xf32>
    %mul3A_4186 = arith.mulf %get3A_4180, %convert_element_type3A_4185 : vector<1x128xf32>
    %swap3A_4187 = arith.constant 6 : index
    %swap3A_4188 = arith.constant 128 : index
    %swap3A_4189 = vector.load %arg4[%swap3A_4187, %swap3A_4188] : memref<8x256xf32, #tpu.memory_space<vmem>>, vector<1x128xf32>
    tpu.vector_store %arg4[%swap3A_4187, %swap3A_4188], %mul3A_4186 {strides = array<i32>} : memref<8x256xf32, #tpu.memory_space<vmem>>, vector<1x128xf32>,
    %slice3A_4190 = vector.extract_strided_slice %get3A_4 {offsets = [7, 0], sizes = [1, 128], strides = [1, 1]} : vector<8x256xf32> to vector<1x128xf32>
    %slice3A_4191 = vector.extract_strided_slice %get3A_10 {offsets = [7, 0], sizes = [1, 128], strides = [1, 1]} : vector<8x256xf32> to vector<1x128xf32>
    %slice3A_4192 = vector.extract_strided_slice %get3A_16 {offsets = [7, 0], sizes = [1, 128], strides = [1, 1]} : vector<8x256xf32> to vector<1x128xf32>
    %slice3A_4193 = vector.extract_strided_slice %get3A_22 {offsets = [7, 0], sizes = [1, 128], strides = [1, 1]} : vector<8x256xf32> to vector<1x128xf32>
    %slice3A_4194 = vector.extract_strided_slice %get3A_28 {offsets = [7, 0], sizes = [1, 128], strides = [1, 1]} : vector<8x256xf32> to vector<1x128xf32>
    %min3A_4195 = vector.broadcast %slice3A_4009 : vector<256x1xf32> to vector<256x128xf32>
    %min3A_4196 = vector.broadcast %slice3A_4191 : vector<1x128xf32> to vector<256x128xf32>
    %min3A_4197 = arith.minimumf %min3A_4195, %min3A_4196 : vector<256x128xf32>
    %max3A_4198 = vector.broadcast %slice3A_4008 : vector<256x1xf32> to vector<256x128xf32>
    %max3A_4199 = vector.broadcast %slice3A_4190 : vector<1x128xf32> to vector<256x128xf32>
    %max3A_4200 = arith.maximumf %max3A_4198, %max3A_4199 : vector<256x128xf32>
    %sub3A_4201 = arith.subf %min3A_4197, %max3A_4200 : vector<256x128xf32>
    %max3A_4202 = arith.constant 0.000000e+00 : f32
    %max3A_4203 = vector.broadcast %max3A_4202 : f32 to vector<256x128xf32>
    %max3A_4204 = arith.maximumf %sub3A_4201, %max3A_4203 : vector<256x128xf32>
    %min3A_4205 = vector.broadcast %slice3A_4011 : vector<256x1xf32> to vector<256x128xf32>
    %min3A_4206 = vector.broadcast %slice3A_4193 : vector<1x128xf32> to vector<256x128xf32>
    %min3A_4207 = arith.minimumf %min3A_4205, %min3A_4206 : vector<256x128xf32>
    %max3A_4208 = vector.broadcast %slice3A_4010 : vector<256x1xf32> to vector<256x128xf32>
    %max3A_4209 = vector.broadcast %slice3A_4192 : vector<1x128xf32> to vector<256x128xf32>
    %max3A_4210 = arith.maximumf %max3A_4208, %max3A_4209 : vector<256x128xf32>
    %sub3A_4211 = arith.subf %min3A_4207, %max3A_4210 : vector<256x128xf32>
    %max3A_4212 = arith.constant 0.000000e+00 : f32
    %max3A_4213 = vector.broadcast %max3A_4212 : f32 to vector<256x128xf32>
    %max3A_4214 = arith.maximumf %sub3A_4211, %max3A_4213 : vector<256x128xf32>
    %mul3A_4215 = arith.mulf %max3A_4204, %max3A_4214 : vector<256x128xf32>
    %add3A_4216 = vector.broadcast %slice3A_4012 : vector<256x1xf32> to vector<256x128xf32>
    %add3A_4217 = vector.broadcast %slice3A_4194 : vector<1x128xf32> to vector<256x128xf32>
    %add3A_4218 = arith.addf %add3A_4216, %add3A_4217 : vector<256x128xf32>
    %sub3A_4219 = arith.subf %add3A_4218, %mul3A_4215 : vector<256x128xf32>
    %max3A_4220 = arith.constant 9.99999997E-7 : f32
    %max3A_4221 = vector.broadcast %max3A_4220 : f32 to vector<256x128xf32>
    %max3A_4222 = arith.maximumf %sub3A_4219, %max3A_4221 : vector<256x128xf32>
    %div3A_4223 = arith.divf %mul3A_4215, %max3A_4222 : vector<256x128xf32>
    %gt3A_4224 = arith.constant 0.699999988 : f32
    %gt3A_4225 = vector.broadcast %gt3A_4224 : f32 to vector<256x128xf32>
    %gt3A_4226 = arith.cmpf ogt, %div3A_4223, %gt3A_4225 : vector<256x128xf32>
    %convert_element_type3A_4227 = arith.extui %gt3A_4226 : vector<256x128xi1> to vector<256x128xi32>
    %convert_element_type3A_4228 = arith.sitofp %convert_element_type3A_4227 : vector<256x128xi32> to vector<256x128xf32>
    %dot_general3A_4229 = arith.constant dense<0.000000e+00> : vector<1x128xf32>
    %dot_general3A_4230 = tpu.matmul %while3A_4062#0, %convert_element_type3A_4228, %dot_general3A_4229 {dimension_numbers = #tpu.dot_dimension_numbers<[1], [0], [0], [1], [0, 0, 1, 1], [], []>, transpose_lhs_hint = false} : vector<1x256xf32>, vector<256x128xf32>, vector<1x128xf32> -> vector<1x128xf32>
    %get3A_4231 = arith.constant 7 : index
    %get3A_4232 = arith.constant 0 : index
    %get3A_4233 = vector.load %arg4[%get3A_4231, %get3A_4232] : memref<8x256xf32, #tpu.memory_space<vmem>>, vector<1x128xf32>
    %lt3A_4234 = arith.constant 5.000000e-01 : f32
    %lt3A_4235 = vector.broadcast %lt3A_4234 : f32 to vector<1x128xf32>
    %lt3A_4236 = arith.cmpf olt, %dot_general3A_4230, %lt3A_4235 : vector<1x128xf32>
    %convert_element_type3A_4237 = arith.extui %lt3A_4236 : vector<1x128xi1> to vector<1x128xi32>
    %convert_element_type3A_4238 = arith.sitofp %convert_element_type3A_4237 : vector<1x128xi32> to vector<1x128xf32>
    %mul3A_4239 = arith.mulf %get3A_4233, %convert_element_type3A_4238 : vector<1x128xf32>
    %swap3A_4240 = arith.constant 7 : index
    %swap3A_4241 = arith.constant 0 : index
    %swap3A_4242 = vector.load %arg4[%swap3A_4240, %swap3A_4241] : memref<8x256xf32, #tpu.memory_space<vmem>>, vector<1x128xf32>
    tpu.vector_store %arg4[%swap3A_4240, %swap3A_4241], %mul3A_4239 {strides = array<i32>} : memref<8x256xf32, #tpu.memory_space<vmem>>, vector<1x128xf32>,
    %slice3A_4243 = vector.extract_strided_slice %get3A_4 {offsets = [7, 128], sizes = [1, 128], strides = [1, 1]} : vector<8x256xf32> to vector<1x128xf32>
    %slice3A_4244 = vector.extract_strided_slice %get3A_10 {offsets = [7, 128], sizes = [1, 128], strides = [1, 1]} : vector<8x256xf32> to vector<1x128xf32>
    %slice3A_4245 = vector.extract_strided_slice %get3A_16 {offsets = [7, 128], sizes = [1, 128], strides = [1, 1]} : vector<8x256xf32> to vector<1x128xf32>
    %slice3A_4246 = vector.extract_strided_slice %get3A_22 {offsets = [7, 128], sizes = [1, 128], strides = [1, 1]} : vector<8x256xf32> to vector<1x128xf32>
    %slice3A_4247 = vector.extract_strided_slice %get3A_28 {offsets = [7, 128], sizes = [1, 128], strides = [1, 1]} : vector<8x256xf32> to vector<1x128xf32>
    %min3A_4248 = vector.broadcast %slice3A_4009 : vector<256x1xf32> to vector<256x128xf32>
    %min3A_4249 = vector.broadcast %slice3A_4244 : vector<1x128xf32> to vector<256x128xf32>
    %min3A_4250 = arith.minimumf %min3A_4248, %min3A_4249 : vector<256x128xf32>
    %max3A_4251 = vector.broadcast %slice3A_4008 : vector<256x1xf32> to vector<256x128xf32>
    %max3A_4252 = vector.broadcast %slice3A_4243 : vector<1x128xf32> to vector<256x128xf32>
    %max3A_4253 = arith.maximumf %max3A_4251, %max3A_4252 : vector<256x128xf32>
    %sub3A_4254 = arith.subf %min3A_4250, %max3A_4253 : vector<256x128xf32>
    %max3A_4255 = arith.constant 0.000000e+00 : f32
    %max3A_4256 = vector.broadcast %max3A_4255 : f32 to vector<256x128xf32>
    %max3A_4257 = arith.maximumf %sub3A_4254, %max3A_4256 : vector<256x128xf32>
    %min3A_4258 = vector.broadcast %slice3A_4011 : vector<256x1xf32> to vector<256x128xf32>
    %min3A_4259 = vector.broadcast %slice3A_4246 : vector<1x128xf32> to vector<256x128xf32>
    %min3A_4260 = arith.minimumf %min3A_4258, %min3A_4259 : vector<256x128xf32>
    %max3A_4261 = vector.broadcast %slice3A_4010 : vector<256x1xf32> to vector<256x128xf32>
    %max3A_4262 = vector.broadcast %slice3A_4245 : vector<1x128xf32> to vector<256x128xf32>
    %max3A_4263 = arith.maximumf %max3A_4261, %max3A_4262 : vector<256x128xf32>
    %sub3A_4264 = arith.subf %min3A_4260, %max3A_4263 : vector<256x128xf32>
    %max3A_4265 = arith.constant 0.000000e+00 : f32
    %max3A_4266 = vector.broadcast %max3A_4265 : f32 to vector<256x128xf32>
    %max3A_4267 = arith.maximumf %sub3A_4264, %max3A_4266 : vector<256x128xf32>
    %mul3A_4268 = arith.mulf %max3A_4257, %max3A_4267 : vector<256x128xf32>
    %add3A_4269 = vector.broadcast %slice3A_4012 : vector<256x1xf32> to vector<256x128xf32>
    %add3A_4270 = vector.broadcast %slice3A_4247 : vector<1x128xf32> to vector<256x128xf32>
    %add3A_4271 = arith.addf %add3A_4269, %add3A_4270 : vector<256x128xf32>
    %sub3A_4272 = arith.subf %add3A_4271, %mul3A_4268 : vector<256x128xf32>
    %max3A_4273 = arith.constant 9.99999997E-7 : f32
    %max3A_4274 = vector.broadcast %max3A_4273 : f32 to vector<256x128xf32>
    %max3A_4275 = arith.maximumf %sub3A_4272, %max3A_4274 : vector<256x128xf32>
    %div3A_4276 = arith.divf %mul3A_4268, %max3A_4275 : vector<256x128xf32>
    %gt3A_4277 = arith.constant 0.699999988 : f32
    %gt3A_4278 = vector.broadcast %gt3A_4277 : f32 to vector<256x128xf32>
    %gt3A_4279 = arith.cmpf ogt, %div3A_4276, %gt3A_4278 : vector<256x128xf32>
    %convert_element_type3A_4280 = arith.extui %gt3A_4279 : vector<256x128xi1> to vector<256x128xi32>
    %convert_element_type3A_4281 = arith.sitofp %convert_element_type3A_4280 : vector<256x128xi32> to vector<256x128xf32>
    %dot_general3A_4282 = arith.constant dense<0.000000e+00> : vector<1x128xf32>
    %dot_general3A_4283 = tpu.matmul %while3A_4062#0, %convert_element_type3A_4281, %dot_general3A_4282 {dimension_numbers = #tpu.dot_dimension_numbers<[1], [0], [0], [1], [0, 0, 1, 1], [], []>, transpose_lhs_hint = false} : vector<1x256xf32>, vector<256x128xf32>, vector<1x128xf32> -> vector<1x128xf32>
    %get3A_4284 = arith.constant 7 : index
    %get3A_4285 = arith.constant 128 : index
    %get3A_4286 = vector.load %arg4[%get3A_4284, %get3A_4285] : memref<8x256xf32, #tpu.memory_space<vmem>>, vector<1x128xf32>
    %lt3A_4287 = arith.constant 5.000000e-01 : f32
    %lt3A_4288 = vector.broadcast %lt3A_4287 : f32 to vector<1x128xf32>
    %lt3A_4289 = arith.cmpf olt, %dot_general3A_4283, %lt3A_4288 : vector<1x128xf32>
    %convert_element_type3A_4290 = arith.extui %lt3A_4289 : vector<1x128xi1> to vector<1x128xi32>
    %convert_element_type3A_4291 = arith.sitofp %convert_element_type3A_4290 : vector<1x128xi32> to vector<1x128xf32>
    %mul3A_4292 = arith.mulf %get3A_4286, %convert_element_type3A_4291 : vector<1x128xf32>
    %swap3A_4293 = arith.constant 7 : index
    %swap3A_4294 = arith.constant 128 : index
    %swap3A_4295 = vector.load %arg4[%swap3A_4293, %swap3A_4294] : memref<8x256xf32, #tpu.memory_space<vmem>>, vector<1x128xf32>
    tpu.vector_store %arg4[%swap3A_4293, %swap3A_4294], %mul3A_4292 {strides = array<i32>} : memref<8x256xf32, #tpu.memory_space<vmem>>, vector<1x128xf32>,
    %get3A_4296 = arith.constant 0 : index
    %get3A_4297 = arith.constant 1792 : index
    %get3A_4298 = arith.constant 0 : index
    %get3A_4299 = vector.load %arg1[%get3A_4296, %get3A_4297, %get3A_4298] : memref<1x2048x24xf32, #tpu.memory_space<vmem>>, vector<1x256x24xf32>
    %get3A_4300 = vector.shape_cast %get3A_4299 : vector<1x256x24xf32> to vector<256x24xf32>
    %slice3A_4301 = vector.extract_strided_slice %get3A_4300 {offsets = [0, 8], sizes = [256, 1], strides = [1, 1]} : vector<256x24xf32> to vector<256x1xf32>
    %slice3A_4302 = vector.extract_strided_slice %get3A_4300 {offsets = [0, 9], sizes = [256, 1], strides = [1, 1]} : vector<256x24xf32> to vector<256x1xf32>
    %slice3A_4303 = vector.extract_strided_slice %get3A_4300 {offsets = [0, 10], sizes = [256, 1], strides = [1, 1]} : vector<256x24xf32> to vector<256x1xf32>
    %slice3A_4304 = vector.extract_strided_slice %get3A_4300 {offsets = [0, 11], sizes = [256, 1], strides = [1, 1]} : vector<256x24xf32> to vector<256x1xf32>
    %slice3A_4305 = vector.extract_strided_slice %get3A_4300 {offsets = [0, 12], sizes = [256, 1], strides = [1, 1]} : vector<256x24xf32> to vector<256x1xf32>
    %slice3A_4306 = vector.extract_strided_slice %get3A_4 {offsets = [7, 0], sizes = [1, 256], strides = [1, 1]} : vector<8x256xf32> to vector<1x256xf32>
    %slice3A_4307 = vector.extract_strided_slice %get3A_10 {offsets = [7, 0], sizes = [1, 256], strides = [1, 1]} : vector<8x256xf32> to vector<1x256xf32>
    %slice3A_4308 = vector.extract_strided_slice %get3A_16 {offsets = [7, 0], sizes = [1, 256], strides = [1, 1]} : vector<8x256xf32> to vector<1x256xf32>
    %slice3A_4309 = vector.extract_strided_slice %get3A_22 {offsets = [7, 0], sizes = [1, 256], strides = [1, 1]} : vector<8x256xf32> to vector<1x256xf32>
    %slice3A_4310 = vector.extract_strided_slice %get3A_28 {offsets = [7, 0], sizes = [1, 256], strides = [1, 1]} : vector<8x256xf32> to vector<1x256xf32>
    %min3A_4311 = vector.broadcast %slice3A_4302 : vector<256x1xf32> to vector<256x256xf32>
    %min3A_4312 = vector.broadcast %slice3A_4307 : vector<1x256xf32> to vector<256x256xf32>
    %min3A_4313 = arith.minimumf %min3A_4311, %min3A_4312 : vector<256x256xf32>
    %max3A_4314 = vector.broadcast %slice3A_4301 : vector<256x1xf32> to vector<256x256xf32>
    %max3A_4315 = vector.broadcast %slice3A_4306 : vector<1x256xf32> to vector<256x256xf32>
    %max3A_4316 = arith.maximumf %max3A_4314, %max3A_4315 : vector<256x256xf32>
    %sub3A_4317 = arith.subf %min3A_4313, %max3A_4316 : vector<256x256xf32>
    %max3A_4318 = arith.constant 0.000000e+00 : f32
    %max3A_4319 = vector.broadcast %max3A_4318 : f32 to vector<256x256xf32>
    %max3A_4320 = arith.maximumf %sub3A_4317, %max3A_4319 : vector<256x256xf32>
    %min3A_4321 = vector.broadcast %slice3A_4304 : vector<256x1xf32> to vector<256x256xf32>
    %min3A_4322 = vector.broadcast %slice3A_4309 : vector<1x256xf32> to vector<256x256xf32>
    %min3A_4323 = arith.minimumf %min3A_4321, %min3A_4322 : vector<256x256xf32>
    %max3A_4324 = vector.broadcast %slice3A_4303 : vector<256x1xf32> to vector<256x256xf32>
    %max3A_4325 = vector.broadcast %slice3A_4308 : vector<1x256xf32> to vector<256x256xf32>
    %max3A_4326 = arith.maximumf %max3A_4324, %max3A_4325 : vector<256x256xf32>
    %sub3A_4327 = arith.subf %min3A_4323, %max3A_4326 : vector<256x256xf32>
    %max3A_4328 = arith.constant 0.000000e+00 : f32
    %max3A_4329 = vector.broadcast %max3A_4328 : f32 to vector<256x256xf32>
    %max3A_4330 = arith.maximumf %sub3A_4327, %max3A_4329 : vector<256x256xf32>
    %mul3A_4331 = arith.mulf %max3A_4320, %max3A_4330 : vector<256x256xf32>
    %add3A_4332 = vector.broadcast %slice3A_4305 : vector<256x1xf32> to vector<256x256xf32>
    %add3A_4333 = vector.broadcast %slice3A_4310 : vector<1x256xf32> to vector<256x256xf32>
    %add3A_4334 = arith.addf %add3A_4332, %add3A_4333 : vector<256x256xf32>
    %sub3A_4335 = arith.subf %add3A_4334, %mul3A_4331 : vector<256x256xf32>
    %max3A_4336 = arith.constant 9.99999997E-7 : f32
    %max3A_4337 = vector.broadcast %max3A_4336 : f32 to vector<256x256xf32>
    %max3A_4338 = arith.maximumf %sub3A_4335, %max3A_4337 : vector<256x256xf32>
    %div3A_4339 = arith.divf %mul3A_4331, %max3A_4338 : vector<256x256xf32>
    %gt3A_4340 = arith.constant 0.699999988 : f32
    %gt3A_4341 = vector.broadcast %gt3A_4340 : f32 to vector<256x256xf32>
    %gt3A_4342 = arith.cmpf ogt, %div3A_4339, %gt3A_4341 : vector<256x256xf32>
    %convert_element_type3A_4343 = arith.extui %gt3A_4342 : vector<256x256xi1> to vector<256x256xi32>
    %convert_element_type3A_4344 = arith.sitofp %convert_element_type3A_4343 : vector<256x256xi32> to vector<256x256xf32>
    %iota3A_4345 = tpu.iota {dimensions = array<i32: 0>} : vector<256x256xi32>
    %iota3A_4346 = tpu.iota {dimensions = array<i32: 1>} : vector<256x256xi32>
    %lt3A_4347 = arith.cmpi slt, %iota3A_4345, %iota3A_4346 : vector<256x256xi32>
    %convert_element_type3A_4348 = arith.extui %lt3A_4347 : vector<256x256xi1> to vector<256x256xi32>
    %convert_element_type3A_4349 = arith.sitofp %convert_element_type3A_4348 : vector<256x256xi32> to vector<256x256xf32>
    %mul3A_4350 = arith.mulf %convert_element_type3A_4344, %convert_element_type3A_4349 : vector<256x256xf32>
    %get3A_4351 = arith.constant 7 : index
    %get3A_4352 = arith.constant 0 : index
    %get3A_4353 = vector.load %arg4[%get3A_4351, %get3A_4352] : memref<8x256xf32, #tpu.memory_space<vmem>>, vector<1x256xf32>
    %while3A_4354 = arith.constant true
    %while3A_4355:2 = scf.while (%while3A_4770 = %get3A_4353, %while3A_4771 = %while3A_4354) : (vector<1x256xf32>, i1) -> (vector<1x256xf32>, i1) {
      scf.condition(%while3A_4771) %while3A_4770, %while3A_4771 : vector<1x256xf32>, i1
    } do {
    ^bb0(%while3A_4770: vector<1x256xf32>, %while3A_4771: i1):
      %dot_general3A_4772 = arith.constant dense<0.000000e+00> : vector<1x256xf32>
      %dot_general3A_4773 = tpu.matmul %while3A_4770, %mul3A_4350, %dot_general3A_4772 {dimension_numbers = #tpu.dot_dimension_numbers<[1], [0], [0], [1], [0, 0, 1, 1], [], []>, transpose_lhs_hint = false} : vector<1x256xf32>, vector<256x256xf32>, vector<1x256xf32> -> vector<1x256xf32>
      %lt3A_4774 = arith.constant 5.000000e-01 : f32
      %lt3A_4775 = vector.broadcast %lt3A_4774 : f32 to vector<1x256xf32>
      %lt3A_4776 = arith.cmpf olt, %dot_general3A_4773, %lt3A_4775 : vector<1x256xf32>
      %convert_element_type3A_4777 = arith.extui %lt3A_4776 : vector<1x256xi1> to vector<1x256xi32>
      %convert_element_type3A_4778 = arith.sitofp %convert_element_type3A_4777 : vector<1x256xi32> to vector<1x256xf32>
      %mul3A_4779 = arith.mulf %get3A_4353, %convert_element_type3A_4778 : vector<1x256xf32>
      %ne3A = arith.cmpf one, %mul3A_4779, %while3A_4770 : vector<1x256xf32>
      %reduce_or3A = arith.constant 1.000000e+00 : f32
      %reduce_or3A_4780 = arith.constant 0.000000e+00 : f32
      %reduce_or3A_4781 = vector.broadcast %reduce_or3A : f32 to vector<1x256xf32>
      %reduce_or3A_4782 = vector.broadcast %reduce_or3A_4780 : f32 to vector<1x256xf32>
      %reduce_or3A_4783 = arith.select %ne3A, %reduce_or3A_4781, %reduce_or3A_4782 : vector<1x256xi1>, vector<1x256xf32>
      %reduce_or3A_4784 = vector.shape_cast %reduce_or3A_4783 : vector<1x256xf32> to vector<1x1x256xf32>
      %reduce_or3A_4785 = arith.constant dense<0xFF800000> : vector<1xf32>
      %reduce_or3A_4786 = vector.multi_reduction <maximumf>, %reduce_or3A_4784, %reduce_or3A_4785 [1, 2] : vector<1x1x256xf32> to vector<1xf32>
      %reduce_or3A_4787 = vector.shape_cast %reduce_or3A_4786 : vector<1xf32> to vector<1x1x1xf32>
      %reduce_or3A_4788 = vector.extract %reduce_or3A_4787[0, 0, 0] : f32 from vector<1x1x1xf32>
      %reduce_or3A_4789 = arith.constant 0.000000e+00 : f32
      %reduce_or3A_4790 = arith.cmpf ogt, %reduce_or3A_4788, %reduce_or3A_4789 : f32
      scf.yield %mul3A_4779, %reduce_or3A_4790 : vector<1x256xf32>, i1
    }
    %swap3A_4356 = arith.constant 7 : index
    %swap3A_4357 = arith.constant 0 : index
    %swap3A_4358 = vector.load %arg4[%swap3A_4356, %swap3A_4357] : memref<8x256xf32, #tpu.memory_space<vmem>>, vector<1x256xf32>
    tpu.vector_store %arg4[%swap3A_4356, %swap3A_4357], %while3A_4355#0 {strides = array<i32>} : memref<8x256xf32, #tpu.memory_space<vmem>>, vector<1x256xf32>,
    %slice3A_4359 = vector.extract_strided_slice %get3A_4 {offsets = [7, 0], sizes = [1, 128], strides = [1, 1]} : vector<8x256xf32> to vector<1x128xf32>
    %slice3A_4360 = vector.extract_strided_slice %get3A_10 {offsets = [7, 0], sizes = [1, 128], strides = [1, 1]} : vector<8x256xf32> to vector<1x128xf32>
    %slice3A_4361 = vector.extract_strided_slice %get3A_16 {offsets = [7, 0], sizes = [1, 128], strides = [1, 1]} : vector<8x256xf32> to vector<1x128xf32>
    %slice3A_4362 = vector.extract_strided_slice %get3A_22 {offsets = [7, 0], sizes = [1, 128], strides = [1, 1]} : vector<8x256xf32> to vector<1x128xf32>
    %slice3A_4363 = vector.extract_strided_slice %get3A_28 {offsets = [7, 0], sizes = [1, 128], strides = [1, 1]} : vector<8x256xf32> to vector<1x128xf32>
    %min3A_4364 = vector.broadcast %slice3A_4302 : vector<256x1xf32> to vector<256x128xf32>
    %min3A_4365 = vector.broadcast %slice3A_4360 : vector<1x128xf32> to vector<256x128xf32>
    %min3A_4366 = arith.minimumf %min3A_4364, %min3A_4365 : vector<256x128xf32>
    %max3A_4367 = vector.broadcast %slice3A_4301 : vector<256x1xf32> to vector<256x128xf32>
    %max3A_4368 = vector.broadcast %slice3A_4359 : vector<1x128xf32> to vector<256x128xf32>
    %max3A_4369 = arith.maximumf %max3A_4367, %max3A_4368 : vector<256x128xf32>
    %sub3A_4370 = arith.subf %min3A_4366, %max3A_4369 : vector<256x128xf32>
    %max3A_4371 = arith.constant 0.000000e+00 : f32
    %max3A_4372 = vector.broadcast %max3A_4371 : f32 to vector<256x128xf32>
    %max3A_4373 = arith.maximumf %sub3A_4370, %max3A_4372 : vector<256x128xf32>
    %min3A_4374 = vector.broadcast %slice3A_4304 : vector<256x1xf32> to vector<256x128xf32>
    %min3A_4375 = vector.broadcast %slice3A_4362 : vector<1x128xf32> to vector<256x128xf32>
    %min3A_4376 = arith.minimumf %min3A_4374, %min3A_4375 : vector<256x128xf32>
    %max3A_4377 = vector.broadcast %slice3A_4303 : vector<256x1xf32> to vector<256x128xf32>
    %max3A_4378 = vector.broadcast %slice3A_4361 : vector<1x128xf32> to vector<256x128xf32>
    %max3A_4379 = arith.maximumf %max3A_4377, %max3A_4378 : vector<256x128xf32>
    %sub3A_4380 = arith.subf %min3A_4376, %max3A_4379 : vector<256x128xf32>
    %max3A_4381 = arith.constant 0.000000e+00 : f32
    %max3A_4382 = vector.broadcast %max3A_4381 : f32 to vector<256x128xf32>
    %max3A_4383 = arith.maximumf %sub3A_4380, %max3A_4382 : vector<256x128xf32>
    %mul3A_4384 = arith.mulf %max3A_4373, %max3A_4383 : vector<256x128xf32>
    %add3A_4385 = vector.broadcast %slice3A_4305 : vector<256x1xf32> to vector<256x128xf32>
    %add3A_4386 = vector.broadcast %slice3A_4363 : vector<1x128xf32> to vector<256x128xf32>
    %add3A_4387 = arith.addf %add3A_4385, %add3A_4386 : vector<256x128xf32>
    %sub3A_4388 = arith.subf %add3A_4387, %mul3A_4384 : vector<256x128xf32>
    %max3A_4389 = arith.constant 9.99999997E-7 : f32
    %max3A_4390 = vector.broadcast %max3A_4389 : f32 to vector<256x128xf32>
    %max3A_4391 = arith.maximumf %sub3A_4388, %max3A_4390 : vector<256x128xf32>
    %div3A_4392 = arith.divf %mul3A_4384, %max3A_4391 : vector<256x128xf32>
    %gt3A_4393 = arith.constant 0.699999988 : f32
    %gt3A_4394 = vector.broadcast %gt3A_4393 : f32 to vector<256x128xf32>
    %gt3A_4395 = arith.cmpf ogt, %div3A_4392, %gt3A_4394 : vector<256x128xf32>
    %convert_element_type3A_4396 = arith.extui %gt3A_4395 : vector<256x128xi1> to vector<256x128xi32>
    %convert_element_type3A_4397 = arith.sitofp %convert_element_type3A_4396 : vector<256x128xi32> to vector<256x128xf32>
    %iota3A_4398 = tpu.iota {dimensions = array<i32: 0>} : vector<256x128xi32>
    %iota3A_4399 = tpu.iota {dimensions = array<i32: 1>} : vector<256x128xi32>
    %add3A_4400 = arith.constant 0 : i32
    %add3A_4401 = vector.broadcast %add3A_4400 : i32 to vector<256x128xi32>
    %add3A_4402 = arith.addi %iota3A_4399, %add3A_4401 : vector<256x128xi32>
    %lt3A_4403 = arith.cmpi slt, %iota3A_4398, %add3A_4402 : vector<256x128xi32>
    %convert_element_type3A_4404 = arith.extui %lt3A_4403 : vector<256x128xi1> to vector<256x128xi32>
    %convert_element_type3A_4405 = arith.sitofp %convert_element_type3A_4404 : vector<256x128xi32> to vector<256x128xf32>
    %mul3A_4406 = arith.mulf %convert_element_type3A_4397, %convert_element_type3A_4405 : vector<256x128xf32>
    %dot_general3A_4407 = arith.constant dense<0.000000e+00> : vector<1x128xf32>
    %dot_general3A_4408 = tpu.matmul %while3A_4355#0, %mul3A_4406, %dot_general3A_4407 {dimension_numbers = #tpu.dot_dimension_numbers<[1], [0], [0], [1], [0, 0, 1, 1], [], []>, transpose_lhs_hint = false} : vector<1x256xf32>, vector<256x128xf32>, vector<1x128xf32> -> vector<1x128xf32>
    %get3A_4409 = arith.constant 7 : index
    %get3A_4410 = arith.constant 0 : index
    %get3A_4411 = vector.load %arg4[%get3A_4409, %get3A_4410] : memref<8x256xf32, #tpu.memory_space<vmem>>, vector<1x128xf32>
    %lt3A_4412 = arith.constant 5.000000e-01 : f32
    %lt3A_4413 = vector.broadcast %lt3A_4412 : f32 to vector<1x128xf32>
    %lt3A_4414 = arith.cmpf olt, %dot_general3A_4408, %lt3A_4413 : vector<1x128xf32>
    %convert_element_type3A_4415 = arith.extui %lt3A_4414 : vector<1x128xi1> to vector<1x128xi32>
    %convert_element_type3A_4416 = arith.sitofp %convert_element_type3A_4415 : vector<1x128xi32> to vector<1x128xf32>
    %mul3A_4417 = arith.mulf %get3A_4411, %convert_element_type3A_4416 : vector<1x128xf32>
    %swap3A_4418 = arith.constant 7 : index
    %swap3A_4419 = arith.constant 0 : index
    %swap3A_4420 = vector.load %arg4[%swap3A_4418, %swap3A_4419] : memref<8x256xf32, #tpu.memory_space<vmem>>, vector<1x128xf32>
    tpu.vector_store %arg4[%swap3A_4418, %swap3A_4419], %mul3A_4417 {strides = array<i32>} : memref<8x256xf32, #tpu.memory_space<vmem>>, vector<1x128xf32>,
    %slice3A_4421 = vector.extract_strided_slice %get3A_4 {offsets = [7, 128], sizes = [1, 128], strides = [1, 1]} : vector<8x256xf32> to vector<1x128xf32>
    %slice3A_4422 = vector.extract_strided_slice %get3A_10 {offsets = [7, 128], sizes = [1, 128], strides = [1, 1]} : vector<8x256xf32> to vector<1x128xf32>
    %slice3A_4423 = vector.extract_strided_slice %get3A_16 {offsets = [7, 128], sizes = [1, 128], strides = [1, 1]} : vector<8x256xf32> to vector<1x128xf32>
    %slice3A_4424 = vector.extract_strided_slice %get3A_22 {offsets = [7, 128], sizes = [1, 128], strides = [1, 1]} : vector<8x256xf32> to vector<1x128xf32>
    %slice3A_4425 = vector.extract_strided_slice %get3A_28 {offsets = [7, 128], sizes = [1, 128], strides = [1, 1]} : vector<8x256xf32> to vector<1x128xf32>
    %min3A_4426 = vector.broadcast %slice3A_4302 : vector<256x1xf32> to vector<256x128xf32>
    %min3A_4427 = vector.broadcast %slice3A_4422 : vector<1x128xf32> to vector<256x128xf32>
    %min3A_4428 = arith.minimumf %min3A_4426, %min3A_4427 : vector<256x128xf32>
    %max3A_4429 = vector.broadcast %slice3A_4301 : vector<256x1xf32> to vector<256x128xf32>
    %max3A_4430 = vector.broadcast %slice3A_4421 : vector<1x128xf32> to vector<256x128xf32>
    %max3A_4431 = arith.maximumf %max3A_4429, %max3A_4430 : vector<256x128xf32>
    %sub3A_4432 = arith.subf %min3A_4428, %max3A_4431 : vector<256x128xf32>
    %max3A_4433 = arith.constant 0.000000e+00 : f32
    %max3A_4434 = vector.broadcast %max3A_4433 : f32 to vector<256x128xf32>
    %max3A_4435 = arith.maximumf %sub3A_4432, %max3A_4434 : vector<256x128xf32>
    %min3A_4436 = vector.broadcast %slice3A_4304 : vector<256x1xf32> to vector<256x128xf32>
    %min3A_4437 = vector.broadcast %slice3A_4424 : vector<1x128xf32> to vector<256x128xf32>
    %min3A_4438 = arith.minimumf %min3A_4436, %min3A_4437 : vector<256x128xf32>
    %max3A_4439 = vector.broadcast %slice3A_4303 : vector<256x1xf32> to vector<256x128xf32>
    %max3A_4440 = vector.broadcast %slice3A_4423 : vector<1x128xf32> to vector<256x128xf32>
    %max3A_4441 = arith.maximumf %max3A_4439, %max3A_4440 : vector<256x128xf32>
    %sub3A_4442 = arith.subf %min3A_4438, %max3A_4441 : vector<256x128xf32>
    %max3A_4443 = arith.constant 0.000000e+00 : f32
    %max3A_4444 = vector.broadcast %max3A_4443 : f32 to vector<256x128xf32>
    %max3A_4445 = arith.maximumf %sub3A_4442, %max3A_4444 : vector<256x128xf32>
    %mul3A_4446 = arith.mulf %max3A_4435, %max3A_4445 : vector<256x128xf32>
    %add3A_4447 = vector.broadcast %slice3A_4305 : vector<256x1xf32> to vector<256x128xf32>
    %add3A_4448 = vector.broadcast %slice3A_4425 : vector<1x128xf32> to vector<256x128xf32>
    %add3A_4449 = arith.addf %add3A_4447, %add3A_4448 : vector<256x128xf32>
    %sub3A_4450 = arith.subf %add3A_4449, %mul3A_4446 : vector<256x128xf32>
    %max3A_4451 = arith.constant 9.99999997E-7 : f32
    %max3A_4452 = vector.broadcast %max3A_4451 : f32 to vector<256x128xf32>
    %max3A_4453 = arith.maximumf %sub3A_4450, %max3A_4452 : vector<256x128xf32>
    %div3A_4454 = arith.divf %mul3A_4446, %max3A_4453 : vector<256x128xf32>
    %gt3A_4455 = arith.constant 0.699999988 : f32
    %gt3A_4456 = vector.broadcast %gt3A_4455 : f32 to vector<256x128xf32>
    %gt3A_4457 = arith.cmpf ogt, %div3A_4454, %gt3A_4456 : vector<256x128xf32>
    %convert_element_type3A_4458 = arith.extui %gt3A_4457 : vector<256x128xi1> to vector<256x128xi32>
    %convert_element_type3A_4459 = arith.sitofp %convert_element_type3A_4458 : vector<256x128xi32> to vector<256x128xf32>
    %iota3A_4460 = tpu.iota {dimensions = array<i32: 0>} : vector<256x128xi32>
    %iota3A_4461 = tpu.iota {dimensions = array<i32: 1>} : vector<256x128xi32>
    %add3A_4462 = arith.constant 128 : i32
    %add3A_4463 = vector.broadcast %add3A_4462 : i32 to vector<256x128xi32>
    %add3A_4464 = arith.addi %iota3A_4461, %add3A_4463 : vector<256x128xi32>
    %lt3A_4465 = arith.cmpi slt, %iota3A_4460, %add3A_4464 : vector<256x128xi32>
    %convert_element_type3A_4466 = arith.extui %lt3A_4465 : vector<256x128xi1> to vector<256x128xi32>
    %convert_element_type3A_4467 = arith.sitofp %convert_element_type3A_4466 : vector<256x128xi32> to vector<256x128xf32>
    %mul3A_4468 = arith.mulf %convert_element_type3A_4459, %convert_element_type3A_4467 : vector<256x128xf32>
    %dot_general3A_4469 = arith.constant dense<0.000000e+00> : vector<1x128xf32>
    %dot_general3A_4470 = tpu.matmul %while3A_4355#0, %mul3A_4468, %dot_general3A_4469 {dimension_numbers = #tpu.dot_dimension_numbers<[1], [0], [0], [1], [0, 0, 1, 1], [], []>, transpose_lhs_hint = false} : vector<1x256xf32>, vector<256x128xf32>, vector<1x128xf32> -> vector<1x128xf32>
    %get3A_4471 = arith.constant 7 : index
    %get3A_4472 = arith.constant 128 : index
    %get3A_4473 = vector.load %arg4[%get3A_4471, %get3A_4472] : memref<8x256xf32, #tpu.memory_space<vmem>>, vector<1x128xf32>
    %lt3A_4474 = arith.constant 5.000000e-01 : f32
    %lt3A_4475 = vector.broadcast %lt3A_4474 : f32 to vector<1x128xf32>
    %lt3A_4476 = arith.cmpf olt, %dot_general3A_4470, %lt3A_4475 : vector<1x128xf32>
    %convert_element_type3A_4477 = arith.extui %lt3A_4476 : vector<1x128xi1> to vector<1x128xi32>
    %convert_element_type3A_4478 = arith.sitofp %convert_element_type3A_4477 : vector<1x128xi32> to vector<1x128xf32>
    %mul3A_4479 = arith.mulf %get3A_4473, %convert_element_type3A_4478 : vector<1x128xf32>
    %swap3A_4480 = arith.constant 7 : index
    %swap3A_4481 = arith.constant 128 : index
    %swap3A_4482 = vector.load %arg4[%swap3A_4480, %swap3A_4481] : memref<8x256xf32, #tpu.memory_space<vmem>>, vector<1x128xf32>
    tpu.vector_store %arg4[%swap3A_4480, %swap3A_4481], %mul3A_4479 {strides = array<i32>} : memref<8x256xf32, #tpu.memory_space<vmem>>, vector<1x128xf32>,
    %get3A_4483 = arith.constant 0 : index
    %get3A_4484 = arith.constant 0 : index
    %get3A_4485 = vector.load %arg4[%get3A_4483, %get3A_4484] : memref<8x256xf32, #tpu.memory_space<vmem>>, vector<8x256xf32>
    %iota3A_4486 = tpu.iota {dimensions = array<i32: 0>} : vector<256x256xi32>
    %iota3A_4487 = tpu.iota {dimensions = array<i32: 1>} : vector<256x256xi32>
    %le3A = arith.cmpi sle, %iota3A_4486, %iota3A_4487 : vector<256x256xi32>
    %convert_element_type3A_4488 = arith.extui %le3A : vector<256x256xi1> to vector<256x256xi32>
    %convert_element_type3A_4489 = arith.sitofp %convert_element_type3A_4488 : vector<256x256xi32> to vector<256x256xf32>
    %dot_general3A_4490 = arith.constant dense<0.000000e+00> : vector<8x256xf32>
    %dot_general3A_4491 = tpu.matmul %get3A_4485, %convert_element_type3A_4489, %dot_general3A_4490 {dimension_numbers = #tpu.dot_dimension_numbers<[1], [0], [0], [1], [0, 0, 1, 1], [], []>, transpose_lhs_hint = false} : vector<8x256xf32>, vector<256x256xf32>, vector<8x256xf32> -> vector<8x256xf32>
    %slice3A_4492 = vector.extract_strided_slice %dot_general3A_4491 {offsets = [0, 255], sizes = [8, 1], strides = [1, 1]} : vector<8x256xf32> to vector<8x1xf32>
    %iota3A_4493 = tpu.iota {dimensions = array<i32: 0>} : vector<8x8xi32>
    %iota3A_4494 = tpu.iota {dimensions = array<i32: 1>} : vector<8x8xi32>
    %gt3A_4495 = arith.cmpi sgt, %iota3A_4493, %iota3A_4494 : vector<8x8xi32>
    %convert_element_type3A_4496 = arith.extui %gt3A_4495 : vector<8x8xi1> to vector<8x8xi32>
    %convert_element_type3A_4497 = arith.sitofp %convert_element_type3A_4496 : vector<8x8xi32> to vector<8x8xf32>
    %dot_general3A_4498 = arith.constant dense<0.000000e+00> : vector<8x1xf32>
    %dot_general3A_4499 = tpu.matmul %convert_element_type3A_4497, %slice3A_4492, %dot_general3A_4498 {dimension_numbers = #tpu.dot_dimension_numbers<[1], [0], [0], [1], [0, 0, 1, 1], [], []>, transpose_lhs_hint = false} : vector<8x8xf32>, vector<8x1xf32>, vector<8x1xf32> -> vector<8x1xf32>
    %add3A_4500 = vector.broadcast %dot_general3A_4499 : vector<8x1xf32> to vector<8x256xf32>
    %add3A_4501 = arith.addf %dot_general3A_4491, %add3A_4500 : vector<8x256xf32>
    %sub3A_4502 = arith.constant 1.000000e+00 : f32
    %sub3A_4503 = vector.broadcast %sub3A_4502 : f32 to vector<8x256xf32>
    %sub3A_4504 = arith.subf %add3A_4501, %sub3A_4503 : vector<8x256xf32>
    %iota3A_4505 = tpu.iota {dimensions = array<i32: 0>} : vector<512x128xi32>
    %convert_element_type3A_4506 = arith.fptosi %sub3A_4504 : vector<8x256xf32> to vector<8x256xi32>
    %broadcast_in_dim3A_4507 = arith.constant 0.000000e+00 : f32
    %broadcast_in_dim3A_4508 = vector.broadcast %broadcast_in_dim3A_4507 : f32 to vector<512x24xf32>
    %slice3A_4509 = vector.extract_strided_slice %convert_element_type3A_4506 {offsets = [0, 0], sizes = [1, 128], strides = [1, 1]} : vector<8x256xi32> to vector<1x128xi32>
    %slice3A_4510 = vector.extract_strided_slice %get3A_4485 {offsets = [0, 0], sizes = [1, 128], strides = [1, 1]} : vector<8x256xf32> to vector<1x128xf32>
    %eq3A = vector.broadcast %slice3A_4509 : vector<1x128xi32> to vector<512x128xi32>
    %eq3A_4511 = arith.cmpi eq, %iota3A_4505, %eq3A : vector<512x128xi32>
    %convert_element_type3A_4512 = arith.extui %eq3A_4511 : vector<512x128xi1> to vector<512x128xi32>
    %convert_element_type3A_4513 = arith.sitofp %convert_element_type3A_4512 : vector<512x128xi32> to vector<512x128xf32>
    %mul3A_4514 = vector.broadcast %slice3A_4510 : vector<1x128xf32> to vector<512x128xf32>
    %mul3A_4515 = arith.mulf %convert_element_type3A_4513, %mul3A_4514 : vector<512x128xf32>
    %get3A_4516 = arith.constant 0 : index
    %get3A_4517 = arith.constant 0 : index
    %get3A_4518 = arith.constant 0 : index
    %get3A_4519 = vector.load %arg1[%get3A_4516, %get3A_4517, %get3A_4518] : memref<1x2048x24xf32, #tpu.memory_space<vmem>>, vector<1x128x24xf32>
    %get3A_4520 = vector.shape_cast %get3A_4519 : vector<1x128x24xf32> to vector<128x24xf32>
    %dot_general3A_4521 = arith.constant dense<0.000000e+00> : vector<512x24xf32>
    %dot_general3A_4522 = tpu.matmul %mul3A_4515, %get3A_4520, %dot_general3A_4521 {dimension_numbers = #tpu.dot_dimension_numbers<[1], [0], [0], [1], [0, 0, 1, 1], [], []>, precision = #tpu.contract_precision<fp32>, transpose_lhs_hint = false} : vector<512x128xf32>, vector<128x24xf32>, vector<512x24xf32> -> vector<512x24xf32>
    %add3A_4523 = arith.addf %broadcast_in_dim3A_4508, %dot_general3A_4522 : vector<512x24xf32>
    %slice3A_4524 = vector.extract_strided_slice %convert_element_type3A_4506 {offsets = [0, 128], sizes = [1, 128], strides = [1, 1]} : vector<8x256xi32> to vector<1x128xi32>
    %slice3A_4525 = vector.extract_strided_slice %get3A_4485 {offsets = [0, 128], sizes = [1, 128], strides = [1, 1]} : vector<8x256xf32> to vector<1x128xf32>
    %eq3A_4526 = vector.broadcast %slice3A_4524 : vector<1x128xi32> to vector<512x128xi32>
    %eq3A_4527 = arith.cmpi eq, %iota3A_4505, %eq3A_4526 : vector<512x128xi32>
    %convert_element_type3A_4528 = arith.extui %eq3A_4527 : vector<512x128xi1> to vector<512x128xi32>
    %convert_element_type3A_4529 = arith.sitofp %convert_element_type3A_4528 : vector<512x128xi32> to vector<512x128xf32>
    %mul3A_4530 = vector.broadcast %slice3A_4525 : vector<1x128xf32> to vector<512x128xf32>
    %mul3A_4531 = arith.mulf %convert_element_type3A_4529, %mul3A_4530 : vector<512x128xf32>
    %get3A_4532 = arith.constant 0 : index
    %get3A_4533 = arith.constant 128 : index
    %get3A_4534 = arith.constant 0 : index
    %get3A_4535 = vector.load %arg1[%get3A_4532, %get3A_4533, %get3A_4534] : memref<1x2048x24xf32, #tpu.memory_space<vmem>>, vector<1x128x24xf32>
    %get3A_4536 = vector.shape_cast %get3A_4535 : vector<1x128x24xf32> to vector<128x24xf32>
    %dot_general3A_4537 = arith.constant dense<0.000000e+00> : vector<512x24xf32>
    %dot_general3A_4538 = tpu.matmul %mul3A_4531, %get3A_4536, %dot_general3A_4537 {dimension_numbers = #tpu.dot_dimension_numbers<[1], [0], [0], [1], [0, 0, 1, 1], [], []>, precision = #tpu.contract_precision<fp32>, transpose_lhs_hint = false} : vector<512x128xf32>, vector<128x24xf32>, vector<512x24xf32> -> vector<512x24xf32>
    %add3A_4539 = arith.addf %add3A_4523, %dot_general3A_4538 : vector<512x24xf32>
    %slice3A_4540 = vector.extract_strided_slice %convert_element_type3A_4506 {offsets = [1, 0], sizes = [1, 128], strides = [1, 1]} : vector<8x256xi32> to vector<1x128xi32>
    %slice3A_4541 = vector.extract_strided_slice %get3A_4485 {offsets = [1, 0], sizes = [1, 128], strides = [1, 1]} : vector<8x256xf32> to vector<1x128xf32>
    %eq3A_4542 = vector.broadcast %slice3A_4540 : vector<1x128xi32> to vector<512x128xi32>
    %eq3A_4543 = arith.cmpi eq, %iota3A_4505, %eq3A_4542 : vector<512x128xi32>
    %convert_element_type3A_4544 = arith.extui %eq3A_4543 : vector<512x128xi1> to vector<512x128xi32>
    %convert_element_type3A_4545 = arith.sitofp %convert_element_type3A_4544 : vector<512x128xi32> to vector<512x128xf32>
    %mul3A_4546 = vector.broadcast %slice3A_4541 : vector<1x128xf32> to vector<512x128xf32>
    %mul3A_4547 = arith.mulf %convert_element_type3A_4545, %mul3A_4546 : vector<512x128xf32>
    %get3A_4548 = arith.constant 0 : index
    %get3A_4549 = arith.constant 256 : index
    %get3A_4550 = arith.constant 0 : index
    %get3A_4551 = vector.load %arg1[%get3A_4548, %get3A_4549, %get3A_4550] : memref<1x2048x24xf32, #tpu.memory_space<vmem>>, vector<1x128x24xf32>
    %get3A_4552 = vector.shape_cast %get3A_4551 : vector<1x128x24xf32> to vector<128x24xf32>
    %dot_general3A_4553 = arith.constant dense<0.000000e+00> : vector<512x24xf32>
    %dot_general3A_4554 = tpu.matmul %mul3A_4547, %get3A_4552, %dot_general3A_4553 {dimension_numbers = #tpu.dot_dimension_numbers<[1], [0], [0], [1], [0, 0, 1, 1], [], []>, precision = #tpu.contract_precision<fp32>, transpose_lhs_hint = false} : vector<512x128xf32>, vector<128x24xf32>, vector<512x24xf32> -> vector<512x24xf32>
    %add3A_4555 = arith.addf %add3A_4539, %dot_general3A_4554 : vector<512x24xf32>
    %slice3A_4556 = vector.extract_strided_slice %convert_element_type3A_4506 {offsets = [1, 128], sizes = [1, 128], strides = [1, 1]} : vector<8x256xi32> to vector<1x128xi32>
    %slice3A_4557 = vector.extract_strided_slice %get3A_4485 {offsets = [1, 128], sizes = [1, 128], strides = [1, 1]} : vector<8x256xf32> to vector<1x128xf32>
    %eq3A_4558 = vector.broadcast %slice3A_4556 : vector<1x128xi32> to vector<512x128xi32>
    %eq3A_4559 = arith.cmpi eq, %iota3A_4505, %eq3A_4558 : vector<512x128xi32>
    %convert_element_type3A_4560 = arith.extui %eq3A_4559 : vector<512x128xi1> to vector<512x128xi32>
    %convert_element_type3A_4561 = arith.sitofp %convert_element_type3A_4560 : vector<512x128xi32> to vector<512x128xf32>
    %mul3A_4562 = vector.broadcast %slice3A_4557 : vector<1x128xf32> to vector<512x128xf32>
    %mul3A_4563 = arith.mulf %convert_element_type3A_4561, %mul3A_4562 : vector<512x128xf32>
    %get3A_4564 = arith.constant 0 : index
    %get3A_4565 = arith.constant 384 : index
    %get3A_4566 = arith.constant 0 : index
    %get3A_4567 = vector.load %arg1[%get3A_4564, %get3A_4565, %get3A_4566] : memref<1x2048x24xf32, #tpu.memory_space<vmem>>, vector<1x128x24xf32>
    %get3A_4568 = vector.shape_cast %get3A_4567 : vector<1x128x24xf32> to vector<128x24xf32>
    %dot_general3A_4569 = arith.constant dense<0.000000e+00> : vector<512x24xf32>
    %dot_general3A_4570 = tpu.matmul %mul3A_4563, %get3A_4568, %dot_general3A_4569 {dimension_numbers = #tpu.dot_dimension_numbers<[1], [0], [0], [1], [0, 0, 1, 1], [], []>, precision = #tpu.contract_precision<fp32>, transpose_lhs_hint = false} : vector<512x128xf32>, vector<128x24xf32>, vector<512x24xf32> -> vector<512x24xf32>
    %add3A_4571 = arith.addf %add3A_4555, %dot_general3A_4570 : vector<512x24xf32>
    %slice3A_4572 = vector.extract_strided_slice %convert_element_type3A_4506 {offsets = [2, 0], sizes = [1, 128], strides = [1, 1]} : vector<8x256xi32> to vector<1x128xi32>
    %slice3A_4573 = vector.extract_strided_slice %get3A_4485 {offsets = [2, 0], sizes = [1, 128], strides = [1, 1]} : vector<8x256xf32> to vector<1x128xf32>
    %eq3A_4574 = vector.broadcast %slice3A_4572 : vector<1x128xi32> to vector<512x128xi32>
    %eq3A_4575 = arith.cmpi eq, %iota3A_4505, %eq3A_4574 : vector<512x128xi32>
    %convert_element_type3A_4576 = arith.extui %eq3A_4575 : vector<512x128xi1> to vector<512x128xi32>
    %convert_element_type3A_4577 = arith.sitofp %convert_element_type3A_4576 : vector<512x128xi32> to vector<512x128xf32>
    %mul3A_4578 = vector.broadcast %slice3A_4573 : vector<1x128xf32> to vector<512x128xf32>
    %mul3A_4579 = arith.mulf %convert_element_type3A_4577, %mul3A_4578 : vector<512x128xf32>
    %get3A_4580 = arith.constant 0 : index
    %get3A_4581 = arith.constant 512 : index
    %get3A_4582 = arith.constant 0 : index
    %get3A_4583 = vector.load %arg1[%get3A_4580, %get3A_4581, %get3A_4582] : memref<1x2048x24xf32, #tpu.memory_space<vmem>>, vector<1x128x24xf32>
    %get3A_4584 = vector.shape_cast %get3A_4583 : vector<1x128x24xf32> to vector<128x24xf32>
    %dot_general3A_4585 = arith.constant dense<0.000000e+00> : vector<512x24xf32>
    %dot_general3A_4586 = tpu.matmul %mul3A_4579, %get3A_4584, %dot_general3A_4585 {dimension_numbers = #tpu.dot_dimension_numbers<[1], [0], [0], [1], [0, 0, 1, 1], [], []>, precision = #tpu.contract_precision<fp32>, transpose_lhs_hint = false} : vector<512x128xf32>, vector<128x24xf32>, vector<512x24xf32> -> vector<512x24xf32>
    %add3A_4587 = arith.addf %add3A_4571, %dot_general3A_4586 : vector<512x24xf32>
    %slice3A_4588 = vector.extract_strided_slice %convert_element_type3A_4506 {offsets = [2, 128], sizes = [1, 128], strides = [1, 1]} : vector<8x256xi32> to vector<1x128xi32>
    %slice3A_4589 = vector.extract_strided_slice %get3A_4485 {offsets = [2, 128], sizes = [1, 128], strides = [1, 1]} : vector<8x256xf32> to vector<1x128xf32>
    %eq3A_4590 = vector.broadcast %slice3A_4588 : vector<1x128xi32> to vector<512x128xi32>
    %eq3A_4591 = arith.cmpi eq, %iota3A_4505, %eq3A_4590 : vector<512x128xi32>
    %convert_element_type3A_4592 = arith.extui %eq3A_4591 : vector<512x128xi1> to vector<512x128xi32>
    %convert_element_type3A_4593 = arith.sitofp %convert_element_type3A_4592 : vector<512x128xi32> to vector<512x128xf32>
    %mul3A_4594 = vector.broadcast %slice3A_4589 : vector<1x128xf32> to vector<512x128xf32>
    %mul3A_4595 = arith.mulf %convert_element_type3A_4593, %mul3A_4594 : vector<512x128xf32>
    %get3A_4596 = arith.constant 0 : index
    %get3A_4597 = arith.constant 640 : index
    %get3A_4598 = arith.constant 0 : index
    %get3A_4599 = vector.load %arg1[%get3A_4596, %get3A_4597, %get3A_4598] : memref<1x2048x24xf32, #tpu.memory_space<vmem>>, vector<1x128x24xf32>
    %get3A_4600 = vector.shape_cast %get3A_4599 : vector<1x128x24xf32> to vector<128x24xf32>
    %dot_general3A_4601 = arith.constant dense<0.000000e+00> : vector<512x24xf32>
    %dot_general3A_4602 = tpu.matmul %mul3A_4595, %get3A_4600, %dot_general3A_4601 {dimension_numbers = #tpu.dot_dimension_numbers<[1], [0], [0], [1], [0, 0, 1, 1], [], []>, precision = #tpu.contract_precision<fp32>, transpose_lhs_hint = false} : vector<512x128xf32>, vector<128x24xf32>, vector<512x24xf32> -> vector<512x24xf32>
    %add3A_4603 = arith.addf %add3A_4587, %dot_general3A_4602 : vector<512x24xf32>
    %slice3A_4604 = vector.extract_strided_slice %convert_element_type3A_4506 {offsets = [3, 0], sizes = [1, 128], strides = [1, 1]} : vector<8x256xi32> to vector<1x128xi32>
    %slice3A_4605 = vector.extract_strided_slice %get3A_4485 {offsets = [3, 0], sizes = [1, 128], strides = [1, 1]} : vector<8x256xf32> to vector<1x128xf32>
    %eq3A_4606 = vector.broadcast %slice3A_4604 : vector<1x128xi32> to vector<512x128xi32>
    %eq3A_4607 = arith.cmpi eq, %iota3A_4505, %eq3A_4606 : vector<512x128xi32>
    %convert_element_type3A_4608 = arith.extui %eq3A_4607 : vector<512x128xi1> to vector<512x128xi32>
    %convert_element_type3A_4609 = arith.sitofp %convert_element_type3A_4608 : vector<512x128xi32> to vector<512x128xf32>
    %mul3A_4610 = vector.broadcast %slice3A_4605 : vector<1x128xf32> to vector<512x128xf32>
    %mul3A_4611 = arith.mulf %convert_element_type3A_4609, %mul3A_4610 : vector<512x128xf32>
    %get3A_4612 = arith.constant 0 : index
    %get3A_4613 = arith.constant 768 : index
    %get3A_4614 = arith.constant 0 : index
    %get3A_4615 = vector.load %arg1[%get3A_4612, %get3A_4613, %get3A_4614] : memref<1x2048x24xf32, #tpu.memory_space<vmem>>, vector<1x128x24xf32>
    %get3A_4616 = vector.shape_cast %get3A_4615 : vector<1x128x24xf32> to vector<128x24xf32>
    %dot_general3A_4617 = arith.constant dense<0.000000e+00> : vector<512x24xf32>
    %dot_general3A_4618 = tpu.matmul %mul3A_4611, %get3A_4616, %dot_general3A_4617 {dimension_numbers = #tpu.dot_dimension_numbers<[1], [0], [0], [1], [0, 0, 1, 1], [], []>, precision = #tpu.contract_precision<fp32>, transpose_lhs_hint = false} : vector<512x128xf32>, vector<128x24xf32>, vector<512x24xf32> -> vector<512x24xf32>
    %add3A_4619 = arith.addf %add3A_4603, %dot_general3A_4618 : vector<512x24xf32>
    %slice3A_4620 = vector.extract_strided_slice %convert_element_type3A_4506 {offsets = [3, 128], sizes = [1, 128], strides = [1, 1]} : vector<8x256xi32> to vector<1x128xi32>
    %slice3A_4621 = vector.extract_strided_slice %get3A_4485 {offsets = [3, 128], sizes = [1, 128], strides = [1, 1]} : vector<8x256xf32> to vector<1x128xf32>
    %eq3A_4622 = vector.broadcast %slice3A_4620 : vector<1x128xi32> to vector<512x128xi32>
    %eq3A_4623 = arith.cmpi eq, %iota3A_4505, %eq3A_4622 : vector<512x128xi32>
    %convert_element_type3A_4624 = arith.extui %eq3A_4623 : vector<512x128xi1> to vector<512x128xi32>
    %convert_element_type3A_4625 = arith.sitofp %convert_element_type3A_4624 : vector<512x128xi32> to vector<512x128xf32>
    %mul3A_4626 = vector.broadcast %slice3A_4621 : vector<1x128xf32> to vector<512x128xf32>
    %mul3A_4627 = arith.mulf %convert_element_type3A_4625, %mul3A_4626 : vector<512x128xf32>
    %get3A_4628 = arith.constant 0 : index
    %get3A_4629 = arith.constant 896 : index
    %get3A_4630 = arith.constant 0 : index
    %get3A_4631 = vector.load %arg1[%get3A_4628, %get3A_4629, %get3A_4630] : memref<1x2048x24xf32, #tpu.memory_space<vmem>>, vector<1x128x24xf32>
    %get3A_4632 = vector.shape_cast %get3A_4631 : vector<1x128x24xf32> to vector<128x24xf32>
    %dot_general3A_4633 = arith.constant dense<0.000000e+00> : vector<512x24xf32>
    %dot_general3A_4634 = tpu.matmul %mul3A_4627, %get3A_4632, %dot_general3A_4633 {dimension_numbers = #tpu.dot_dimension_numbers<[1], [0], [0], [1], [0, 0, 1, 1], [], []>, precision = #tpu.contract_precision<fp32>, transpose_lhs_hint = false} : vector<512x128xf32>, vector<128x24xf32>, vector<512x24xf32> -> vector<512x24xf32>
    %add3A_4635 = arith.addf %add3A_4619, %dot_general3A_4634 : vector<512x24xf32>
    %slice3A_4636 = vector.extract_strided_slice %convert_element_type3A_4506 {offsets = [4, 0], sizes = [1, 128], strides = [1, 1]} : vector<8x256xi32> to vector<1x128xi32>
    %slice3A_4637 = vector.extract_strided_slice %get3A_4485 {offsets = [4, 0], sizes = [1, 128], strides = [1, 1]} : vector<8x256xf32> to vector<1x128xf32>
    %eq3A_4638 = vector.broadcast %slice3A_4636 : vector<1x128xi32> to vector<512x128xi32>
    %eq3A_4639 = arith.cmpi eq, %iota3A_4505, %eq3A_4638 : vector<512x128xi32>
    %convert_element_type3A_4640 = arith.extui %eq3A_4639 : vector<512x128xi1> to vector<512x128xi32>
    %convert_element_type3A_4641 = arith.sitofp %convert_element_type3A_4640 : vector<512x128xi32> to vector<512x128xf32>
    %mul3A_4642 = vector.broadcast %slice3A_4637 : vector<1x128xf32> to vector<512x128xf32>
    %mul3A_4643 = arith.mulf %convert_element_type3A_4641, %mul3A_4642 : vector<512x128xf32>
    %get3A_4644 = arith.constant 0 : index
    %get3A_4645 = arith.constant 1024 : index
    %get3A_4646 = arith.constant 0 : index
    %get3A_4647 = vector.load %arg1[%get3A_4644, %get3A_4645, %get3A_4646] : memref<1x2048x24xf32, #tpu.memory_space<vmem>>, vector<1x128x24xf32>
    %get3A_4648 = vector.shape_cast %get3A_4647 : vector<1x128x24xf32> to vector<128x24xf32>
    %dot_general3A_4649 = arith.constant dense<0.000000e+00> : vector<512x24xf32>
    %dot_general3A_4650 = tpu.matmul %mul3A_4643, %get3A_4648, %dot_general3A_4649 {dimension_numbers = #tpu.dot_dimension_numbers<[1], [0], [0], [1], [0, 0, 1, 1], [], []>, precision = #tpu.contract_precision<fp32>, transpose_lhs_hint = false} : vector<512x128xf32>, vector<128x24xf32>, vector<512x24xf32> -> vector<512x24xf32>
    %add3A_4651 = arith.addf %add3A_4635, %dot_general3A_4650 : vector<512x24xf32>
    %slice3A_4652 = vector.extract_strided_slice %convert_element_type3A_4506 {offsets = [4, 128], sizes = [1, 128], strides = [1, 1]} : vector<8x256xi32> to vector<1x128xi32>
    %slice3A_4653 = vector.extract_strided_slice %get3A_4485 {offsets = [4, 128], sizes = [1, 128], strides = [1, 1]} : vector<8x256xf32> to vector<1x128xf32>
    %eq3A_4654 = vector.broadcast %slice3A_4652 : vector<1x128xi32> to vector<512x128xi32>
    %eq3A_4655 = arith.cmpi eq, %iota3A_4505, %eq3A_4654 : vector<512x128xi32>
    %convert_element_type3A_4656 = arith.extui %eq3A_4655 : vector<512x128xi1> to vector<512x128xi32>
    %convert_element_type3A_4657 = arith.sitofp %convert_element_type3A_4656 : vector<512x128xi32> to vector<512x128xf32>
    %mul3A_4658 = vector.broadcast %slice3A_4653 : vector<1x128xf32> to vector<512x128xf32>
    %mul3A_4659 = arith.mulf %convert_element_type3A_4657, %mul3A_4658 : vector<512x128xf32>
    %get3A_4660 = arith.constant 0 : index
    %get3A_4661 = arith.constant 1152 : index
    %get3A_4662 = arith.constant 0 : index
    %get3A_4663 = vector.load %arg1[%get3A_4660, %get3A_4661, %get3A_4662] : memref<1x2048x24xf32, #tpu.memory_space<vmem>>, vector<1x128x24xf32>
    %get3A_4664 = vector.shape_cast %get3A_4663 : vector<1x128x24xf32> to vector<128x24xf32>
    %dot_general3A_4665 = arith.constant dense<0.000000e+00> : vector<512x24xf32>
    %dot_general3A_4666 = tpu.matmul %mul3A_4659, %get3A_4664, %dot_general3A_4665 {dimension_numbers = #tpu.dot_dimension_numbers<[1], [0], [0], [1], [0, 0, 1, 1], [], []>, precision = #tpu.contract_precision<fp32>, transpose_lhs_hint = false} : vector<512x128xf32>, vector<128x24xf32>, vector<512x24xf32> -> vector<512x24xf32>
    %add3A_4667 = arith.addf %add3A_4651, %dot_general3A_4666 : vector<512x24xf32>
    %slice3A_4668 = vector.extract_strided_slice %convert_element_type3A_4506 {offsets = [5, 0], sizes = [1, 128], strides = [1, 1]} : vector<8x256xi32> to vector<1x128xi32>
    %slice3A_4669 = vector.extract_strided_slice %get3A_4485 {offsets = [5, 0], sizes = [1, 128], strides = [1, 1]} : vector<8x256xf32> to vector<1x128xf32>
    %eq3A_4670 = vector.broadcast %slice3A_4668 : vector<1x128xi32> to vector<512x128xi32>
    %eq3A_4671 = arith.cmpi eq, %iota3A_4505, %eq3A_4670 : vector<512x128xi32>
    %convert_element_type3A_4672 = arith.extui %eq3A_4671 : vector<512x128xi1> to vector<512x128xi32>
    %convert_element_type3A_4673 = arith.sitofp %convert_element_type3A_4672 : vector<512x128xi32> to vector<512x128xf32>
    %mul3A_4674 = vector.broadcast %slice3A_4669 : vector<1x128xf32> to vector<512x128xf32>
    %mul3A_4675 = arith.mulf %convert_element_type3A_4673, %mul3A_4674 : vector<512x128xf32>
    %get3A_4676 = arith.constant 0 : index
    %get3A_4677 = arith.constant 1280 : index
    %get3A_4678 = arith.constant 0 : index
    %get3A_4679 = vector.load %arg1[%get3A_4676, %get3A_4677, %get3A_4678] : memref<1x2048x24xf32, #tpu.memory_space<vmem>>, vector<1x128x24xf32>
    %get3A_4680 = vector.shape_cast %get3A_4679 : vector<1x128x24xf32> to vector<128x24xf32>
    %dot_general3A_4681 = arith.constant dense<0.000000e+00> : vector<512x24xf32>
    %dot_general3A_4682 = tpu.matmul %mul3A_4675, %get3A_4680, %dot_general3A_4681 {dimension_numbers = #tpu.dot_dimension_numbers<[1], [0], [0], [1], [0, 0, 1, 1], [], []>, precision = #tpu.contract_precision<fp32>, transpose_lhs_hint = false} : vector<512x128xf32>, vector<128x24xf32>, vector<512x24xf32> -> vector<512x24xf32>
    %add3A_4683 = arith.addf %add3A_4667, %dot_general3A_4682 : vector<512x24xf32>
    %slice3A_4684 = vector.extract_strided_slice %convert_element_type3A_4506 {offsets = [5, 128], sizes = [1, 128], strides = [1, 1]} : vector<8x256xi32> to vector<1x128xi32>
    %slice3A_4685 = vector.extract_strided_slice %get3A_4485 {offsets = [5, 128], sizes = [1, 128], strides = [1, 1]} : vector<8x256xf32> to vector<1x128xf32>
    %eq3A_4686 = vector.broadcast %slice3A_4684 : vector<1x128xi32> to vector<512x128xi32>
    %eq3A_4687 = arith.cmpi eq, %iota3A_4505, %eq3A_4686 : vector<512x128xi32>
    %convert_element_type3A_4688 = arith.extui %eq3A_4687 : vector<512x128xi1> to vector<512x128xi32>
    %convert_element_type3A_4689 = arith.sitofp %convert_element_type3A_4688 : vector<512x128xi32> to vector<512x128xf32>
    %mul3A_4690 = vector.broadcast %slice3A_4685 : vector<1x128xf32> to vector<512x128xf32>
    %mul3A_4691 = arith.mulf %convert_element_type3A_4689, %mul3A_4690 : vector<512x128xf32>
    %get3A_4692 = arith.constant 0 : index
    %get3A_4693 = arith.constant 1408 : index
    %get3A_4694 = arith.constant 0 : index
    %get3A_4695 = vector.load %arg1[%get3A_4692, %get3A_4693, %get3A_4694] : memref<1x2048x24xf32, #tpu.memory_space<vmem>>, vector<1x128x24xf32>
    %get3A_4696 = vector.shape_cast %get3A_4695 : vector<1x128x24xf32> to vector<128x24xf32>
    %dot_general3A_4697 = arith.constant dense<0.000000e+00> : vector<512x24xf32>
    %dot_general3A_4698 = tpu.matmul %mul3A_4691, %get3A_4696, %dot_general3A_4697 {dimension_numbers = #tpu.dot_dimension_numbers<[1], [0], [0], [1], [0, 0, 1, 1], [], []>, precision = #tpu.contract_precision<fp32>, transpose_lhs_hint = false} : vector<512x128xf32>, vector<128x24xf32>, vector<512x24xf32> -> vector<512x24xf32>
    %add3A_4699 = arith.addf %add3A_4683, %dot_general3A_4698 : vector<512x24xf32>
    %slice3A_4700 = vector.extract_strided_slice %convert_element_type3A_4506 {offsets = [6, 0], sizes = [1, 128], strides = [1, 1]} : vector<8x256xi32> to vector<1x128xi32>
    %slice3A_4701 = vector.extract_strided_slice %get3A_4485 {offsets = [6, 0], sizes = [1, 128], strides = [1, 1]} : vector<8x256xf32> to vector<1x128xf32>
    %eq3A_4702 = vector.broadcast %slice3A_4700 : vector<1x128xi32> to vector<512x128xi32>
    %eq3A_4703 = arith.cmpi eq, %iota3A_4505, %eq3A_4702 : vector<512x128xi32>
    %convert_element_type3A_4704 = arith.extui %eq3A_4703 : vector<512x128xi1> to vector<512x128xi32>
    %convert_element_type3A_4705 = arith.sitofp %convert_element_type3A_4704 : vector<512x128xi32> to vector<512x128xf32>
    %mul3A_4706 = vector.broadcast %slice3A_4701 : vector<1x128xf32> to vector<512x128xf32>
    %mul3A_4707 = arith.mulf %convert_element_type3A_4705, %mul3A_4706 : vector<512x128xf32>
    %get3A_4708 = arith.constant 0 : index
    %get3A_4709 = arith.constant 1536 : index
    %get3A_4710 = arith.constant 0 : index
    %get3A_4711 = vector.load %arg1[%get3A_4708, %get3A_4709, %get3A_4710] : memref<1x2048x24xf32, #tpu.memory_space<vmem>>, vector<1x128x24xf32>
    %get3A_4712 = vector.shape_cast %get3A_4711 : vector<1x128x24xf32> to vector<128x24xf32>
    %dot_general3A_4713 = arith.constant dense<0.000000e+00> : vector<512x24xf32>
    %dot_general3A_4714 = tpu.matmul %mul3A_4707, %get3A_4712, %dot_general3A_4713 {dimension_numbers = #tpu.dot_dimension_numbers<[1], [0], [0], [1], [0, 0, 1, 1], [], []>, precision = #tpu.contract_precision<fp32>, transpose_lhs_hint = false} : vector<512x128xf32>, vector<128x24xf32>, vector<512x24xf32> -> vector<512x24xf32>
    %add3A_4715 = arith.addf %add3A_4699, %dot_general3A_4714 : vector<512x24xf32>
    %slice3A_4716 = vector.extract_strided_slice %convert_element_type3A_4506 {offsets = [6, 128], sizes = [1, 128], strides = [1, 1]} : vector<8x256xi32> to vector<1x128xi32>
    %slice3A_4717 = vector.extract_strided_slice %get3A_4485 {offsets = [6, 128], sizes = [1, 128], strides = [1, 1]} : vector<8x256xf32> to vector<1x128xf32>
    %eq3A_4718 = vector.broadcast %slice3A_4716 : vector<1x128xi32> to vector<512x128xi32>
    %eq3A_4719 = arith.cmpi eq, %iota3A_4505, %eq3A_4718 : vector<512x128xi32>
    %convert_element_type3A_4720 = arith.extui %eq3A_4719 : vector<512x128xi1> to vector<512x128xi32>
    %convert_element_type3A_4721 = arith.sitofp %convert_element_type3A_4720 : vector<512x128xi32> to vector<512x128xf32>
    %mul3A_4722 = vector.broadcast %slice3A_4717 : vector<1x128xf32> to vector<512x128xf32>
    %mul3A_4723 = arith.mulf %convert_element_type3A_4721, %mul3A_4722 : vector<512x128xf32>
    %get3A_4724 = arith.constant 0 : index
    %get3A_4725 = arith.constant 1664 : index
    %get3A_4726 = arith.constant 0 : index
    %get3A_4727 = vector.load %arg1[%get3A_4724, %get3A_4725, %get3A_4726] : memref<1x2048x24xf32, #tpu.memory_space<vmem>>, vector<1x128x24xf32>
    %get3A_4728 = vector.shape_cast %get3A_4727 : vector<1x128x24xf32> to vector<128x24xf32>
    %dot_general3A_4729 = arith.constant dense<0.000000e+00> : vector<512x24xf32>
    %dot_general3A_4730 = tpu.matmul %mul3A_4723, %get3A_4728, %dot_general3A_4729 {dimension_numbers = #tpu.dot_dimension_numbers<[1], [0], [0], [1], [0, 0, 1, 1], [], []>, precision = #tpu.contract_precision<fp32>, transpose_lhs_hint = false} : vector<512x128xf32>, vector<128x24xf32>, vector<512x24xf32> -> vector<512x24xf32>
    %add3A_4731 = arith.addf %add3A_4715, %dot_general3A_4730 : vector<512x24xf32>
    %slice3A_4732 = vector.extract_strided_slice %convert_element_type3A_4506 {offsets = [7, 0], sizes = [1, 128], strides = [1, 1]} : vector<8x256xi32> to vector<1x128xi32>
    %slice3A_4733 = vector.extract_strided_slice %get3A_4485 {offsets = [7, 0], sizes = [1, 128], strides = [1, 1]} : vector<8x256xf32> to vector<1x128xf32>
    %eq3A_4734 = vector.broadcast %slice3A_4732 : vector<1x128xi32> to vector<512x128xi32>
    %eq3A_4735 = arith.cmpi eq, %iota3A_4505, %eq3A_4734 : vector<512x128xi32>
    %convert_element_type3A_4736 = arith.extui %eq3A_4735 : vector<512x128xi1> to vector<512x128xi32>
    %convert_element_type3A_4737 = arith.sitofp %convert_element_type3A_4736 : vector<512x128xi32> to vector<512x128xf32>
    %mul3A_4738 = vector.broadcast %slice3A_4733 : vector<1x128xf32> to vector<512x128xf32>
    %mul3A_4739 = arith.mulf %convert_element_type3A_4737, %mul3A_4738 : vector<512x128xf32>
    %get3A_4740 = arith.constant 0 : index
    %get3A_4741 = arith.constant 1792 : index
    %get3A_4742 = arith.constant 0 : index
    %get3A_4743 = vector.load %arg1[%get3A_4740, %get3A_4741, %get3A_4742] : memref<1x2048x24xf32, #tpu.memory_space<vmem>>, vector<1x128x24xf32>
    %get3A_4744 = vector.shape_cast %get3A_4743 : vector<1x128x24xf32> to vector<128x24xf32>
    %dot_general3A_4745 = arith.constant dense<0.000000e+00> : vector<512x24xf32>
    %dot_general3A_4746 = tpu.matmul %mul3A_4739, %get3A_4744, %dot_general3A_4745 {dimension_numbers = #tpu.dot_dimension_numbers<[1], [0], [0], [1], [0, 0, 1, 1], [], []>, precision = #tpu.contract_precision<fp32>, transpose_lhs_hint = false} : vector<512x128xf32>, vector<128x24xf32>, vector<512x24xf32> -> vector<512x24xf32>
    %add3A_4747 = arith.addf %add3A_4731, %dot_general3A_4746 : vector<512x24xf32>
    %slice3A_4748 = vector.extract_strided_slice %convert_element_type3A_4506 {offsets = [7, 128], sizes = [1, 128], strides = [1, 1]} : vector<8x256xi32> to vector<1x128xi32>
    %slice3A_4749 = vector.extract_strided_slice %get3A_4485 {offsets = [7, 128], sizes = [1, 128], strides = [1, 1]} : vector<8x256xf32> to vector<1x128xf32>
    %eq3A_4750 = vector.broadcast %slice3A_4748 : vector<1x128xi32> to vector<512x128xi32>
    %eq3A_4751 = arith.cmpi eq, %iota3A_4505, %eq3A_4750 : vector<512x128xi32>
    %convert_element_type3A_4752 = arith.extui %eq3A_4751 : vector<512x128xi1> to vector<512x128xi32>
    %convert_element_type3A_4753 = arith.sitofp %convert_element_type3A_4752 : vector<512x128xi32> to vector<512x128xf32>
    %mul3A_4754 = vector.broadcast %slice3A_4749 : vector<1x128xf32> to vector<512x128xf32>
    %mul3A_4755 = arith.mulf %convert_element_type3A_4753, %mul3A_4754 : vector<512x128xf32>
    %get3A_4756 = arith.constant 0 : index
    %get3A_4757 = arith.constant 1920 : index
    %get3A_4758 = arith.constant 0 : index
    %get3A_4759 = vector.load %arg1[%get3A_4756, %get3A_4757, %get3A_4758] : memref<1x2048x24xf32, #tpu.memory_space<vmem>>, vector<1x128x24xf32>
    %get3A_4760 = vector.shape_cast %get3A_4759 : vector<1x128x24xf32> to vector<128x24xf32>
    %dot_general3A_4761 = arith.constant dense<0.000000e+00> : vector<512x24xf32>
    %dot_general3A_4762 = tpu.matmul %mul3A_4755, %get3A_4760, %dot_general3A_4761 {dimension_numbers = #tpu.dot_dimension_numbers<[1], [0], [0], [1], [0, 0, 1, 1], [], []>, precision = #tpu.contract_precision<fp32>, transpose_lhs_hint = false} : vector<512x128xf32>, vector<128x24xf32>, vector<512x24xf32> -> vector<512x24xf32>
    %add3A_4763 = arith.addf %add3A_4747, %dot_general3A_4762 : vector<512x24xf32>
    %swap3A_4764 = arith.constant 0 : index
    %swap3A_4765 = arith.constant 0 : index
    %swap3A_4766 = arith.constant 0 : index
    %swap3A_4767 = vector.load %arg3[%swap3A_4764, %swap3A_4765, %swap3A_4766] : memref<1x512x24xf32, #tpu.memory_space<vmem>>, vector<1x512x24xf32>
    %swap3A_4768 = vector.shape_cast %swap3A_4767 : vector<1x512x24xf32> to vector<512x24xf32>
    %swap3A_4769 = vector.shape_cast %add3A_4763 : vector<512x24xf32> to vector<1x512x24xf32>
    tpu.vector_store %arg3[%swap3A_4764, %swap3A_4765, %swap3A_4766], %swap3A_4769 {strides = array<i32>} : memref<1x512x24xf32, #tpu.memory_space<vmem>>, vector<1x512x24xf32>,
    return
  }
  func.func @transform_0(%arg0: i32) -> (i32, i32, i32) {
    %c0_i32 = arith.constant 0 : i32
    %c0_i32_0 = arith.constant 0 : i32
    %c0_i32_1 = arith.constant 0 : i32
    return %arg0, %c0_i32, %c0_i32_0 : i32, i32, i32
  }
  func.func @transform_1(%arg0: i32) -> (i32, i32, i32, i32) {
    %c0_i32 = arith.constant 0 : i32
    %c0_i32_0 = arith.constant 0 : i32
    %c0_i32_1 = arith.constant 0 : i32
    %c0_i32_2 = arith.constant 0 : i32
    return %arg0, %c0_i32, %c0_i32_0, %c0_i32_1 : i32, i32, i32, i32
  }
  func.func @transform_2(%arg0: i32) -> (i32, i32, i32) {
    %c0_i32 = arith.constant 0 : i32
    %c0_i32_0 = arith.constant 0 : i32
    %c0_i32_1 = arith.constant 0 : i32
    return %arg0, %c0_i32, %c0_i32_0 : i32, i32, i32
  }
}

</mosaic_0001>

<sc_bundles>
// kernel: gather_offload_async_start.1
scs
__scs_entry_jumppad:
0x0: {  	(pc) =	sbr.rel $0x88, $3  }
0x1: {  	(tag) =	ssettag $0x0;
	lr =	simm.s32 $0x1  }
0x2: {  	[smem:$0x3F9F] =	sst lr;
	_ =	strace $0xD0000000  }
0x3: {  	_ = 	snop  }
0x4: {  	_ = 	snop  }
0x5: {  	_ = 	snop  }
0x6: {  	_ = 	snop  }
0x7: {  	_ = 	snop  }
__scs_overlays_trampoline_lowered:
0x8: {  	[smem:$0x3FAE] =	sst s0  }
0x9: {  	[smem:$0x3FAF] =	sst s1  }
0xa: {  	[smem:$0x3FB0] =	sst s2  }
0xb: {  	[smem:$0x3FB1] =	sst s3  }
0xc: {  	[smem:$0x3FB2] =	sst s4  }
0xd: {  	[smem:$0x3FB3] =	sst s5  }
0xe: {  	[smem:$0x3FB4] =	sst s6  }
0xf: {  	[smem:$0x3FB5] =	sst s7  }
0x10: {  	[smem:$0x3FB6] =	sst s8  }
0x11: {  	[smem:$0x3FB7] =	sst s9;
	s0 =	simm.s32 @!p0 $0x0  }
0x12: {  	s1 =	sld [smem:$0x3F9D];
	s0 =	simm.s32 @p0 $0x1  }
0x13: {  	[smem:$0x3FB8] =	sst s0;
	s0 =	simm.s32 @!p1 $0x0  }
0x14: {  	s2 =	sld [smem:$0x3F9C];
	s0 =	simm.s32 @p1 $0x1  }
0x15: {  	[smem:$0x3FB9] =	sst s0;
	s0 =	simm.s32 @!p2 $0x0  }
0x16: {  	s3 =	sld [smem:$0x3FDB];
	s0 =	simm.s32 @p2 $0x1  }
0x17: {  	s4 =	simm.s32 $0x1BF5;
	[smem:$0x3FBB] =	sst s0  }
0x18: {  	s0 =	sld [smem:$0x3F9E];
	_ =	swait.ge [sflag:s4], $0x0  }
0x19: {  	s7 =	sld [smem:$0x3F9F]  }
0x1a: {  	s8 =	sadd.s32 $0xFFFFE003, lr  }
0x1b: {  	s9 =	sadd.s32 $0xFFFFFEF7, lr;
	s5 =	simm.s32 $0xFFFFFFFF;
	p2 =	slt.u32 s8, $0xFFFFF086  }
0x1c: {  	p1 =	slt.u32 s9, $0xF7A;
	s5 =	simm.s32 @!p2 $0x0  }
0x1d: {  	s5 =	simm.s32 @p1 $0x1;
	p0 =	seq.s32 s7, s2  }
0x1e: {  	s7 =	smul.u32 @!p0 $0xF7A, s2;
	p2 =	seq.s32 @!p0 s5, $0x0  }
0x1f: {  	s9 =	smul.u32 $0xF7A, s1;
	s8 =	simm.s32 @!p0 $0x1BF5;
	p2 =	por !p2, p0  }
0x20: {  	[sflag:s8] =	ssyncset.s32 @!p0 $0xFFFFF086;
	s6 =	sadd.s32 @!p0 s3, s7;
	s7 =	simm.s32 @!p0 $0x108  }
0x21: {  	s3 =	sadd.s32 s3, s9;
	s6 =	sadd.s32 @!p0 $0x88, s6;
	s7 =	simm.s32 @p2 $0x1082  }
0x22: {  	[simem:s7], [sflag:s8] =	dma.local @!p0 [hbm:s6], $0xF7A  }
0x23: {  	s9 =	sor.u32 $0xD0000000, s2;
	s6 =	simm.s32 $0x108;
	_ =	swait.ge @!p0 [sflag:s8], $0x0  }
0x24: {  	s3 =	sadd.s32 $0x88, s3;
	s6 =	simm.s32 @!p1 $0x1082;
	[sflag:s4] =	ssyncset.s32 $0xFFFFF086  }
0x25: {  	[simem:s6], [sflag:s4] =	dma.local [hbm:s3], $0xF7A  }
0x26: {  	[smem:$0x3F9F] =	sst s1;
	(tag) =	ssettag s2;
	_ =	strace s9  }
0x27: {  	s1 =	sld [smem:$0x3FAF]  }
0x28: {  	s2 =	sld [smem:$0x3FB0]  }
0x29: {  	s4 =	sld [smem:$0x3FB2]  }
0x2a: {  	p0 =	seq.s32 s5, $0x0;
	s5 =	sld [smem:$0x3FB3]  }
0x2b: {  	s6 =	sld [smem:$0x3FB4]  }
0x2c: {  	s7 =	sld [smem:$0x3FB5]  }
0x2d: {  	s3 =	simm.s32 $0x108;
	s8 =	sld [smem:$0x3FB6]  }
0x2e: {  	s3 =	simm.s32 @!p0 $0x1082;
	s9 =	sld [smem:$0x3FB7]  }
0x2f: {  	lr =	sadd.s32 s0, s3;
	s0 =	sld [smem:$0x3FAE]  }
0x30: {  	s3 =	sld [smem:$0x3FB1]  }
0x31: {  	[smem:$0x3FBA] =	sst s10  }
0x32: {  	s10 =	sld [smem:$0x3FB8];
	_ =	sdelay $0x3  }
0x33: {  	p0 =	seq.s32 s10, $0x1;
	s10 =	sld [smem:$0x3FBA];
	_ =	sdelay $0x3  }
0x34: {  	[smem:$0x3FBA] =	sst s10  }
0x35: {  	s10 =	sld [smem:$0x3FB9];
	_ =	sdelay $0x3  }
0x36: {  	p1 =	seq.s32 s10, $0x1;
	s10 =	sld [smem:$0x3FBA];
	_ =	sdelay $0x3  }
0x37: {  	[smem:$0x3FBA] =	sst s10  }
0x38: {  	s10 =	sld [smem:$0x3FBB]  }
0x39: {  	_ = 	snop;
	(pc) =	sbr.ind lr, $3  }
0x3a: {  	_ = 	snop  }
0x3b: {  	_ = 	snop  }
0x3c: {  	p2 =	seq.s32 s10, $0x1;
	s10 =	sld [smem:$0x3FBA]  }
0x3d: {  	_ =	shalt  }
0x3e: {  	_ =	shalt  }
0x3f: {  	_ =	shalt  }
0x40: {  	_ =	shalt  }
0x41: {  	_ =	shalt  }
0x42: {  	_ =	shalt  }
0x43: {  	_ =	shalt  }
0x44: {  	_ =	shalt  }
0x45: {  	_ =	shalt  }
0x46: {  	_ =	shalt  }
0x47: {  	_ =	shalt  }
0x48: {  	_ =	shalt  }
0x49: {  	_ =	shalt  }
0x4a: {  	_ =	shalt  }
0x4b: {  	_ =	shalt  }
0x4c: {  	_ =	shalt  }
0x4d: {  	_ =	shalt  }
0x4e: {  	_ =	shalt  }
0x4f: {  	_ =	shalt  }
0x50: {  	_ =	shalt  }
0x51: {  	_ =	shalt  }
0x52: {  	_ =	shalt  }
0x53: {  	_ =	shalt  }
0x54: {  	_ =	shalt  }
0x55: {  	_ =	shalt  }
0x56: {  	_ =	shalt  }
0x57: {  	_ =	shalt  }
0x58: {  	_ =	shalt  }
0x59: {  	_ =	shalt  }
0x5a: {  	_ =	shalt  }
0x5b: {  	_ =	shalt  }
0x5c: {  	_ =	shalt  }
0x5d: {  	_ =	shalt  }
0x5e: {  	_ =	shalt  }
0x5f: {  	_ =	shalt  }
0x60: {  	_ =	shalt  }
0x61: {  	_ =	shalt  }
0x62: {  	_ =	shalt  }
0x63: {  	_ =	shalt  }
0x64: {  	_ =	shalt  }
0x65: {  	_ =	shalt  }
0x66: {  	_ =	shalt  }
0x67: {  	_ =	shalt  }
0x68: {  	_ =	shalt  }
0x69: {  	_ =	shalt  }
0x6a: {  	_ =	shalt  }
0x6b: {  	_ =	shalt  }
0x6c: {  	_ =	shalt  }
0x6d: {  	_ =	shalt  }
0x6e: {  	_ =	shalt  }
0x6f: {  	_ =	shalt  }
0x70: {  	_ =	shalt  }
0x71: {  	_ =	shalt  }
0x72: {  	_ =	shalt  }
0x73: {  	_ =	shalt  }
0x74: {  	_ =	shalt  }
0x75: {  	_ =	shalt  }
0x76: {  	_ =	shalt  }
0x77: {  	_ =	shalt  }
0x78: {  	_ =	shalt  }
0x79: {  	_ =	shalt  }
0x7a: {  	_ =	shalt  }
0x7b: {  	_ =	shalt  }
0x7c: {  	_ =	shalt  }
0x7d: {  	_ =	shalt  }
0x7e: {  	_ =	shalt  }
0x7f: {  	_ =	shalt  }
0x80: {  	_ =	shalt  }
0x81: {  	_ =	shalt  }
0x82: {  	_ =	shalt  }
0x83: {  	_ =	shalt  }
0x84: {  	_ =	shalt  }
0x85: {  	_ =	shalt  }
0x86: {  	_ =	shalt  }
0x87: {  	_ =	shalt  }
.Lfunc_end0:
.L_simem_size_0:
called_computation.1_lowered:
.L_overlay_start_0:
0x88: {  	s2 =	sld [smem:$0x3FD9]  }
0x89: {  	s3 =	sld [smem:$0x3FFE];
	_ =	sdelay $0x1  }
0x8a: {  	s1 =	srdreg.scid  }
0x8b: {  	s0 =	sand.u32 $0x1, s1  }
0x8c: {  	s14 =	sshll.u32 s0, $0xA;
	s2 =	sadd.s32 s3, s2  }
0x8d: {  	s2 =	sadd.s32 s2, s14  }
0x8e: {  	[smem:$0x3FC6] =	sst s2  }
0x8f: {  	_ = 	snop  }
0x90: {  	s2 =	sld [smem:$0x3FD0];
	_ =	sdelay $0x2  }
0x91: {  	s15 =	simm.s32 $0xA;
	s4 =	simm.s32 $0x10  }
0x92: {  	[smem:s4], [sflag:s15] =	dma.local [hbm:s2], $0x1  }
0x93: {  	_ =	swait.eq [sflag:s15], $0x1  }
0x94: {  	[sflag:s15] =	ssyncset.done $0x0  }
0x95: {  	[sflag:s15] =	ssyncadd.s32 $0xFFFFFFFF  }
0x96: {  	s16 =	sld [smem:$0x10];
	(tm) =	ssettm $0x1  }
0x97: {  	s17 =	sld [smem:$0x3FFB];
	_ =	sdelay $0x3  }
0x98: {  	_ =	strace s17  }
0x99: {  	s3 =	sld [smem:$0x3FFC];
	_ =	sdelay $0x3  }
0x9a: {  	_ =	strace s3  }
0x9b: {  	s3 =	sld [smem:$0x3FFD];
	_ =	sdelay $0x3  }
0x9c: {  	_ =	strace s3  }
0x9d: {  	_ =	strace $0x8FFFFFFF  }
0x9e: {  	s18 =	sld [smem:$0x3FDB];
	_ =	sdelay $0x1  }
0x9f: {  	s19 =	simm.s32 $_scs_section_size  }
0xa0: {  	s5 =	simm.s32 $_size__tile_overlayer_lowered;
	s6 =	simm.s32 $_tile_overlayer_lowered  }
0xa1: {  	s22 =	simm.s32 $0x1BFF;
	s21 =	sshll.u32 s6, $0x1;
	s3 =	sadd.s32 s19, s18  }
0xa2: {  	s7 =	simm.s32 $0x0;
	s20 =	sshll.u32 s5, $0x1;
	s5 =	sadd.s32 s21, s3  }
0xa3: {  	[timem:s7], [sflag:s22] =	dma.local [hbm:s5], s20  }
0xa4: {  	_ =	swait.ge [sflag:s22], s20  }
0xa5: {  	s4 =	ssub.s32 $0x0, s20;
	[sflag:s22] =	ssyncset.done $0x0  }
0xa6: {  	[sflag:s22] =	ssyncadd.s32 s4;
	_ =	sdelay $0x1  }
0xa7: {  	s23 =	simm.s32 $0x1B8B  }
0xa8: {  	_ =	swait.ge [sflag:s23], $0x1  }
0xa9: {  	[sflag:s23] =	ssyncset.done $0x0  }
0xaa: {  	s25 =	simm.s32 $0x1B8E;
	s24 =	sld [smem:$0x3FFE];
	[sflag:s23] =	ssyncadd.s32 $0xFFFFFFFF  }
0xab: {  	s26 =	simm.s32 $execute0_lowered;
	[smem:$0x3FD2] =	sst s25  }
0xac: {  	s5 =	sshll.u32 s26, $0x1;
	_ =	strace $0x80000046;
	[dreg:$0x1] =	wrdreg $0xFFFFFFFF  }
0xad: {  	s28 =	simm.s32 $_size_execute0_lowered;
	s3 =	sadd.s32 s3, s5;
	[dreg:$0x0] =	wrdreg $0x0  }
0xae: {  	s5 =	sshll.u32 s28, $0x1;
	[dreg:$0x2] =	wrdreg s3  }
0xaf: {  	[dreg:$0x3] =	wrdreg s5  }
0xb0: {  	[dreg:$0x4] =	wrdreg $0xC0  }
0xb1: {  	_ =	task [dreg:s7], $0x5FFFF  }
0xb2: {  	[dreg:$0x1] =	wrdreg $0xFFFFFFFF  }
0xb3: {  	[dreg:$0x0] =	wrdreg $0x60  }
0xb4: {  	[dreg:$0x2] =	wrdreg s24  }
0xb5: {  	[dreg:$0x3] =	wrdreg s16  }
0xb6: {  	[dreg:$0x4] =	wrdreg $0x9  }
0xb7: {  	_ =	task.clear_ibuf [dreg:s7], $0x5FFFF;
	_ =	strace $0x90000046  }
0xb8: {  	s29 =	simm.s32 $0x9;
	_ =	strace $0x80000048  }
0xb9: {  	_ =	swait.ge [sflag:s29], $0x1  }
0xba: {  	[sflag:s29] =	ssyncadd.s32 $0xFFFFFFFF  }
0xbb: {  	_ =	strace $0x90000048  }
0xbc: {  	_ =	sfence  }
0xbd: {  	s30 =	sld [smem:$0x0];
	_ =	sdelay $0x2  }
0xbe: {  	s31 =	sshll.u32 s1, $0xD;
	s1 =	sshrl.u32 s1, $0x2  }
0xbf: {  	s3 =	sand.u32 $0x4000, s31;
	s1 =	sadd.s32 s1, s30  }
0xc0: {  	s0 =	sor.u32 s3, s0;
	s1 =	sshll.u32 s1, $0x11  }
0xc1: {  	s0 =	sor.u32 s1, s0  }
0xc2: {  	s0 =	sadd.s32 $0x8F2B, s0  }
0xc3: {  	[sflag:s0] =	ssyncadd.remote.s32 $0x1  }
0xc4: {  	_ =	sfence.sel $0xFFFF  }
0xc5: {  	[dreg:$0x0] =	wrdreg $0xFFFFFFFF;
	(pc) =	sbr.abs _section_cstart, $3  }
0xc6: {  	[dreg:$0x1] =	wrdreg $0xFFFFFFFF  }
0xc7: {  	_ =	task.clear_ibuf [dreg:s7], $0x2FFFF;
	_ =	strace $0x9FFFFFFF  }
0xc8: {  	(tm) =	ssettm $0x7FFFFFFF  }
0xc9: {  	_ =	shalt  }
tec
execute0_lowered:
.L_overlay_start_1:
0x0: {  	(tag) =	ssettag $0x1  }
0x1: {  	s1 =	srdreg.scid;
	s2 =	rddreg [dreg:$0x0]  }
0x2: {  	s0 =	stileid.u32;
	s3 =	rddreg [dreg:$0x1]  }
0x3: {  	s6 =	simm.s32 $0x1;
	s9 =	simm.s32 $0x1;
	s1 =	sshll.u32 s1, $0x7  }
0x4: {  	s10 =	simm.s32 $0x3;
	s4 =	sshll.u32 s0, $0x8;
	s5 =	sand.u32 $0x80, s1  }
0x5: {  	s13 =	simm.s32 $0x0;
	s12 =	simm.s32 $0x0;
	s4 =	sor.u32 s4, s5  }
0x6: {  	s1 =	rddreg [dreg:$0x2];
	_ =	strace $0x80000047;
	s8 =	ssub.s32 $0x2000, s4  }
.Ltmp0:
0x7: {  	s5 =	sadd.s32 $0x13B000, s2;
	s7 =	sand.u32 $0xF80, s8;
	(pc) =	sbr.rel .LBB2_1-.Ltmp0, $4  }
0x8: {  	[sflag:s6] =	ssyncpa.u1 $0x0;
	s11 =	smov.u32 s4;
	p0 =	sne.s32 s7, $0x0  }
0x9: {  	s8 =	sshrl.u32 s8, $0xC;
	s7 =	simm.s32 $0x2;
	s9 =	simm.s32 @!p0 $0x0  }
0xa: {  	[sflag:s7] =	ssyncpa.u1 $0x0;
	p0 =	por $0x0, $0x0;
	s8 =	sadd.s32 s9, s8  }
0xb: {  	vm0 =	vmmov $0xffff;
	[sflag:s10] =	ssyncpa.u1 $0x0;
	s10 =	simm.s32 $0x0;
	s9 =	sadd.s32 $0x1, s8  }
.LBB2_4:
0xc: {  	vm1 =	veq.s32 v4, $0x80000000;
	v56 =	vand.u32 $0x3, v4;
	v6 =	vand.u32 $0x7FFF, v6  }
0xd: {  	v2 =	vor.u32 v2, v5;
	v59 =	vshrl.u32 v1, $0x2;
	v60 =	vand.u32 $0x3, v1  }
0xe: {  	v4 =	vsel vm1, $0xFFFFFFFF, v56;
	v6 =	vsel vm1, $0xFFFFFFFF, v6;
	v2 =	vor.u32 v3, v2  }
0xf: {  	vm1 =	veq.s32 v1, $0x80000000;
	v5 =	vand.u32 $0x7FFF, v59;
	v7 =	vshrl.u32 v4, $0x2  }
0x10: {  	v57 =	vshll.u32 v6, $0x2;
	v4 =	vshll.u32 v4, $0x7;
	v1 =	vsel vm1, $0xFFFFFFFF, v60  }
0x11: {  	v5 =	vsel vm1, $0xFFFFFFFF, v5;
	v6 =	vand.u32 $0x7F, v6;
	v7 =	vmul.u32 $0x13A00, v7  }
0x12: {  	v58 =	vand.u32 $0xFFFFFE00, v57;
	v4 =	vand.u32 $0x180, v4;
	v61 =	vshrl.u32 v1, $0x2  }
0x13: {  	v62 =	vshll.u32 v5, $0x2;
	v3 =	vadd.s32 v7, v58;
	v7 =	vmul.u32 $0x13A00, v61  }
0x14: {  	v1 =	vshll.u32 v1, $0x7;
	v3 =	vor.u32 v4, v3;
	v4 =	vand.u32 $0xFFFFFE00, v62  }
0x15: {  	v1 =	vand.u32 $0x180, v1;
	v3 =	vor.u32 v6, v3;
	v4 =	vadd.s32 v7, v4  }
0x16: {  	[tilespmem:s16], [sflag:$0x1] =	stream.indirect_vreg.gather [hbm4b:s2+s10], $0x1, v0, vm0, $0x4038;
	v63 =	vand.u32 $0x7F, v5;
	v1 =	vor.u32 v1, v4;
	[tilespmem:$0x200] =	vst v63  }
0x17: {  	s15 =	sadd.s32 $0x10, s15;
	(ifvalue) =	ssetifvalue $0x7FFFFFFF;
	v0 =	vor.u32 v63, v1  }
0x18: {  	[tilespmem:s15], [sflag:$0x1] =	stream.indirect_vreg.gather [hbm4b:s2+s10], $0x1, v2, vm0, $0x4038;
	[tilespmem:$0x200] =	vst v63  }
0x19: {  	s15 =	sadd.s32 $0x10, s15;
	(ifvalue) =	ssetifvalue $0x7FFFFFFF  }
0x1a: {  	[tilespmem:s15], [sflag:$0x1] =	stream.indirect_vreg.gather [hbm4b:s2+s10], $0x1, v3, vm0, $0x4038;
	[tilespmem:$0x200] =	vst v63  }
0x1b: {  	s15 =	sadd.s32 $0x10, s15;
	(ifvalue) =	ssetifvalue $0x7FFFFFFF  }
0x1c: {  	[tilespmem:s15], [sflag:$0x1] =	stream.indirect_vreg.gather [hbm4b:s2+s10], $0x1, v0, vm0, $0x4038;
	[tilespmem:$0x200] =	vst v63  }
0x1d: {  	_ =	swait.ge [sflag:s6], $0x80  }
0x1e: {  	s30 =	sshrl.u32 s13, $0x3;
	[sflag:s6] =	ssyncset.done $0x0  }
0x1f: {  	s31 =	sand.u32 $0x7, s13;
	s15 =	sadd.s32 s5, s30;
	[sflag:s6] =	ssyncadd.s32 $0xFFFFFF80  }
0x20: {  	[hbm4b:s15+s31] =	stream.linear.scatter [tilespmem:s14], [sflag:$0x3], $0x80, $0x38;
	[tilespmem:$0x200] =	vst v63  }
.LBB2_5:
0x21: {  	s15 =	sadd.s32 $0x1000, s11  }
0x22: {  	p2 =	sgt.s32 s15, $0x1FFF  }
0x23: {  	s15 =	smov.u32 @p2 s4;
	p2 =	sne.s32 s12, s9  }
.Ltmp1:
0x24: {  	p1 =	slt.u32 s12, $0x2;
	(pc) =	sbr.rel @!p2 .LBB2_6-.Ltmp1, $4  }
0x25: {  	s14 =	simm.s32 @!p1 $0x3  }
0x26: {  	s16 =	sadd.s32 $0x1, s12;
	_ =	swait.ge @!p1 [sflag:s14], $0x80  }
0x27: {  	s13 =	smov.u32 s11;
	p0 =	por !p0, !p0;
	[sflag:s14] =	ssyncset.done @!p1 $0x0  }
0x28: {  	s12 =	smov.u32 s16;
	s11 =	smov.u32 s15;
	[sflag:s14] =	ssyncadd.s32 @!p1 $0xFFFFFF80  }
.LBB2_1:
0x29: {  	p1 =	sge.u32 s12, s8  }
0x2a: {  	s14 =	sxor.u32 @!p1 $0xFFFFFFFF, s12  }
0x2b: {  	s31 =	sadd.s32 $0xFFFFFFFF, s12;
	s15 =	sshrl.u32 @!p1 s11, $0x3;
	s14 =	sshll.u32 @!p1 s14, $0x7  }
0x2c: {  	s16 =	sand.u32 @!p1 $0x7, s11;
	s15 =	sadd.s32 @!p1 s3, s15;
	s14 =	sand.u32 @!p1 $0x80, s14  }
0x2d: {  	[tilespmem:s14], [sflag:$0x2] =	stream.linear.gather @!p1 [hbm4b:s15+s16], $0x80, $0x38;
	[tilespmem:$0x200] =	vst v63  }
0x2e: {  	p1 =	sge.u32 s31, s8  }
.Ltmp2:
0x2f: {  	_ = 	snop;
	(pc) =	sbr.rel @p1 .LBB2_5-.Ltmp2, $1  }
0x30: {  	_ =	sdelay $0x3  }
0x31: {  	s14 =	simm.s32 $0x1  }
0x32: {  	_ =	swait.ge [sflag:s7], $0x80;
	s14 =	simm.s32 @!p0 $0x0  }
0x33: {  	[sflag:s7] =	ssyncset.done $0x0;
	s14 =	sshll.u32 s14, $0x7  }
0x34: {  	[sflag:s7] =	ssyncadd.s32 $0xFFFFFF80;
	(ifvalue) =	ssetifvalue $0x7FFFFFFF;
	v0 =	vld.msk [tilespmem:s14+$0x0 ss:$0x1], $0xffff  }
0x35: {  	s15 =	sadd.s32 $0x10, s14  }
0x36: {  	v1 =	vld.msk [tilespmem:s15+$0x0 ss:$0x1], $0xffff;
	_ =	sdelay $0x2  }
0x37: {  	v2 =	vshrl.u32 v0, $0x2  }
0x38: {  	vm1 =	veq.s32 v0, $0x80000000;
	v0 =	vand.u32 $0x3, v0;
	v2 =	vand.u32 $0x7FFF, v2  }
0x39: {  	v0 =	vsel vm1, $0xFFFFFFFF, v0;
	v6 =	vshrl.u32 v1, $0x2;
	v2 =	vsel vm1, $0xFFFFFFFF, v2  }
0x3a: {  	v3 =	vshrl.u32 v0, $0x2;
	v0 =	vshll.u32 v0, $0x7;
	vm1 =	veq.s32 v1, $0x80000000  }
0x3b: {  	s15 =	sadd.s32 $0x10, s15;
	v1 =	vand.u32 $0x3, v1;
	v4 =	vshll.u32 v2, $0x2;
	v3 =	vmul.u32 $0x13A00, v3  }
0x3c: {  	v0 =	vand.u32 $0x180, v0;
	v7 =	vand.u32 $0x7F, v2;
	v5 =	vand.u32 $0xFFFFFE00, v4;
	v4 =	vld.msk [tilespmem:s15+$0x0 ss:$0x1], $0xffff  }
0x3d: {  	v1 =	vsel vm1, $0xFFFFFFFF, v1;
	v2 =	vadd.s32 v3, v5;
	v3 =	vand.u32 $0x7FFF, v6  }
0x3e: {  	v3 =	vsel vm1, $0xFFFFFFFF, v3;
	v0 =	vor.u32 v0, v2;
	v2 =	vshrl.u32 v1, $0x2  }
0x3f: {  	s16 =	sshll.u32 s12, $0x7;
	s18 =	simm.s32 $0x30;
	v1 =	vshll.u32 v1, $0x7;
	v5 =	vshll.u32 v3, $0x2;
	v8 =	vmul.u32 $0x13A00, v2  }
0x40: {  	s31 =	sand.u32 $0x80, s16;
	s17 =	sadd.s32 $0x10, s15;
	s15 =	sor.u32 $0x100, s14;
	v2 =	vand.u32 $0x180, v1;
	v0 =	vor.u32 v7, v0;
	v5 =	vand.u32 $0xFFFFFE00, v5  }
0x41: {  	s14 =	sor.u32 $0x100, s31;
	s16 =	smov.u32 s15;
	v1 =	vld.msk [tilespmem:s17+$0x0 ss:$0x1], $0xffff;
	v3 =	vand.u32 $0x7F, v3;
	(ifvalue) =	ssetifvalue $0x7FFFFFFF;
	v6 =	vshrl.u32 v4, $0x2;
	v5 =	vadd.s32 v8, v5  }
.LBB2_3:
0x42: {  	s18 =	sadd.s32 $0x10, s18  }
0x43: {  	vm1 =	veq.s32 v4, $0x80000000;
	v4 =	vand.u32 $0x3, v4;
	v6 =	vand.u32 $0x7FFF, v6;
	s15 =	sadd.s32 $0x10, s15;
	p1 =	slt.u32 s18, $0x70  }
.Ltmp3:
0x44: {  	v5 =	vor.u32 v2, v5;
	v4 =	vsel vm1, $0xFFFFFFFF, v4;
	v7 =	vsel vm1, $0xFFFFFFFF, v6;
	(pc) =	sbr.rel @p1 .LBB2_3-.Ltmp3, $4  }
0x45: {  	v2 =	vshrl.u32 v4, $0x2;
	v6 =	vshll.u32 v7, $0x2;
	v4 =	vshll.u32 v4, $0x7;
	[tilespmem:s16], [sflag:$0x1] =	stream.indirect_vreg.gather [hbm4b:s2+s10], $0x1, v0, vm0, $0x4038;
	[tilespmem:$0x200] =	vst v63  }
0x46: {  	v0 =	vor.u32 v3, v5;
	s16 =	smov.u32 s15;
	v8 =	vmul.u32 $0x13A00, v2;
	v2 =	vand.u32 $0x180, v4  }
0x47: {  	s17 =	sadd.s32 $0x10, s17;
	v9 =	vand.u32 $0xFFFFFE00, v6  }
0x48: {  	v3 =	vand.u32 $0x7F, v7;
	v6 =	vshrl.u32 v1, $0x2;
	v5 =	vadd.s32 v8, v9;
	(ifvalue) =	ssetifvalue $0x7FFFFFFF;
	v4 =	vmovc v1;
	v1 =	vld.msk [tilespmem:s17+$0x0 ss:$0x1], $0xffff  }
.Ltmp4:
0x49: {  	_ = 	snop;
	(pc) =	sbr.rel .LBB2_4-.Ltmp4, $1  }
0x4a: {  	_ =	sdelay $0x3  }
.LBB2_6:
0x4b: {  	_ =	sfence.sel $0x180000  }
0x4c: {  	s2 =	simm.s32 $0x2;
	[bflag:$0x0] =	sbarrier.arrive $0xFFFF  }
0x4d: {  	s30 =	simm.s32 $0x3;
	[sflag:s2] =	ssyncpa.u1 $0x1  }
0x4e: {  	s31 =	simm.s32 $0x1;
	[sflag:s30] =	ssyncpa.u1 $0x1  }
0x4f: {  	[sflag:s31] =	ssyncpa.u1 $0x1  }
0x50: {  	p0 =	sne.s32 s0, $0x0;
	_ =	strace $0x90000047  }
0x51: {  	s0 =	sadd.s32 @!p0 $0x100000, s1;
	[bflag:$0x2] =	sbarrier.arrive $0xFFFF  }
0x52: {  	[sflag:s0] =	ssyncadd.tile.s32 @!p0 $0x1;
	_ =	shalt  }
.Lfunc_end2:
_tile_overlayer_lowered:
.L_overlay_start_2:
0x53: {  	(tag) =	ssettag $0x2  }
0x54: {  	s0 =	rddreg [dreg:$0x0];
	s2 =	stileid.u32  }
0x55: {  	s1 =	rddreg [dreg:$0x1];
	p0 =	sne.s32 s2, $0x0  }
0x56: {  	s3 =	rddreg [dreg:$0x2];
	[bflag:$0x3] =	sbarrier.arrive $0xFFFF;
	s2 =	simm.s32 @!p0 $0x1C01  }
0x57: {  	[timem:s3], [sflag:s2] =	dma.local @!p0 [hbm:s0], s1  }
0x58: {  	s0 =	simm.s32 @!p0 $0x1  }
0x59: {  	_ =	swait.ge @!p0 [sflag:s0], s1  }
0x5a: {  	s1 =	ssub.s32 @!p0 $0x0, s1;
	[sflag:s0] =	ssyncset.done @!p0 $0x0  }
0x5b: {  	[sflag:s0] =	ssyncadd.s32 @!p0 s1  }
0x5c: {  	[bflag:$0x3] =	sbarrier.arrive $0xFFFF  }
0x5d: {  	_ =	shalt  }

// kernel: gather_offload_async_start
scs
__scs_entry_jumppad:
0x0: {  	(pc) =	sbr.rel $0x88, $3  }
0x1: {  	(tag) =	ssettag $0x0;
	lr =	simm.s32 $0x1  }
0x2: {  	[smem:$0x3F9F] =	sst lr;
	_ =	strace $0xD0000000  }
0x3: {  	_ = 	snop  }
0x4: {  	_ = 	snop  }
0x5: {  	_ = 	snop  }
0x6: {  	_ = 	snop  }
0x7: {  	_ = 	snop  }
__scs_overlays_trampoline_lowered:
0x8: {  	[smem:$0x3FAE] =	sst s0  }
0x9: {  	[smem:$0x3FAF] =	sst s1  }
0xa: {  	[smem:$0x3FB0] =	sst s2  }
0xb: {  	[smem:$0x3FB1] =	sst s3  }
0xc: {  	[smem:$0x3FB2] =	sst s4  }
0xd: {  	[smem:$0x3FB3] =	sst s5  }
0xe: {  	[smem:$0x3FB4] =	sst s6  }
0xf: {  	[smem:$0x3FB5] =	sst s7  }
0x10: {  	[smem:$0x3FB6] =	sst s8  }
0x11: {  	[smem:$0x3FB7] =	sst s9;
	s0 =	simm.s32 @!p0 $0x0  }
0x12: {  	s1 =	sld [smem:$0x3F9D];
	s0 =	simm.s32 @p0 $0x1  }
0x13: {  	[smem:$0x3FB8] =	sst s0;
	s0 =	simm.s32 @!p1 $0x0  }
0x14: {  	s2 =	sld [smem:$0x3F9C];
	s0 =	simm.s32 @p1 $0x1  }
0x15: {  	[smem:$0x3FB9] =	sst s0;
	s0 =	simm.s32 @!p2 $0x0  }
0x16: {  	s3 =	sld [smem:$0x3FDB];
	s0 =	simm.s32 @p2 $0x1  }
0x17: {  	s4 =	simm.s32 $0x1BF5;
	[smem:$0x3FBB] =	sst s0  }
0x18: {  	s0 =	sld [smem:$0x3F9E];
	_ =	swait.ge [sflag:s4], $0x0  }
0x19: {  	s7 =	sld [smem:$0x3F9F]  }
0x1a: {  	s8 =	sadd.s32 $0xFFFFE003, lr  }
0x1b: {  	s9 =	sadd.s32 $0xFFFFFEF7, lr;
	s5 =	simm.s32 $0xFFFFFFFF;
	p2 =	slt.u32 s8, $0xFFFFF086  }
0x1c: {  	p1 =	slt.u32 s9, $0xF7A;
	s5 =	simm.s32 @!p2 $0x0  }
0x1d: {  	s5 =	simm.s32 @p1 $0x1;
	p0 =	seq.s32 s7, s2  }
0x1e: {  	s7 =	smul.u32 @!p0 $0xF7A, s2;
	p2 =	seq.s32 @!p0 s5, $0x0  }
0x1f: {  	s9 =	smul.u32 $0xF7A, s1;
	s8 =	simm.s32 @!p0 $0x1BF5;
	p2 =	por !p2, p0  }
0x20: {  	[sflag:s8] =	ssyncset.s32 @!p0 $0xFFFFF086;
	s6 =	sadd.s32 @!p0 s3, s7;
	s7 =	simm.s32 @!p0 $0x108  }
0x21: {  	s3 =	sadd.s32 s3, s9;
	s6 =	sadd.s32 @!p0 $0x88, s6;
	s7 =	simm.s32 @p2 $0x1082  }
0x22: {  	[simem:s7], [sflag:s8] =	dma.local @!p0 [hbm:s6], $0xF7A  }
0x23: {  	s9 =	sor.u32 $0xD0000000, s2;
	s6 =	simm.s32 $0x108;
	_ =	swait.ge @!p0 [sflag:s8], $0x0  }
0x24: {  	s3 =	sadd.s32 $0x88, s3;
	s6 =	simm.s32 @!p1 $0x1082;
	[sflag:s4] =	ssyncset.s32 $0xFFFFF086  }
0x25: {  	[simem:s6], [sflag:s4] =	dma.local [hbm:s3], $0xF7A  }
0x26: {  	[smem:$0x3F9F] =	sst s1;
	(tag) =	ssettag s2;
	_ =	strace s9  }
0x27: {  	s1 =	sld [smem:$0x3FAF]  }
0x28: {  	s2 =	sld [smem:$0x3FB0]  }
0x29: {  	s4 =	sld [smem:$0x3FB2]  }
0x2a: {  	p0 =	seq.s32 s5, $0x0;
	s5 =	sld [smem:$0x3FB3]  }
0x2b: {  	s6 =	sld [smem:$0x3FB4]  }
0x2c: {  	s7 =	sld [smem:$0x3FB5]  }
0x2d: {  	s3 =	simm.s32 $0x108;
	s8 =	sld [smem:$0x3FB6]  }
0x2e: {  	s3 =	simm.s32 @!p0 $0x1082;
	s9 =	sld [smem:$0x3FB7]  }
0x2f: {  	lr =	sadd.s32 s0, s3;
	s0 =	sld [smem:$0x3FAE]  }
0x30: {  	s3 =	sld [smem:$0x3FB1]  }
0x31: {  	[smem:$0x3FBA] =	sst s10  }
0x32: {  	s10 =	sld [smem:$0x3FB8];
	_ =	sdelay $0x3  }
0x33: {  	p0 =	seq.s32 s10, $0x1;
	s10 =	sld [smem:$0x3FBA];
	_ =	sdelay $0x3  }
0x34: {  	[smem:$0x3FBA] =	sst s10  }
0x35: {  	s10 =	sld [smem:$0x3FB9];
	_ =	sdelay $0x3  }
0x36: {  	p1 =	seq.s32 s10, $0x1;
	s10 =	sld [smem:$0x3FBA];
	_ =	sdelay $0x3  }
0x37: {  	[smem:$0x3FBA] =	sst s10  }
0x38: {  	s10 =	sld [smem:$0x3FBB]  }
0x39: {  	_ = 	snop;
	(pc) =	sbr.ind lr, $3  }
0x3a: {  	_ = 	snop  }
0x3b: {  	_ = 	snop  }
0x3c: {  	p2 =	seq.s32 s10, $0x1;
	s10 =	sld [smem:$0x3FBA]  }
0x3d: {  	_ =	shalt  }
0x3e: {  	_ =	shalt  }
0x3f: {  	_ =	shalt  }
0x40: {  	_ =	shalt  }
0x41: {  	_ =	shalt  }
0x42: {  	_ =	shalt  }
0x43: {  	_ =	shalt  }
0x44: {  	_ =	shalt  }
0x45: {  	_ =	shalt  }
0x46: {  	_ =	shalt  }
0x47: {  	_ =	shalt  }
0x48: {  	_ =	shalt  }
0x49: {  	_ =	shalt  }
0x4a: {  	_ =	shalt  }
0x4b: {  	_ =	shalt  }
0x4c: {  	_ =	shalt  }
0x4d: {  	_ =	shalt  }
0x4e: {  	_ =	shalt  }
0x4f: {  	_ =	shalt  }
0x50: {  	_ =	shalt  }
0x51: {  	_ =	shalt  }
0x52: {  	_ =	shalt  }
0x53: {  	_ =	shalt  }
0x54: {  	_ =	shalt  }
0x55: {  	_ =	shalt  }
0x56: {  	_ =	shalt  }
0x57: {  	_ =	shalt  }
0x58: {  	_ =	shalt  }
0x59: {  	_ =	shalt  }
0x5a: {  	_ =	shalt  }
0x5b: {  	_ =	shalt  }
0x5c: {  	_ =	shalt  }
0x5d: {  	_ =	shalt  }
0x5e: {  	_ =	shalt  }
0x5f: {  	_ =	shalt  }
0x60: {  	_ =	shalt  }
0x61: {  	_ =	shalt  }
0x62: {  	_ =	shalt  }
0x63: {  	_ =	shalt  }
0x64: {  	_ =	shalt  }
0x65: {  	_ =	shalt  }
0x66: {  	_ =	shalt  }
0x67: {  	_ =	shalt  }
0x68: {  	_ =	shalt  }
0x69: {  	_ =	shalt  }
0x6a: {  	_ =	shalt  }
0x6b: {  	_ =	shalt  }
0x6c: {  	_ =	shalt  }
0x6d: {  	_ =	shalt  }
0x6e: {  	_ =	shalt  }
0x6f: {  	_ =	shalt  }
0x70: {  	_ =	shalt  }
0x71: {  	_ =	shalt  }
0x72: {  	_ =	shalt  }
0x73: {  	_ =	shalt  }
0x74: {  	_ =	shalt  }
0x75: {  	_ =	shalt  }
0x76: {  	_ =	shalt  }
0x77: {  	_ =	shalt  }
0x78: {  	_ =	shalt  }
0x79: {  	_ =	shalt  }
0x7a: {  	_ =	shalt  }
0x7b: {  	_ =	shalt  }
0x7c: {  	_ =	shalt  }
0x7d: {  	_ =	shalt  }
0x7e: {  	_ =	shalt  }
0x7f: {  	_ =	shalt  }
0x80: {  	_ =	shalt  }
0x81: {  	_ =	shalt  }
0x82: {  	_ =	shalt  }
0x83: {  	_ =	shalt  }
0x84: {  	_ =	shalt  }
0x85: {  	_ =	shalt  }
0x86: {  	_ =	shalt  }
0x87: {  	_ =	shalt  }
.Lfunc_end0:
.L_simem_size_0:
called_computation_lowered:
.L_overlay_start_0:
0x88: {  	s2 =	sld [smem:$0x3FD9]  }
0x89: {  	s3 =	sld [smem:$0x3FFE];
	_ =	sdelay $0x1  }
0x8a: {  	s1 =	srdreg.scid  }
0x8b: {  	s0 =	sand.u32 $0x1, s1  }
0x8c: {  	s14 =	sshll.u32 s0, $0xA;
	s2 =	sadd.s32 s3, s2  }
0x8d: {  	s2 =	sadd.s32 s2, s14  }
0x8e: {  	[smem:$0x3FC6] =	sst s2  }
0x8f: {  	_ = 	snop  }
0x90: {  	s2 =	sld [smem:$0x3FD0];
	_ =	sdelay $0x2  }
0x91: {  	s15 =	simm.s32 $0xA;
	s4 =	simm.s32 $0x10  }
0x92: {  	[smem:s4], [sflag:s15] =	dma.local [hbm:s2], $0x1  }
0x93: {  	_ =	swait.eq [sflag:s15], $0x1  }
0x94: {  	[sflag:s15] =	ssyncset.done $0x0  }
0x95: {  	[sflag:s15] =	ssyncadd.s32 $0xFFFFFFFF  }
0x96: {  	s16 =	sld [smem:$0x10];
	(tm) =	ssettm $0x1  }
0x97: {  	s17 =	sld [smem:$0x3FFB];
	_ =	sdelay $0x3  }
0x98: {  	_ =	strace s17  }
0x99: {  	s3 =	sld [smem:$0x3FFC];
	_ =	sdelay $0x3  }
0x9a: {  	_ =	strace s3  }
0x9b: {  	s3 =	sld [smem:$0x3FFD];
	_ =	sdelay $0x3  }
0x9c: {  	_ =	strace s3  }
0x9d: {  	_ =	strace $0x8FFFFFFF  }
0x9e: {  	s18 =	sld [smem:$0x3FDB];
	_ =	sdelay $0x1  }
0x9f: {  	s19 =	simm.s32 $_scs_section_size  }
0xa0: {  	s5 =	simm.s32 $_size__tile_overlayer_lowered;
	s6 =	simm.s32 $_tile_overlayer_lowered  }
0xa1: {  	s22 =	simm.s32 $0x1BFF;
	s21 =	sshll.u32 s6, $0x1;
	s3 =	sadd.s32 s19, s18  }
0xa2: {  	s7 =	simm.s32 $0x0;
	s20 =	sshll.u32 s5, $0x1;
	s5 =	sadd.s32 s21, s3  }
0xa3: {  	[timem:s7], [sflag:s22] =	dma.local [hbm:s5], s20  }
0xa4: {  	_ =	swait.ge [sflag:s22], s20  }
0xa5: {  	s4 =	ssub.s32 $0x0, s20;
	[sflag:s22] =	ssyncset.done $0x0  }
0xa6: {  	[sflag:s22] =	ssyncadd.s32 s4;
	_ =	sdelay $0x1  }
0xa7: {  	s23 =	simm.s32 $0x1B8B  }
0xa8: {  	_ =	swait.ge [sflag:s23], $0x1  }
0xa9: {  	[sflag:s23] =	ssyncset.done $0x0  }
0xaa: {  	s25 =	simm.s32 $0x1B8E;
	s24 =	sld [smem:$0x3FFE];
	[sflag:s23] =	ssyncadd.s32 $0xFFFFFFFF  }
0xab: {  	s26 =	simm.s32 $execute0_lowered;
	[smem:$0x3FD2] =	sst s25  }
0xac: {  	s5 =	sshll.u32 s26, $0x1;
	_ =	strace $0x80000049;
	[dreg:$0x1] =	wrdreg $0xFFFFFFFF  }
0xad: {  	s28 =	simm.s32 $_size_execute0_lowered;
	s3 =	sadd.s32 s3, s5;
	[dreg:$0x0] =	wrdreg $0x0  }
0xae: {  	s5 =	sshll.u32 s28, $0x1;
	[dreg:$0x2] =	wrdreg s3  }
0xaf: {  	[dreg:$0x3] =	wrdreg s5  }
0xb0: {  	[dreg:$0x4] =	wrdreg $0xC0  }
0xb1: {  	_ =	task [dreg:s7], $0x5FFFF  }
0xb2: {  	[dreg:$0x1] =	wrdreg $0xFFFFFFFF  }
0xb3: {  	[dreg:$0x0] =	wrdreg $0x60  }
0xb4: {  	[dreg:$0x2] =	wrdreg s24  }
0xb5: {  	[dreg:$0x3] =	wrdreg s16  }
0xb6: {  	[dreg:$0x4] =	wrdreg $0x9  }
0xb7: {  	_ =	task.clear_ibuf [dreg:s7], $0x5FFFF;
	_ =	strace $0x90000049  }
0xb8: {  	s29 =	simm.s32 $0x9;
	_ =	strace $0x8000004B  }
0xb9: {  	_ =	swait.ge [sflag:s29], $0x1  }
0xba: {  	[sflag:s29] =	ssyncadd.s32 $0xFFFFFFFF  }
0xbb: {  	_ =	strace $0x9000004B  }
0xbc: {  	_ =	sfence  }
0xbd: {  	s30 =	sld [smem:$0x0];
	_ =	sdelay $0x2  }
0xbe: {  	s31 =	sshll.u32 s1, $0xD;
	s1 =	sshrl.u32 s1, $0x2  }
0xbf: {  	s3 =	sand.u32 $0x4000, s31;
	s1 =	sadd.s32 s1, s30  }
0xc0: {  	s0 =	sor.u32 s3, s0;
	s1 =	sshll.u32 s1, $0x11  }
0xc1: {  	s0 =	sor.u32 s1, s0  }
0xc2: {  	s0 =	sadd.s32 $0x8F2B, s0  }
0xc3: {  	[sflag:s0] =	ssyncadd.remote.s32 $0x1  }
0xc4: {  	_ =	sfence.sel $0xFFFF  }
0xc5: {  	[dreg:$0x0] =	wrdreg $0xFFFFFFFF;
	(pc) =	sbr.abs _section_cstart, $3  }
0xc6: {  	[dreg:$0x1] =	wrdreg $0xFFFFFFFF  }
0xc7: {  	_ =	task.clear_ibuf [dreg:s7], $0x2FFFF;
	_ =	strace $0x9FFFFFFF  }
0xc8: {  	(tm) =	ssettm $0x7FFFFFFF  }
0xc9: {  	_ =	shalt  }
tec
execute0_lowered:
.L_overlay_start_1:
0x0: {  	(tag) =	ssettag $0x1  }
0x1: {  	s7 =	rddreg [dreg:$0x0]  }
0x2: {  	s2 =	rddreg [dreg:$0x1]  }
0x3: {  	s0 =	rddreg [dreg:$0x2]  }
0x4: {  	s1 =	srdreg.scid;
	_ =	strace $0x8000004A;
	s4 =	simm.s32 $0x1  }
0x5: {  	s9 =	simm.s32 $0x3;
	s12 =	simm.s32 $0x0;
	s5 =	sshll.u32 s1, $0x4  }
.Ltmp0:
0x6: {  	s1 =	stileid.u32;
	s5 =	sand.u32 $0x10, s5;
	(pc) =	sbr.rel .LBB2_1-.Ltmp0, $4  }
0x7: {  	s10 =	simm.s32 $0x0;
	s3 =	sadd.s32 $0x2800, s7;
	s6 =	sor.u32 s1, s5  }
0x8: {  	[sflag:s4] =	ssyncpa.u1 $0x0;
	s5 =	simm.s32 $0x2;
	s6 =	sshll.u32 s6, $0x8  }
0x9: {  	s7 =	sadd.s32 $0x13B000, s7;
	[sflag:s5] =	ssyncpa.u1 $0x0;
	s8 =	sadd.s32 $0x100, s6  }
0xa: {  	vm0 =	vmmov $0xff;
	vm1 =	vcmask $0x3F20;
	[sflag:s9] =	ssyncpa.u1 $0x0;
	s9 =	simm.s32 $0x100;
	s11 =	smov.u32 s6  }
.LBB2_9:
0xb: {  	p0 =	seq.s32 s10, $0x2  }
.Ltmp1:
0xc: {  	_ = 	snop;
	(pc) =	sbr.rel @p0 .LBB2_11-.Ltmp1, $1  }
0xd: {  	_ =	sdelay $0x3  }
.LBB2_10:
0xe: {  	s12 =	sadd.s32 $0x100, s11  }
0xf: {  	s13 =	smov.u32 s6;
	p0 =	slt.s32 s12, s8  }
0x10: {  	s13 =	smov.u32 @p0 s12  }
0x11: {  	s10 =	sadd.s32 $0x1, s10;
	s12 =	smov.u32 s11;
	s11 =	smov.u32 s13  }
.LBB2_1:
0x12: {  	p0 =	sne.s32 s10, $0x0  }
.Ltmp2:
0x13: {  	_ = 	snop;
	(pc) =	sbr.rel @!p0 .LBB2_2-.Ltmp2, $1  }
0x14: {  	_ =	sdelay $0x3  }
0x15: {  	s13 =	sand.u32 $0x1, s10  }
0x16: {  	p0 =	seq.s32 s13, $0x0  }
.Ltmp3:
0x17: {  	_ = 	snop;
	(pc) =	sbr.rel @p0 .LBB2_9-.Ltmp3, $1  }
0x18: {  	_ =	sdelay $0x3  }
0x19: {  	_ =	swait.ge [sflag:s5], $0x100  }
0x1a: {  	[sflag:s5] =	ssyncset.done $0x0  }
0x1b: {  	s13 =	simm.s32 $0x0;
	[sflag:s5] =	ssyncadd.s32 $0xFFFFFF00  }
0x1c: {  	v0 =	vld.msk [tilespmem:s13+$0x100 ss:$0x1], $0xffff;
	_ =	sdelay $0x4  }
0x1d: {  	v1 =	vand.u32 $0x3, v0;
	v2 =	vshll.u32 v0, $0x5  }
0x1e: {  	vm2 =	veq.s32 v0, $0x80000000;
	v0 =	vmul.u32 $0x271000, v1;
	v1 =	vand.u32 $0x3FFF80, v2  }
0x1f: {  	v1 =	vsel vm2, $0xFFFFFF80, v1  }
0x20: {  	v0 =	vsel vm2, $0xFFD8F000, v0;
	v2 =	vand.u32 $0xFFFFFC00, v1  }
0x21: {  	v1 =	vand.u32 $0x380, v1;
	v0 =	vadd.s32 v0, v2  }
0x22: {  	v0 =	vor.u32 v1, v0  }
0x23: {  	v0 =	vshrl.u32 v0, $0x3;
	_ =	sdelay $0x3  }
0x24: {  	s13 =	simm.s32 $0x8200  }
0x25: {  	[tilespmem:s13], [sflag:$0x1] =	stream.indirect_vreg.gather [hbm:s3], $0x80, v0, vm0, $0x38;
	[tilespmem:$0x10200] =	vst v63  }
0x26: {  	s14 =	simm.s32 $0x8600;
	s31 =	simm.s32 $0x10  }
0x27: {  	[tilespmem:s14], [sflag:$0x1] =	stream.indirect_vreg.gather [hbm:s3], $0x80, v0, vm1, $0x38;
	[tilespmem:$0x10200] =	vst v63  }
0x28: {  	s14 =	simm.s32 $0x80;
	v0 =	vld.msk [tilespmem:s31+$0x100 ss:$0x1], $0xffff  }
.LBB2_5:
0x29: {  	p0 =	sne.s32 s14, $0x3C0;
	_ =	sdelay $0x4  }
0x2a: {  	v1 =	vand.u32 $0x3, v0;
	v2 =	vshll.u32 v0, $0x5  }
0x2b: {  	vm2 =	veq.s32 v0, $0x80000000;
	v0 =	vmul.u32 $0x271000, v1;
	v1 =	vand.u32 $0x3FFF80, v2  }
0x2c: {  	v1 =	vsel vm2, $0xFFFFFF80, v1  }
0x2d: {  	v0 =	vsel vm2, $0xFFD8F000, v0;
	v2 =	vand.u32 $0xFFFFFC00, v1  }
0x2e: {  	v1 =	vand.u32 $0x380, v1;
	v0 =	vadd.s32 v0, v2  }
0x2f: {  	v0 =	vor.u32 v1, v0  }
0x30: {  	v0 =	vshrl.u32 v0, $0x3;
	_ =	sdelay $0x3  }
.Ltmp4:
0x31: {  	s13 =	sadd.s32 $0x800, s13;
	(pc) =	sbr.rel @p0 .LBB2_5-.Ltmp4, $4  }
0x32: {  	[tilespmem:s13], [sflag:$0x1] =	stream.indirect_vreg.gather [hbm:s3], $0x80, v0, vm0, $0x38;
	[tilespmem:$0x10200] =	vst v63  }
0x33: {  	s15 =	sshra.s32 s14, $0x2;
	s16 =	sadd.s32 $0x400, s13  }
0x34: {  	[tilespmem:s16], [sflag:$0x1] =	stream.indirect_vreg.gather [hbm:s3], $0x80, v0, vm1, $0x38;
	[tilespmem:$0x10200] =	vst v63  }
0x35: {  	s14 =	sadd.s32 $0x40, s14;
	v0 =	vld.msk [tilespmem:s15+$0x100 ss:$0x1], $0xffff  }
0x36: {  	_ =	sdelay $0x3  }
0x37: {  	v1 =	vand.u32 $0x3, v0;
	v2 =	vshll.u32 v0, $0x5  }
0x38: {  	vm2 =	veq.s32 v0, $0x80000000;
	v61 =	vmul.u32 $0x271000, v1;
	v62 =	vand.u32 $0x3FFF80, v2  }
0x39: {  	v1 =	vsel vm2, $0xFFFFFF80, v62  }
0x3a: {  	v0 =	vsel vm2, $0xFFD8F000, v61;
	v63 =	vand.u32 $0xFFFFFC00, v1  }
0x3b: {  	v1 =	vand.u32 $0x380, v1;
	v0 =	vadd.s32 v0, v63  }
0x3c: {  	v0 =	vor.u32 v1, v0  }
0x3d: {  	v0 =	vshrl.u32 v0, $0x3;
	_ =	sdelay $0x3  }
0x3e: {  	s13 =	sadd.s32 $0x800, s13  }
0x3f: {  	[tilespmem:s13], [sflag:$0x1] =	stream.indirect_vreg.gather [hbm:s3], $0x80, v0, vm0, $0x38;
	[tilespmem:$0x10200] =	vst v63  }
0x40: {  	s13 =	sadd.s32 $0x400, s13  }
0x41: {  	[tilespmem:s13], [sflag:$0x1] =	stream.indirect_vreg.gather [hbm:s3], $0x80, v0, vm1, $0x38;
	[tilespmem:$0x10200] =	vst v63  }
0x42: {  	s12 =	sshll.u32 s12, $0x4;
	s14 =	simm.s32 $0x80;
	_ =	swait.ge [sflag:s4], $0x8000  }
0x43: {  	s15 =	simm.s32 $0x8600;
	s12 =	sadd.s32 s12, s7;
	[sflag:s4] =	ssyncset.done $0x0  }
0x44: {  	s16 =	sadd.s32 $0x0, s12;
	s13 =	simm.s32 $0x8200;
	[sflag:s4] =	ssyncadd.s32 $0xFFFF8000  }
.LBB2_7:
0x45: {  	[hbm:s16] =	stream.linear.scatter [tilespmem:s13], [sflag:$0x3], $0x400, $0x38;
	[tilespmem:$0x10200] =	vst v63  }
0x46: {  	s16 =	smov.u32 s14;
	s13 =	smov.u32 s15;
	p0 =	sne.s32 s14, $0xF80  }
.Ltmp5:
0x47: {  	s14 =	sadd.s32 $0x80, s14;
	(pc) =	sbr.rel @p0 .LBB2_7-.Ltmp5, $2  }
0x48: {  	_ =	sdelay $0x2  }
0x49: {  	s15 =	sadd.s32 $0x400, s15;
	s16 =	sadd.s32 s16, s12  }
.Ltmp6:
0x4a: {  	(pc) =	sbr.rel .LBB2_9-.Ltmp6, $2  }
0x4b: {  	_ =	sdelay $0x2  }
0x4c: {  	[hbm:s16] =	stream.linear.scatter [tilespmem:s13], [sflag:$0x3], $0x400, $0x38;
	[tilespmem:$0x10200] =	vst v63  }
.LBB2_2:
.Ltmp7:
0x4d: {  	(pc) =	sbr.rel .LBB2_10-.Ltmp7, $4  }
0x4e: {  	_ = 	snop  }
0x4f: {  	s12 =	sshrl.u32 s11, $0x3  }
0x50: {  	s13 =	sand.u32 $0x7, s11;
	s12 =	sadd.s32 s2, s12  }
0x51: {  	[tilespmem:s9], [sflag:$0x2] =	stream.linear.gather [hbm4b:s12+s13], $0x100, $0x38;
	[tilespmem:$0x10200] =	vst v63  }
.LBB2_11:
0x52: {  	s2 =	simm.s32 $0x3  }
0x53: {  	_ =	swait.ge [sflag:s2], $0x8000  }
0x54: {  	[sflag:s2] =	ssyncset.done $0x0  }
0x55: {  	[sflag:s2] =	ssyncadd.s32 $0xFFFF8000  }
0x56: {  	_ =	sfence.sel $0x180000  }
0x57: {  	s3 =	simm.s32 $0x2;
	[bflag:$0x0] =	sbarrier.arrive $0xFFFF  }
0x58: {  	[sflag:s3] =	ssyncpa.u1 $0x1  }
0x59: {  	s31 =	simm.s32 $0x1;
	[sflag:s2] =	ssyncpa.u1 $0x1  }
0x5a: {  	[sflag:s31] =	ssyncpa.u1 $0x1  }
0x5b: {  	p0 =	sne.s32 s1, $0x0;
	_ =	strace $0x9000004A  }
0x5c: {  	s0 =	sadd.s32 @!p0 $0x100000, s0;
	[bflag:$0x2] =	sbarrier.arrive $0xFFFF  }
0x5d: {  	[sflag:s0] =	ssyncadd.tile.s32 @!p0 $0x1;
	_ =	shalt  }
.Lfunc_end2:
_tile_overlayer_lowered:
.L_overlay_start_2:
0x5e: {  	(tag) =	ssettag $0x2  }
0x5f: {  	s0 =	rddreg [dreg:$0x0];
	s2 =	stileid.u32  }
0x60: {  	s1 =	rddreg [dreg:$0x1];
	p0 =	sne.s32 s2, $0x0  }
0x61: {  	s3 =	rddreg [dreg:$0x2];
	[bflag:$0x3] =	sbarrier.arrive $0xFFFF;
	s2 =	simm.s32 @!p0 $0x1C01  }
0x62: {  	[timem:s3], [sflag:s2] =	dma.local @!p0 [hbm:s0], s1  }
0x63: {  	s0 =	simm.s32 @!p0 $0x1  }
0x64: {  	_ =	swait.ge @!p0 [sflag:s0], s1  }
0x65: {  	s1 =	ssub.s32 @!p0 $0x0, s1;
	[sflag:s0] =	ssyncset.done @!p0 $0x0  }
0x66: {  	[sflag:s0] =	ssyncadd.s32 @!p0 s1  }
0x67: {  	[bflag:$0x3] =	sbarrier.arrive $0xFFFF  }
0x68: {  	_ =	shalt  }

</sc_bundles>
